<compile_context>
chip_gen: v7x
topology: tpu7x:2x2x1
jax: 0.10.2.dev20260603
libtpu: 0.0.44.dev20260713+nightly
codegen_flags: <defaults>
</compile_context>

<pallas_src>
import functools

import jax
import jax.numpy as jnp
from jax import lax
from jax.experimental import pallas as pl
from jax.experimental.pallas import tpu as pltpu
from jax.experimental.pallas import tpu_sc as plsc

N = 10000
NPAD = 10240
E = 320000
NNEG = 50000
NNEG_PAD = 51200
F_IN = 128
H = 64
NC = 2
NS = 16
NW = NC * NS
RPT = NPAD // NS
FH = H // NC

CHUNK_D = 2000
CK = 400
NCH_P = E // CK
NCH_N = NNEG_PAD // CK
CPT_P = NCH_P // NS
CPT_N = NCH_N // NS
ETOT = E + NNEG_PAD

_mesh = plsc.VectorSubcoreMesh(core_axis_name="c", subcore_axis_name="s")
_sc_params = pltpu.CompilerParams(use_tc_tiling_on_sc=False)
_sc_params_nl = pltpu.CompilerParams(use_tc_tiling_on_sc=False,
                                     needs_layout_passes=False)


def _sc_degree_body(col_hbm, out_hbm, deg_sp, cidx_v, ones_v):
    cid = lax.axis_index("c")
    sid = lax.axis_index("s")

    def zfill(i, _):
        ones_v[pl.ds(i * 16, 16)] = jnp.zeros((16,), jnp.float32)
        return 0

    lax.fori_loop(0, RPT // 16, zfill, 0)
    pltpu.sync_copy(ones_v.at[pl.ds(0, RPT)], deg_sp.at[pl.ds(sid * RPT, RPT)])

    def fill(i, _):
        ones_v[pl.ds(i * 16, 16)] = jnp.ones((16,), jnp.float32)
        return 0

    lax.fori_loop(0, CHUNK_D // 16, fill, 0)
    plsc.subcore_barrier()

    epw = E // NW
    base = (cid * NS + sid) * epw

    def body(k, _):
        pltpu.sync_copy(col_hbm.at[pl.ds(base + k * CHUNK_D, CHUNK_D)], cidx_v)
        pltpu.sync_copy(ones_v, deg_sp.at[cidx_v], add=True)
        return 0

    lax.fori_loop(0, epw // CHUNK_D, body, 0)
    plsc.subcore_barrier()
    pltpu.sync_copy(deg_sp.at[pl.ds(sid * RPT, RPT)],
                    out_hbm.at[cid, pl.ds(sid * RPT, RPT)])


def _sc_degree(col):
    k = functools.partial(
        pl.kernel,
        out_type=jax.ShapeDtypeStruct((NC, NPAD), jnp.float32),
        mesh=_mesh,
        compiler_params=_sc_params,
        scratch_types=[
            pltpu.VMEM_SHARED((NPAD,), jnp.float32),
            pltpu.VMEM((CHUNK_D,), jnp.int32),
            pltpu.VMEM((CHUNK_D,), jnp.float32),
        ],
    )(_sc_degree_body)
    return k(col)


def _sc_edge_body(y_hbm, row2d_hbm, col2d_hbm, out_hbm,
                  y_sp, acc_sp, ridx_all, cidx_all,
                  rows_a, rows_b, sem_g0, sem_g1):
    cid = lax.axis_index("c")
    sid = lax.axis_index("s")
    fbase = cid * FH
    r0 = sid * RPT

    def zfill(i, _):
        rows_a[i // 2, pl.ds((i % 2) * 16, 16)] = jnp.zeros((16,), jnp.float32)
        return 0

    lax.fori_loop(0, CK * 2, zfill, 0)
    pltpu.sync_copy(rows_a, acc_sp.at[pl.ds(r0, CK)])
    pltpu.sync_copy(rows_a.at[pl.ds(0, RPT - CK)],
                    acc_sp.at[pl.ds(r0 + CK, RPT - CK)])
    pltpu.sync_copy(y_hbm.at[pl.ds(r0, RPT), pl.ds(fbase, FH)],
                    y_sp.at[pl.ds(r0, RPT)])
    pltpu.sync_copy(row2d_hbm.at[pl.ds(sid * CPT_P, CPT_P)], ridx_all)
    pltpu.sync_copy(col2d_hbm.at[pl.ds(sid * CPT_P, CPT_P)], cidx_all)
    plsc.subcore_barrier()

    pltpu.async_copy(y_sp.at[ridx_all.at[0]], rows_a, sem_g0)

    def body(j, _):
        k0 = 2 * j
        pltpu.make_async_copy(y_sp.at[ridx_all.at[k0]], rows_a, sem_g0).wait()
        pltpu.async_copy(y_sp.at[ridx_all.at[k0 + 1]], rows_b, sem_g1)
        pltpu.sync_copy(rows_a, acc_sp.at[cidx_all.at[k0]], add=True)
        pltpu.make_async_copy(y_sp.at[ridx_all.at[k0 + 1]], rows_b,
                              sem_g1).wait()

        @pl.when(k0 + 2 < CPT_P)
        def _():
            pltpu.async_copy(y_sp.at[ridx_all.at[k0 + 2]], rows_a, sem_g0)

        pltpu.sync_copy(rows_b, acc_sp.at[cidx_all.at[k0 + 1]], add=True)
        return 0

    lax.fori_loop(0, CPT_P // 2, body, 0)
    plsc.subcore_barrier()
    pltpu.sync_copy(acc_sp.at[pl.ds(r0, RPT)],
                    out_hbm.at[pl.ds(r0, RPT), pl.ds(fbase, FH)])


def _sc_edge_pass(y_pad, row2d, col2d):
    k = functools.partial(
        pl.kernel,
        out_type=jax.ShapeDtypeStruct((NPAD, H), jnp.float32),
        mesh=_mesh,
        compiler_params=_sc_params,
        scratch_types=[
            pltpu.VMEM_SHARED((NPAD, FH), jnp.float32),
            pltpu.VMEM_SHARED((NPAD, FH), jnp.float32),
            pltpu.VMEM((CPT_P, CK), jnp.int32),
            pltpu.VMEM((CPT_P, CK), jnp.int32),
            pltpu.VMEM((CK, FH), jnp.float32),
            pltpu.VMEM((CK, FH), jnp.float32),
            pltpu.SemaphoreType.DMA,
            pltpu.SemaphoreType.DMA,
        ],
    )(_sc_edge_body)
    return k(y_pad, row2d, col2d)


def _sc_edge_final_body(y_hbm, row2d_hbm, col2d_hbm, dinv_hbm, b2_hbm,
                        rep_out,
                        y_sp, acc_sp, ridx_all, cidx_all,
                        rows_a, rows_b, dinv_v, b2h, sem_g0, sem_g1):
    cid = lax.axis_index("c")
    sid = lax.axis_index("s")
    fbase = cid * FH
    r0 = sid * RPT

    def zfill(i, _):
        rows_a[i // 2, pl.ds((i % 2) * 16, 16)] = jnp.zeros((16,), jnp.float32)
        return 0

    lax.fori_loop(0, CK * 2, zfill, 0)
    pltpu.sync_copy(rows_a, acc_sp.at[pl.ds(r0, CK)])
    pltpu.sync_copy(rows_a.at[pl.ds(0, RPT - CK)],
                    acc_sp.at[pl.ds(r0 + CK, RPT - CK)])
    pltpu.sync_copy(y_hbm.at[pl.ds(r0, RPT), pl.ds(fbase, FH)],
                    y_sp.at[pl.ds(r0, RPT)])
    pltpu.sync_copy(row2d_hbm.at[pl.ds(sid * CPT_P, CPT_P)], ridx_all)
    pltpu.sync_copy(col2d_hbm.at[pl.ds(sid * CPT_P, CPT_P)], cidx_all)
    pltpu.sync_copy(dinv_hbm.at[pl.ds(r0, RPT)], dinv_v.at[pl.ds(0, RPT)])
    pltpu.sync_copy(b2_hbm.at[pl.ds(fbase, FH)], b2h)
    plsc.subcore_barrier()

    pltpu.async_copy(y_sp.at[ridx_all.at[0]], rows_a, sem_g0)

    def body(j, _):
        k0 = 2 * j
        pltpu.make_async_copy(y_sp.at[ridx_all.at[k0]], rows_a, sem_g0).wait()
        pltpu.async_copy(y_sp.at[ridx_all.at[k0 + 1]], rows_b, sem_g1)
        pltpu.sync_copy(rows_a, acc_sp.at[cidx_all.at[k0]], add=True)
        pltpu.make_async_copy(y_sp.at[ridx_all.at[k0 + 1]], rows_b,
                              sem_g1).wait()

        @pl.when(k0 + 2 < CPT_P)
        def _():
            pltpu.async_copy(y_sp.at[ridx_all.at[k0 + 2]], rows_a, sem_g0)

        pltpu.sync_copy(rows_b, acc_sp.at[cidx_all.at[k0 + 1]], add=True)
        return 0

    lax.fori_loop(0, CPT_P // 2, body, 0)
    plsc.subcore_barrier()

    b2v0 = b2h[pl.ds(0, 16)]
    b2v1 = b2h[pl.ds(16, 16)]

    def span(off, length):
        pltpu.sync_copy(acc_sp.at[pl.ds(r0 + off, length)],
                        rows_a.at[pl.ds(0, length)])
        pltpu.sync_copy(y_sp.at[pl.ds(r0 + off, length)],
                        rows_b.at[pl.ds(0, length)])

        def rw(r, _):
            dv = dinv_v[pl.ds(off + r, 16)][0]
            v0 = rows_a[r, pl.ds(0, 16)] + rows_b[r, pl.ds(0, 16)]
            v1 = rows_a[r, pl.ds(16, 16)] + rows_b[r, pl.ds(16, 16)]
            rows_a[r, pl.ds(0, 16)] = v0 * dv + b2v0
            rows_a[r, pl.ds(16, 16)] = v1 * dv + b2v1
            return 0

        lax.fori_loop(0, length, rw, 0)
        pltpu.sync_copy(rows_a.at[pl.ds(0, length)],
                        rep_out.at[pl.ds(r0 + off, length), pl.ds(fbase, FH)])

    span(0, CK)

    @pl.when(sid < NS - 1)
    def _():
        span(CK, RPT - CK)


def _sc_edge_final(y_pad, row2d, col2d, dinv1d, b2):
    k = functools.partial(
        pl.kernel,
        out_type=jax.ShapeDtypeStruct((N, H), jnp.float32),
        mesh=_mesh,
        compiler_params=_sc_params,
        scratch_types=[
            pltpu.VMEM_SHARED((NPAD, FH), jnp.float32),
            pltpu.VMEM_SHARED((NPAD, FH), jnp.float32),
            pltpu.VMEM((CPT_P, CK), jnp.int32),
            pltpu.VMEM((CPT_P, CK), jnp.int32),
            pltpu.VMEM((CK, FH), jnp.float32),
            pltpu.VMEM((CK, FH), jnp.float32),
            pltpu.VMEM((RPT + 16,), jnp.float32),
            pltpu.VMEM((FH,), jnp.float32),
            pltpu.SemaphoreType.DMA,
            pltpu.SemaphoreType.DMA,
        ],
    )(_sc_edge_final_body)
    return k(y_pad, row2d, col2d, dinv1d, b2)


def _sc_score_body(rep_hbm, pr_hbm, pc_hbm, nr_hbm, nc_hbm, out_hbm,
                   rep_sp, pr_idx, pc_idx, nr_idx, nc_idx,
                   ar0, br0, ar1, br1, d0, d1,
                   sem_g0, sem_g1, sem_w0, sem_w1):
    cid = lax.axis_index("c")
    sid = lax.axis_index("s")
    fbase = cid * FH
    r0 = sid * RPT

    rs0 = sid * (N // NS)
    pltpu.sync_copy(rep_hbm.at[pl.ds(rs0, N // NS), pl.ds(fbase, FH)],
                    rep_sp.at[pl.ds(rs0, N // NS)])
    pltpu.sync_copy(pr_hbm.at[pl.ds(sid * CPT_P, CPT_P)], pr_idx)
    pltpu.sync_copy(pc_hbm.at[pl.ds(sid * CPT_P, CPT_P)], pc_idx)
    pltpu.sync_copy(nr_hbm.at[pl.ds(sid * CPT_N, CPT_N)], nr_idx)
    pltpu.sync_copy(nc_hbm.at[pl.ds(sid * CPT_N, CPT_N)], nc_idx)
    plsc.subcore_barrier()

    lane = lax.iota(jnp.int32, 16)

    def compute(arows, brows, dbuf):
        def grp(g, _):
            rows0 = g * 16 + lane
            accs = [jnp.zeros((16,), jnp.float32) for _ in range(4)]
            for f in range(FH):
                colsf = jnp.bitwise_and(f + lane, FH - 1)
                a = plsc.load_gather(arows, [rows0, colsf])
                b = plsc.load_gather(brows, [rows0, colsf])
                accs[f % 4] = accs[f % 4] + a * b
            dbuf[pl.ds(g * 16, 16)] = (accs[0] + accs[1]) + (accs[2] + accs[3])
            return 0

        lax.fori_loop(0, CK // 16, grp, 0)

    def run(cpt, ridx, cidx, obase):
        def gather(t, ar, br, sem):
            pltpu.async_copy(rep_sp.at[ridx.at[t]], ar, sem)
            pltpu.async_copy(rep_sp.at[cidx.at[t]], br, sem)

        def drain(t, ar, br, sem):
            pltpu.make_async_copy(rep_sp.at[ridx.at[t]], ar, sem).wait()
            pltpu.make_async_copy(rep_sp.at[cidx.at[t]], br, sem).wait()

        gather(0, ar0, br0, sem_g0)

        def body(j, _):
            k0 = 2 * j
            drain(k0, ar0, br0, sem_g0)
            gather(k0 + 1, ar1, br1, sem_g1)

            @pl.when(j > 0)
            def _():
                pltpu.make_async_copy(
                    d0, out_hbm.at[cid, pl.ds(0, CK)], sem_w0).wait()

            compute(ar0, br0, d0)
            off0 = obase + (sid * cpt + k0) * CK
            pltpu.async_copy(d0, out_hbm.at[cid, pl.ds(off0, CK)], sem_w0)

            drain(k0 + 1, ar1, br1, sem_g1)

            @pl.when(k0 + 2 < cpt)
            def _():
                gather(k0 + 2, ar0, br0, sem_g0)

            @pl.when(j > 0)
            def _():
                pltpu.make_async_copy(
                    d1, out_hbm.at[cid, pl.ds(0, CK)], sem_w1).wait()

            compute(ar1, br1, d1)
            off1 = off0 + CK
            pltpu.async_copy(d1, out_hbm.at[cid, pl.ds(off1, CK)], sem_w1)
            return 0

        lax.fori_loop(0, cpt // 2, body, 0)
        pltpu.make_async_copy(d0, out_hbm.at[cid, pl.ds(0, CK)], sem_w0).wait()
        pltpu.make_async_copy(d1, out_hbm.at[cid, pl.ds(0, CK)], sem_w1).wait()

    run(CPT_P, pr_idx, pc_idx, 0)
    run(CPT_N, nr_idx, nc_idx, E)


def _sc_score(rep_pad, pr2d, pc2d, nr2d, nc2d):
    k = functools.partial(
        pl.kernel,
        out_type=jax.ShapeDtypeStruct((NC, ETOT), jnp.float32),
        mesh=_mesh,
        compiler_params=_sc_params_nl,
        scratch_types=[
            pltpu.VMEM_SHARED((N, FH), jnp.float32),
            pltpu.VMEM((CPT_P, CK), jnp.int32),
            pltpu.VMEM((CPT_P, CK), jnp.int32),
            pltpu.VMEM((CPT_N, CK), jnp.int32),
            pltpu.VMEM((CPT_N, CK), jnp.int32),
            pltpu.VMEM((CK, FH), jnp.float32),
            pltpu.VMEM((CK, FH), jnp.float32),
            pltpu.VMEM((CK, FH), jnp.float32),
            pltpu.VMEM((CK, FH), jnp.float32),
            pltpu.VMEM((CK,), jnp.float32),
            pltpu.VMEM((CK,), jnp.float32),
            pltpu.SemaphoreType.DMA,
            pltpu.SemaphoreType.DMA,
            pltpu.SemaphoreType.DMA,
            pltpu.SemaphoreType.DMA,
        ],
    )(_sc_score_body)
    return k(rep_pad, pr2d, pc2d, nr2d, nc2d)


def _prep_body(x_ref, w_ref, degt_ref, dinv_ref, y_ref):
    d = degt_ref[...]
    deg = d[:, 0:1] + d[:, 1:2] + 1.0
    dinv = lax.rsqrt(deg)
    dinv_ref[...] = dinv
    xw = jnp.dot(x_ref[...], w_ref[...], preferred_element_type=jnp.float32)
    y_ref[0:N, :] = dinv[0:N] * xw
    y_ref[N:NPAD, :] = jnp.zeros((NPAD - N, H), jnp.float32)


def _tc_prep(features, W1, degt):
    return pl.pallas_call(
        _prep_body,
        out_shape=[jax.ShapeDtypeStruct((NPAD, 1), jnp.float32),
                   jax.ShapeDtypeStruct((NPAD, H), jnp.float32)],
    )(features, W1, degt)


def _mid_body(acc_ref, y_ref, dinv_ref, b1_ref, w2_ref, o_ref):
    dinv = dinv_ref[...]
    s = acc_ref[...] + y_ref[...]
    h = jnp.maximum(dinv * s + b1_ref[...], 0.0)
    xw2 = jnp.dot(h, w2_ref[...], preferred_element_type=jnp.float32)
    y2 = dinv * xw2
    o_ref[0:N, :] = y2[0:N]
    o_ref[N:NPAD, :] = jnp.zeros((NPAD - N, H), jnp.float32)


def _tc_mid(acc1, y1p, dinvp, b1, W2):
    return pl.pallas_call(
        _mid_body,
        out_shape=jax.ShapeDtypeStruct((NPAD, H), jnp.float32),
    )(acc1, y1p, dinvp, b1, W2)


def _combine_body(dots_ref, pr_ref, pc_ref, nr_ref, nc_ref, o_ref):
    dp = dots_ref[0] + dots_ref[1]
    pos_d = dp[0:E // 128]
    neg_d = dp[E // 128:ETOT // 128]
    mp = (pr_ref[...] < pc_ref[...]).astype(jnp.float32)
    mn = (nr_ref[...] < nc_ref[...]).astype(jnp.float32)
    t = pos_d - 1.0
    s_pos = jnp.sum(mp * t * t)
    s_neg = jnp.sum(mn * neg_d * neg_d)
    denom = jnp.sum(mp) + jnp.sum(mn)
    rec = (s_neg + s_pos) * jnp.float32(N) / denom
    o_ref[...] = jnp.broadcast_to(rec, (1, 1))


def _tc_combine(dots3d, pr, pc, nr, nc):
    return pl.pallas_call(
        _combine_body,
        out_shape=jax.ShapeDtypeStruct((1, 1), jnp.float32),
    )(dots3d, pr, pc, nr, nc)


def kernel(features, edge_index, neg_edge_index, W1, b1, W2, b2):
    assert features.shape == (N, F_IN)
    assert edge_index.shape == (2, E)
    assert neg_edge_index.shape == (2, NNEG)

    row = edge_index[0]
    col = edge_index[1]
    nr = neg_edge_index[0]
    nc = neg_edge_index[1]
    zpad = jnp.zeros((NNEG_PAD - NNEG,), jnp.int32)
    nr_p = jnp.concatenate([nr, zpad])
    nc_p = jnp.concatenate([nc, zpad])
    row2d = row.reshape(NCH_P, CK)
    col2d = col.reshape(NCH_P, CK)
    nr2d = nr_p.reshape(NCH_N, CK)
    nc2d = nc_p.reshape(NCH_N, CK)

    degp = _sc_degree(col)
    degt = jnp.transpose(degp)
    dinvp, y1p = _tc_prep(features, W1, degt)
    acc1 = _sc_edge_pass(y1p, row2d, col2d)
    y2p = _tc_mid(acc1, y1p, dinvp, b1, W2)
    rep = _sc_edge_final(y2p, row2d, col2d, dinvp.reshape(NPAD), b2)
    dots = _sc_score(rep, row2d, col2d, nr2d, nc2d)
    dots3d = dots.reshape(NC, ETOT // 128, 128)
    rec_loss = _tc_combine(dots3d,
                           row.reshape(E // 128, 128),
                           col.reshape(E // 128, 128),
                           nr_p.reshape(NNEG_PAD // 128, 128),
                           nc_p.reshape(NNEG_PAD // 128, 128))[0, 0]
    return (rep, rec_loss)

# --- scband reference (transcript-rebuilt; emitter-appended) ---
"""Pipeline reference for scband-estimate-adj-42279658062573 (READ-ONLY COPY).

The authoritative reference and input builder live on the scoring server;
editing this copy changes nothing except your own understanding.
"""

import jax, jax.numpy as jnp
import numpy as np


def gcn_conv(x, W, b, row, col, ew, n):
    # GCNConv with added self-loops and symmetric normalization (edge weights honored)
    xw = x @ W
    loop = jnp.arange(n, dtype=row.dtype)
    r = jnp.concatenate([row, loop])
    c = jnp.concatenate([col, loop])
    w = jnp.concatenate([ew, jnp.ones((n,), dtype=x.dtype)])
    deg = jnp.zeros((n,), dtype=x.dtype).at[c].add(w)
    dinv = jnp.where(deg > 0, 1.0 / jnp.sqrt(deg), 0.0)
    norm = dinv[r] * w * dinv[c]
    msg = norm[:, None] * xw[r]
    out = jnp.zeros((n, W.shape[1]), dtype=x.dtype).at[c].add(msg)
    return out + b


def setup_inputs(seed: int = 0):
    key = jax.random.key(seed)
    N, E, F_IN, H, NNEG = 10000, 320000, 128, 64, 50000
    k1, k2, k3, k4, k5 = jax.random.split(key, 5)
    features = jax.random.normal(k1, (N, F_IN), dtype=jnp.float32)
    edge_index = jax.random.randint(k2, (2, E), 0, N, dtype=jnp.int32)
    neg_edge_index = jax.random.randint(k3, (2, NNEG), 0, N, dtype=jnp.int32)
    W1 = jax.random.normal(k4, (F_IN, H), dtype=jnp.float32) * 0.05
    b1 = jnp.zeros((H,), dtype=jnp.float32)
    W2 = jax.random.normal(k5, (H, H), dtype=jnp.float32) * 0.05
    b2 = jnp.zeros((H,), dtype=jnp.float32)
    return {"features": features, "edge_index": edge_index, "neg_edge_index": neg_edge_index,
            "W1": W1, "b1": b1, "W2": W2, "b2": b2}


def reference(features, edge_index, neg_edge_index, W1, b1, W2, b2):
    N = features.shape[0]
    row, col = edge_index[0], edge_index[1]
    ew = jnp.ones((edge_index.shape[1],), dtype=features.dtype)
    # 2-layer GCN estimator (dropout=0.0)
    h = jax.nn.relu(gcn_conv(features, W1, b1, row, col, ew, N))
    rep = gcn_conv(h, W2, b2, row, col, ew, N)
    # reconstruct_loss: negative sampling precomputed in setup for determinism;
    # filtering (src < dst) done via masking to keep shapes static
    nr, nc = neg_edge_index[0], neg_edge_index[1]
    neg = jnp.sum(rep[nr] * rep[nc], axis=1)
    mask_neg = (nr < nc).astype(rep.dtype)
    pos = jnp.sum(rep[row] * rep[col], axis=1)
    mask_pos = (row < col).astype(rep.dtype)
    denom = jnp.sum(mask_neg) + jnp.sum(mask_pos)
    rec_loss = (jnp.sum(mask_neg * neg ** 2) + jnp.sum(mask_pos * (pos - 1.0) ** 2)) * N / denom
    return (rep, rec_loss)

if __name__ == "__main__":
    import jax
    _d = setup_inputs()
    print(jax.jit(kernel)(*tuple(_d.values())))

</pallas_src>

<mosaic_0001>
#map = affine_map<(d0, d1) -> (0, 0)>
module attributes {stable_mosaic.version = 14 : i64} {
  func.func @_sc_edge_body(%arg0: i32, %arg1: i32, %arg2: memref<10240x64xf32, #tpu.memory_space<hbm>>, %arg3: memref<800x400xi32, #tpu.memory_space<hbm>>, %arg4: memref<800x400xi32, #tpu.memory_space<hbm>>, %arg5: memref<10240x64xf32, #tpu.memory_space<hbm>>, %arg6: memref<10240x32xf32, #tpu.memory_space<vmem_shared>>, %arg7: memref<10240x32xf32, #tpu.memory_space<vmem_shared>>, %arg8: memref<50x400xi32, #tpu.memory_space<vmem>>, %arg9: memref<50x400xi32, #tpu.memory_space<vmem>>, %arg10: memref<400x32xf32, #tpu.memory_space<vmem>>, %arg11: memref<400x32xf32, #tpu.memory_space<vmem>>, %arg12: memref<!tpu.dma_semaphore, #tpu.memory_space<semaphore_mem>>, %arg13: memref<!tpu.dma_semaphore, #tpu.memory_space<semaphore_mem>>) attributes {dimension_semantics = [#tpu.dimension_semantics<core_parallel>, #tpu.dimension_semantics<subcore_parallel>], iteration_bounds = array<i64: 2, 16>, scalar_prefetch = 0 : i64, scratch_operands = 8 : i64, tpu.core_type = #tpu.core_type<sc_vector_subcore>, window_params = [{transform_indices = #map}, {transform_indices = #map}, {transform_indices = #map}, {transform_indices = #map}]} {
    %mul3A = arith.constant 32 : i32
    %mul3A_0 = arith.muli %arg0, %mul3A : i32
    %mul3A_1 = arith.constant 640 : i32
    %mul3A_2 = arith.muli %arg1, %mul3A_1 : i32
    %scan3A = arith.constant 0 : i32
    %scan3A_3 = arith.constant 0 : i32
    %scan3A_4 = arith.constant 800 : i32
    %scan3A_5 = arith.addi %scan3A_3, %scan3A_4 : i32
    %scan3A_6 = arith.constant 1 : i32
    %scan3A_7 = scf.for %scan3A_28 = %scan3A_3 to %scan3A_5 step %scan3A_6 iter_args(%scan3A_29 = %scan3A) -> (i32)  : i32 {
      %broadcast_in_dim3A = arith.constant 0.000000e+00 : f32
      %broadcast_in_dim3A_30 = vector.broadcast %broadcast_in_dim3A : f32 to vector<16xf32>
      %jit3A = arith.constant 2 : i32
      %div3A = arith.divsi %scan3A_28, %jit3A : i32
      %sign3A = arith.constant 0 : i32
      %sign3A_31 = arith.cmpi sgt, %scan3A_28, %sign3A : i32
      %sign3A_32 = arith.extui %sign3A_31 : i1 to i32
      %sign3A_33 = arith.constant 0 : i32
      %sign3A_34 = arith.cmpi slt, %scan3A_28, %sign3A_33 : i32
      %sign3A_35 = arith.extui %sign3A_34 : i1 to i32
      %sign3A_36 = arith.subi %sign3A_32, %sign3A_35 : i32
      %sign3A_37 = arith.constant 0 : i32
      %sign3A_38 = arith.cmpi sgt, %jit3A, %sign3A_37 : i32
      %sign3A_39 = arith.extui %sign3A_38 : i1 to i32
      %sign3A_40 = arith.constant 0 : i32
      %sign3A_41 = arith.cmpi slt, %jit3A, %sign3A_40 : i32
      %sign3A_42 = arith.extui %sign3A_41 : i1 to i32
      %sign3A_43 = arith.subi %sign3A_39, %sign3A_42 : i32
      %ne3A = arith.cmpi ne, %sign3A_36, %sign3A_43 : i32
      %rem3A = arith.remsi %scan3A_28, %jit3A : i32
      %ne3A_44 = arith.constant 0 : i32
      %ne3A_45 = arith.cmpi ne, %rem3A, %ne3A_44 : i32
      %and3A = arith.andi %ne3A, %ne3A_45 : i1
      %sub3A = arith.constant 1 : i32
      %sub3A_46 = arith.subi %div3A, %sub3A : i32
      %select_n3A = arith.select %and3A, %sub3A_46, %div3A : i32
      %jit3A_47 = arith.constant 2 : i32
      %eq3A = arith.constant 0 : i32
      %eq3A_48 = arith.cmpi eq, %jit3A_47, %eq3A : i32
      %jit3A_49 = arith.constant 1 : i32
      %select_n3A_50 = arith.select %eq3A_48, %jit3A_49, %jit3A_47 : i32
      %rem3A_51 = arith.remsi %scan3A_28, %select_n3A_50 : i32
      %ne3A_52 = arith.constant 0 : i32
      %ne3A_53 = arith.cmpi ne, %rem3A_51, %ne3A_52 : i32
      %lt3A = arith.constant 0 : i32
      %lt3A_54 = arith.cmpi slt, %rem3A_51, %lt3A : i32
      %lt3A_55 = arith.constant 0 : i32
      %lt3A_56 = arith.cmpi slt, %select_n3A_50, %lt3A_55 : i32
      %ne3A_57 = arith.xori %lt3A_54, %lt3A_56 : i1
      %and3A_58 = arith.andi %ne3A_57, %ne3A_53 : i1
      %add3A_59 = arith.addi %rem3A_51, %select_n3A_50 : i32
      %select_n3A_60 = arith.select %and3A_58, %add3A_59, %rem3A_51 : i32
      %mul3A_61 = arith.constant 16 : i32
      %mul3A_62 = arith.muli %select_n3A_60, %mul3A_61 : i32
      %swap3A = arith.index_cast %select_n3A : i32 to index
      %swap3A_63 = arith.index_cast %mul3A_62 : i32 to index
      %swap3A_64 = tpu.vector_load %arg10[%swap3A, %swap3A_63] {strides = array<i32>} : memref<400x32xf32, #tpu.memory_space<vmem>>, vector<1x16xf32>,
      %swap3A_65 = vector.shape_cast %swap3A_64 : vector<1x16xf32> to vector<16xf32>
      %swap3A_66 = vector.shape_cast %broadcast_in_dim3A_30 : vector<16xf32> to vector<1x16xf32>
      tpu.vector_store %arg10[%swap3A, %swap3A_63], %swap3A_66 {strides = array<i32>} : memref<400x32xf32, #tpu.memory_space<vmem>>, vector<1x16xf32>,
      %scan3A_67 = arith.constant 0 : i32
      scf.yield %scan3A_67 : i32
    }
    %scan3A_8 = arith.constant 800 : i32
    "tpu.region"() ({
      %run_scoped3A = tpu.sem_alloc : memref<!tpu.dma_semaphore, #tpu.memory_space<semaphore_mem>>
      %dma_start3A_28 = arith.constant 0 : i32
      %dma_start3A_29 = tpu.memref_slice %arg7[%mul3A_2, %dma_start3A_28] : memref<10240x32xf32, #tpu.memory_space<vmem_shared>> -> memref<400x32xf32, #tpu.memory_space<vmem_shared>>
      %dma_start3A_30 = arith.constant 0 : i32
      %dma_start3A_31 = tpu.memref_slice %arg7[%mul3A_2, %dma_start3A_30] : memref<10240x32xf32, #tpu.memory_space<vmem_shared>> -> memref<400x32xf32, #tpu.memory_space<vmem_shared>>
      tpu.enqueue_dma source(%arg10 : memref<400x32xf32, #tpu.memory_space<vmem>>) target(%dma_start3A_31 : memref<400x32xf32, #tpu.memory_space<vmem_shared>>) target_semaphore(%run_scoped3A : memref<!tpu.dma_semaphore, #tpu.memory_space<semaphore_mem>>)
      %dma_wait3A = arith.constant 0 : i32
      %dma_wait3A_32 = tpu.memref_slice %arg7[%mul3A_2, %dma_wait3A] : memref<10240x32xf32, #tpu.memory_space<vmem_shared>> -> memref<400x32xf32, #tpu.memory_space<vmem_shared>>
      %dma_wait3A_33 = arith.constant 0 : i32
      %dma_wait3A_34 = tpu.memref_slice %arg7[%mul3A_2, %dma_wait3A_33] : memref<10240x32xf32, #tpu.memory_space<vmem_shared>> -> memref<400x32xf32, #tpu.memory_space<vmem_shared>>
      tpu.wait_dma2 semaphore(%run_scoped3A : memref<!tpu.dma_semaphore, #tpu.memory_space<semaphore_mem>>) src(%arg10 : memref<400x32xf32, #tpu.memory_space<vmem>>) dst(%dma_wait3A_34 : memref<400x32xf32, #tpu.memory_space<vmem_shared>>)
      tpu.yield
    }) : () -> ()
    %add3A = arith.constant 400 : i32
    %add3A_9 = arith.addi %mul3A_2, %add3A : i32
    "tpu.region"() ({
      %run_scoped3A = tpu.sem_alloc : memref<!tpu.dma_semaphore, #tpu.memory_space<semaphore_mem>>
      %dma_start3A_28 = arith.constant 0 : i32
      %dma_start3A_29 = arith.constant 0 : i32
      %dma_start3A_30 = tpu.memref_slice %arg10[%dma_start3A_28, %dma_start3A_29] : memref<400x32xf32, #tpu.memory_space<vmem>> -> memref<240x32xf32, #tpu.memory_space<vmem>>
      %dma_start3A_31 = arith.constant 0 : i32
      %dma_start3A_32 = tpu.memref_slice %arg7[%add3A_9, %dma_start3A_31] : memref<10240x32xf32, #tpu.memory_space<vmem_shared>> -> memref<240x32xf32, #tpu.memory_space<vmem_shared>>
      %dma_start3A_33 = arith.constant 0 : i32
      %dma_start3A_34 = tpu.memref_slice %arg7[%add3A_9, %dma_start3A_33] : memref<10240x32xf32, #tpu.memory_space<vmem_shared>> -> memref<240x32xf32, #tpu.memory_space<vmem_shared>>
      %dma_start3A_35 = arith.constant 0 : i32
      %dma_start3A_36 = arith.constant 0 : i32
      %dma_start3A_37 = tpu.memref_slice %arg10[%dma_start3A_35, %dma_start3A_36] : memref<400x32xf32, #tpu.memory_space<vmem>> -> memref<240x32xf32, #tpu.memory_space<vmem>>
      tpu.enqueue_dma source(%dma_start3A_37 : memref<240x32xf32, #tpu.memory_space<vmem>>) target(%dma_start3A_34 : memref<240x32xf32, #tpu.memory_space<vmem_shared>>) target_semaphore(%run_scoped3A : memref<!tpu.dma_semaphore, #tpu.memory_space<semaphore_mem>>)
      %dma_wait3A = arith.constant 0 : i32
      %dma_wait3A_38 = arith.constant 0 : i32
      %dma_wait3A_39 = tpu.memref_slice %arg10[%dma_wait3A, %dma_wait3A_38] : memref<400x32xf32, #tpu.memory_space<vmem>> -> memref<240x32xf32, #tpu.memory_space<vmem>>
      %dma_wait3A_40 = arith.constant 0 : i32
      %dma_wait3A_41 = tpu.memref_slice %arg7[%add3A_9, %dma_wait3A_40] : memref<10240x32xf32, #tpu.memory_space<vmem_shared>> -> memref<240x32xf32, #tpu.memory_space<vmem_shared>>
      %dma_wait3A_42 = arith.constant 0 : i32
      %dma_wait3A_43 = tpu.memref_slice %arg7[%add3A_9, %dma_wait3A_42] : memref<10240x32xf32, #tpu.memory_space<vmem_shared>> -> memref<240x32xf32, #tpu.memory_space<vmem_shared>>
      %dma_wait3A_44 = arith.constant 0 : i32
      %dma_wait3A_45 = arith.constant 0 : i32
      %dma_wait3A_46 = tpu.memref_slice %arg10[%dma_wait3A_44, %dma_wait3A_45] : memref<400x32xf32, #tpu.memory_space<vmem>> -> memref<240x32xf32, #tpu.memory_space<vmem>>
      tpu.wait_dma2 semaphore(%run_scoped3A : memref<!tpu.dma_semaphore, #tpu.memory_space<semaphore_mem>>) src(%dma_wait3A_46 : memref<240x32xf32, #tpu.memory_space<vmem>>) dst(%dma_wait3A_43 : memref<240x32xf32, #tpu.memory_space<vmem_shared>>)
      tpu.yield
    }) : () -> ()
    "tpu.region"() ({
      %run_scoped3A = tpu.sem_alloc : memref<!tpu.dma_semaphore, #tpu.memory_space<semaphore_mem>>
      %dma_start3A_28 = arith.constant 0 : i32
      %dma_start3A_29 = tpu.memref_slice %arg6[%mul3A_2, %dma_start3A_28] : memref<10240x32xf32, #tpu.memory_space<vmem_shared>> -> memref<640x32xf32, #tpu.memory_space<vmem_shared>>
      %dma_start3A_30 = tpu.memref_slice %arg2[%mul3A_2, %mul3A_0] : memref<10240x64xf32, #tpu.memory_space<hbm>> -> memref<640x32xf32, #tpu.memory_space<hbm>>
      tpu.enqueue_dma source(%dma_start3A_30 : memref<640x32xf32, #tpu.memory_space<hbm>>) target(%dma_start3A_29 : memref<640x32xf32, #tpu.memory_space<vmem_shared>>) target_semaphore(%run_scoped3A : memref<!tpu.dma_semaphore, #tpu.memory_space<semaphore_mem>>)
      %dma_wait3A = arith.constant 0 : i32
      %dma_wait3A_31 = tpu.memref_slice %arg6[%mul3A_2, %dma_wait3A] : memref<10240x32xf32, #tpu.memory_space<vmem_shared>> -> memref<640x32xf32, #tpu.memory_space<vmem_shared>>
      %dma_wait3A_32 = tpu.memref_slice %arg2[%mul3A_2, %mul3A_0] : memref<10240x64xf32, #tpu.memory_space<hbm>> -> memref<640x32xf32, #tpu.memory_space<hbm>>
      tpu.wait_dma2 semaphore(%run_scoped3A : memref<!tpu.dma_semaphore, #tpu.memory_space<semaphore_mem>>) src(%dma_wait3A_32 : memref<640x32xf32, #tpu.memory_space<hbm>>) dst(%dma_wait3A_31 : memref<640x32xf32, #tpu.memory_space<vmem_shared>>)
      tpu.yield
    }) : () -> ()
    %mul3A_10 = arith.constant 50 : i32
    %mul3A_11 = arith.muli %arg1, %mul3A_10 : i32
    "tpu.region"() ({
      %run_scoped3A = tpu.sem_alloc : memref<!tpu.dma_semaphore, #tpu.memory_space<semaphore_mem>>
      %dma_start3A_28 = arith.constant 0 : i32
      %dma_start3A_29 = tpu.memref_slice %arg3[%mul3A_11, %dma_start3A_28] : memref<800x400xi32, #tpu.memory_space<hbm>> -> memref<50x400xi32, #tpu.memory_space<hbm>>
      %dma_start3A_30 = arith.constant 0 : i32
      %dma_start3A_31 = tpu.memref_slice %arg3[%mul3A_11, %dma_start3A_30] : memref<800x400xi32, #tpu.memory_space<hbm>> -> memref<50x400xi32, #tpu.memory_space<hbm>>
      tpu.enqueue_dma source(%dma_start3A_31 : memref<50x400xi32, #tpu.memory_space<hbm>>) target(%arg8 : memref<50x400xi32, #tpu.memory_space<vmem>>) target_semaphore(%run_scoped3A : memref<!tpu.dma_semaphore, #tpu.memory_space<semaphore_mem>>)
      %dma_wait3A = arith.constant 0 : i32
      %dma_wait3A_32 = tpu.memref_slice %arg3[%mul3A_11, %dma_wait3A] : memref<800x400xi32, #tpu.memory_space<hbm>> -> memref<50x400xi32, #tpu.memory_space<hbm>>
      %dma_wait3A_33 = arith.constant 0 : i32
      %dma_wait3A_34 = tpu.memref_slice %arg3[%mul3A_11, %dma_wait3A_33] : memref<800x400xi32, #tpu.memory_space<hbm>> -> memref<50x400xi32, #tpu.memory_space<hbm>>
      tpu.wait_dma2 semaphore(%run_scoped3A : memref<!tpu.dma_semaphore, #tpu.memory_space<semaphore_mem>>) src(%dma_wait3A_34 : memref<50x400xi32, #tpu.memory_space<hbm>>) dst(%arg8 : memref<50x400xi32, #tpu.memory_space<vmem>>)
      tpu.yield
    }) : () -> ()
    %mul3A_12 = arith.constant 50 : i32
    %mul3A_13 = arith.muli %arg1, %mul3A_12 : i32
    "tpu.region"() ({
      %run_scoped3A = tpu.sem_alloc : memref<!tpu.dma_semaphore, #tpu.memory_space<semaphore_mem>>
      %dma_start3A_28 = arith.constant 0 : i32
      %dma_start3A_29 = tpu.memref_slice %arg4[%mul3A_13, %dma_start3A_28] : memref<800x400xi32, #tpu.memory_space<hbm>> -> memref<50x400xi32, #tpu.memory_space<hbm>>
      %dma_start3A_30 = arith.constant 0 : i32
      %dma_start3A_31 = tpu.memref_slice %arg4[%mul3A_13, %dma_start3A_30] : memref<800x400xi32, #tpu.memory_space<hbm>> -> memref<50x400xi32, #tpu.memory_space<hbm>>
      tpu.enqueue_dma source(%dma_start3A_31 : memref<50x400xi32, #tpu.memory_space<hbm>>) target(%arg9 : memref<50x400xi32, #tpu.memory_space<vmem>>) target_semaphore(%run_scoped3A : memref<!tpu.dma_semaphore, #tpu.memory_space<semaphore_mem>>)
      %dma_wait3A = arith.constant 0 : i32
      %dma_wait3A_32 = tpu.memref_slice %arg4[%mul3A_13, %dma_wait3A] : memref<800x400xi32, #tpu.memory_space<hbm>> -> memref<50x400xi32, #tpu.memory_space<hbm>>
      %dma_wait3A_33 = arith.constant 0 : i32
      %dma_wait3A_34 = tpu.memref_slice %arg4[%mul3A_13, %dma_wait3A_33] : memref<800x400xi32, #tpu.memory_space<hbm>> -> memref<50x400xi32, #tpu.memory_space<hbm>>
      tpu.wait_dma2 semaphore(%run_scoped3A : memref<!tpu.dma_semaphore, #tpu.memory_space<semaphore_mem>>) src(%dma_wait3A_34 : memref<50x400xi32, #tpu.memory_space<hbm>>) dst(%arg9 : memref<50x400xi32, #tpu.memory_space<vmem>>)
      tpu.yield
    }) : () -> ()
    %barrier3A = arith.constant 0 : index
    tpu.barrier barrier_id(%barrier3A)
    %dma_start3A = arith.constant 0 : i32
    %dma_start3A_14 = arith.constant 0 : i32
    %dma_start3A_15 = tpu.memref_slice %arg8[%dma_start3A, %dma_start3A_14] : memref<50x400xi32, #tpu.memory_space<vmem>> -> memref<1x400xi32, #tpu.memory_space<vmem>>
    %dma_start3A_16 = tpu.memref_squeeze %dma_start3A_15 : memref<1x400xi32, #tpu.memory_space<vmem>> -> memref<400xi32, #tpu.memory_space<vmem>>
    %dma_start3A_17 = arith.constant 0 : i32
    %dma_start3A_18 = arith.constant 0 : i32
    %dma_start3A_19 = tpu.memref_slice %arg6[%dma_start3A_17, %dma_start3A_18] : memref<10240x32xf32, #tpu.memory_space<vmem_shared>> -> memref<10240x32xf32, #tpu.memory_space<vmem_shared>>
    tpu.enqueue_indirect_dma source(%dma_start3A_19 : memref<10240x32xf32, #tpu.memory_space<vmem_shared>>) target(%arg10 : memref<400x32xf32, #tpu.memory_space<vmem>>) offsets(%dma_start3A_16 : memref<400xi32, #tpu.memory_space<vmem>>) semaphore(%arg12 : memref<!tpu.dma_semaphore, #tpu.memory_space<semaphore_mem>>)
    %scan3A_20 = arith.constant 0 : i32
    %scan3A_21 = arith.constant 0 : i32
    %scan3A_22 = arith.constant 25 : i32
    %scan3A_23 = arith.addi %scan3A_21, %scan3A_22 : i32
    %scan3A_24 = arith.constant 1 : i32
    %scan3A_25 = scf.for %scan3A_28 = %scan3A_21 to %scan3A_23 step %scan3A_24 iter_args(%scan3A_29 = %scan3A_20) -> (i32)  : i32 {
      %mul3A_30 = arith.constant 2 : i32
      %mul3A_31 = arith.muli %mul3A_30, %scan3A_28 : i32
      %dma_wait3A = arith.constant 0 : i32
      %dma_wait3A_32 = tpu.memref_slice %arg8[%mul3A_31, %dma_wait3A] : memref<50x400xi32, #tpu.memory_space<vmem>> -> memref<1x400xi32, #tpu.memory_space<vmem>>
      %dma_wait3A_33 = tpu.memref_squeeze %dma_wait3A_32 : memref<1x400xi32, #tpu.memory_space<vmem>> -> memref<400xi32, #tpu.memory_space<vmem>>
      %dma_wait3A_34 = arith.constant 0 : i32
      %dma_wait3A_35 = arith.constant 0 : i32
      %dma_wait3A_36 = tpu.memref_slice %arg6[%dma_wait3A_34, %dma_wait3A_35] : memref<10240x32xf32, #tpu.memory_space<vmem_shared>> -> memref<10240x32xf32, #tpu.memory_space<vmem_shared>>
      tpu.wait_indirect_dma semaphore(%arg12 : memref<!tpu.dma_semaphore, #tpu.memory_space<semaphore_mem>>) src(%dma_wait3A_36 : memref<10240x32xf32, #tpu.memory_space<vmem_shared>>) dst(%arg10 : memref<400x32xf32, #tpu.memory_space<vmem>>)
      %add3A_37 = arith.constant 1 : i32
      %add3A_38 = arith.addi %mul3A_31, %add3A_37 : i32
      %dma_start3A_39 = arith.constant 0 : i32
      %dma_start3A_40 = tpu.memref_slice %arg8[%add3A_38, %dma_start3A_39] : memref<50x400xi32, #tpu.memory_space<vmem>> -> memref<1x400xi32, #tpu.memory_space<vmem>>
      %dma_start3A_41 = tpu.memref_squeeze %dma_start3A_40 : memref<1x400xi32, #tpu.memory_space<vmem>> -> memref<400xi32, #tpu.memory_space<vmem>>
      %dma_start3A_42 = arith.constant 0 : i32
      %dma_start3A_43 = arith.constant 0 : i32
      %dma_start3A_44 = tpu.memref_slice %arg6[%dma_start3A_42, %dma_start3A_43] : memref<10240x32xf32, #tpu.memory_space<vmem_shared>> -> memref<10240x32xf32, #tpu.memory_space<vmem_shared>>
      tpu.enqueue_indirect_dma source(%dma_start3A_44 : memref<10240x32xf32, #tpu.memory_space<vmem_shared>>) target(%arg11 : memref<400x32xf32, #tpu.memory_space<vmem>>) offsets(%dma_start3A_41 : memref<400xi32, #tpu.memory_space<vmem>>) semaphore(%arg13 : memref<!tpu.dma_semaphore, #tpu.memory_space<semaphore_mem>>)
      "tpu.region"() ({
        %run_scoped3A = tpu.sem_alloc : memref<!tpu.dma_semaphore, #tpu.memory_space<semaphore_mem>>
        %dma_start3A_60 = arith.constant 0 : i32
        %dma_start3A_61 = tpu.memref_slice %arg9[%mul3A_31, %dma_start3A_60] : memref<50x400xi32, #tpu.memory_space<vmem>> -> memref<1x400xi32, #tpu.memory_space<vmem>>
        %dma_start3A_62 = tpu.memref_squeeze %dma_start3A_61 : memref<1x400xi32, #tpu.memory_space<vmem>> -> memref<400xi32, #tpu.memory_space<vmem>>
        %dma_start3A_63 = arith.constant 0 : i32
        %dma_start3A_64 = arith.constant 0 : i32
        %dma_start3A_65 = tpu.memref_slice %arg7[%dma_start3A_63, %dma_start3A_64] : memref<10240x32xf32, #tpu.memory_space<vmem_shared>> -> memref<10240x32xf32, #tpu.memory_space<vmem_shared>>
        tpu.enqueue_indirect_dma source(%arg10 : memref<400x32xf32, #tpu.memory_space<vmem>>) target(%dma_start3A_65 : memref<10240x32xf32, #tpu.memory_space<vmem_shared>>) offsets(%dma_start3A_62 : memref<400xi32, #tpu.memory_space<vmem>>) semaphore(%run_scoped3A : memref<!tpu.dma_semaphore, #tpu.memory_space<semaphore_mem>>) {add = true}
        %dma_wait3A_66 = arith.constant 0 : i32
        %dma_wait3A_67 = tpu.memref_slice %arg9[%mul3A_31, %dma_wait3A_66] : memref<50x400xi32, #tpu.memory_space<vmem>> -> memref<1x400xi32, #tpu.memory_space<vmem>>
        %dma_wait3A_68 = tpu.memref_squeeze %dma_wait3A_67 : memref<1x400xi32, #tpu.memory_space<vmem>> -> memref<400xi32, #tpu.memory_space<vmem>>
        %dma_wait3A_69 = arith.constant 0 : i32
        %dma_wait3A_70 = arith.constant 0 : i32
        %dma_wait3A_71 = tpu.memref_slice %arg7[%dma_wait3A_69, %dma_wait3A_70] : memref<10240x32xf32, #tpu.memory_space<vmem_shared>> -> memref<10240x32xf32, #tpu.memory_space<vmem_shared>>
        tpu.wait_indirect_dma semaphore(%run_scoped3A : memref<!tpu.dma_semaphore, #tpu.memory_space<semaphore_mem>>) src(%arg10 : memref<400x32xf32, #tpu.memory_space<vmem>>) dst(%dma_wait3A_71 : memref<10240x32xf32, #tpu.memory_space<vmem_shared>>)
        tpu.yield
      }) : () -> ()
      %add3A_45 = arith.constant 1 : i32
      %add3A_46 = arith.addi %mul3A_31, %add3A_45 : i32
      %dma_wait3A_47 = arith.constant 0 : i32
      %dma_wait3A_48 = tpu.memref_slice %arg8[%add3A_46, %dma_wait3A_47] : memref<50x400xi32, #tpu.memory_space<vmem>> -> memref<1x400xi32, #tpu.memory_space<vmem>>
      %dma_wait3A_49 = tpu.memref_squeeze %dma_wait3A_48 : memref<1x400xi32, #tpu.memory_space<vmem>> -> memref<400xi32, #tpu.memory_space<vmem>>
      %dma_wait3A_50 = arith.constant 0 : i32
      %dma_wait3A_51 = arith.constant 0 : i32
      %dma_wait3A_52 = tpu.memref_slice %arg6[%dma_wait3A_50, %dma_wait3A_51] : memref<10240x32xf32, #tpu.memory_space<vmem_shared>> -> memref<10240x32xf32, #tpu.memory_space<vmem_shared>>
      tpu.wait_indirect_dma semaphore(%arg13 : memref<!tpu.dma_semaphore, #tpu.memory_space<semaphore_mem>>) src(%dma_wait3A_52 : memref<10240x32xf32, #tpu.memory_space<vmem_shared>>) dst(%arg11 : memref<400x32xf32, #tpu.memory_space<vmem>>)
      %add3A_53 = arith.constant 2 : i32
      %add3A_54 = arith.addi %mul3A_31, %add3A_53 : i32
      %lt3A = arith.constant 50 : i32
      %lt3A_55 = arith.cmpi slt, %add3A_54, %lt3A : i32
      %convert_element_type3A = arith.extui %lt3A_55 : i1 to i32
      %cond3A = arith.constant 0 : i32
      %cond3A_56 = arith.cmpi ne, %convert_element_type3A, %cond3A : i32
      scf.if %cond3A_56 {
        %add3A_60 = arith.constant 2 : i32
        %add3A_61 = arith.addi %mul3A_31, %add3A_60 : i32
        %dma_start3A_62 = arith.constant 0 : i32
        %dma_start3A_63 = tpu.memref_slice %arg8[%add3A_61, %dma_start3A_62] : memref<50x400xi32, #tpu.memory_space<vmem>> -> memref<1x400xi32, #tpu.memory_space<vmem>>
        %dma_start3A_64 = tpu.memref_squeeze %dma_start3A_63 : memref<1x400xi32, #tpu.memory_space<vmem>> -> memref<400xi32, #tpu.memory_space<vmem>>
        %dma_start3A_65 = arith.constant 0 : i32
        %dma_start3A_66 = arith.constant 0 : i32
        %dma_start3A_67 = tpu.memref_slice %arg6[%dma_start3A_65, %dma_start3A_66] : memref<10240x32xf32, #tpu.memory_space<vmem_shared>> -> memref<10240x32xf32, #tpu.memory_space<vmem_shared>>
        tpu.enqueue_indirect_dma source(%dma_start3A_67 : memref<10240x32xf32, #tpu.memory_space<vmem_shared>>) target(%arg10 : memref<400x32xf32, #tpu.memory_space<vmem>>) offsets(%dma_start3A_64 : memref<400xi32, #tpu.memory_space<vmem>>) semaphore(%arg12 : memref<!tpu.dma_semaphore, #tpu.memory_space<semaphore_mem>>)
      } else {
      }
      %add3A_57 = arith.constant 1 : i32
      %add3A_58 = arith.addi %mul3A_31, %add3A_57 : i32
      "tpu.region"() ({
        %run_scoped3A = tpu.sem_alloc : memref<!tpu.dma_semaphore, #tpu.memory_space<semaphore_mem>>
        %dma_start3A_60 = arith.constant 0 : i32
        %dma_start3A_61 = tpu.memref_slice %arg9[%add3A_58, %dma_start3A_60] : memref<50x400xi32, #tpu.memory_space<vmem>> -> memref<1x400xi32, #tpu.memory_space<vmem>>
        %dma_start3A_62 = tpu.memref_squeeze %dma_start3A_61 : memref<1x400xi32, #tpu.memory_space<vmem>> -> memref<400xi32, #tpu.memory_space<vmem>>
        %dma_start3A_63 = arith.constant 0 : i32
        %dma_start3A_64 = arith.constant 0 : i32
        %dma_start3A_65 = tpu.memref_slice %arg7[%dma_start3A_63, %dma_start3A_64] : memref<10240x32xf32, #tpu.memory_space<vmem_shared>> -> memref<10240x32xf32, #tpu.memory_space<vmem_shared>>
        tpu.enqueue_indirect_dma source(%arg11 : memref<400x32xf32, #tpu.memory_space<vmem>>) target(%dma_start3A_65 : memref<10240x32xf32, #tpu.memory_space<vmem_shared>>) offsets(%dma_start3A_62 : memref<400xi32, #tpu.memory_space<vmem>>) semaphore(%run_scoped3A : memref<!tpu.dma_semaphore, #tpu.memory_space<semaphore_mem>>) {add = true}
        %dma_wait3A_66 = arith.constant 0 : i32
        %dma_wait3A_67 = tpu.memref_slice %arg9[%add3A_58, %dma_wait3A_66] : memref<50x400xi32, #tpu.memory_space<vmem>> -> memref<1x400xi32, #tpu.memory_space<vmem>>
        %dma_wait3A_68 = tpu.memref_squeeze %dma_wait3A_67 : memref<1x400xi32, #tpu.memory_space<vmem>> -> memref<400xi32, #tpu.memory_space<vmem>>
        %dma_wait3A_69 = arith.constant 0 : i32
        %dma_wait3A_70 = arith.constant 0 : i32
        %dma_wait3A_71 = tpu.memref_slice %arg7[%dma_wait3A_69, %dma_wait3A_70] : memref<10240x32xf32, #tpu.memory_space<vmem_shared>> -> memref<10240x32xf32, #tpu.memory_space<vmem_shared>>
        tpu.wait_indirect_dma semaphore(%run_scoped3A : memref<!tpu.dma_semaphore, #tpu.memory_space<semaphore_mem>>) src(%arg11 : memref<400x32xf32, #tpu.memory_space<vmem>>) dst(%dma_wait3A_71 : memref<10240x32xf32, #tpu.memory_space<vmem_shared>>)
        tpu.yield
      }) : () -> ()
      %scan3A_59 = arith.constant 0 : i32
      scf.yield %scan3A_59 : i32
    }
    %scan3A_26 = arith.constant 25 : i32
    %barrier3A_27 = arith.constant 0 : index
    tpu.barrier barrier_id(%barrier3A_27)
    "tpu.region"() ({
      %run_scoped3A = tpu.sem_alloc : memref<!tpu.dma_semaphore, #tpu.memory_space<semaphore_mem>>
      %dma_start3A_28 = tpu.memref_slice %arg5[%mul3A_2, %mul3A_0] : memref<10240x64xf32, #tpu.memory_space<hbm>> -> memref<640x32xf32, #tpu.memory_space<hbm>>
      %dma_start3A_29 = arith.constant 0 : i32
      %dma_start3A_30 = tpu.memref_slice %arg7[%mul3A_2, %dma_start3A_29] : memref<10240x32xf32, #tpu.memory_space<vmem_shared>> -> memref<640x32xf32, #tpu.memory_space<vmem_shared>>
      tpu.enqueue_dma source(%dma_start3A_30 : memref<640x32xf32, #tpu.memory_space<vmem_shared>>) target(%dma_start3A_28 : memref<640x32xf32, #tpu.memory_space<hbm>>) target_semaphore(%run_scoped3A : memref<!tpu.dma_semaphore, #tpu.memory_space<semaphore_mem>>)
      %dma_wait3A = tpu.memref_slice %arg5[%mul3A_2, %mul3A_0] : memref<10240x64xf32, #tpu.memory_space<hbm>> -> memref<640x32xf32, #tpu.memory_space<hbm>>
      %dma_wait3A_31 = arith.constant 0 : i32
      %dma_wait3A_32 = tpu.memref_slice %arg7[%mul3A_2, %dma_wait3A_31] : memref<10240x32xf32, #tpu.memory_space<vmem_shared>> -> memref<640x32xf32, #tpu.memory_space<vmem_shared>>
      tpu.wait_dma2 semaphore(%run_scoped3A : memref<!tpu.dma_semaphore, #tpu.memory_space<semaphore_mem>>) src(%dma_wait3A_32 : memref<640x32xf32, #tpu.memory_space<vmem_shared>>) dst(%dma_wait3A : memref<640x32xf32, #tpu.memory_space<hbm>>)
      tpu.yield
    }) : () -> ()
    return
  }
}

#map = affine_map<(d0, d1) -> (0)>
#map1 = affine_map<(d0, d1) -> (0, 0)>
module attributes {stable_mosaic.version = 14 : i64} {
  func.func @_sc_degree_body(%arg0: i32, %arg1: i32, %arg2: memref<320000xi32, #tpu.memory_space<hbm>>, %arg3: memref<2x10240xf32, #tpu.memory_space<hbm>>, %arg4: memref<10240xf32, #tpu.memory_space<vmem_shared>>, %arg5: memref<2000xi32, #tpu.memory_space<vmem>>, %arg6: memref<2000xf32, #tpu.memory_space<vmem>>) attributes {dimension_semantics = [#tpu.dimension_semantics<core_parallel>, #tpu.dimension_semantics<subcore_parallel>], iteration_bounds = array<i64: 2, 16>, scalar_prefetch = 0 : i64, scratch_operands = 3 : i64, tpu.core_type = #tpu.core_type<sc_vector_subcore>, window_params = [{transform_indices = #map}, {transform_indices = #map1}]} {
    %scan3A = arith.constant 0 : i32
    %scan3A_0 = arith.constant 0 : i32
    %scan3A_1 = arith.constant 40 : i32
    %scan3A_2 = arith.addi %scan3A_0, %scan3A_1 : i32
    %scan3A_3 = arith.constant 1 : i32
    %scan3A_4 = scf.for %scan3A_30 = %scan3A_0 to %scan3A_2 step %scan3A_3 iter_args(%scan3A_31 = %scan3A) -> (i32)  : i32 {
      %broadcast_in_dim3A = arith.constant 0.000000e+00 : f32
      %broadcast_in_dim3A_32 = vector.broadcast %broadcast_in_dim3A : f32 to vector<16xf32>
      %mul3A_33 = arith.constant 16 : i32
      %mul3A_34 = arith.muli %scan3A_30, %mul3A_33 : i32
      %swap3A = arith.index_cast %mul3A_34 : i32 to index
      %swap3A_35 = tpu.vector_load %arg6[%swap3A] {strides = array<i32>} : memref<2000xf32, #tpu.memory_space<vmem>>, vector<16xf32>,
      %swap3A_36 = vector.shape_cast %swap3A_35 : vector<16xf32> to vector<16xf32>
      %swap3A_37 = vector.shape_cast %broadcast_in_dim3A_32 : vector<16xf32> to vector<16xf32>
      tpu.vector_store %arg6[%swap3A], %swap3A_37 {strides = array<i32>} : memref<2000xf32, #tpu.memory_space<vmem>>, vector<16xf32>,
      %scan3A_38 = arith.constant 0 : i32
      scf.yield %scan3A_38 : i32
    }
    %scan3A_5 = arith.constant 40 : i32
    %mul3A = arith.constant 640 : i32
    %mul3A_6 = arith.muli %arg1, %mul3A : i32
    "tpu.region"() ({
      %run_scoped3A = tpu.sem_alloc : memref<!tpu.dma_semaphore, #tpu.memory_space<semaphore_mem>>
      %dma_start3A = arith.constant 0 : i32
      %dma_start3A_30 = tpu.memref_slice %arg6[%dma_start3A] : memref<2000xf32, #tpu.memory_space<vmem>> -> memref<640xf32, #tpu.memory_space<vmem>>
      %dma_start3A_31 = tpu.memref_slice %arg4[%mul3A_6] : memref<10240xf32, #tpu.memory_space<vmem_shared>> -> memref<640xf32, #tpu.memory_space<vmem_shared>>
      %dma_start3A_32 = tpu.memref_slice %arg4[%mul3A_6] : memref<10240xf32, #tpu.memory_space<vmem_shared>> -> memref<640xf32, #tpu.memory_space<vmem_shared>>
      %dma_start3A_33 = arith.constant 0 : i32
      %dma_start3A_34 = tpu.memref_slice %arg6[%dma_start3A_33] : memref<2000xf32, #tpu.memory_space<vmem>> -> memref<640xf32, #tpu.memory_space<vmem>>
      tpu.enqueue_dma source(%dma_start3A_34 : memref<640xf32, #tpu.memory_space<vmem>>) target(%dma_start3A_32 : memref<640xf32, #tpu.memory_space<vmem_shared>>) target_semaphore(%run_scoped3A : memref<!tpu.dma_semaphore, #tpu.memory_space<semaphore_mem>>)
      %dma_wait3A = arith.constant 0 : i32
      %dma_wait3A_35 = tpu.memref_slice %arg6[%dma_wait3A] : memref<2000xf32, #tpu.memory_space<vmem>> -> memref<640xf32, #tpu.memory_space<vmem>>
      %dma_wait3A_36 = tpu.memref_slice %arg4[%mul3A_6] : memref<10240xf32, #tpu.memory_space<vmem_shared>> -> memref<640xf32, #tpu.memory_space<vmem_shared>>
      %dma_wait3A_37 = tpu.memref_slice %arg4[%mul3A_6] : memref<10240xf32, #tpu.memory_space<vmem_shared>> -> memref<640xf32, #tpu.memory_space<vmem_shared>>
      %dma_wait3A_38 = arith.constant 0 : i32
      %dma_wait3A_39 = tpu.memref_slice %arg6[%dma_wait3A_38] : memref<2000xf32, #tpu.memory_space<vmem>> -> memref<640xf32, #tpu.memory_space<vmem>>
      tpu.wait_dma2 semaphore(%run_scoped3A : memref<!tpu.dma_semaphore, #tpu.memory_space<semaphore_mem>>) src(%dma_wait3A_39 : memref<640xf32, #tpu.memory_space<vmem>>) dst(%dma_wait3A_37 : memref<640xf32, #tpu.memory_space<vmem_shared>>)
      tpu.yield
    }) : () -> ()
    %scan3A_7 = arith.constant 0 : i32
    %scan3A_8 = arith.constant 0 : i32
    %scan3A_9 = arith.constant 125 : i32
    %scan3A_10 = arith.addi %scan3A_8, %scan3A_9 : i32
    %scan3A_11 = arith.constant 1 : i32
    %scan3A_12 = scf.for %scan3A_30 = %scan3A_8 to %scan3A_10 step %scan3A_11 iter_args(%scan3A_31 = %scan3A_7) -> (i32)  : i32 {
      %broadcast_in_dim3A = arith.constant 1.000000e+00 : f32
      %broadcast_in_dim3A_32 = vector.broadcast %broadcast_in_dim3A : f32 to vector<16xf32>
      %mul3A_33 = arith.constant 16 : i32
      %mul3A_34 = arith.muli %scan3A_30, %mul3A_33 : i32
      %swap3A = arith.index_cast %mul3A_34 : i32 to index
      %swap3A_35 = tpu.vector_load %arg6[%swap3A] {strides = array<i32>} : memref<2000xf32, #tpu.memory_space<vmem>>, vector<16xf32>,
      %swap3A_36 = vector.shape_cast %swap3A_35 : vector<16xf32> to vector<16xf32>
      %swap3A_37 = vector.shape_cast %broadcast_in_dim3A_32 : vector<16xf32> to vector<16xf32>
      tpu.vector_store %arg6[%swap3A], %swap3A_37 {strides = array<i32>} : memref<2000xf32, #tpu.memory_space<vmem>>, vector<16xf32>,
      %scan3A_38 = arith.constant 0 : i32
      scf.yield %scan3A_38 : i32
    }
    %scan3A_13 = arith.constant 125 : i32
    %barrier3A = arith.constant 0 : index
    tpu.barrier barrier_id(%barrier3A)
    %mul3A_14 = arith.constant 16 : i32
    %mul3A_15 = arith.muli %arg0, %mul3A_14 : i32
    %add3A = arith.addi %mul3A_15, %arg1 : i32
    %mul3A_16 = arith.constant 10000 : i32
    %mul3A_17 = arith.muli %add3A, %mul3A_16 : i32
    %scan3A_18 = arith.constant 0 : i32
    %scan3A_19 = arith.constant 0 : i32
    %scan3A_20 = arith.constant 5 : i32
    %scan3A_21 = arith.addi %scan3A_19, %scan3A_20 : i32
    %scan3A_22 = arith.constant 1 : i32
    %scan3A_23 = scf.for %scan3A_30 = %scan3A_19 to %scan3A_21 step %scan3A_22 iter_args(%scan3A_31 = %scan3A_18) -> (i32)  : i32 {
      %mul3A_32 = arith.constant 2000 : i32
      %mul3A_33 = arith.muli %scan3A_30, %mul3A_32 : i32
      %add3A_34 = arith.addi %mul3A_17, %mul3A_33 : i32
      "tpu.region"() ({
        %run_scoped3A = tpu.sem_alloc : memref<!tpu.dma_semaphore, #tpu.memory_space<semaphore_mem>>
        %dma_start3A = tpu.memref_slice %arg2[%add3A_34] : memref<320000xi32, #tpu.memory_space<hbm>> -> memref<2000xi32, #tpu.memory_space<hbm>>
        %dma_start3A_36 = tpu.memref_slice %arg2[%add3A_34] : memref<320000xi32, #tpu.memory_space<hbm>> -> memref<2000xi32, #tpu.memory_space<hbm>>
        tpu.enqueue_dma source(%dma_start3A_36 : memref<2000xi32, #tpu.memory_space<hbm>>) target(%arg5 : memref<2000xi32, #tpu.memory_space<vmem>>) target_semaphore(%run_scoped3A : memref<!tpu.dma_semaphore, #tpu.memory_space<semaphore_mem>>)
        %dma_wait3A = tpu.memref_slice %arg2[%add3A_34] : memref<320000xi32, #tpu.memory_space<hbm>> -> memref<2000xi32, #tpu.memory_space<hbm>>
        %dma_wait3A_37 = tpu.memref_slice %arg2[%add3A_34] : memref<320000xi32, #tpu.memory_space<hbm>> -> memref<2000xi32, #tpu.memory_space<hbm>>
        tpu.wait_dma2 semaphore(%run_scoped3A : memref<!tpu.dma_semaphore, #tpu.memory_space<semaphore_mem>>) src(%dma_wait3A_37 : memref<2000xi32, #tpu.memory_space<hbm>>) dst(%arg5 : memref<2000xi32, #tpu.memory_space<vmem>>)
        tpu.yield
      }) : () -> ()
      "tpu.region"() ({
        %run_scoped3A = tpu.sem_alloc : memref<!tpu.dma_semaphore, #tpu.memory_space<semaphore_mem>>
        %dma_start3A = arith.constant 0 : i32
        %dma_start3A_36 = tpu.memref_slice %arg4[%dma_start3A] : memref<10240xf32, #tpu.memory_space<vmem_shared>> -> memref<10240xf32, #tpu.memory_space<vmem_shared>>
        tpu.enqueue_indirect_dma source(%arg6 : memref<2000xf32, #tpu.memory_space<vmem>>) target(%dma_start3A_36 : memref<10240xf32, #tpu.memory_space<vmem_shared>>) offsets(%arg5 : memref<2000xi32, #tpu.memory_space<vmem>>) semaphore(%run_scoped3A : memref<!tpu.dma_semaphore, #tpu.memory_space<semaphore_mem>>) {add = true}
        %dma_wait3A = arith.constant 0 : i32
        %dma_wait3A_37 = tpu.memref_slice %arg4[%dma_wait3A] : memref<10240xf32, #tpu.memory_space<vmem_shared>> -> memref<10240xf32, #tpu.memory_space<vmem_shared>>
        tpu.wait_indirect_dma semaphore(%run_scoped3A : memref<!tpu.dma_semaphore, #tpu.memory_space<semaphore_mem>>) src(%arg6 : memref<2000xf32, #tpu.memory_space<vmem>>) dst(%dma_wait3A_37 : memref<10240xf32, #tpu.memory_space<vmem_shared>>)
        tpu.yield
      }) : () -> ()
      %scan3A_35 = arith.constant 0 : i32
      scf.yield %scan3A_35 : i32
    }
    %scan3A_24 = arith.constant 5 : i32
    %barrier3A_25 = arith.constant 0 : index
    tpu.barrier barrier_id(%barrier3A_25)
    %mul3A_26 = arith.constant 640 : i32
    %mul3A_27 = arith.muli %arg1, %mul3A_26 : i32
    %mul3A_28 = arith.constant 640 : i32
    %mul3A_29 = arith.muli %arg1, %mul3A_28 : i32
    "tpu.region"() ({
      %run_scoped3A = tpu.sem_alloc : memref<!tpu.dma_semaphore, #tpu.memory_space<semaphore_mem>>
      %dma_start3A = tpu.memref_slice %arg3[%arg0, %mul3A_29] : memref<2x10240xf32, #tpu.memory_space<hbm>> -> memref<1x640xf32, #tpu.memory_space<hbm>>
      %dma_start3A_30 = tpu.memref_squeeze %dma_start3A : memref<1x640xf32, #tpu.memory_space<hbm>> -> memref<640xf32, #tpu.memory_space<hbm>>
      %dma_start3A_31 = tpu.memref_slice %arg4[%mul3A_27] : memref<10240xf32, #tpu.memory_space<vmem_shared>> -> memref<640xf32, #tpu.memory_space<vmem_shared>>
      tpu.enqueue_dma source(%dma_start3A_31 : memref<640xf32, #tpu.memory_space<vmem_shared>>) target(%dma_start3A_30 : memref<640xf32, #tpu.memory_space<hbm>>) target_semaphore(%run_scoped3A : memref<!tpu.dma_semaphore, #tpu.memory_space<semaphore_mem>>)
      %dma_wait3A = tpu.memref_slice %arg3[%arg0, %mul3A_29] : memref<2x10240xf32, #tpu.memory_space<hbm>> -> memref<1x640xf32, #tpu.memory_space<hbm>>
      %dma_wait3A_32 = tpu.memref_squeeze %dma_wait3A : memref<1x640xf32, #tpu.memory_space<hbm>> -> memref<640xf32, #tpu.memory_space<hbm>>
      %dma_wait3A_33 = tpu.memref_slice %arg4[%mul3A_27] : memref<10240xf32, #tpu.memory_space<vmem_shared>> -> memref<640xf32, #tpu.memory_space<vmem_shared>>
      tpu.wait_dma2 semaphore(%run_scoped3A : memref<!tpu.dma_semaphore, #tpu.memory_space<semaphore_mem>>) src(%dma_wait3A_33 : memref<640xf32, #tpu.memory_space<vmem_shared>>) dst(%dma_wait3A_32 : memref<640xf32, #tpu.memory_space<hbm>>)
      tpu.yield
    }) : () -> ()
    return
  }
}

#map = affine_map<(d0, d1) -> (0, 0)>
#map1 = affine_map<(d0, d1) -> (0)>
module attributes {stable_mosaic.version = 14 : i64} {
  func.func @_sc_edge_final_body(%arg0: i32, %arg1: i32, %arg2: memref<10240x64xf32, #tpu.memory_space<hbm>>, %arg3: memref<800x400xi32, #tpu.memory_space<hbm>>, %arg4: memref<800x400xi32, #tpu.memory_space<hbm>>, %arg5: memref<10240xf32, #tpu.memory_space<hbm>>, %arg6: memref<64xf32, #tpu.memory_space<hbm>>, %arg7: memref<10000x64xf32, #tpu.memory_space<hbm>>, %arg8: memref<10240x32xf32, #tpu.memory_space<vmem_shared>>, %arg9: memref<10240x32xf32, #tpu.memory_space<vmem_shared>>, %arg10: memref<50x400xi32, #tpu.memory_space<vmem>>, %arg11: memref<50x400xi32, #tpu.memory_space<vmem>>, %arg12: memref<400x32xf32, #tpu.memory_space<vmem>>, %arg13: memref<400x32xf32, #tpu.memory_space<vmem>>, %arg14: memref<656xf32, #tpu.memory_space<vmem>>, %arg15: memref<32xf32, #tpu.memory_space<vmem>>, %arg16: memref<!tpu.dma_semaphore, #tpu.memory_space<semaphore_mem>>, %arg17: memref<!tpu.dma_semaphore, #tpu.memory_space<semaphore_mem>>) attributes {dimension_semantics = [#tpu.dimension_semantics<core_parallel>, #tpu.dimension_semantics<subcore_parallel>], iteration_bounds = array<i64: 2, 16>, scalar_prefetch = 0 : i64, scratch_operands = 10 : i64, tpu.core_type = #tpu.core_type<sc_vector_subcore>, window_params = [{transform_indices = #map}, {transform_indices = #map}, {transform_indices = #map}, {transform_indices = #map1}, {transform_indices = #map1}, {transform_indices = #map}]} {
    %mul3A = arith.constant 32 : i32
    %mul3A_0 = arith.muli %arg0, %mul3A : i32
    %mul3A_1 = arith.constant 640 : i32
    %mul3A_2 = arith.muli %arg1, %mul3A_1 : i32
    %scan3A = arith.constant 0 : i32
    %scan3A_3 = arith.constant 0 : i32
    %scan3A_4 = arith.constant 800 : i32
    %scan3A_5 = arith.addi %scan3A_3, %scan3A_4 : i32
    %scan3A_6 = arith.constant 1 : i32
    %scan3A_7 = scf.for %scan3A_48 = %scan3A_3 to %scan3A_5 step %scan3A_6 iter_args(%scan3A_49 = %scan3A) -> (i32)  : i32 {
      %broadcast_in_dim3A = arith.constant 0.000000e+00 : f32
      %broadcast_in_dim3A_50 = vector.broadcast %broadcast_in_dim3A : f32 to vector<16xf32>
      %jit3A = arith.constant 2 : i32
      %div3A = arith.divsi %scan3A_48, %jit3A : i32
      %sign3A = arith.constant 0 : i32
      %sign3A_51 = arith.cmpi sgt, %scan3A_48, %sign3A : i32
      %sign3A_52 = arith.extui %sign3A_51 : i1 to i32
      %sign3A_53 = arith.constant 0 : i32
      %sign3A_54 = arith.cmpi slt, %scan3A_48, %sign3A_53 : i32
      %sign3A_55 = arith.extui %sign3A_54 : i1 to i32
      %sign3A_56 = arith.subi %sign3A_52, %sign3A_55 : i32
      %sign3A_57 = arith.constant 0 : i32
      %sign3A_58 = arith.cmpi sgt, %jit3A, %sign3A_57 : i32
      %sign3A_59 = arith.extui %sign3A_58 : i1 to i32
      %sign3A_60 = arith.constant 0 : i32
      %sign3A_61 = arith.cmpi slt, %jit3A, %sign3A_60 : i32
      %sign3A_62 = arith.extui %sign3A_61 : i1 to i32
      %sign3A_63 = arith.subi %sign3A_59, %sign3A_62 : i32
      %ne3A = arith.cmpi ne, %sign3A_56, %sign3A_63 : i32
      %rem3A = arith.remsi %scan3A_48, %jit3A : i32
      %ne3A_64 = arith.constant 0 : i32
      %ne3A_65 = arith.cmpi ne, %rem3A, %ne3A_64 : i32
      %and3A = arith.andi %ne3A, %ne3A_65 : i1
      %sub3A = arith.constant 1 : i32
      %sub3A_66 = arith.subi %div3A, %sub3A : i32
      %select_n3A = arith.select %and3A, %sub3A_66, %div3A : i32
      %jit3A_67 = arith.constant 2 : i32
      %eq3A = arith.constant 0 : i32
      %eq3A_68 = arith.cmpi eq, %jit3A_67, %eq3A : i32
      %jit3A_69 = arith.constant 1 : i32
      %select_n3A_70 = arith.select %eq3A_68, %jit3A_69, %jit3A_67 : i32
      %rem3A_71 = arith.remsi %scan3A_48, %select_n3A_70 : i32
      %ne3A_72 = arith.constant 0 : i32
      %ne3A_73 = arith.cmpi ne, %rem3A_71, %ne3A_72 : i32
      %lt3A_74 = arith.constant 0 : i32
      %lt3A_75 = arith.cmpi slt, %rem3A_71, %lt3A_74 : i32
      %lt3A_76 = arith.constant 0 : i32
      %lt3A_77 = arith.cmpi slt, %select_n3A_70, %lt3A_76 : i32
      %ne3A_78 = arith.xori %lt3A_75, %lt3A_77 : i1
      %and3A_79 = arith.andi %ne3A_78, %ne3A_73 : i1
      %add3A_80 = arith.addi %rem3A_71, %select_n3A_70 : i32
      %select_n3A_81 = arith.select %and3A_79, %add3A_80, %rem3A_71 : i32
      %mul3A_82 = arith.constant 16 : i32
      %mul3A_83 = arith.muli %select_n3A_81, %mul3A_82 : i32
      %swap3A = arith.index_cast %select_n3A : i32 to index
      %swap3A_84 = arith.index_cast %mul3A_83 : i32 to index
      %swap3A_85 = tpu.vector_load %arg12[%swap3A, %swap3A_84] {strides = array<i32>} : memref<400x32xf32, #tpu.memory_space<vmem>>, vector<1x16xf32>,
      %swap3A_86 = vector.shape_cast %swap3A_85 : vector<1x16xf32> to vector<16xf32>
      %swap3A_87 = vector.shape_cast %broadcast_in_dim3A_50 : vector<16xf32> to vector<1x16xf32>
      tpu.vector_store %arg12[%swap3A, %swap3A_84], %swap3A_87 {strides = array<i32>} : memref<400x32xf32, #tpu.memory_space<vmem>>, vector<1x16xf32>,
      %scan3A_88 = arith.constant 0 : i32
      scf.yield %scan3A_88 : i32
    }
    %scan3A_8 = arith.constant 800 : i32
    "tpu.region"() ({
      %run_scoped3A = tpu.sem_alloc : memref<!tpu.dma_semaphore, #tpu.memory_space<semaphore_mem>>
      %dma_start3A_48 = arith.constant 0 : i32
      %dma_start3A_49 = tpu.memref_slice %arg9[%mul3A_2, %dma_start3A_48] : memref<10240x32xf32, #tpu.memory_space<vmem_shared>> -> memref<400x32xf32, #tpu.memory_space<vmem_shared>>
      %dma_start3A_50 = arith.constant 0 : i32
      %dma_start3A_51 = tpu.memref_slice %arg9[%mul3A_2, %dma_start3A_50] : memref<10240x32xf32, #tpu.memory_space<vmem_shared>> -> memref<400x32xf32, #tpu.memory_space<vmem_shared>>
      tpu.enqueue_dma source(%arg12 : memref<400x32xf32, #tpu.memory_space<vmem>>) target(%dma_start3A_51 : memref<400x32xf32, #tpu.memory_space<vmem_shared>>) target_semaphore(%run_scoped3A : memref<!tpu.dma_semaphore, #tpu.memory_space<semaphore_mem>>)
      %dma_wait3A = arith.constant 0 : i32
      %dma_wait3A_52 = tpu.memref_slice %arg9[%mul3A_2, %dma_wait3A] : memref<10240x32xf32, #tpu.memory_space<vmem_shared>> -> memref<400x32xf32, #tpu.memory_space<vmem_shared>>
      %dma_wait3A_53 = arith.constant 0 : i32
      %dma_wait3A_54 = tpu.memref_slice %arg9[%mul3A_2, %dma_wait3A_53] : memref<10240x32xf32, #tpu.memory_space<vmem_shared>> -> memref<400x32xf32, #tpu.memory_space<vmem_shared>>
      tpu.wait_dma2 semaphore(%run_scoped3A : memref<!tpu.dma_semaphore, #tpu.memory_space<semaphore_mem>>) src(%arg12 : memref<400x32xf32, #tpu.memory_space<vmem>>) dst(%dma_wait3A_54 : memref<400x32xf32, #tpu.memory_space<vmem_shared>>)
      tpu.yield
    }) : () -> ()
    %add3A = arith.constant 400 : i32
    %add3A_9 = arith.addi %mul3A_2, %add3A : i32
    "tpu.region"() ({
      %run_scoped3A = tpu.sem_alloc : memref<!tpu.dma_semaphore, #tpu.memory_space<semaphore_mem>>
      %dma_start3A_48 = arith.constant 0 : i32
      %dma_start3A_49 = arith.constant 0 : i32
      %dma_start3A_50 = tpu.memref_slice %arg12[%dma_start3A_48, %dma_start3A_49] : memref<400x32xf32, #tpu.memory_space<vmem>> -> memref<240x32xf32, #tpu.memory_space<vmem>>
      %dma_start3A_51 = arith.constant 0 : i32
      %dma_start3A_52 = tpu.memref_slice %arg9[%add3A_9, %dma_start3A_51] : memref<10240x32xf32, #tpu.memory_space<vmem_shared>> -> memref<240x32xf32, #tpu.memory_space<vmem_shared>>
      %dma_start3A_53 = arith.constant 0 : i32
      %dma_start3A_54 = tpu.memref_slice %arg9[%add3A_9, %dma_start3A_53] : memref<10240x32xf32, #tpu.memory_space<vmem_shared>> -> memref<240x32xf32, #tpu.memory_space<vmem_shared>>
      %dma_start3A_55 = arith.constant 0 : i32
      %dma_start3A_56 = arith.constant 0 : i32
      %dma_start3A_57 = tpu.memref_slice %arg12[%dma_start3A_55, %dma_start3A_56] : memref<400x32xf32, #tpu.memory_space<vmem>> -> memref<240x32xf32, #tpu.memory_space<vmem>>
      tpu.enqueue_dma source(%dma_start3A_57 : memref<240x32xf32, #tpu.memory_space<vmem>>) target(%dma_start3A_54 : memref<240x32xf32, #tpu.memory_space<vmem_shared>>) target_semaphore(%run_scoped3A : memref<!tpu.dma_semaphore, #tpu.memory_space<semaphore_mem>>)
      %dma_wait3A = arith.constant 0 : i32
      %dma_wait3A_58 = arith.constant 0 : i32
      %dma_wait3A_59 = tpu.memref_slice %arg12[%dma_wait3A, %dma_wait3A_58] : memref<400x32xf32, #tpu.memory_space<vmem>> -> memref<240x32xf32, #tpu.memory_space<vmem>>
      %dma_wait3A_60 = arith.constant 0 : i32
      %dma_wait3A_61 = tpu.memref_slice %arg9[%add3A_9, %dma_wait3A_60] : memref<10240x32xf32, #tpu.memory_space<vmem_shared>> -> memref<240x32xf32, #tpu.memory_space<vmem_shared>>
      %dma_wait3A_62 = arith.constant 0 : i32
      %dma_wait3A_63 = tpu.memref_slice %arg9[%add3A_9, %dma_wait3A_62] : memref<10240x32xf32, #tpu.memory_space<vmem_shared>> -> memref<240x32xf32, #tpu.memory_space<vmem_shared>>
      %dma_wait3A_64 = arith.constant 0 : i32
      %dma_wait3A_65 = arith.constant 0 : i32
      %dma_wait3A_66 = tpu.memref_slice %arg12[%dma_wait3A_64, %dma_wait3A_65] : memref<400x32xf32, #tpu.memory_space<vmem>> -> memref<240x32xf32, #tpu.memory_space<vmem>>
      tpu.wait_dma2 semaphore(%run_scoped3A : memref<!tpu.dma_semaphore, #tpu.memory_space<semaphore_mem>>) src(%dma_wait3A_66 : memref<240x32xf32, #tpu.memory_space<vmem>>) dst(%dma_wait3A_63 : memref<240x32xf32, #tpu.memory_space<vmem_shared>>)
      tpu.yield
    }) : () -> ()
    "tpu.region"() ({
      %run_scoped3A = tpu.sem_alloc : memref<!tpu.dma_semaphore, #tpu.memory_space<semaphore_mem>>
      %dma_start3A_48 = arith.constant 0 : i32
      %dma_start3A_49 = tpu.memref_slice %arg8[%mul3A_2, %dma_start3A_48] : memref<10240x32xf32, #tpu.memory_space<vmem_shared>> -> memref<640x32xf32, #tpu.memory_space<vmem_shared>>
      %dma_start3A_50 = tpu.memref_slice %arg2[%mul3A_2, %mul3A_0] : memref<10240x64xf32, #tpu.memory_space<hbm>> -> memref<640x32xf32, #tpu.memory_space<hbm>>
      tpu.enqueue_dma source(%dma_start3A_50 : memref<640x32xf32, #tpu.memory_space<hbm>>) target(%dma_start3A_49 : memref<640x32xf32, #tpu.memory_space<vmem_shared>>) target_semaphore(%run_scoped3A : memref<!tpu.dma_semaphore, #tpu.memory_space<semaphore_mem>>)
      %dma_wait3A = arith.constant 0 : i32
      %dma_wait3A_51 = tpu.memref_slice %arg8[%mul3A_2, %dma_wait3A] : memref<10240x32xf32, #tpu.memory_space<vmem_shared>> -> memref<640x32xf32, #tpu.memory_space<vmem_shared>>
      %dma_wait3A_52 = tpu.memref_slice %arg2[%mul3A_2, %mul3A_0] : memref<10240x64xf32, #tpu.memory_space<hbm>> -> memref<640x32xf32, #tpu.memory_space<hbm>>
      tpu.wait_dma2 semaphore(%run_scoped3A : memref<!tpu.dma_semaphore, #tpu.memory_space<semaphore_mem>>) src(%dma_wait3A_52 : memref<640x32xf32, #tpu.memory_space<hbm>>) dst(%dma_wait3A_51 : memref<640x32xf32, #tpu.memory_space<vmem_shared>>)
      tpu.yield
    }) : () -> ()
    %mul3A_10 = arith.constant 50 : i32
    %mul3A_11 = arith.muli %arg1, %mul3A_10 : i32
    "tpu.region"() ({
      %run_scoped3A = tpu.sem_alloc : memref<!tpu.dma_semaphore, #tpu.memory_space<semaphore_mem>>
      %dma_start3A_48 = arith.constant 0 : i32
      %dma_start3A_49 = tpu.memref_slice %arg3[%mul3A_11, %dma_start3A_48] : memref<800x400xi32, #tpu.memory_space<hbm>> -> memref<50x400xi32, #tpu.memory_space<hbm>>
      %dma_start3A_50 = arith.constant 0 : i32
      %dma_start3A_51 = tpu.memref_slice %arg3[%mul3A_11, %dma_start3A_50] : memref<800x400xi32, #tpu.memory_space<hbm>> -> memref<50x400xi32, #tpu.memory_space<hbm>>
      tpu.enqueue_dma source(%dma_start3A_51 : memref<50x400xi32, #tpu.memory_space<hbm>>) target(%arg10 : memref<50x400xi32, #tpu.memory_space<vmem>>) target_semaphore(%run_scoped3A : memref<!tpu.dma_semaphore, #tpu.memory_space<semaphore_mem>>)
      %dma_wait3A = arith.constant 0 : i32
      %dma_wait3A_52 = tpu.memref_slice %arg3[%mul3A_11, %dma_wait3A] : memref<800x400xi32, #tpu.memory_space<hbm>> -> memref<50x400xi32, #tpu.memory_space<hbm>>
      %dma_wait3A_53 = arith.constant 0 : i32
      %dma_wait3A_54 = tpu.memref_slice %arg3[%mul3A_11, %dma_wait3A_53] : memref<800x400xi32, #tpu.memory_space<hbm>> -> memref<50x400xi32, #tpu.memory_space<hbm>>
      tpu.wait_dma2 semaphore(%run_scoped3A : memref<!tpu.dma_semaphore, #tpu.memory_space<semaphore_mem>>) src(%dma_wait3A_54 : memref<50x400xi32, #tpu.memory_space<hbm>>) dst(%arg10 : memref<50x400xi32, #tpu.memory_space<vmem>>)
      tpu.yield
    }) : () -> ()
    %mul3A_12 = arith.constant 50 : i32
    %mul3A_13 = arith.muli %arg1, %mul3A_12 : i32
    "tpu.region"() ({
      %run_scoped3A = tpu.sem_alloc : memref<!tpu.dma_semaphore, #tpu.memory_space<semaphore_mem>>
      %dma_start3A_48 = arith.constant 0 : i32
      %dma_start3A_49 = tpu.memref_slice %arg4[%mul3A_13, %dma_start3A_48] : memref<800x400xi32, #tpu.memory_space<hbm>> -> memref<50x400xi32, #tpu.memory_space<hbm>>
      %dma_start3A_50 = arith.constant 0 : i32
      %dma_start3A_51 = tpu.memref_slice %arg4[%mul3A_13, %dma_start3A_50] : memref<800x400xi32, #tpu.memory_space<hbm>> -> memref<50x400xi32, #tpu.memory_space<hbm>>
      tpu.enqueue_dma source(%dma_start3A_51 : memref<50x400xi32, #tpu.memory_space<hbm>>) target(%arg11 : memref<50x400xi32, #tpu.memory_space<vmem>>) target_semaphore(%run_scoped3A : memref<!tpu.dma_semaphore, #tpu.memory_space<semaphore_mem>>)
      %dma_wait3A = arith.constant 0 : i32
      %dma_wait3A_52 = tpu.memref_slice %arg4[%mul3A_13, %dma_wait3A] : memref<800x400xi32, #tpu.memory_space<hbm>> -> memref<50x400xi32, #tpu.memory_space<hbm>>
      %dma_wait3A_53 = arith.constant 0 : i32
      %dma_wait3A_54 = tpu.memref_slice %arg4[%mul3A_13, %dma_wait3A_53] : memref<800x400xi32, #tpu.memory_space<hbm>> -> memref<50x400xi32, #tpu.memory_space<hbm>>
      tpu.wait_dma2 semaphore(%run_scoped3A : memref<!tpu.dma_semaphore, #tpu.memory_space<semaphore_mem>>) src(%dma_wait3A_54 : memref<50x400xi32, #tpu.memory_space<hbm>>) dst(%arg11 : memref<50x400xi32, #tpu.memory_space<vmem>>)
      tpu.yield
    }) : () -> ()
    "tpu.region"() ({
      %run_scoped3A = tpu.sem_alloc : memref<!tpu.dma_semaphore, #tpu.memory_space<semaphore_mem>>
      %dma_start3A_48 = arith.constant 0 : i32
      %dma_start3A_49 = tpu.memref_slice %arg14[%dma_start3A_48] : memref<656xf32, #tpu.memory_space<vmem>> -> memref<640xf32, #tpu.memory_space<vmem>>
      %dma_start3A_50 = tpu.memref_slice %arg5[%mul3A_2] : memref<10240xf32, #tpu.memory_space<hbm>> -> memref<640xf32, #tpu.memory_space<hbm>>
      %dma_start3A_51 = arith.constant 0 : i32
      %dma_start3A_52 = tpu.memref_slice %arg14[%dma_start3A_51] : memref<656xf32, #tpu.memory_space<vmem>> -> memref<640xf32, #tpu.memory_space<vmem>>
      %dma_start3A_53 = tpu.memref_slice %arg5[%mul3A_2] : memref<10240xf32, #tpu.memory_space<hbm>> -> memref<640xf32, #tpu.memory_space<hbm>>
      tpu.enqueue_dma source(%dma_start3A_53 : memref<640xf32, #tpu.memory_space<hbm>>) target(%dma_start3A_52 : memref<640xf32, #tpu.memory_space<vmem>>) target_semaphore(%run_scoped3A : memref<!tpu.dma_semaphore, #tpu.memory_space<semaphore_mem>>)
      %dma_wait3A = arith.constant 0 : i32
      %dma_wait3A_54 = tpu.memref_slice %arg14[%dma_wait3A] : memref<656xf32, #tpu.memory_space<vmem>> -> memref<640xf32, #tpu.memory_space<vmem>>
      %dma_wait3A_55 = tpu.memref_slice %arg5[%mul3A_2] : memref<10240xf32, #tpu.memory_space<hbm>> -> memref<640xf32, #tpu.memory_space<hbm>>
      %dma_wait3A_56 = arith.constant 0 : i32
      %dma_wait3A_57 = tpu.memref_slice %arg14[%dma_wait3A_56] : memref<656xf32, #tpu.memory_space<vmem>> -> memref<640xf32, #tpu.memory_space<vmem>>
      %dma_wait3A_58 = tpu.memref_slice %arg5[%mul3A_2] : memref<10240xf32, #tpu.memory_space<hbm>> -> memref<640xf32, #tpu.memory_space<hbm>>
      tpu.wait_dma2 semaphore(%run_scoped3A : memref<!tpu.dma_semaphore, #tpu.memory_space<semaphore_mem>>) src(%dma_wait3A_58 : memref<640xf32, #tpu.memory_space<hbm>>) dst(%dma_wait3A_57 : memref<640xf32, #tpu.memory_space<vmem>>)
      tpu.yield
    }) : () -> ()
    "tpu.region"() ({
      %run_scoped3A = tpu.sem_alloc : memref<!tpu.dma_semaphore, #tpu.memory_space<semaphore_mem>>
      %dma_start3A_48 = tpu.memref_slice %arg6[%mul3A_0] : memref<64xf32, #tpu.memory_space<hbm>> -> memref<32xf32, #tpu.memory_space<hbm>>
      %dma_start3A_49 = tpu.memref_slice %arg6[%mul3A_0] : memref<64xf32, #tpu.memory_space<hbm>> -> memref<32xf32, #tpu.memory_space<hbm>>
      tpu.enqueue_dma source(%dma_start3A_49 : memref<32xf32, #tpu.memory_space<hbm>>) target(%arg15 : memref<32xf32, #tpu.memory_space<vmem>>) target_semaphore(%run_scoped3A : memref<!tpu.dma_semaphore, #tpu.memory_space<semaphore_mem>>)
      %dma_wait3A = tpu.memref_slice %arg6[%mul3A_0] : memref<64xf32, #tpu.memory_space<hbm>> -> memref<32xf32, #tpu.memory_space<hbm>>
      %dma_wait3A_50 = tpu.memref_slice %arg6[%mul3A_0] : memref<64xf32, #tpu.memory_space<hbm>> -> memref<32xf32, #tpu.memory_space<hbm>>
      tpu.wait_dma2 semaphore(%run_scoped3A : memref<!tpu.dma_semaphore, #tpu.memory_space<semaphore_mem>>) src(%dma_wait3A_50 : memref<32xf32, #tpu.memory_space<hbm>>) dst(%arg15 : memref<32xf32, #tpu.memory_space<vmem>>)
      tpu.yield
    }) : () -> ()
    %barrier3A = arith.constant 0 : index
    tpu.barrier barrier_id(%barrier3A)
    %dma_start3A = arith.constant 0 : i32
    %dma_start3A_14 = arith.constant 0 : i32
    %dma_start3A_15 = tpu.memref_slice %arg10[%dma_start3A, %dma_start3A_14] : memref<50x400xi32, #tpu.memory_space<vmem>> -> memref<1x400xi32, #tpu.memory_space<vmem>>
    %dma_start3A_16 = tpu.memref_squeeze %dma_start3A_15 : memref<1x400xi32, #tpu.memory_space<vmem>> -> memref<400xi32, #tpu.memory_space<vmem>>
    %dma_start3A_17 = arith.constant 0 : i32
    %dma_start3A_18 = arith.constant 0 : i32
    %dma_start3A_19 = tpu.memref_slice %arg8[%dma_start3A_17, %dma_start3A_18] : memref<10240x32xf32, #tpu.memory_space<vmem_shared>> -> memref<10240x32xf32, #tpu.memory_space<vmem_shared>>
    tpu.enqueue_indirect_dma source(%dma_start3A_19 : memref<10240x32xf32, #tpu.memory_space<vmem_shared>>) target(%arg12 : memref<400x32xf32, #tpu.memory_space<vmem>>) offsets(%dma_start3A_16 : memref<400xi32, #tpu.memory_space<vmem>>) semaphore(%arg16 : memref<!tpu.dma_semaphore, #tpu.memory_space<semaphore_mem>>)
    %scan3A_20 = arith.constant 0 : i32
    %scan3A_21 = arith.constant 0 : i32
    %scan3A_22 = arith.constant 25 : i32
    %scan3A_23 = arith.addi %scan3A_21, %scan3A_22 : i32
    %scan3A_24 = arith.constant 1 : i32
    %scan3A_25 = scf.for %scan3A_48 = %scan3A_21 to %scan3A_23 step %scan3A_24 iter_args(%scan3A_49 = %scan3A_20) -> (i32)  : i32 {
      %mul3A_50 = arith.constant 2 : i32
      %mul3A_51 = arith.muli %mul3A_50, %scan3A_48 : i32
      %dma_wait3A = arith.constant 0 : i32
      %dma_wait3A_52 = tpu.memref_slice %arg10[%mul3A_51, %dma_wait3A] : memref<50x400xi32, #tpu.memory_space<vmem>> -> memref<1x400xi32, #tpu.memory_space<vmem>>
      %dma_wait3A_53 = tpu.memref_squeeze %dma_wait3A_52 : memref<1x400xi32, #tpu.memory_space<vmem>> -> memref<400xi32, #tpu.memory_space<vmem>>
      %dma_wait3A_54 = arith.constant 0 : i32
      %dma_wait3A_55 = arith.constant 0 : i32
      %dma_wait3A_56 = tpu.memref_slice %arg8[%dma_wait3A_54, %dma_wait3A_55] : memref<10240x32xf32, #tpu.memory_space<vmem_shared>> -> memref<10240x32xf32, #tpu.memory_space<vmem_shared>>
      tpu.wait_indirect_dma semaphore(%arg16 : memref<!tpu.dma_semaphore, #tpu.memory_space<semaphore_mem>>) src(%dma_wait3A_56 : memref<10240x32xf32, #tpu.memory_space<vmem_shared>>) dst(%arg12 : memref<400x32xf32, #tpu.memory_space<vmem>>)
      %add3A_57 = arith.constant 1 : i32
      %add3A_58 = arith.addi %mul3A_51, %add3A_57 : i32
      %dma_start3A_59 = arith.constant 0 : i32
      %dma_start3A_60 = tpu.memref_slice %arg10[%add3A_58, %dma_start3A_59] : memref<50x400xi32, #tpu.memory_space<vmem>> -> memref<1x400xi32, #tpu.memory_space<vmem>>
      %dma_start3A_61 = tpu.memref_squeeze %dma_start3A_60 : memref<1x400xi32, #tpu.memory_space<vmem>> -> memref<400xi32, #tpu.memory_space<vmem>>
      %dma_start3A_62 = arith.constant 0 : i32
      %dma_start3A_63 = arith.constant 0 : i32
      %dma_start3A_64 = tpu.memref_slice %arg8[%dma_start3A_62, %dma_start3A_63] : memref<10240x32xf32, #tpu.memory_space<vmem_shared>> -> memref<10240x32xf32, #tpu.memory_space<vmem_shared>>
      tpu.enqueue_indirect_dma source(%dma_start3A_64 : memref<10240x32xf32, #tpu.memory_space<vmem_shared>>) target(%arg13 : memref<400x32xf32, #tpu.memory_space<vmem>>) offsets(%dma_start3A_61 : memref<400xi32, #tpu.memory_space<vmem>>) semaphore(%arg17 : memref<!tpu.dma_semaphore, #tpu.memory_space<semaphore_mem>>)
      "tpu.region"() ({
        %run_scoped3A = tpu.sem_alloc : memref<!tpu.dma_semaphore, #tpu.memory_space<semaphore_mem>>
        %dma_start3A_83 = arith.constant 0 : i32
        %dma_start3A_84 = tpu.memref_slice %arg11[%mul3A_51, %dma_start3A_83] : memref<50x400xi32, #tpu.memory_space<vmem>> -> memref<1x400xi32, #tpu.memory_space<vmem>>
        %dma_start3A_85 = tpu.memref_squeeze %dma_start3A_84 : memref<1x400xi32, #tpu.memory_space<vmem>> -> memref<400xi32, #tpu.memory_space<vmem>>
        %dma_start3A_86 = arith.constant 0 : i32
        %dma_start3A_87 = arith.constant 0 : i32
        %dma_start3A_88 = tpu.memref_slice %arg9[%dma_start3A_86, %dma_start3A_87] : memref<10240x32xf32, #tpu.memory_space<vmem_shared>> -> memref<10240x32xf32, #tpu.memory_space<vmem_shared>>
        tpu.enqueue_indirect_dma source(%arg12 : memref<400x32xf32, #tpu.memory_space<vmem>>) target(%dma_start3A_88 : memref<10240x32xf32, #tpu.memory_space<vmem_shared>>) offsets(%dma_start3A_85 : memref<400xi32, #tpu.memory_space<vmem>>) semaphore(%run_scoped3A : memref<!tpu.dma_semaphore, #tpu.memory_space<semaphore_mem>>) {add = true}
        %dma_wait3A_89 = arith.constant 0 : i32
        %dma_wait3A_90 = tpu.memref_slice %arg11[%mul3A_51, %dma_wait3A_89] : memref<50x400xi32, #tpu.memory_space<vmem>> -> memref<1x400xi32, #tpu.memory_space<vmem>>
        %dma_wait3A_91 = tpu.memref_squeeze %dma_wait3A_90 : memref<1x400xi32, #tpu.memory_space<vmem>> -> memref<400xi32, #tpu.memory_space<vmem>>
        %dma_wait3A_92 = arith.constant 0 : i32
        %dma_wait3A_93 = arith.constant 0 : i32
        %dma_wait3A_94 = tpu.memref_slice %arg9[%dma_wait3A_92, %dma_wait3A_93] : memref<10240x32xf32, #tpu.memory_space<vmem_shared>> -> memref<10240x32xf32, #tpu.memory_space<vmem_shared>>
        tpu.wait_indirect_dma semaphore(%run_scoped3A : memref<!tpu.dma_semaphore, #tpu.memory_space<semaphore_mem>>) src(%arg12 : memref<400x32xf32, #tpu.memory_space<vmem>>) dst(%dma_wait3A_94 : memref<10240x32xf32, #tpu.memory_space<vmem_shared>>)
        tpu.yield
      }) : () -> ()
      %add3A_65 = arith.constant 1 : i32
      %add3A_66 = arith.addi %mul3A_51, %add3A_65 : i32
      %dma_wait3A_67 = arith.constant 0 : i32
      %dma_wait3A_68 = tpu.memref_slice %arg10[%add3A_66, %dma_wait3A_67] : memref<50x400xi32, #tpu.memory_space<vmem>> -> memref<1x400xi32, #tpu.memory_space<vmem>>
      %dma_wait3A_69 = tpu.memref_squeeze %dma_wait3A_68 : memref<1x400xi32, #tpu.memory_space<vmem>> -> memref<400xi32, #tpu.memory_space<vmem>>
      %dma_wait3A_70 = arith.constant 0 : i32
      %dma_wait3A_71 = arith.constant 0 : i32
      %dma_wait3A_72 = tpu.memref_slice %arg8[%dma_wait3A_70, %dma_wait3A_71] : memref<10240x32xf32, #tpu.memory_space<vmem_shared>> -> memref<10240x32xf32, #tpu.memory_space<vmem_shared>>
      tpu.wait_indirect_dma semaphore(%arg17 : memref<!tpu.dma_semaphore, #tpu.memory_space<semaphore_mem>>) src(%dma_wait3A_72 : memref<10240x32xf32, #tpu.memory_space<vmem_shared>>) dst(%arg13 : memref<400x32xf32, #tpu.memory_space<vmem>>)
      %add3A_73 = arith.constant 2 : i32
      %add3A_74 = arith.addi %mul3A_51, %add3A_73 : i32
      %lt3A_75 = arith.constant 50 : i32
      %lt3A_76 = arith.cmpi slt, %add3A_74, %lt3A_75 : i32
      %convert_element_type3A_77 = arith.extui %lt3A_76 : i1 to i32
      %cond3A_78 = arith.constant 0 : i32
      %cond3A_79 = arith.cmpi ne, %convert_element_type3A_77, %cond3A_78 : i32
      scf.if %cond3A_79 {
        %add3A_83 = arith.constant 2 : i32
        %add3A_84 = arith.addi %mul3A_51, %add3A_83 : i32
        %dma_start3A_85 = arith.constant 0 : i32
        %dma_start3A_86 = tpu.memref_slice %arg10[%add3A_84, %dma_start3A_85] : memref<50x400xi32, #tpu.memory_space<vmem>> -> memref<1x400xi32, #tpu.memory_space<vmem>>
        %dma_start3A_87 = tpu.memref_squeeze %dma_start3A_86 : memref<1x400xi32, #tpu.memory_space<vmem>> -> memref<400xi32, #tpu.memory_space<vmem>>
        %dma_start3A_88 = arith.constant 0 : i32
        %dma_start3A_89 = arith.constant 0 : i32
        %dma_start3A_90 = tpu.memref_slice %arg8[%dma_start3A_88, %dma_start3A_89] : memref<10240x32xf32, #tpu.memory_space<vmem_shared>> -> memref<10240x32xf32, #tpu.memory_space<vmem_shared>>
        tpu.enqueue_indirect_dma source(%dma_start3A_90 : memref<10240x32xf32, #tpu.memory_space<vmem_shared>>) target(%arg12 : memref<400x32xf32, #tpu.memory_space<vmem>>) offsets(%dma_start3A_87 : memref<400xi32, #tpu.memory_space<vmem>>) semaphore(%arg16 : memref<!tpu.dma_semaphore, #tpu.memory_space<semaphore_mem>>)
      } else {
      }
      %add3A_80 = arith.constant 1 : i32
      %add3A_81 = arith.addi %mul3A_51, %add3A_80 : i32
      "tpu.region"() ({
        %run_scoped3A = tpu.sem_alloc : memref<!tpu.dma_semaphore, #tpu.memory_space<semaphore_mem>>
        %dma_start3A_83 = arith.constant 0 : i32
        %dma_start3A_84 = tpu.memref_slice %arg11[%add3A_81, %dma_start3A_83] : memref<50x400xi32, #tpu.memory_space<vmem>> -> memref<1x400xi32, #tpu.memory_space<vmem>>
        %dma_start3A_85 = tpu.memref_squeeze %dma_start3A_84 : memref<1x400xi32, #tpu.memory_space<vmem>> -> memref<400xi32, #tpu.memory_space<vmem>>
        %dma_start3A_86 = arith.constant 0 : i32
        %dma_start3A_87 = arith.constant 0 : i32
        %dma_start3A_88 = tpu.memref_slice %arg9[%dma_start3A_86, %dma_start3A_87] : memref<10240x32xf32, #tpu.memory_space<vmem_shared>> -> memref<10240x32xf32, #tpu.memory_space<vmem_shared>>
        tpu.enqueue_indirect_dma source(%arg13 : memref<400x32xf32, #tpu.memory_space<vmem>>) target(%dma_start3A_88 : memref<10240x32xf32, #tpu.memory_space<vmem_shared>>) offsets(%dma_start3A_85 : memref<400xi32, #tpu.memory_space<vmem>>) semaphore(%run_scoped3A : memref<!tpu.dma_semaphore, #tpu.memory_space<semaphore_mem>>) {add = true}
        %dma_wait3A_89 = arith.constant 0 : i32
        %dma_wait3A_90 = tpu.memref_slice %arg11[%add3A_81, %dma_wait3A_89] : memref<50x400xi32, #tpu.memory_space<vmem>> -> memref<1x400xi32, #tpu.memory_space<vmem>>
        %dma_wait3A_91 = tpu.memref_squeeze %dma_wait3A_90 : memref<1x400xi32, #tpu.memory_space<vmem>> -> memref<400xi32, #tpu.memory_space<vmem>>
        %dma_wait3A_92 = arith.constant 0 : i32
        %dma_wait3A_93 = arith.constant 0 : i32
        %dma_wait3A_94 = tpu.memref_slice %arg9[%dma_wait3A_92, %dma_wait3A_93] : memref<10240x32xf32, #tpu.memory_space<vmem_shared>> -> memref<10240x32xf32, #tpu.memory_space<vmem_shared>>
        tpu.wait_indirect_dma semaphore(%run_scoped3A : memref<!tpu.dma_semaphore, #tpu.memory_space<semaphore_mem>>) src(%arg13 : memref<400x32xf32, #tpu.memory_space<vmem>>) dst(%dma_wait3A_94 : memref<10240x32xf32, #tpu.memory_space<vmem_shared>>)
        tpu.yield
      }) : () -> ()
      %scan3A_82 = arith.constant 0 : i32
      scf.yield %scan3A_82 : i32
    }
    %scan3A_26 = arith.constant 25 : i32
    %barrier3A_27 = arith.constant 0 : index
    tpu.barrier barrier_id(%barrier3A_27)
    %get3A = arith.constant 0 : index
    %get3A_28 = tpu.vector_load %arg15[%get3A] {strides = array<i32>} : memref<32xf32, #tpu.memory_space<vmem>>, vector<16xf32>,
    %get3A_29 = vector.shape_cast %get3A_28 : vector<16xf32> to vector<16xf32>
    %get3A_30 = arith.constant 16 : index
    %get3A_31 = tpu.vector_load %arg15[%get3A_30] {strides = array<i32>} : memref<32xf32, #tpu.memory_space<vmem>>, vector<16xf32>,
    %get3A_32 = vector.shape_cast %get3A_31 : vector<16xf32> to vector<16xf32>
    %add3A_33 = arith.constant 0 : i32
    %add3A_34 = arith.addi %mul3A_2, %add3A_33 : i32
    "tpu.region"() ({
      %run_scoped3A = tpu.sem_alloc : memref<!tpu.dma_semaphore, #tpu.memory_space<semaphore_mem>>
      %dma_start3A_48 = arith.constant 0 : i32
      %dma_start3A_49 = arith.constant 0 : i32
      %dma_start3A_50 = tpu.memref_slice %arg12[%dma_start3A_48, %dma_start3A_49] : memref<400x32xf32, #tpu.memory_space<vmem>> -> memref<400x32xf32, #tpu.memory_space<vmem>>
      %dma_start3A_51 = arith.constant 0 : i32
      %dma_start3A_52 = tpu.memref_slice %arg9[%add3A_34, %dma_start3A_51] : memref<10240x32xf32, #tpu.memory_space<vmem_shared>> -> memref<400x32xf32, #tpu.memory_space<vmem_shared>>
      %dma_start3A_53 = arith.constant 0 : i32
      %dma_start3A_54 = arith.constant 0 : i32
      %dma_start3A_55 = tpu.memref_slice %arg12[%dma_start3A_53, %dma_start3A_54] : memref<400x32xf32, #tpu.memory_space<vmem>> -> memref<400x32xf32, #tpu.memory_space<vmem>>
      %dma_start3A_56 = arith.constant 0 : i32
      %dma_start3A_57 = tpu.memref_slice %arg9[%add3A_34, %dma_start3A_56] : memref<10240x32xf32, #tpu.memory_space<vmem_shared>> -> memref<400x32xf32, #tpu.memory_space<vmem_shared>>
      tpu.enqueue_dma source(%dma_start3A_57 : memref<400x32xf32, #tpu.memory_space<vmem_shared>>) target(%dma_start3A_55 : memref<400x32xf32, #tpu.memory_space<vmem>>) target_semaphore(%run_scoped3A : memref<!tpu.dma_semaphore, #tpu.memory_space<semaphore_mem>>)
      %dma_wait3A = arith.constant 0 : i32
      %dma_wait3A_58 = arith.constant 0 : i32
      %dma_wait3A_59 = tpu.memref_slice %arg12[%dma_wait3A, %dma_wait3A_58] : memref<400x32xf32, #tpu.memory_space<vmem>> -> memref<400x32xf32, #tpu.memory_space<vmem>>
      %dma_wait3A_60 = arith.constant 0 : i32
      %dma_wait3A_61 = tpu.memref_slice %arg9[%add3A_34, %dma_wait3A_60] : memref<10240x32xf32, #tpu.memory_space<vmem_shared>> -> memref<400x32xf32, #tpu.memory_space<vmem_shared>>
      %dma_wait3A_62 = arith.constant 0 : i32
      %dma_wait3A_63 = arith.constant 0 : i32
      %dma_wait3A_64 = tpu.memref_slice %arg12[%dma_wait3A_62, %dma_wait3A_63] : memref<400x32xf32, #tpu.memory_space<vmem>> -> memref<400x32xf32, #tpu.memory_space<vmem>>
      %dma_wait3A_65 = arith.constant 0 : i32
      %dma_wait3A_66 = tpu.memref_slice %arg9[%add3A_34, %dma_wait3A_65] : memref<10240x32xf32, #tpu.memory_space<vmem_shared>> -> memref<400x32xf32, #tpu.memory_space<vmem_shared>>
      tpu.wait_dma2 semaphore(%run_scoped3A : memref<!tpu.dma_semaphore, #tpu.memory_space<semaphore_mem>>) src(%dma_wait3A_66 : memref<400x32xf32, #tpu.memory_space<vmem_shared>>) dst(%dma_wait3A_64 : memref<400x32xf32, #tpu.memory_space<vmem>>)
      tpu.yield
    }) : () -> ()
    %add3A_35 = arith.constant 0 : i32
    %add3A_36 = arith.addi %mul3A_2, %add3A_35 : i32
    "tpu.region"() ({
      %run_scoped3A = tpu.sem_alloc : memref<!tpu.dma_semaphore, #tpu.memory_space<semaphore_mem>>
      %dma_start3A_48 = arith.constant 0 : i32
      %dma_start3A_49 = arith.constant 0 : i32
      %dma_start3A_50 = tpu.memref_slice %arg13[%dma_start3A_48, %dma_start3A_49] : memref<400x32xf32, #tpu.memory_space<vmem>> -> memref<400x32xf32, #tpu.memory_space<vmem>>
      %dma_start3A_51 = arith.constant 0 : i32
      %dma_start3A_52 = tpu.memref_slice %arg8[%add3A_36, %dma_start3A_51] : memref<10240x32xf32, #tpu.memory_space<vmem_shared>> -> memref<400x32xf32, #tpu.memory_space<vmem_shared>>
      %dma_start3A_53 = arith.constant 0 : i32
      %dma_start3A_54 = arith.constant 0 : i32
      %dma_start3A_55 = tpu.memref_slice %arg13[%dma_start3A_53, %dma_start3A_54] : memref<400x32xf32, #tpu.memory_space<vmem>> -> memref<400x32xf32, #tpu.memory_space<vmem>>
      %dma_start3A_56 = arith.constant 0 : i32
      %dma_start3A_57 = tpu.memref_slice %arg8[%add3A_36, %dma_start3A_56] : memref<10240x32xf32, #tpu.memory_space<vmem_shared>> -> memref<400x32xf32, #tpu.memory_space<vmem_shared>>
      tpu.enqueue_dma source(%dma_start3A_57 : memref<400x32xf32, #tpu.memory_space<vmem_shared>>) target(%dma_start3A_55 : memref<400x32xf32, #tpu.memory_space<vmem>>) target_semaphore(%run_scoped3A : memref<!tpu.dma_semaphore, #tpu.memory_space<semaphore_mem>>)
      %dma_wait3A = arith.constant 0 : i32
      %dma_wait3A_58 = arith.constant 0 : i32
      %dma_wait3A_59 = tpu.memref_slice %arg13[%dma_wait3A, %dma_wait3A_58] : memref<400x32xf32, #tpu.memory_space<vmem>> -> memref<400x32xf32, #tpu.memory_space<vmem>>
      %dma_wait3A_60 = arith.constant 0 : i32
      %dma_wait3A_61 = tpu.memref_slice %arg8[%add3A_36, %dma_wait3A_60] : memref<10240x32xf32, #tpu.memory_space<vmem_shared>> -> memref<400x32xf32, #tpu.memory_space<vmem_shared>>
      %dma_wait3A_62 = arith.constant 0 : i32
      %dma_wait3A_63 = arith.constant 0 : i32
      %dma_wait3A_64 = tpu.memref_slice %arg13[%dma_wait3A_62, %dma_wait3A_63] : memref<400x32xf32, #tpu.memory_space<vmem>> -> memref<400x32xf32, #tpu.memory_space<vmem>>
      %dma_wait3A_65 = arith.constant 0 : i32
      %dma_wait3A_66 = tpu.memref_slice %arg8[%add3A_36, %dma_wait3A_65] : memref<10240x32xf32, #tpu.memory_space<vmem_shared>> -> memref<400x32xf32, #tpu.memory_space<vmem_shared>>
      tpu.wait_dma2 semaphore(%run_scoped3A : memref<!tpu.dma_semaphore, #tpu.memory_space<semaphore_mem>>) src(%dma_wait3A_66 : memref<400x32xf32, #tpu.memory_space<vmem_shared>>) dst(%dma_wait3A_64 : memref<400x32xf32, #tpu.memory_space<vmem>>)
      tpu.yield
    }) : () -> ()
    %scan3A_37 = arith.constant 0 : i32
    %scan3A_38 = arith.constant 0 : i32
    %scan3A_39 = arith.constant 400 : i32
    %scan3A_40 = arith.addi %scan3A_38, %scan3A_39 : i32
    %scan3A_41 = arith.constant 1 : i32
    %scan3A_42 = scf.for %scan3A_48 = %scan3A_38 to %scan3A_40 step %scan3A_41 iter_args(%scan3A_49 = %scan3A_37) -> (i32)  : i32 {
      %add3A_50 = arith.constant 0 : i32
      %add3A_51 = arith.addi %add3A_50, %scan3A_48 : i32
      %get3A_52 = arith.index_cast %add3A_51 : i32 to index
      %get3A_53 = tpu.vector_load %arg14[%get3A_52] {strides = array<i32>} : memref<656xf32, #tpu.memory_space<vmem>>, vector<16xf32>,
      %get3A_54 = vector.shape_cast %get3A_53 : vector<16xf32> to vector<16xf32>
      %slice3A = vector.extract_strided_slice %get3A_54 {offsets = [0], sizes = [1], strides = [1]} : vector<16xf32> to vector<1xf32>
      %squeeze3A = vector.extract %slice3A[0] : f32 from vector<1xf32>
      %get3A_55 = arith.index_cast %scan3A_48 : i32 to index
      %get3A_56 = arith.constant 0 : index
      %get3A_57 = tpu.vector_load %arg12[%get3A_55, %get3A_56] {strides = array<i32>} : memref<400x32xf32, #tpu.memory_space<vmem>>, vector<1x16xf32>,
      %get3A_58 = vector.shape_cast %get3A_57 : vector<1x16xf32> to vector<16xf32>
      %get3A_59 = arith.index_cast %scan3A_48 : i32 to index
      %get3A_60 = arith.constant 0 : index
      %get3A_61 = tpu.vector_load %arg13[%get3A_59, %get3A_60] {strides = array<i32>} : memref<400x32xf32, #tpu.memory_space<vmem>>, vector<1x16xf32>,
      %get3A_62 = vector.shape_cast %get3A_61 : vector<1x16xf32> to vector<16xf32>
      %add3A_63 = arith.addf %get3A_58, %get3A_62 : vector<16xf32>
      %get3A_64 = arith.index_cast %scan3A_48 : i32 to index
      %get3A_65 = arith.constant 16 : index
      %get3A_66 = tpu.vector_load %arg12[%get3A_64, %get3A_65] {strides = array<i32>} : memref<400x32xf32, #tpu.memory_space<vmem>>, vector<1x16xf32>,
      %get3A_67 = vector.shape_cast %get3A_66 : vector<1x16xf32> to vector<16xf32>
      %get3A_68 = arith.index_cast %scan3A_48 : i32 to index
      %get3A_69 = arith.constant 16 : index
      %get3A_70 = tpu.vector_load %arg13[%get3A_68, %get3A_69] {strides = array<i32>} : memref<400x32xf32, #tpu.memory_space<vmem>>, vector<1x16xf32>,
      %get3A_71 = vector.shape_cast %get3A_70 : vector<1x16xf32> to vector<16xf32>
      %add3A_72 = arith.addf %get3A_67, %get3A_71 : vector<16xf32>
      %mul3A_73 = vector.broadcast %squeeze3A : f32 to vector<16xf32>
      %mul3A_74 = arith.mulf %add3A_63, %mul3A_73 : vector<16xf32>
      %add3A_75 = arith.addf %mul3A_74, %get3A_29 : vector<16xf32>
      %swap3A = arith.index_cast %scan3A_48 : i32 to index
      %swap3A_76 = arith.constant 0 : index
      %swap3A_77 = tpu.vector_load %arg12[%swap3A, %swap3A_76] {strides = array<i32>} : memref<400x32xf32, #tpu.memory_space<vmem>>, vector<1x16xf32>,
      %swap3A_78 = vector.shape_cast %swap3A_77 : vector<1x16xf32> to vector<16xf32>
      %swap3A_79 = vector.shape_cast %add3A_75 : vector<16xf32> to vector<1x16xf32>
      tpu.vector_store %arg12[%swap3A, %swap3A_76], %swap3A_79 {strides = array<i32>} : memref<400x32xf32, #tpu.memory_space<vmem>>, vector<1x16xf32>,
      %mul3A_80 = vector.broadcast %squeeze3A : f32 to vector<16xf32>
      %mul3A_81 = arith.mulf %add3A_72, %mul3A_80 : vector<16xf32>
      %add3A_82 = arith.addf %mul3A_81, %get3A_32 : vector<16xf32>
      %swap3A_83 = arith.index_cast %scan3A_48 : i32 to index
      %swap3A_84 = arith.constant 16 : index
      %swap3A_85 = tpu.vector_load %arg12[%swap3A_83, %swap3A_84] {strides = array<i32>} : memref<400x32xf32, #tpu.memory_space<vmem>>, vector<1x16xf32>,
      %swap3A_86 = vector.shape_cast %swap3A_85 : vector<1x16xf32> to vector<16xf32>
      %swap3A_87 = vector.shape_cast %add3A_82 : vector<16xf32> to vector<1x16xf32>
      tpu.vector_store %arg12[%swap3A_83, %swap3A_84], %swap3A_87 {strides = array<i32>} : memref<400x32xf32, #tpu.memory_space<vmem>>, vector<1x16xf32>,
      %scan3A_88 = arith.constant 0 : i32
      scf.yield %scan3A_88 : i32
    }
    %scan3A_43 = arith.constant 400 : i32
    %add3A_44 = arith.constant 0 : i32
    %add3A_45 = arith.addi %mul3A_2, %add3A_44 : i32
    "tpu.region"() ({
      %run_scoped3A = tpu.sem_alloc : memref<!tpu.dma_semaphore, #tpu.memory_space<semaphore_mem>>
      %dma_start3A_48 = arith.constant 0 : i32
      %dma_start3A_49 = arith.constant 0 : i32
      %dma_start3A_50 = tpu.memref_slice %arg12[%dma_start3A_48, %dma_start3A_49] : memref<400x32xf32, #tpu.memory_space<vmem>> -> memref<400x32xf32, #tpu.memory_space<vmem>>
      %dma_start3A_51 = tpu.memref_slice %arg7[%add3A_45, %mul3A_0] : memref<10000x64xf32, #tpu.memory_space<hbm>> -> memref<400x32xf32, #tpu.memory_space<hbm>>
      %dma_start3A_52 = tpu.memref_slice %arg7[%add3A_45, %mul3A_0] : memref<10000x64xf32, #tpu.memory_space<hbm>> -> memref<400x32xf32, #tpu.memory_space<hbm>>
      %dma_start3A_53 = arith.constant 0 : i32
      %dma_start3A_54 = arith.constant 0 : i32
      %dma_start3A_55 = tpu.memref_slice %arg12[%dma_start3A_53, %dma_start3A_54] : memref<400x32xf32, #tpu.memory_space<vmem>> -> memref<400x32xf32, #tpu.memory_space<vmem>>
      tpu.enqueue_dma source(%dma_start3A_55 : memref<400x32xf32, #tpu.memory_space<vmem>>) target(%dma_start3A_52 : memref<400x32xf32, #tpu.memory_space<hbm>>) target_semaphore(%run_scoped3A : memref<!tpu.dma_semaphore, #tpu.memory_space<semaphore_mem>>)
      %dma_wait3A = arith.constant 0 : i32
      %dma_wait3A_56 = arith.constant 0 : i32
      %dma_wait3A_57 = tpu.memref_slice %arg12[%dma_wait3A, %dma_wait3A_56] : memref<400x32xf32, #tpu.memory_space<vmem>> -> memref<400x32xf32, #tpu.memory_space<vmem>>
      %dma_wait3A_58 = tpu.memref_slice %arg7[%add3A_45, %mul3A_0] : memref<10000x64xf32, #tpu.memory_space<hbm>> -> memref<400x32xf32, #tpu.memory_space<hbm>>
      %dma_wait3A_59 = tpu.memref_slice %arg7[%add3A_45, %mul3A_0] : memref<10000x64xf32, #tpu.memory_space<hbm>> -> memref<400x32xf32, #tpu.memory_space<hbm>>
      %dma_wait3A_60 = arith.constant 0 : i32
      %dma_wait3A_61 = arith.constant 0 : i32
      %dma_wait3A_62 = tpu.memref_slice %arg12[%dma_wait3A_60, %dma_wait3A_61] : memref<400x32xf32, #tpu.memory_space<vmem>> -> memref<400x32xf32, #tpu.memory_space<vmem>>
      tpu.wait_dma2 semaphore(%run_scoped3A : memref<!tpu.dma_semaphore, #tpu.memory_space<semaphore_mem>>) src(%dma_wait3A_62 : memref<400x32xf32, #tpu.memory_space<vmem>>) dst(%dma_wait3A_59 : memref<400x32xf32, #tpu.memory_space<hbm>>)
      tpu.yield
    }) : () -> ()
    %lt3A = arith.constant 15 : i32
    %lt3A_46 = arith.cmpi slt, %arg1, %lt3A : i32
    %convert_element_type3A = arith.extui %lt3A_46 : i1 to i32
    %cond3A = arith.constant 0 : i32
    %cond3A_47 = arith.cmpi ne, %convert_element_type3A, %cond3A : i32
    scf.if %cond3A_47 {
      %add3A_48 = arith.constant 400 : i32
      %add3A_49 = arith.addi %mul3A_2, %add3A_48 : i32
      "tpu.region"() ({
        %run_scoped3A = tpu.sem_alloc : memref<!tpu.dma_semaphore, #tpu.memory_space<semaphore_mem>>
        %dma_start3A_61 = arith.constant 0 : i32
        %dma_start3A_62 = arith.constant 0 : i32
        %dma_start3A_63 = tpu.memref_slice %arg12[%dma_start3A_61, %dma_start3A_62] : memref<400x32xf32, #tpu.memory_space<vmem>> -> memref<240x32xf32, #tpu.memory_space<vmem>>
        %dma_start3A_64 = arith.constant 0 : i32
        %dma_start3A_65 = tpu.memref_slice %arg9[%add3A_49, %dma_start3A_64] : memref<10240x32xf32, #tpu.memory_space<vmem_shared>> -> memref<240x32xf32, #tpu.memory_space<vmem_shared>>
        %dma_start3A_66 = arith.constant 0 : i32
        %dma_start3A_67 = arith.constant 0 : i32
        %dma_start3A_68 = tpu.memref_slice %arg12[%dma_start3A_66, %dma_start3A_67] : memref<400x32xf32, #tpu.memory_space<vmem>> -> memref<240x32xf32, #tpu.memory_space<vmem>>
        %dma_start3A_69 = arith.constant 0 : i32
        %dma_start3A_70 = tpu.memref_slice %arg9[%add3A_49, %dma_start3A_69] : memref<10240x32xf32, #tpu.memory_space<vmem_shared>> -> memref<240x32xf32, #tpu.memory_space<vmem_shared>>
        tpu.enqueue_dma source(%dma_start3A_70 : memref<240x32xf32, #tpu.memory_space<vmem_shared>>) target(%dma_start3A_68 : memref<240x32xf32, #tpu.memory_space<vmem>>) target_semaphore(%run_scoped3A : memref<!tpu.dma_semaphore, #tpu.memory_space<semaphore_mem>>)
        %dma_wait3A = arith.constant 0 : i32
        %dma_wait3A_71 = arith.constant 0 : i32
        %dma_wait3A_72 = tpu.memref_slice %arg12[%dma_wait3A, %dma_wait3A_71] : memref<400x32xf32, #tpu.memory_space<vmem>> -> memref<240x32xf32, #tpu.memory_space<vmem>>
        %dma_wait3A_73 = arith.constant 0 : i32
        %dma_wait3A_74 = tpu.memref_slice %arg9[%add3A_49, %dma_wait3A_73] : memref<10240x32xf32, #tpu.memory_space<vmem_shared>> -> memref<240x32xf32, #tpu.memory_space<vmem_shared>>
        %dma_wait3A_75 = arith.constant 0 : i32
        %dma_wait3A_76 = arith.constant 0 : i32
        %dma_wait3A_77 = tpu.memref_slice %arg12[%dma_wait3A_75, %dma_wait3A_76] : memref<400x32xf32, #tpu.memory_space<vmem>> -> memref<240x32xf32, #tpu.memory_space<vmem>>
        %dma_wait3A_78 = arith.constant 0 : i32
        %dma_wait3A_79 = tpu.memref_slice %arg9[%add3A_49, %dma_wait3A_78] : memref<10240x32xf32, #tpu.memory_space<vmem_shared>> -> memref<240x32xf32, #tpu.memory_space<vmem_shared>>
        tpu.wait_dma2 semaphore(%run_scoped3A : memref<!tpu.dma_semaphore, #tpu.memory_space<semaphore_mem>>) src(%dma_wait3A_79 : memref<240x32xf32, #tpu.memory_space<vmem_shared>>) dst(%dma_wait3A_77 : memref<240x32xf32, #tpu.memory_space<vmem>>)
        tpu.yield
      }) : () -> ()
      %add3A_50 = arith.constant 400 : i32
      %add3A_51 = arith.addi %mul3A_2, %add3A_50 : i32
      "tpu.region"() ({
        %run_scoped3A = tpu.sem_alloc : memref<!tpu.dma_semaphore, #tpu.memory_space<semaphore_mem>>
        %dma_start3A_61 = arith.constant 0 : i32
        %dma_start3A_62 = arith.constant 0 : i32
        %dma_start3A_63 = tpu.memref_slice %arg13[%dma_start3A_61, %dma_start3A_62] : memref<400x32xf32, #tpu.memory_space<vmem>> -> memref<240x32xf32, #tpu.memory_space<vmem>>
        %dma_start3A_64 = arith.constant 0 : i32
        %dma_start3A_65 = tpu.memref_slice %arg8[%add3A_51, %dma_start3A_64] : memref<10240x32xf32, #tpu.memory_space<vmem_shared>> -> memref<240x32xf32, #tpu.memory_space<vmem_shared>>
        %dma_start3A_66 = arith.constant 0 : i32
        %dma_start3A_67 = arith.constant 0 : i32
        %dma_start3A_68 = tpu.memref_slice %arg13[%dma_start3A_66, %dma_start3A_67] : memref<400x32xf32, #tpu.memory_space<vmem>> -> memref<240x32xf32, #tpu.memory_space<vmem>>
        %dma_start3A_69 = arith.constant 0 : i32
        %dma_start3A_70 = tpu.memref_slice %arg8[%add3A_51, %dma_start3A_69] : memref<10240x32xf32, #tpu.memory_space<vmem_shared>> -> memref<240x32xf32, #tpu.memory_space<vmem_shared>>
        tpu.enqueue_dma source(%dma_start3A_70 : memref<240x32xf32, #tpu.memory_space<vmem_shared>>) target(%dma_start3A_68 : memref<240x32xf32, #tpu.memory_space<vmem>>) target_semaphore(%run_scoped3A : memref<!tpu.dma_semaphore, #tpu.memory_space<semaphore_mem>>)
        %dma_wait3A = arith.constant 0 : i32
        %dma_wait3A_71 = arith.constant 0 : i32
        %dma_wait3A_72 = tpu.memref_slice %arg13[%dma_wait3A, %dma_wait3A_71] : memref<400x32xf32, #tpu.memory_space<vmem>> -> memref<240x32xf32, #tpu.memory_space<vmem>>
        %dma_wait3A_73 = arith.constant 0 : i32
        %dma_wait3A_74 = tpu.memref_slice %arg8[%add3A_51, %dma_wait3A_73] : memref<10240x32xf32, #tpu.memory_space<vmem_shared>> -> memref<240x32xf32, #tpu.memory_space<vmem_shared>>
        %dma_wait3A_75 = arith.constant 0 : i32
        %dma_wait3A_76 = arith.constant 0 : i32
        %dma_wait3A_77 = tpu.memref_slice %arg13[%dma_wait3A_75, %dma_wait3A_76] : memref<400x32xf32, #tpu.memory_space<vmem>> -> memref<240x32xf32, #tpu.memory_space<vmem>>
        %dma_wait3A_78 = arith.constant 0 : i32
        %dma_wait3A_79 = tpu.memref_slice %arg8[%add3A_51, %dma_wait3A_78] : memref<10240x32xf32, #tpu.memory_space<vmem_shared>> -> memref<240x32xf32, #tpu.memory_space<vmem_shared>>
        tpu.wait_dma2 semaphore(%run_scoped3A : memref<!tpu.dma_semaphore, #tpu.memory_space<semaphore_mem>>) src(%dma_wait3A_79 : memref<240x32xf32, #tpu.memory_space<vmem_shared>>) dst(%dma_wait3A_77 : memref<240x32xf32, #tpu.memory_space<vmem>>)
        tpu.yield
      }) : () -> ()
      %scan3A_52 = arith.constant 0 : i32
      %scan3A_53 = arith.constant 0 : i32
      %scan3A_54 = arith.constant 240 : i32
      %scan3A_55 = arith.addi %scan3A_53, %scan3A_54 : i32
      %scan3A_56 = arith.constant 1 : i32
      %scan3A_57 = scf.for %scan3A_61 = %scan3A_53 to %scan3A_55 step %scan3A_56 iter_args(%scan3A_62 = %scan3A_52) -> (i32)  : i32 {
        %add3A_63 = arith.constant 400 : i32
        %add3A_64 = arith.addi %add3A_63, %scan3A_61 : i32
        %get3A_65 = arith.index_cast %add3A_64 : i32 to index
        %get3A_66 = tpu.vector_load %arg14[%get3A_65] {strides = array<i32>} : memref<656xf32, #tpu.memory_space<vmem>>, vector<16xf32>,
        %get3A_67 = vector.shape_cast %get3A_66 : vector<16xf32> to vector<16xf32>
        %slice3A = vector.extract_strided_slice %get3A_67 {offsets = [0], sizes = [1], strides = [1]} : vector<16xf32> to vector<1xf32>
        %squeeze3A = vector.extract %slice3A[0] : f32 from vector<1xf32>
        %get3A_68 = arith.index_cast %scan3A_61 : i32 to index
        %get3A_69 = arith.constant 0 : index
        %get3A_70 = tpu.vector_load %arg12[%get3A_68, %get3A_69] {strides = array<i32>} : memref<400x32xf32, #tpu.memory_space<vmem>>, vector<1x16xf32>,
        %get3A_71 = vector.shape_cast %get3A_70 : vector<1x16xf32> to vector<16xf32>
        %get3A_72 = arith.index_cast %scan3A_61 : i32 to index
        %get3A_73 = arith.constant 0 : index
        %get3A_74 = tpu.vector_load %arg13[%get3A_72, %get3A_73] {strides = array<i32>} : memref<400x32xf32, #tpu.memory_space<vmem>>, vector<1x16xf32>,
        %get3A_75 = vector.shape_cast %get3A_74 : vector<1x16xf32> to vector<16xf32>
        %add3A_76 = arith.addf %get3A_71, %get3A_75 : vector<16xf32>
        %get3A_77 = arith.index_cast %scan3A_61 : i32 to index
        %get3A_78 = arith.constant 16 : index
        %get3A_79 = tpu.vector_load %arg12[%get3A_77, %get3A_78] {strides = array<i32>} : memref<400x32xf32, #tpu.memory_space<vmem>>, vector<1x16xf32>,
        %get3A_80 = vector.shape_cast %get3A_79 : vector<1x16xf32> to vector<16xf32>
        %get3A_81 = arith.index_cast %scan3A_61 : i32 to index
        %get3A_82 = arith.constant 16 : index
        %get3A_83 = tpu.vector_load %arg13[%get3A_81, %get3A_82] {strides = array<i32>} : memref<400x32xf32, #tpu.memory_space<vmem>>, vector<1x16xf32>,
        %get3A_84 = vector.shape_cast %get3A_83 : vector<1x16xf32> to vector<16xf32>
        %add3A_85 = arith.addf %get3A_80, %get3A_84 : vector<16xf32>
        %mul3A_86 = vector.broadcast %squeeze3A : f32 to vector<16xf32>
        %mul3A_87 = arith.mulf %add3A_76, %mul3A_86 : vector<16xf32>
        %add3A_88 = arith.addf %mul3A_87, %get3A_29 : vector<16xf32>
        %swap3A = arith.index_cast %scan3A_61 : i32 to index
        %swap3A_89 = arith.constant 0 : index
        %swap3A_90 = tpu.vector_load %arg12[%swap3A, %swap3A_89] {strides = array<i32>} : memref<400x32xf32, #tpu.memory_space<vmem>>, vector<1x16xf32>,
        %swap3A_91 = vector.shape_cast %swap3A_90 : vector<1x16xf32> to vector<16xf32>
        %swap3A_92 = vector.shape_cast %add3A_88 : vector<16xf32> to vector<1x16xf32>
        tpu.vector_store %arg12[%swap3A, %swap3A_89], %swap3A_92 {strides = array<i32>} : memref<400x32xf32, #tpu.memory_space<vmem>>, vector<1x16xf32>,
        %mul3A_93 = vector.broadcast %squeeze3A : f32 to vector<16xf32>
        %mul3A_94 = arith.mulf %add3A_85, %mul3A_93 : vector<16xf32>
        %add3A_95 = arith.addf %mul3A_94, %get3A_32 : vector<16xf32>
        %swap3A_96 = arith.index_cast %scan3A_61 : i32 to index
        %swap3A_97 = arith.constant 16 : index
        %swap3A_98 = tpu.vector_load %arg12[%swap3A_96, %swap3A_97] {strides = array<i32>} : memref<400x32xf32, #tpu.memory_space<vmem>>, vector<1x16xf32>,
        %swap3A_99 = vector.shape_cast %swap3A_98 : vector<1x16xf32> to vector<16xf32>
        %swap3A_100 = vector.shape_cast %add3A_95 : vector<16xf32> to vector<1x16xf32>
        tpu.vector_store %arg12[%swap3A_96, %swap3A_97], %swap3A_100 {strides = array<i32>} : memref<400x32xf32, #tpu.memory_space<vmem>>, vector<1x16xf32>,
        %scan3A_101 = arith.constant 0 : i32
        scf.yield %scan3A_101 : i32
      }
      %scan3A_58 = arith.constant 240 : i32
      %add3A_59 = arith.constant 400 : i32
      %add3A_60 = arith.addi %mul3A_2, %add3A_59 : i32
      "tpu.region"() ({
        %run_scoped3A = tpu.sem_alloc : memref<!tpu.dma_semaphore, #tpu.memory_space<semaphore_mem>>
        %dma_start3A_61 = arith.constant 0 : i32
        %dma_start3A_62 = arith.constant 0 : i32
        %dma_start3A_63 = tpu.memref_slice %arg12[%dma_start3A_61, %dma_start3A_62] : memref<400x32xf32, #tpu.memory_space<vmem>> -> memref<240x32xf32, #tpu.memory_space<vmem>>
        %dma_start3A_64 = tpu.memref_slice %arg7[%add3A_60, %mul3A_0] : memref<10000x64xf32, #tpu.memory_space<hbm>> -> memref<240x32xf32, #tpu.memory_space<hbm>>
        %dma_start3A_65 = tpu.memref_slice %arg7[%add3A_60, %mul3A_0] : memref<10000x64xf32, #tpu.memory_space<hbm>> -> memref<240x32xf32, #tpu.memory_space<hbm>>
        %dma_start3A_66 = arith.constant 0 : i32
        %dma_start3A_67 = arith.constant 0 : i32
        %dma_start3A_68 = tpu.memref_slice %arg12[%dma_start3A_66, %dma_start3A_67] : memref<400x32xf32, #tpu.memory_space<vmem>> -> memref<240x32xf32, #tpu.memory_space<vmem>>
        tpu.enqueue_dma source(%dma_start3A_68 : memref<240x32xf32, #tpu.memory_space<vmem>>) target(%dma_start3A_65 : memref<240x32xf32, #tpu.memory_space<hbm>>) target_semaphore(%run_scoped3A : memref<!tpu.dma_semaphore, #tpu.memory_space<semaphore_mem>>)
        %dma_wait3A = arith.constant 0 : i32
        %dma_wait3A_69 = arith.constant 0 : i32
        %dma_wait3A_70 = tpu.memref_slice %arg12[%dma_wait3A, %dma_wait3A_69] : memref<400x32xf32, #tpu.memory_space<vmem>> -> memref<240x32xf32, #tpu.memory_space<vmem>>
        %dma_wait3A_71 = tpu.memref_slice %arg7[%add3A_60, %mul3A_0] : memref<10000x64xf32, #tpu.memory_space<hbm>> -> memref<240x32xf32, #tpu.memory_space<hbm>>
        %dma_wait3A_72 = tpu.memref_slice %arg7[%add3A_60, %mul3A_0] : memref<10000x64xf32, #tpu.memory_space<hbm>> -> memref<240x32xf32, #tpu.memory_space<hbm>>
        %dma_wait3A_73 = arith.constant 0 : i32
        %dma_wait3A_74 = arith.constant 0 : i32
        %dma_wait3A_75 = tpu.memref_slice %arg12[%dma_wait3A_73, %dma_wait3A_74] : memref<400x32xf32, #tpu.memory_space<vmem>> -> memref<240x32xf32, #tpu.memory_space<vmem>>
        tpu.wait_dma2 semaphore(%run_scoped3A : memref<!tpu.dma_semaphore, #tpu.memory_space<semaphore_mem>>) src(%dma_wait3A_75 : memref<240x32xf32, #tpu.memory_space<vmem>>) dst(%dma_wait3A_72 : memref<240x32xf32, #tpu.memory_space<hbm>>)
        tpu.yield
      }) : () -> ()
    } else {
    }
    return
  }
}

#map = affine_map<(d0, d1) -> (0, 0)>
module attributes {stable_mosaic.version = 14 : i64} {
  func.func @_sc_score_body(%arg0: i32, %arg1: i32, %arg2: memref<10000x64xf32, #tpu.memory_space<hbm>>, %arg3: memref<800x400xi32, #tpu.memory_space<hbm>>, %arg4: memref<800x400xi32, #tpu.memory_space<hbm>>, %arg5: memref<128x400xi32, #tpu.memory_space<hbm>>, %arg6: memref<128x400xi32, #tpu.memory_space<hbm>>, %arg7: memref<2x371200xf32, #tpu.memory_space<hbm>>, %arg8: memref<10000x32xf32, #tpu.memory_space<vmem_shared>>, %arg9: memref<50x400xi32, #tpu.memory_space<vmem>>, %arg10: memref<50x400xi32, #tpu.memory_space<vmem>>, %arg11: memref<8x400xi32, #tpu.memory_space<vmem>>, %arg12: memref<8x400xi32, #tpu.memory_space<vmem>>, %arg13: memref<400x32xf32, #tpu.memory_space<vmem>>, %arg14: memref<400x32xf32, #tpu.memory_space<vmem>>, %arg15: memref<400x32xf32, #tpu.memory_space<vmem>>, %arg16: memref<400x32xf32, #tpu.memory_space<vmem>>, %arg17: memref<400xf32, #tpu.memory_space<vmem>>, %arg18: memref<400xf32, #tpu.memory_space<vmem>>, %arg19: memref<!tpu.dma_semaphore, #tpu.memory_space<semaphore_mem>>, %arg20: memref<!tpu.dma_semaphore, #tpu.memory_space<semaphore_mem>>, %arg21: memref<!tpu.dma_semaphore, #tpu.memory_space<semaphore_mem>>, %arg22: memref<!tpu.dma_semaphore, #tpu.memory_space<semaphore_mem>>) attributes {dimension_semantics = [#tpu.dimension_semantics<core_parallel>, #tpu.dimension_semantics<subcore_parallel>], iteration_bounds = array<i64: 2, 16>, scalar_prefetch = 0 : i64, scratch_operands = 15 : i64, tpu.core_type = #tpu.core_type<sc_vector_subcore>, window_params = [{transform_indices = #map}, {transform_indices = #map}, {transform_indices = #map}, {transform_indices = #map}, {transform_indices = #map}, {transform_indices = #map}]} {
    %mul3A = arith.constant 32 : i32
    %mul3A_0 = arith.muli %arg0, %mul3A : i32
    %mul3A_1 = arith.constant 640 : i32
    %mul3A_2 = arith.muli %arg1, %mul3A_1 : i32
    %mul3A_3 = arith.constant 625 : i32
    %mul3A_4 = arith.muli %arg1, %mul3A_3 : i32
    "tpu.region"() ({
      %run_scoped3A = tpu.sem_alloc : memref<!tpu.dma_semaphore, #tpu.memory_space<semaphore_mem>>
      %dma_start3A_76 = arith.constant 0 : i32
      %dma_start3A_77 = tpu.memref_slice %arg8[%mul3A_4, %dma_start3A_76] : memref<10000x32xf32, #tpu.memory_space<vmem_shared>> -> memref<625x32xf32, #tpu.memory_space<vmem_shared>>
      %dma_start3A_78 = tpu.memref_slice %arg2[%mul3A_4, %mul3A_0] : memref<10000x64xf32, #tpu.memory_space<hbm>> -> memref<625x32xf32, #tpu.memory_space<hbm>>
      tpu.enqueue_dma source(%dma_start3A_78 : memref<625x32xf32, #tpu.memory_space<hbm>>) target(%dma_start3A_77 : memref<625x32xf32, #tpu.memory_space<vmem_shared>>) target_semaphore(%run_scoped3A : memref<!tpu.dma_semaphore, #tpu.memory_space<semaphore_mem>>)
      %dma_wait3A_79 = arith.constant 0 : i32
      %dma_wait3A_80 = tpu.memref_slice %arg8[%mul3A_4, %dma_wait3A_79] : memref<10000x32xf32, #tpu.memory_space<vmem_shared>> -> memref<625x32xf32, #tpu.memory_space<vmem_shared>>
      %dma_wait3A_81 = tpu.memref_slice %arg2[%mul3A_4, %mul3A_0] : memref<10000x64xf32, #tpu.memory_space<hbm>> -> memref<625x32xf32, #tpu.memory_space<hbm>>
      tpu.wait_dma2 semaphore(%run_scoped3A : memref<!tpu.dma_semaphore, #tpu.memory_space<semaphore_mem>>) src(%dma_wait3A_81 : memref<625x32xf32, #tpu.memory_space<hbm>>) dst(%dma_wait3A_80 : memref<625x32xf32, #tpu.memory_space<vmem_shared>>)
      tpu.yield
    }) : () -> ()
    %mul3A_5 = arith.constant 50 : i32
    %mul3A_6 = arith.muli %arg1, %mul3A_5 : i32
    "tpu.region"() ({
      %run_scoped3A = tpu.sem_alloc : memref<!tpu.dma_semaphore, #tpu.memory_space<semaphore_mem>>
      %dma_start3A_76 = arith.constant 0 : i32
      %dma_start3A_77 = tpu.memref_slice %arg3[%mul3A_6, %dma_start3A_76] : memref<800x400xi32, #tpu.memory_space<hbm>> -> memref<50x400xi32, #tpu.memory_space<hbm>>
      %dma_start3A_78 = arith.constant 0 : i32
      %dma_start3A_79 = tpu.memref_slice %arg3[%mul3A_6, %dma_start3A_78] : memref<800x400xi32, #tpu.memory_space<hbm>> -> memref<50x400xi32, #tpu.memory_space<hbm>>
      tpu.enqueue_dma source(%dma_start3A_79 : memref<50x400xi32, #tpu.memory_space<hbm>>) target(%arg9 : memref<50x400xi32, #tpu.memory_space<vmem>>) target_semaphore(%run_scoped3A : memref<!tpu.dma_semaphore, #tpu.memory_space<semaphore_mem>>)
      %dma_wait3A_80 = arith.constant 0 : i32
      %dma_wait3A_81 = tpu.memref_slice %arg3[%mul3A_6, %dma_wait3A_80] : memref<800x400xi32, #tpu.memory_space<hbm>> -> memref<50x400xi32, #tpu.memory_space<hbm>>
      %dma_wait3A_82 = arith.constant 0 : i32
      %dma_wait3A_83 = tpu.memref_slice %arg3[%mul3A_6, %dma_wait3A_82] : memref<800x400xi32, #tpu.memory_space<hbm>> -> memref<50x400xi32, #tpu.memory_space<hbm>>
      tpu.wait_dma2 semaphore(%run_scoped3A : memref<!tpu.dma_semaphore, #tpu.memory_space<semaphore_mem>>) src(%dma_wait3A_83 : memref<50x400xi32, #tpu.memory_space<hbm>>) dst(%arg9 : memref<50x400xi32, #tpu.memory_space<vmem>>)
      tpu.yield
    }) : () -> ()
    %mul3A_7 = arith.constant 50 : i32
    %mul3A_8 = arith.muli %arg1, %mul3A_7 : i32
    "tpu.region"() ({
      %run_scoped3A = tpu.sem_alloc : memref<!tpu.dma_semaphore, #tpu.memory_space<semaphore_mem>>
      %dma_start3A_76 = arith.constant 0 : i32
      %dma_start3A_77 = tpu.memref_slice %arg4[%mul3A_8, %dma_start3A_76] : memref<800x400xi32, #tpu.memory_space<hbm>> -> memref<50x400xi32, #tpu.memory_space<hbm>>
      %dma_start3A_78 = arith.constant 0 : i32
      %dma_start3A_79 = tpu.memref_slice %arg4[%mul3A_8, %dma_start3A_78] : memref<800x400xi32, #tpu.memory_space<hbm>> -> memref<50x400xi32, #tpu.memory_space<hbm>>
      tpu.enqueue_dma source(%dma_start3A_79 : memref<50x400xi32, #tpu.memory_space<hbm>>) target(%arg10 : memref<50x400xi32, #tpu.memory_space<vmem>>) target_semaphore(%run_scoped3A : memref<!tpu.dma_semaphore, #tpu.memory_space<semaphore_mem>>)
      %dma_wait3A_80 = arith.constant 0 : i32
      %dma_wait3A_81 = tpu.memref_slice %arg4[%mul3A_8, %dma_wait3A_80] : memref<800x400xi32, #tpu.memory_space<hbm>> -> memref<50x400xi32, #tpu.memory_space<hbm>>
      %dma_wait3A_82 = arith.constant 0 : i32
      %dma_wait3A_83 = tpu.memref_slice %arg4[%mul3A_8, %dma_wait3A_82] : memref<800x400xi32, #tpu.memory_space<hbm>> -> memref<50x400xi32, #tpu.memory_space<hbm>>
      tpu.wait_dma2 semaphore(%run_scoped3A : memref<!tpu.dma_semaphore, #tpu.memory_space<semaphore_mem>>) src(%dma_wait3A_83 : memref<50x400xi32, #tpu.memory_space<hbm>>) dst(%arg10 : memref<50x400xi32, #tpu.memory_space<vmem>>)
      tpu.yield
    }) : () -> ()
    %mul3A_9 = arith.constant 8 : i32
    %mul3A_10 = arith.muli %arg1, %mul3A_9 : i32
    "tpu.region"() ({
      %run_scoped3A = tpu.sem_alloc : memref<!tpu.dma_semaphore, #tpu.memory_space<semaphore_mem>>
      %dma_start3A_76 = arith.constant 0 : i32
      %dma_start3A_77 = tpu.memref_slice %arg5[%mul3A_10, %dma_start3A_76] : memref<128x400xi32, #tpu.memory_space<hbm>> -> memref<8x400xi32, #tpu.memory_space<hbm>>
      %dma_start3A_78 = arith.constant 0 : i32
      %dma_start3A_79 = tpu.memref_slice %arg5[%mul3A_10, %dma_start3A_78] : memref<128x400xi32, #tpu.memory_space<hbm>> -> memref<8x400xi32, #tpu.memory_space<hbm>>
      tpu.enqueue_dma source(%dma_start3A_79 : memref<8x400xi32, #tpu.memory_space<hbm>>) target(%arg11 : memref<8x400xi32, #tpu.memory_space<vmem>>) target_semaphore(%run_scoped3A : memref<!tpu.dma_semaphore, #tpu.memory_space<semaphore_mem>>)
      %dma_wait3A_80 = arith.constant 0 : i32
      %dma_wait3A_81 = tpu.memref_slice %arg5[%mul3A_10, %dma_wait3A_80] : memref<128x400xi32, #tpu.memory_space<hbm>> -> memref<8x400xi32, #tpu.memory_space<hbm>>
      %dma_wait3A_82 = arith.constant 0 : i32
      %dma_wait3A_83 = tpu.memref_slice %arg5[%mul3A_10, %dma_wait3A_82] : memref<128x400xi32, #tpu.memory_space<hbm>> -> memref<8x400xi32, #tpu.memory_space<hbm>>
      tpu.wait_dma2 semaphore(%run_scoped3A : memref<!tpu.dma_semaphore, #tpu.memory_space<semaphore_mem>>) src(%dma_wait3A_83 : memref<8x400xi32, #tpu.memory_space<hbm>>) dst(%arg11 : memref<8x400xi32, #tpu.memory_space<vmem>>)
      tpu.yield
    }) : () -> ()
    %mul3A_11 = arith.constant 8 : i32
    %mul3A_12 = arith.muli %arg1, %mul3A_11 : i32
    "tpu.region"() ({
      %run_scoped3A = tpu.sem_alloc : memref<!tpu.dma_semaphore, #tpu.memory_space<semaphore_mem>>
      %dma_start3A_76 = arith.constant 0 : i32
      %dma_start3A_77 = tpu.memref_slice %arg6[%mul3A_12, %dma_start3A_76] : memref<128x400xi32, #tpu.memory_space<hbm>> -> memref<8x400xi32, #tpu.memory_space<hbm>>
      %dma_start3A_78 = arith.constant 0 : i32
      %dma_start3A_79 = tpu.memref_slice %arg6[%mul3A_12, %dma_start3A_78] : memref<128x400xi32, #tpu.memory_space<hbm>> -> memref<8x400xi32, #tpu.memory_space<hbm>>
      tpu.enqueue_dma source(%dma_start3A_79 : memref<8x400xi32, #tpu.memory_space<hbm>>) target(%arg12 : memref<8x400xi32, #tpu.memory_space<vmem>>) target_semaphore(%run_scoped3A : memref<!tpu.dma_semaphore, #tpu.memory_space<semaphore_mem>>)
      %dma_wait3A_80 = arith.constant 0 : i32
      %dma_wait3A_81 = tpu.memref_slice %arg6[%mul3A_12, %dma_wait3A_80] : memref<128x400xi32, #tpu.memory_space<hbm>> -> memref<8x400xi32, #tpu.memory_space<hbm>>
      %dma_wait3A_82 = arith.constant 0 : i32
      %dma_wait3A_83 = tpu.memref_slice %arg6[%mul3A_12, %dma_wait3A_82] : memref<128x400xi32, #tpu.memory_space<hbm>> -> memref<8x400xi32, #tpu.memory_space<hbm>>
      tpu.wait_dma2 semaphore(%run_scoped3A : memref<!tpu.dma_semaphore, #tpu.memory_space<semaphore_mem>>) src(%dma_wait3A_83 : memref<8x400xi32, #tpu.memory_space<hbm>>) dst(%arg12 : memref<8x400xi32, #tpu.memory_space<vmem>>)
      tpu.yield
    }) : () -> ()
    %barrier3A = arith.constant 0 : index
    tpu.barrier barrier_id(%barrier3A)
    %iota3A = tpu.iota {dimensions = array<i32: 0>} : vector<16xi32>
    %dma_start3A = arith.constant 0 : i32
    %dma_start3A_13 = arith.constant 0 : i32
    %dma_start3A_14 = tpu.memref_slice %arg9[%dma_start3A, %dma_start3A_13] : memref<50x400xi32, #tpu.memory_space<vmem>> -> memref<1x400xi32, #tpu.memory_space<vmem>>
    %dma_start3A_15 = tpu.memref_squeeze %dma_start3A_14 : memref<1x400xi32, #tpu.memory_space<vmem>> -> memref<400xi32, #tpu.memory_space<vmem>>
    %dma_start3A_16 = arith.constant 0 : i32
    %dma_start3A_17 = arith.constant 0 : i32
    %dma_start3A_18 = tpu.memref_slice %arg8[%dma_start3A_16, %dma_start3A_17] : memref<10000x32xf32, #tpu.memory_space<vmem_shared>> -> memref<10000x32xf32, #tpu.memory_space<vmem_shared>>
    tpu.enqueue_indirect_dma source(%dma_start3A_18 : memref<10000x32xf32, #tpu.memory_space<vmem_shared>>) target(%arg13 : memref<400x32xf32, #tpu.memory_space<vmem>>) offsets(%dma_start3A_15 : memref<400xi32, #tpu.memory_space<vmem>>) semaphore(%arg19 : memref<!tpu.dma_semaphore, #tpu.memory_space<semaphore_mem>>)
    %dma_start3A_19 = arith.constant 0 : i32
    %dma_start3A_20 = arith.constant 0 : i32
    %dma_start3A_21 = tpu.memref_slice %arg10[%dma_start3A_19, %dma_start3A_20] : memref<50x400xi32, #tpu.memory_space<vmem>> -> memref<1x400xi32, #tpu.memory_space<vmem>>
    %dma_start3A_22 = tpu.memref_squeeze %dma_start3A_21 : memref<1x400xi32, #tpu.memory_space<vmem>> -> memref<400xi32, #tpu.memory_space<vmem>>
    %dma_start3A_23 = arith.constant 0 : i32
    %dma_start3A_24 = arith.constant 0 : i32
    %dma_start3A_25 = tpu.memref_slice %arg8[%dma_start3A_23, %dma_start3A_24] : memref<10000x32xf32, #tpu.memory_space<vmem_shared>> -> memref<10000x32xf32, #tpu.memory_space<vmem_shared>>
    tpu.enqueue_indirect_dma source(%dma_start3A_25 : memref<10000x32xf32, #tpu.memory_space<vmem_shared>>) target(%arg14 : memref<400x32xf32, #tpu.memory_space<vmem>>) offsets(%dma_start3A_22 : memref<400xi32, #tpu.memory_space<vmem>>) semaphore(%arg19 : memref<!tpu.dma_semaphore, #tpu.memory_space<semaphore_mem>>)
    %scan3A = arith.constant 0 : i32
    %scan3A_26 = arith.constant 0 : i32
    %scan3A_27 = arith.constant 25 : i32
    %scan3A_28 = arith.addi %scan3A_26, %scan3A_27 : i32
    %scan3A_29 = arith.constant 1 : i32
    %scan3A_30 = scf.for %scan3A_76 = %scan3A_26 to %scan3A_28 step %scan3A_29 iter_args(%scan3A_77 = %scan3A) -> (i32)  : i32 {
      %mul3A_78 = arith.constant 2 : i32
      %mul3A_79 = arith.muli %mul3A_78, %scan3A_76 : i32
      %dma_wait3A_80 = arith.constant 0 : i32
      %dma_wait3A_81 = tpu.memref_slice %arg9[%mul3A_79, %dma_wait3A_80] : memref<50x400xi32, #tpu.memory_space<vmem>> -> memref<1x400xi32, #tpu.memory_space<vmem>>
      %dma_wait3A_82 = tpu.memref_squeeze %dma_wait3A_81 : memref<1x400xi32, #tpu.memory_space<vmem>> -> memref<400xi32, #tpu.memory_space<vmem>>
      %dma_wait3A_83 = arith.constant 0 : i32
      %dma_wait3A_84 = arith.constant 0 : i32
      %dma_wait3A_85 = tpu.memref_slice %arg8[%dma_wait3A_83, %dma_wait3A_84] : memref<10000x32xf32, #tpu.memory_space<vmem_shared>> -> memref<10000x32xf32, #tpu.memory_space<vmem_shared>>
      tpu.wait_indirect_dma semaphore(%arg19 : memref<!tpu.dma_semaphore, #tpu.memory_space<semaphore_mem>>) src(%dma_wait3A_85 : memref<10000x32xf32, #tpu.memory_space<vmem_shared>>) dst(%arg13 : memref<400x32xf32, #tpu.memory_space<vmem>>)
      %dma_wait3A_86 = arith.constant 0 : i32
      %dma_wait3A_87 = tpu.memref_slice %arg10[%mul3A_79, %dma_wait3A_86] : memref<50x400xi32, #tpu.memory_space<vmem>> -> memref<1x400xi32, #tpu.memory_space<vmem>>
      %dma_wait3A_88 = tpu.memref_squeeze %dma_wait3A_87 : memref<1x400xi32, #tpu.memory_space<vmem>> -> memref<400xi32, #tpu.memory_space<vmem>>
      %dma_wait3A_89 = arith.constant 0 : i32
      %dma_wait3A_90 = arith.constant 0 : i32
      %dma_wait3A_91 = tpu.memref_slice %arg8[%dma_wait3A_89, %dma_wait3A_90] : memref<10000x32xf32, #tpu.memory_space<vmem_shared>> -> memref<10000x32xf32, #tpu.memory_space<vmem_shared>>
      tpu.wait_indirect_dma semaphore(%arg19 : memref<!tpu.dma_semaphore, #tpu.memory_space<semaphore_mem>>) src(%dma_wait3A_91 : memref<10000x32xf32, #tpu.memory_space<vmem_shared>>) dst(%arg14 : memref<400x32xf32, #tpu.memory_space<vmem>>)
      %add3A = arith.constant 1 : i32
      %add3A_92 = arith.addi %mul3A_79, %add3A : i32
      %dma_start3A_93 = arith.constant 0 : i32
      %dma_start3A_94 = tpu.memref_slice %arg9[%add3A_92, %dma_start3A_93] : memref<50x400xi32, #tpu.memory_space<vmem>> -> memref<1x400xi32, #tpu.memory_space<vmem>>
      %dma_start3A_95 = tpu.memref_squeeze %dma_start3A_94 : memref<1x400xi32, #tpu.memory_space<vmem>> -> memref<400xi32, #tpu.memory_space<vmem>>
      %dma_start3A_96 = arith.constant 0 : i32
      %dma_start3A_97 = arith.constant 0 : i32
      %dma_start3A_98 = tpu.memref_slice %arg8[%dma_start3A_96, %dma_start3A_97] : memref<10000x32xf32, #tpu.memory_space<vmem_shared>> -> memref<10000x32xf32, #tpu.memory_space<vmem_shared>>
      tpu.enqueue_indirect_dma source(%dma_start3A_98 : memref<10000x32xf32, #tpu.memory_space<vmem_shared>>) target(%arg15 : memref<400x32xf32, #tpu.memory_space<vmem>>) offsets(%dma_start3A_95 : memref<400xi32, #tpu.memory_space<vmem>>) semaphore(%arg20 : memref<!tpu.dma_semaphore, #tpu.memory_space<semaphore_mem>>)
      %dma_start3A_99 = arith.constant 0 : i32
      %dma_start3A_100 = tpu.memref_slice %arg10[%add3A_92, %dma_start3A_99] : memref<50x400xi32, #tpu.memory_space<vmem>> -> memref<1x400xi32, #tpu.memory_space<vmem>>
      %dma_start3A_101 = tpu.memref_squeeze %dma_start3A_100 : memref<1x400xi32, #tpu.memory_space<vmem>> -> memref<400xi32, #tpu.memory_space<vmem>>
      %dma_start3A_102 = arith.constant 0 : i32
      %dma_start3A_103 = arith.constant 0 : i32
      %dma_start3A_104 = tpu.memref_slice %arg8[%dma_start3A_102, %dma_start3A_103] : memref<10000x32xf32, #tpu.memory_space<vmem_shared>> -> memref<10000x32xf32, #tpu.memory_space<vmem_shared>>
      tpu.enqueue_indirect_dma source(%dma_start3A_104 : memref<10000x32xf32, #tpu.memory_space<vmem_shared>>) target(%arg16 : memref<400x32xf32, #tpu.memory_space<vmem>>) offsets(%dma_start3A_101 : memref<400xi32, #tpu.memory_space<vmem>>) semaphore(%arg20 : memref<!tpu.dma_semaphore, #tpu.memory_space<semaphore_mem>>)
      %gt3A = arith.constant 0 : i32
      %gt3A_105 = arith.cmpi sgt, %scan3A_76, %gt3A : i32
      %convert_element_type3A = arith.extui %gt3A_105 : i1 to i32
      %cond3A = arith.constant 0 : i32
      %cond3A_106 = arith.cmpi ne, %convert_element_type3A, %cond3A : i32
      scf.if %cond3A_106 {
        %dma_wait3A_164 = arith.constant 0 : i32
        %dma_wait3A_165 = tpu.memref_slice %arg7[%arg0, %dma_wait3A_164] : memref<2x371200xf32, #tpu.memory_space<hbm>> -> memref<1x400xf32, #tpu.memory_space<hbm>>
        %dma_wait3A_166 = tpu.memref_squeeze %dma_wait3A_165 : memref<1x400xf32, #tpu.memory_space<hbm>> -> memref<400xf32, #tpu.memory_space<hbm>>
        %dma_wait3A_167 = arith.constant 0 : i32
        %dma_wait3A_168 = tpu.memref_slice %arg7[%arg0, %dma_wait3A_167] : memref<2x371200xf32, #tpu.memory_space<hbm>> -> memref<1x400xf32, #tpu.memory_space<hbm>>
        %dma_wait3A_169 = tpu.memref_squeeze %dma_wait3A_168 : memref<1x400xf32, #tpu.memory_space<hbm>> -> memref<400xf32, #tpu.memory_space<hbm>>
        tpu.wait_dma2 semaphore(%arg21 : memref<!tpu.dma_semaphore, #tpu.memory_space<semaphore_mem>>) src(%arg17 : memref<400xf32, #tpu.memory_space<vmem>>) dst(%dma_wait3A_169 : memref<400xf32, #tpu.memory_space<hbm>>)
      } else {
      }
      %scan3A_107 = arith.constant 0 : i32
      %scan3A_108 = arith.constant 0 : i32
      %scan3A_109 = arith.constant 25 : i32
      %scan3A_110 = arith.addi %scan3A_108, %scan3A_109 : i32
      %scan3A_111 = arith.constant 1 : i32
      %scan3A_112 = scf.for %scan3A_164 = %scan3A_108 to %scan3A_110 step %scan3A_111 iter_args(%scan3A_165 = %scan3A_107) -> (i32)  : i32 {
        %mul3A_166 = arith.constant 16 : i32
        %mul3A_167 = arith.muli %scan3A_164, %mul3A_166 : i32
        %add3A_168 = vector.broadcast %mul3A_167 : i32 to vector<16xi32>
        %add3A_169 = arith.addi %add3A_168, %iota3A : vector<16xi32>
        %broadcast_in_dim3A = arith.constant 0.000000e+00 : f32
        %broadcast_in_dim3A_170 = vector.broadcast %broadcast_in_dim3A : f32 to vector<16xf32>
        %broadcast_in_dim3A_171 = arith.constant 0.000000e+00 : f32
        %broadcast_in_dim3A_172 = vector.broadcast %broadcast_in_dim3A_171 : f32 to vector<16xf32>
        %broadcast_in_dim3A_173 = arith.constant 0.000000e+00 : f32
        %broadcast_in_dim3A_174 = vector.broadcast %broadcast_in_dim3A_173 : f32 to vector<16xf32>
        %broadcast_in_dim3A_175 = arith.constant 0.000000e+00 : f32
        %broadcast_in_dim3A_176 = vector.broadcast %broadcast_in_dim3A_175 : f32 to vector<16xf32>
        %add3A_177 = arith.constant 0 : i32
        %add3A_178 = vector.broadcast %add3A_177 : i32 to vector<16xi32>
        %add3A_179 = arith.addi %add3A_178, %iota3A : vector<16xi32>
        %and3A = arith.constant 31 : i32
        %and3A_180 = vector.broadcast %and3A : i32 to vector<16xi32>
        %and3A_181 = arith.andi %add3A_179, %and3A_180 : vector<16xi32>
        %gather3A = tpu.vector_load_idx %arg13[%add3A_169, %and3A_181] : memref<400x32xf32, #tpu.memory_space<vmem>>[vector<16xi32>, vector<16xi32>], vector<16xf32>,
        %gather3A_182 = tpu.vector_load_idx %arg14[%add3A_169, %and3A_181] : memref<400x32xf32, #tpu.memory_space<vmem>>[vector<16xi32>, vector<16xi32>], vector<16xf32>,
        %mul3A_183 = arith.mulf %gather3A, %gather3A_182 : vector<16xf32>
        %add3A_184 = arith.addf %broadcast_in_dim3A_170, %mul3A_183 : vector<16xf32>
        %add3A_185 = arith.constant 1 : i32
        %add3A_186 = vector.broadcast %add3A_185 : i32 to vector<16xi32>
        %add3A_187 = arith.addi %add3A_186, %iota3A : vector<16xi32>
        %and3A_188 = arith.constant 31 : i32
        %and3A_189 = vector.broadcast %and3A_188 : i32 to vector<16xi32>
        %and3A_190 = arith.andi %add3A_187, %and3A_189 : vector<16xi32>
        %gather3A_191 = tpu.vector_load_idx %arg13[%add3A_169, %and3A_190] : memref<400x32xf32, #tpu.memory_space<vmem>>[vector<16xi32>, vector<16xi32>], vector<16xf32>,
        %gather3A_192 = tpu.vector_load_idx %arg14[%add3A_169, %and3A_190] : memref<400x32xf32, #tpu.memory_space<vmem>>[vector<16xi32>, vector<16xi32>], vector<16xf32>,
        %mul3A_193 = arith.mulf %gather3A_191, %gather3A_192 : vector<16xf32>
        %add3A_194 = arith.addf %broadcast_in_dim3A_172, %mul3A_193 : vector<16xf32>
        %add3A_195 = arith.constant 2 : i32
        %add3A_196 = vector.broadcast %add3A_195 : i32 to vector<16xi32>
        %add3A_197 = arith.addi %add3A_196, %iota3A : vector<16xi32>
        %and3A_198 = arith.constant 31 : i32
        %and3A_199 = vector.broadcast %and3A_198 : i32 to vector<16xi32>
        %and3A_200 = arith.andi %add3A_197, %and3A_199 : vector<16xi32>
        %gather3A_201 = tpu.vector_load_idx %arg13[%add3A_169, %and3A_200] : memref<400x32xf32, #tpu.memory_space<vmem>>[vector<16xi32>, vector<16xi32>], vector<16xf32>,
        %gather3A_202 = tpu.vector_load_idx %arg14[%add3A_169, %and3A_200] : memref<400x32xf32, #tpu.memory_space<vmem>>[vector<16xi32>, vector<16xi32>], vector<16xf32>,
        %mul3A_203 = arith.mulf %gather3A_201, %gather3A_202 : vector<16xf32>
        %add3A_204 = arith.addf %broadcast_in_dim3A_174, %mul3A_203 : vector<16xf32>
        %add3A_205 = arith.constant 3 : i32
        %add3A_206 = vector.broadcast %add3A_205 : i32 to vector<16xi32>
        %add3A_207 = arith.addi %add3A_206, %iota3A : vector<16xi32>
        %and3A_208 = arith.constant 31 : i32
        %and3A_209 = vector.broadcast %and3A_208 : i32 to vector<16xi32>
        %and3A_210 = arith.andi %add3A_207, %and3A_209 : vector<16xi32>
        %gather3A_211 = tpu.vector_load_idx %arg13[%add3A_169, %and3A_210] : memref<400x32xf32, #tpu.memory_space<vmem>>[vector<16xi32>, vector<16xi32>], vector<16xf32>,
        %gather3A_212 = tpu.vector_load_idx %arg14[%add3A_169, %and3A_210] : memref<400x32xf32, #tpu.memory_space<vmem>>[vector<16xi32>, vector<16xi32>], vector<16xf32>,
        %mul3A_213 = arith.mulf %gather3A_211, %gather3A_212 : vector<16xf32>
        %add3A_214 = arith.addf %broadcast_in_dim3A_176, %mul3A_213 : vector<16xf32>
        %add3A_215 = arith.constant 4 : i32
        %add3A_216 = vector.broadcast %add3A_215 : i32 to vector<16xi32>
        %add3A_217 = arith.addi %add3A_216, %iota3A : vector<16xi32>
        %and3A_218 = arith.constant 31 : i32
        %and3A_219 = vector.broadcast %and3A_218 : i32 to vector<16xi32>
        %and3A_220 = arith.andi %add3A_217, %and3A_219 : vector<16xi32>
        %gather3A_221 = tpu.vector_load_idx %arg13[%add3A_169, %and3A_220] : memref<400x32xf32, #tpu.memory_space<vmem>>[vector<16xi32>, vector<16xi32>], vector<16xf32>,
        %gather3A_222 = tpu.vector_load_idx %arg14[%add3A_169, %and3A_220] : memref<400x32xf32, #tpu.memory_space<vmem>>[vector<16xi32>, vector<16xi32>], vector<16xf32>,
        %mul3A_223 = arith.mulf %gather3A_221, %gather3A_222 : vector<16xf32>
        %add3A_224 = arith.addf %add3A_184, %mul3A_223 : vector<16xf32>
        %add3A_225 = arith.constant 5 : i32
        %add3A_226 = vector.broadcast %add3A_225 : i32 to vector<16xi32>
        %add3A_227 = arith.addi %add3A_226, %iota3A : vector<16xi32>
        %and3A_228 = arith.constant 31 : i32
        %and3A_229 = vector.broadcast %and3A_228 : i32 to vector<16xi32>
        %and3A_230 = arith.andi %add3A_227, %and3A_229 : vector<16xi32>
        %gather3A_231 = tpu.vector_load_idx %arg13[%add3A_169, %and3A_230] : memref<400x32xf32, #tpu.memory_space<vmem>>[vector<16xi32>, vector<16xi32>], vector<16xf32>,
        %gather3A_232 = tpu.vector_load_idx %arg14[%add3A_169, %and3A_230] : memref<400x32xf32, #tpu.memory_space<vmem>>[vector<16xi32>, vector<16xi32>], vector<16xf32>,
        %mul3A_233 = arith.mulf %gather3A_231, %gather3A_232 : vector<16xf32>
        %add3A_234 = arith.addf %add3A_194, %mul3A_233 : vector<16xf32>
        %add3A_235 = arith.constant 6 : i32
        %add3A_236 = vector.broadcast %add3A_235 : i32 to vector<16xi32>
        %add3A_237 = arith.addi %add3A_236, %iota3A : vector<16xi32>
        %and3A_238 = arith.constant 31 : i32
        %and3A_239 = vector.broadcast %and3A_238 : i32 to vector<16xi32>
        %and3A_240 = arith.andi %add3A_237, %and3A_239 : vector<16xi32>
        %gather3A_241 = tpu.vector_load_idx %arg13[%add3A_169, %and3A_240] : memref<400x32xf32, #tpu.memory_space<vmem>>[vector<16xi32>, vector<16xi32>], vector<16xf32>,
        %gather3A_242 = tpu.vector_load_idx %arg14[%add3A_169, %and3A_240] : memref<400x32xf32, #tpu.memory_space<vmem>>[vector<16xi32>, vector<16xi32>], vector<16xf32>,
        %mul3A_243 = arith.mulf %gather3A_241, %gather3A_242 : vector<16xf32>
        %add3A_244 = arith.addf %add3A_204, %mul3A_243 : vector<16xf32>
        %add3A_245 = arith.constant 7 : i32
        %add3A_246 = vector.broadcast %add3A_245 : i32 to vector<16xi32>
        %add3A_247 = arith.addi %add3A_246, %iota3A : vector<16xi32>
        %and3A_248 = arith.constant 31 : i32
        %and3A_249 = vector.broadcast %and3A_248 : i32 to vector<16xi32>
        %and3A_250 = arith.andi %add3A_247, %and3A_249 : vector<16xi32>
        %gather3A_251 = tpu.vector_load_idx %arg13[%add3A_169, %and3A_250] : memref<400x32xf32, #tpu.memory_space<vmem>>[vector<16xi32>, vector<16xi32>], vector<16xf32>,
        %gather3A_252 = tpu.vector_load_idx %arg14[%add3A_169, %and3A_250] : memref<400x32xf32, #tpu.memory_space<vmem>>[vector<16xi32>, vector<16xi32>], vector<16xf32>,
        %mul3A_253 = arith.mulf %gather3A_251, %gather3A_252 : vector<16xf32>
        %add3A_254 = arith.addf %add3A_214, %mul3A_253 : vector<16xf32>
        %add3A_255 = arith.constant 8 : i32
        %add3A_256 = vector.broadcast %add3A_255 : i32 to vector<16xi32>
        %add3A_257 = arith.addi %add3A_256, %iota3A : vector<16xi32>
        %and3A_258 = arith.constant 31 : i32
        %and3A_259 = vector.broadcast %and3A_258 : i32 to vector<16xi32>
        %and3A_260 = arith.andi %add3A_257, %and3A_259 : vector<16xi32>
        %gather3A_261 = tpu.vector_load_idx %arg13[%add3A_169, %and3A_260] : memref<400x32xf32, #tpu.memory_space<vmem>>[vector<16xi32>, vector<16xi32>], vector<16xf32>,
        %gather3A_262 = tpu.vector_load_idx %arg14[%add3A_169, %and3A_260] : memref<400x32xf32, #tpu.memory_space<vmem>>[vector<16xi32>, vector<16xi32>], vector<16xf32>,
        %mul3A_263 = arith.mulf %gather3A_261, %gather3A_262 : vector<16xf32>
        %add3A_264 = arith.addf %add3A_224, %mul3A_263 : vector<16xf32>
        %add3A_265 = arith.constant 9 : i32
        %add3A_266 = vector.broadcast %add3A_265 : i32 to vector<16xi32>
        %add3A_267 = arith.addi %add3A_266, %iota3A : vector<16xi32>
        %and3A_268 = arith.constant 31 : i32
        %and3A_269 = vector.broadcast %and3A_268 : i32 to vector<16xi32>
        %and3A_270 = arith.andi %add3A_267, %and3A_269 : vector<16xi32>
        %gather3A_271 = tpu.vector_load_idx %arg13[%add3A_169, %and3A_270] : memref<400x32xf32, #tpu.memory_space<vmem>>[vector<16xi32>, vector<16xi32>], vector<16xf32>,
        %gather3A_272 = tpu.vector_load_idx %arg14[%add3A_169, %and3A_270] : memref<400x32xf32, #tpu.memory_space<vmem>>[vector<16xi32>, vector<16xi32>], vector<16xf32>,
        %mul3A_273 = arith.mulf %gather3A_271, %gather3A_272 : vector<16xf32>
        %add3A_274 = arith.addf %add3A_234, %mul3A_273 : vector<16xf32>
        %add3A_275 = arith.constant 10 : i32
        %add3A_276 = vector.broadcast %add3A_275 : i32 to vector<16xi32>
        %add3A_277 = arith.addi %add3A_276, %iota3A : vector<16xi32>
        %and3A_278 = arith.constant 31 : i32
        %and3A_279 = vector.broadcast %and3A_278 : i32 to vector<16xi32>
        %and3A_280 = arith.andi %add3A_277, %and3A_279 : vector<16xi32>
        %gather3A_281 = tpu.vector_load_idx %arg13[%add3A_169, %and3A_280] : memref<400x32xf32, #tpu.memory_space<vmem>>[vector<16xi32>, vector<16xi32>], vector<16xf32>,
        %gather3A_282 = tpu.vector_load_idx %arg14[%add3A_169, %and3A_280] : memref<400x32xf32, #tpu.memory_space<vmem>>[vector<16xi32>, vector<16xi32>], vector<16xf32>,
        %mul3A_283 = arith.mulf %gather3A_281, %gather3A_282 : vector<16xf32>
        %add3A_284 = arith.addf %add3A_244, %mul3A_283 : vector<16xf32>
        %add3A_285 = arith.constant 11 : i32
        %add3A_286 = vector.broadcast %add3A_285 : i32 to vector<16xi32>
        %add3A_287 = arith.addi %add3A_286, %iota3A : vector<16xi32>
        %and3A_288 = arith.constant 31 : i32
        %and3A_289 = vector.broadcast %and3A_288 : i32 to vector<16xi32>
        %and3A_290 = arith.andi %add3A_287, %and3A_289 : vector<16xi32>
        %gather3A_291 = tpu.vector_load_idx %arg13[%add3A_169, %and3A_290] : memref<400x32xf32, #tpu.memory_space<vmem>>[vector<16xi32>, vector<16xi32>], vector<16xf32>,
        %gather3A_292 = tpu.vector_load_idx %arg14[%add3A_169, %and3A_290] : memref<400x32xf32, #tpu.memory_space<vmem>>[vector<16xi32>, vector<16xi32>], vector<16xf32>,
        %mul3A_293 = arith.mulf %gather3A_291, %gather3A_292 : vector<16xf32>
        %add3A_294 = arith.addf %add3A_254, %mul3A_293 : vector<16xf32>
        %add3A_295 = arith.constant 12 : i32
        %add3A_296 = vector.broadcast %add3A_295 : i32 to vector<16xi32>
        %add3A_297 = arith.addi %add3A_296, %iota3A : vector<16xi32>
        %and3A_298 = arith.constant 31 : i32
        %and3A_299 = vector.broadcast %and3A_298 : i32 to vector<16xi32>
        %and3A_300 = arith.andi %add3A_297, %and3A_299 : vector<16xi32>
        %gather3A_301 = tpu.vector_load_idx %arg13[%add3A_169, %and3A_300] : memref<400x32xf32, #tpu.memory_space<vmem>>[vector<16xi32>, vector<16xi32>], vector<16xf32>,
        %gather3A_302 = tpu.vector_load_idx %arg14[%add3A_169, %and3A_300] : memref<400x32xf32, #tpu.memory_space<vmem>>[vector<16xi32>, vector<16xi32>], vector<16xf32>,
        %mul3A_303 = arith.mulf %gather3A_301, %gather3A_302 : vector<16xf32>
        %add3A_304 = arith.addf %add3A_264, %mul3A_303 : vector<16xf32>
        %add3A_305 = arith.constant 13 : i32
        %add3A_306 = vector.broadcast %add3A_305 : i32 to vector<16xi32>
        %add3A_307 = arith.addi %add3A_306, %iota3A : vector<16xi32>
        %and3A_308 = arith.constant 31 : i32
        %and3A_309 = vector.broadcast %and3A_308 : i32 to vector<16xi32>
        %and3A_310 = arith.andi %add3A_307, %and3A_309 : vector<16xi32>
        %gather3A_311 = tpu.vector_load_idx %arg13[%add3A_169, %and3A_310] : memref<400x32xf32, #tpu.memory_space<vmem>>[vector<16xi32>, vector<16xi32>], vector<16xf32>,
        %gather3A_312 = tpu.vector_load_idx %arg14[%add3A_169, %and3A_310] : memref<400x32xf32, #tpu.memory_space<vmem>>[vector<16xi32>, vector<16xi32>], vector<16xf32>,
        %mul3A_313 = arith.mulf %gather3A_311, %gather3A_312 : vector<16xf32>
        %add3A_314 = arith.addf %add3A_274, %mul3A_313 : vector<16xf32>
        %add3A_315 = arith.constant 14 : i32
        %add3A_316 = vector.broadcast %add3A_315 : i32 to vector<16xi32>
        %add3A_317 = arith.addi %add3A_316, %iota3A : vector<16xi32>
        %and3A_318 = arith.constant 31 : i32
        %and3A_319 = vector.broadcast %and3A_318 : i32 to vector<16xi32>
        %and3A_320 = arith.andi %add3A_317, %and3A_319 : vector<16xi32>
        %gather3A_321 = tpu.vector_load_idx %arg13[%add3A_169, %and3A_320] : memref<400x32xf32, #tpu.memory_space<vmem>>[vector<16xi32>, vector<16xi32>], vector<16xf32>,
        %gather3A_322 = tpu.vector_load_idx %arg14[%add3A_169, %and3A_320] : memref<400x32xf32, #tpu.memory_space<vmem>>[vector<16xi32>, vector<16xi32>], vector<16xf32>,
        %mul3A_323 = arith.mulf %gather3A_321, %gather3A_322 : vector<16xf32>
        %add3A_324 = arith.addf %add3A_284, %mul3A_323 : vector<16xf32>
        %add3A_325 = arith.constant 15 : i32
        %add3A_326 = vector.broadcast %add3A_325 : i32 to vector<16xi32>
        %add3A_327 = arith.addi %add3A_326, %iota3A : vector<16xi32>
        %and3A_328 = arith.constant 31 : i32
        %and3A_329 = vector.broadcast %and3A_328 : i32 to vector<16xi32>
        %and3A_330 = arith.andi %add3A_327, %and3A_329 : vector<16xi32>
        %gather3A_331 = tpu.vector_load_idx %arg13[%add3A_169, %and3A_330] : memref<400x32xf32, #tpu.memory_space<vmem>>[vector<16xi32>, vector<16xi32>], vector<16xf32>,
        %gather3A_332 = tpu.vector_load_idx %arg14[%add3A_169, %and3A_330] : memref<400x32xf32, #tpu.memory_space<vmem>>[vector<16xi32>, vector<16xi32>], vector<16xf32>,
        %mul3A_333 = arith.mulf %gather3A_331, %gather3A_332 : vector<16xf32>
        %add3A_334 = arith.addf %add3A_294, %mul3A_333 : vector<16xf32>
        %add3A_335 = arith.constant 16 : i32
        %add3A_336 = vector.broadcast %add3A_335 : i32 to vector<16xi32>
        %add3A_337 = arith.addi %add3A_336, %iota3A : vector<16xi32>
        %and3A_338 = arith.constant 31 : i32
        %and3A_339 = vector.broadcast %and3A_338 : i32 to vector<16xi32>
        %and3A_340 = arith.andi %add3A_337, %and3A_339 : vector<16xi32>
        %gather3A_341 = tpu.vector_load_idx %arg13[%add3A_169, %and3A_340] : memref<400x32xf32, #tpu.memory_space<vmem>>[vector<16xi32>, vector<16xi32>], vector<16xf32>,
        %gather3A_342 = tpu.vector_load_idx %arg14[%add3A_169, %and3A_340] : memref<400x32xf32, #tpu.memory_space<vmem>>[vector<16xi32>, vector<16xi32>], vector<16xf32>,
        %mul3A_343 = arith.mulf %gather3A_341, %gather3A_342 : vector<16xf32>
        %add3A_344 = arith.addf %add3A_304, %mul3A_343 : vector<16xf32>
        %add3A_345 = arith.constant 17 : i32
        %add3A_346 = vector.broadcast %add3A_345 : i32 to vector<16xi32>
        %add3A_347 = arith.addi %add3A_346, %iota3A : vector<16xi32>
        %and3A_348 = arith.constant 31 : i32
        %and3A_349 = vector.broadcast %and3A_348 : i32 to vector<16xi32>
        %and3A_350 = arith.andi %add3A_347, %and3A_349 : vector<16xi32>
        %gather3A_351 = tpu.vector_load_idx %arg13[%add3A_169, %and3A_350] : memref<400x32xf32, #tpu.memory_space<vmem>>[vector<16xi32>, vector<16xi32>], vector<16xf32>,
        %gather3A_352 = tpu.vector_load_idx %arg14[%add3A_169, %and3A_350] : memref<400x32xf32, #tpu.memory_space<vmem>>[vector<16xi32>, vector<16xi32>], vector<16xf32>,
        %mul3A_353 = arith.mulf %gather3A_351, %gather3A_352 : vector<16xf32>
        %add3A_354 = arith.addf %add3A_314, %mul3A_353 : vector<16xf32>
        %add3A_355 = arith.constant 18 : i32
        %add3A_356 = vector.broadcast %add3A_355 : i32 to vector<16xi32>
        %add3A_357 = arith.addi %add3A_356, %iota3A : vector<16xi32>
        %and3A_358 = arith.constant 31 : i32
        %and3A_359 = vector.broadcast %and3A_358 : i32 to vector<16xi32>
        %and3A_360 = arith.andi %add3A_357, %and3A_359 : vector<16xi32>
        %gather3A_361 = tpu.vector_load_idx %arg13[%add3A_169, %and3A_360] : memref<400x32xf32, #tpu.memory_space<vmem>>[vector<16xi32>, vector<16xi32>], vector<16xf32>,
        %gather3A_362 = tpu.vector_load_idx %arg14[%add3A_169, %and3A_360] : memref<400x32xf32, #tpu.memory_space<vmem>>[vector<16xi32>, vector<16xi32>], vector<16xf32>,
        %mul3A_363 = arith.mulf %gather3A_361, %gather3A_362 : vector<16xf32>
        %add3A_364 = arith.addf %add3A_324, %mul3A_363 : vector<16xf32>
        %add3A_365 = arith.constant 19 : i32
        %add3A_366 = vector.broadcast %add3A_365 : i32 to vector<16xi32>
        %add3A_367 = arith.addi %add3A_366, %iota3A : vector<16xi32>
        %and3A_368 = arith.constant 31 : i32
        %and3A_369 = vector.broadcast %and3A_368 : i32 to vector<16xi32>
        %and3A_370 = arith.andi %add3A_367, %and3A_369 : vector<16xi32>
        %gather3A_371 = tpu.vector_load_idx %arg13[%add3A_169, %and3A_370] : memref<400x32xf32, #tpu.memory_space<vmem>>[vector<16xi32>, vector<16xi32>], vector<16xf32>,
        %gather3A_372 = tpu.vector_load_idx %arg14[%add3A_169, %and3A_370] : memref<400x32xf32, #tpu.memory_space<vmem>>[vector<16xi32>, vector<16xi32>], vector<16xf32>,
        %mul3A_373 = arith.mulf %gather3A_371, %gather3A_372 : vector<16xf32>
        %add3A_374 = arith.addf %add3A_334, %mul3A_373 : vector<16xf32>
        %add3A_375 = arith.constant 20 : i32
        %add3A_376 = vector.broadcast %add3A_375 : i32 to vector<16xi32>
        %add3A_377 = arith.addi %add3A_376, %iota3A : vector<16xi32>
        %and3A_378 = arith.constant 31 : i32
        %and3A_379 = vector.broadcast %and3A_378 : i32 to vector<16xi32>
        %and3A_380 = arith.andi %add3A_377, %and3A_379 : vector<16xi32>
        %gather3A_381 = tpu.vector_load_idx %arg13[%add3A_169, %and3A_380] : memref<400x32xf32, #tpu.memory_space<vmem>>[vector<16xi32>, vector<16xi32>], vector<16xf32>,
        %gather3A_382 = tpu.vector_load_idx %arg14[%add3A_169, %and3A_380] : memref<400x32xf32, #tpu.memory_space<vmem>>[vector<16xi32>, vector<16xi32>], vector<16xf32>,
        %mul3A_383 = arith.mulf %gather3A_381, %gather3A_382 : vector<16xf32>
        %add3A_384 = arith.addf %add3A_344, %mul3A_383 : vector<16xf32>
        %add3A_385 = arith.constant 21 : i32
        %add3A_386 = vector.broadcast %add3A_385 : i32 to vector<16xi32>
        %add3A_387 = arith.addi %add3A_386, %iota3A : vector<16xi32>
        %and3A_388 = arith.constant 31 : i32
        %and3A_389 = vector.broadcast %and3A_388 : i32 to vector<16xi32>
        %and3A_390 = arith.andi %add3A_387, %and3A_389 : vector<16xi32>
        %gather3A_391 = tpu.vector_load_idx %arg13[%add3A_169, %and3A_390] : memref<400x32xf32, #tpu.memory_space<vmem>>[vector<16xi32>, vector<16xi32>], vector<16xf32>,
        %gather3A_392 = tpu.vector_load_idx %arg14[%add3A_169, %and3A_390] : memref<400x32xf32, #tpu.memory_space<vmem>>[vector<16xi32>, vector<16xi32>], vector<16xf32>,
        %mul3A_393 = arith.mulf %gather3A_391, %gather3A_392 : vector<16xf32>
        %add3A_394 = arith.addf %add3A_354, %mul3A_393 : vector<16xf32>
        %add3A_395 = arith.constant 22 : i32
        %add3A_396 = vector.broadcast %add3A_395 : i32 to vector<16xi32>
        %add3A_397 = arith.addi %add3A_396, %iota3A : vector<16xi32>
        %and3A_398 = arith.constant 31 : i32
        %and3A_399 = vector.broadcast %and3A_398 : i32 to vector<16xi32>
        %and3A_400 = arith.andi %add3A_397, %and3A_399 : vector<16xi32>
        %gather3A_401 = tpu.vector_load_idx %arg13[%add3A_169, %and3A_400] : memref<400x32xf32, #tpu.memory_space<vmem>>[vector<16xi32>, vector<16xi32>], vector<16xf32>,
        %gather3A_402 = tpu.vector_load_idx %arg14[%add3A_169, %and3A_400] : memref<400x32xf32, #tpu.memory_space<vmem>>[vector<16xi32>, vector<16xi32>], vector<16xf32>,
        %mul3A_403 = arith.mulf %gather3A_401, %gather3A_402 : vector<16xf32>
        %add3A_404 = arith.addf %add3A_364, %mul3A_403 : vector<16xf32>
        %add3A_405 = arith.constant 23 : i32
        %add3A_406 = vector.broadcast %add3A_405 : i32 to vector<16xi32>
        %add3A_407 = arith.addi %add3A_406, %iota3A : vector<16xi32>
        %and3A_408 = arith.constant 31 : i32
        %and3A_409 = vector.broadcast %and3A_408 : i32 to vector<16xi32>
        %and3A_410 = arith.andi %add3A_407, %and3A_409 : vector<16xi32>
        %gather3A_411 = tpu.vector_load_idx %arg13[%add3A_169, %and3A_410] : memref<400x32xf32, #tpu.memory_space<vmem>>[vector<16xi32>, vector<16xi32>], vector<16xf32>,
        %gather3A_412 = tpu.vector_load_idx %arg14[%add3A_169, %and3A_410] : memref<400x32xf32, #tpu.memory_space<vmem>>[vector<16xi32>, vector<16xi32>], vector<16xf32>,
        %mul3A_413 = arith.mulf %gather3A_411, %gather3A_412 : vector<16xf32>
        %add3A_414 = arith.addf %add3A_374, %mul3A_413 : vector<16xf32>
        %add3A_415 = arith.constant 24 : i32
        %add3A_416 = vector.broadcast %add3A_415 : i32 to vector<16xi32>
        %add3A_417 = arith.addi %add3A_416, %iota3A : vector<16xi32>
        %and3A_418 = arith.constant 31 : i32
        %and3A_419 = vector.broadcast %and3A_418 : i32 to vector<16xi32>
        %and3A_420 = arith.andi %add3A_417, %and3A_419 : vector<16xi32>
        %gather3A_421 = tpu.vector_load_idx %arg13[%add3A_169, %and3A_420] : memref<400x32xf32, #tpu.memory_space<vmem>>[vector<16xi32>, vector<16xi32>], vector<16xf32>,
        %gather3A_422 = tpu.vector_load_idx %arg14[%add3A_169, %and3A_420] : memref<400x32xf32, #tpu.memory_space<vmem>>[vector<16xi32>, vector<16xi32>], vector<16xf32>,
        %mul3A_423 = arith.mulf %gather3A_421, %gather3A_422 : vector<16xf32>
        %add3A_424 = arith.addf %add3A_384, %mul3A_423 : vector<16xf32>
        %add3A_425 = arith.constant 25 : i32
        %add3A_426 = vector.broadcast %add3A_425 : i32 to vector<16xi32>
        %add3A_427 = arith.addi %add3A_426, %iota3A : vector<16xi32>
        %and3A_428 = arith.constant 31 : i32
        %and3A_429 = vector.broadcast %and3A_428 : i32 to vector<16xi32>
        %and3A_430 = arith.andi %add3A_427, %and3A_429 : vector<16xi32>
        %gather3A_431 = tpu.vector_load_idx %arg13[%add3A_169, %and3A_430] : memref<400x32xf32, #tpu.memory_space<vmem>>[vector<16xi32>, vector<16xi32>], vector<16xf32>,
        %gather3A_432 = tpu.vector_load_idx %arg14[%add3A_169, %and3A_430] : memref<400x32xf32, #tpu.memory_space<vmem>>[vector<16xi32>, vector<16xi32>], vector<16xf32>,
        %mul3A_433 = arith.mulf %gather3A_431, %gather3A_432 : vector<16xf32>
        %add3A_434 = arith.addf %add3A_394, %mul3A_433 : vector<16xf32>
        %add3A_435 = arith.constant 26 : i32
        %add3A_436 = vector.broadcast %add3A_435 : i32 to vector<16xi32>
        %add3A_437 = arith.addi %add3A_436, %iota3A : vector<16xi32>
        %and3A_438 = arith.constant 31 : i32
        %and3A_439 = vector.broadcast %and3A_438 : i32 to vector<16xi32>
        %and3A_440 = arith.andi %add3A_437, %and3A_439 : vector<16xi32>
        %gather3A_441 = tpu.vector_load_idx %arg13[%add3A_169, %and3A_440] : memref<400x32xf32, #tpu.memory_space<vmem>>[vector<16xi32>, vector<16xi32>], vector<16xf32>,
        %gather3A_442 = tpu.vector_load_idx %arg14[%add3A_169, %and3A_440] : memref<400x32xf32, #tpu.memory_space<vmem>>[vector<16xi32>, vector<16xi32>], vector<16xf32>,
        %mul3A_443 = arith.mulf %gather3A_441, %gather3A_442 : vector<16xf32>
        %add3A_444 = arith.addf %add3A_404, %mul3A_443 : vector<16xf32>
        %add3A_445 = arith.constant 27 : i32
        %add3A_446 = vector.broadcast %add3A_445 : i32 to vector<16xi32>
        %add3A_447 = arith.addi %add3A_446, %iota3A : vector<16xi32>
        %and3A_448 = arith.constant 31 : i32
        %and3A_449 = vector.broadcast %and3A_448 : i32 to vector<16xi32>
        %and3A_450 = arith.andi %add3A_447, %and3A_449 : vector<16xi32>
        %gather3A_451 = tpu.vector_load_idx %arg13[%add3A_169, %and3A_450] : memref<400x32xf32, #tpu.memory_space<vmem>>[vector<16xi32>, vector<16xi32>], vector<16xf32>,
        %gather3A_452 = tpu.vector_load_idx %arg14[%add3A_169, %and3A_450] : memref<400x32xf32, #tpu.memory_space<vmem>>[vector<16xi32>, vector<16xi32>], vector<16xf32>,
        %mul3A_453 = arith.mulf %gather3A_451, %gather3A_452 : vector<16xf32>
        %add3A_454 = arith.addf %add3A_414, %mul3A_453 : vector<16xf32>
        %add3A_455 = arith.constant 28 : i32
        %add3A_456 = vector.broadcast %add3A_455 : i32 to vector<16xi32>
        %add3A_457 = arith.addi %add3A_456, %iota3A : vector<16xi32>
        %and3A_458 = arith.constant 31 : i32
        %and3A_459 = vector.broadcast %and3A_458 : i32 to vector<16xi32>
        %and3A_460 = arith.andi %add3A_457, %and3A_459 : vector<16xi32>
        %gather3A_461 = tpu.vector_load_idx %arg13[%add3A_169, %and3A_460] : memref<400x32xf32, #tpu.memory_space<vmem>>[vector<16xi32>, vector<16xi32>], vector<16xf32>,
        %gather3A_462 = tpu.vector_load_idx %arg14[%add3A_169, %and3A_460] : memref<400x32xf32, #tpu.memory_space<vmem>>[vector<16xi32>, vector<16xi32>], vector<16xf32>,
        %mul3A_463 = arith.mulf %gather3A_461, %gather3A_462 : vector<16xf32>
        %add3A_464 = arith.addf %add3A_424, %mul3A_463 : vector<16xf32>
        %add3A_465 = arith.constant 29 : i32
        %add3A_466 = vector.broadcast %add3A_465 : i32 to vector<16xi32>
        %add3A_467 = arith.addi %add3A_466, %iota3A : vector<16xi32>
        %and3A_468 = arith.constant 31 : i32
        %and3A_469 = vector.broadcast %and3A_468 : i32 to vector<16xi32>
        %and3A_470 = arith.andi %add3A_467, %and3A_469 : vector<16xi32>
        %gather3A_471 = tpu.vector_load_idx %arg13[%add3A_169, %and3A_470] : memref<400x32xf32, #tpu.memory_space<vmem>>[vector<16xi32>, vector<16xi32>], vector<16xf32>,
        %gather3A_472 = tpu.vector_load_idx %arg14[%add3A_169, %and3A_470] : memref<400x32xf32, #tpu.memory_space<vmem>>[vector<16xi32>, vector<16xi32>], vector<16xf32>,
        %mul3A_473 = arith.mulf %gather3A_471, %gather3A_472 : vector<16xf32>
        %add3A_474 = arith.addf %add3A_434, %mul3A_473 : vector<16xf32>
        %add3A_475 = arith.constant 30 : i32
        %add3A_476 = vector.broadcast %add3A_475 : i32 to vector<16xi32>
        %add3A_477 = arith.addi %add3A_476, %iota3A : vector<16xi32>
        %and3A_478 = arith.constant 31 : i32
        %and3A_479 = vector.broadcast %and3A_478 : i32 to vector<16xi32>
        %and3A_480 = arith.andi %add3A_477, %and3A_479 : vector<16xi32>
        %gather3A_481 = tpu.vector_load_idx %arg13[%add3A_169, %and3A_480] : memref<400x32xf32, #tpu.memory_space<vmem>>[vector<16xi32>, vector<16xi32>], vector<16xf32>,
        %gather3A_482 = tpu.vector_load_idx %arg14[%add3A_169, %and3A_480] : memref<400x32xf32, #tpu.memory_space<vmem>>[vector<16xi32>, vector<16xi32>], vector<16xf32>,
        %mul3A_483 = arith.mulf %gather3A_481, %gather3A_482 : vector<16xf32>
        %add3A_484 = arith.addf %add3A_444, %mul3A_483 : vector<16xf32>
        %add3A_485 = arith.constant 31 : i32
        %add3A_486 = vector.broadcast %add3A_485 : i32 to vector<16xi32>
        %add3A_487 = arith.addi %add3A_486, %iota3A : vector<16xi32>
        %and3A_488 = arith.constant 31 : i32
        %and3A_489 = vector.broadcast %and3A_488 : i32 to vector<16xi32>
        %and3A_490 = arith.andi %add3A_487, %and3A_489 : vector<16xi32>
        %gather3A_491 = tpu.vector_load_idx %arg13[%add3A_169, %and3A_490] : memref<400x32xf32, #tpu.memory_space<vmem>>[vector<16xi32>, vector<16xi32>], vector<16xf32>,
        %gather3A_492 = tpu.vector_load_idx %arg14[%add3A_169, %and3A_490] : memref<400x32xf32, #tpu.memory_space<vmem>>[vector<16xi32>, vector<16xi32>], vector<16xf32>,
        %mul3A_493 = arith.mulf %gather3A_491, %gather3A_492 : vector<16xf32>
        %add3A_494 = arith.addf %add3A_454, %mul3A_493 : vector<16xf32>
        %add3A_495 = arith.addf %add3A_464, %add3A_474 : vector<16xf32>
        %add3A_496 = arith.addf %add3A_484, %add3A_494 : vector<16xf32>
        %add3A_497 = arith.addf %add3A_495, %add3A_496 : vector<16xf32>
        %mul3A_498 = arith.constant 16 : i32
        %mul3A_499 = arith.muli %scan3A_164, %mul3A_498 : i32
        %swap3A = arith.index_cast %mul3A_499 : i32 to index
        %swap3A_500 = tpu.vector_load %arg17[%swap3A] {strides = array<i32>} : memref<400xf32, #tpu.memory_space<vmem>>, vector<16xf32>,
        tpu.vector_store %arg17[%swap3A], %add3A_497 {strides = array<i32>} : memref<400xf32, #tpu.memory_space<vmem>>, vector<16xf32>,
        %scan3A_501 = arith.constant 0 : i32
        scf.yield %scan3A_501 : i32
      }
      %scan3A_113 = arith.constant 25 : i32
      %mul3A_114 = arith.constant 50 : i32
      %mul3A_115 = arith.muli %arg1, %mul3A_114 : i32
      %add3A_116 = arith.addi %mul3A_115, %mul3A_79 : i32
      %mul3A_117 = arith.constant 400 : i32
      %mul3A_118 = arith.muli %add3A_116, %mul3A_117 : i32
      %add3A_119 = arith.constant 0 : i32
      %add3A_120 = arith.addi %add3A_119, %mul3A_118 : i32
      %dma_start3A_121 = tpu.memref_slice %arg7[%arg0, %add3A_120] : memref<2x371200xf32, #tpu.memory_space<hbm>> -> memref<1x400xf32, #tpu.memory_space<hbm>>
      %dma_start3A_122 = tpu.memref_squeeze %dma_start3A_121 : memref<1x400xf32, #tpu.memory_space<hbm>> -> memref<400xf32, #tpu.memory_space<hbm>>
      %dma_start3A_123 = tpu.memref_slice %arg7[%arg0, %add3A_120] : memref<2x371200xf32, #tpu.memory_space<hbm>> -> memref<1x400xf32, #tpu.memory_space<hbm>>
      %dma_start3A_124 = tpu.memref_squeeze %dma_start3A_123 : memref<1x400xf32, #tpu.memory_space<hbm>> -> memref<400xf32, #tpu.memory_space<hbm>>
      tpu.enqueue_dma source(%arg17 : memref<400xf32, #tpu.memory_space<vmem>>) target(%dma_start3A_124 : memref<400xf32, #tpu.memory_space<hbm>>) target_semaphore(%arg21 : memref<!tpu.dma_semaphore, #tpu.memory_space<semaphore_mem>>)
      %add3A_125 = arith.constant 1 : i32
      %add3A_126 = arith.addi %mul3A_79, %add3A_125 : i32
      %dma_wait3A_127 = arith.constant 0 : i32
      %dma_wait3A_128 = tpu.memref_slice %arg9[%add3A_126, %dma_wait3A_127] : memref<50x400xi32, #tpu.memory_space<vmem>> -> memref<1x400xi32, #tpu.memory_space<vmem>>
      %dma_wait3A_129 = tpu.memref_squeeze %dma_wait3A_128 : memref<1x400xi32, #tpu.memory_space<vmem>> -> memref<400xi32, #tpu.memory_space<vmem>>
      %dma_wait3A_130 = arith.constant 0 : i32
      %dma_wait3A_131 = arith.constant 0 : i32
      %dma_wait3A_132 = tpu.memref_slice %arg8[%dma_wait3A_130, %dma_wait3A_131] : memref<10000x32xf32, #tpu.memory_space<vmem_shared>> -> memref<10000x32xf32, #tpu.memory_space<vmem_shared>>
      tpu.wait_indirect_dma semaphore(%arg20 : memref<!tpu.dma_semaphore, #tpu.memory_space<semaphore_mem>>) src(%dma_wait3A_132 : memref<10000x32xf32, #tpu.memory_space<vmem_shared>>) dst(%arg15 : memref<400x32xf32, #tpu.memory_space<vmem>>)
      %dma_wait3A_133 = arith.constant 0 : i32
      %dma_wait3A_134 = tpu.memref_slice %arg10[%add3A_126, %dma_wait3A_133] : memref<50x400xi32, #tpu.memory_space<vmem>> -> memref<1x400xi32, #tpu.memory_space<vmem>>
      %dma_wait3A_135 = tpu.memref_squeeze %dma_wait3A_134 : memref<1x400xi32, #tpu.memory_space<vmem>> -> memref<400xi32, #tpu.memory_space<vmem>>
      %dma_wait3A_136 = arith.constant 0 : i32
      %dma_wait3A_137 = arith.constant 0 : i32
      %dma_wait3A_138 = tpu.memref_slice %arg8[%dma_wait3A_136, %dma_wait3A_137] : memref<10000x32xf32, #tpu.memory_space<vmem_shared>> -> memref<10000x32xf32, #tpu.memory_space<vmem_shared>>
      tpu.wait_indirect_dma semaphore(%arg20 : memref<!tpu.dma_semaphore, #tpu.memory_space<semaphore_mem>>) src(%dma_wait3A_138 : memref<10000x32xf32, #tpu.memory_space<vmem_shared>>) dst(%arg16 : memref<400x32xf32, #tpu.memory_space<vmem>>)
      %add3A_139 = arith.constant 2 : i32
      %add3A_140 = arith.addi %mul3A_79, %add3A_139 : i32
      %lt3A = arith.constant 50 : i32
      %lt3A_141 = arith.cmpi slt, %add3A_140, %lt3A : i32
      %convert_element_type3A_142 = arith.extui %lt3A_141 : i1 to i32
      %cond3A_143 = arith.constant 0 : i32
      %cond3A_144 = arith.cmpi ne, %convert_element_type3A_142, %cond3A_143 : i32
      scf.if %cond3A_144 {
        %add3A_164 = arith.constant 2 : i32
        %add3A_165 = arith.addi %mul3A_79, %add3A_164 : i32
        %dma_start3A_166 = arith.constant 0 : i32
        %dma_start3A_167 = tpu.memref_slice %arg9[%add3A_165, %dma_start3A_166] : memref<50x400xi32, #tpu.memory_space<vmem>> -> memref<1x400xi32, #tpu.memory_space<vmem>>
        %dma_start3A_168 = tpu.memref_squeeze %dma_start3A_167 : memref<1x400xi32, #tpu.memory_space<vmem>> -> memref<400xi32, #tpu.memory_space<vmem>>
        %dma_start3A_169 = arith.constant 0 : i32
        %dma_start3A_170 = arith.constant 0 : i32
        %dma_start3A_171 = tpu.memref_slice %arg8[%dma_start3A_169, %dma_start3A_170] : memref<10000x32xf32, #tpu.memory_space<vmem_shared>> -> memref<10000x32xf32, #tpu.memory_space<vmem_shared>>
        tpu.enqueue_indirect_dma source(%dma_start3A_171 : memref<10000x32xf32, #tpu.memory_space<vmem_shared>>) target(%arg13 : memref<400x32xf32, #tpu.memory_space<vmem>>) offsets(%dma_start3A_168 : memref<400xi32, #tpu.memory_space<vmem>>) semaphore(%arg19 : memref<!tpu.dma_semaphore, #tpu.memory_space<semaphore_mem>>)
        %dma_start3A_172 = arith.constant 0 : i32
        %dma_start3A_173 = tpu.memref_slice %arg10[%add3A_165, %dma_start3A_172] : memref<50x400xi32, #tpu.memory_space<vmem>> -> memref<1x400xi32, #tpu.memory_space<vmem>>
        %dma_start3A_174 = tpu.memref_squeeze %dma_start3A_173 : memref<1x400xi32, #tpu.memory_space<vmem>> -> memref<400xi32, #tpu.memory_space<vmem>>
        %dma_start3A_175 = arith.constant 0 : i32
        %dma_start3A_176 = arith.constant 0 : i32
        %dma_start3A_177 = tpu.memref_slice %arg8[%dma_start3A_175, %dma_start3A_176] : memref<10000x32xf32, #tpu.memory_space<vmem_shared>> -> memref<10000x32xf32, #tpu.memory_space<vmem_shared>>
        tpu.enqueue_indirect_dma source(%dma_start3A_177 : memref<10000x32xf32, #tpu.memory_space<vmem_shared>>) target(%arg14 : memref<400x32xf32, #tpu.memory_space<vmem>>) offsets(%dma_start3A_174 : memref<400xi32, #tpu.memory_space<vmem>>) semaphore(%arg19 : memref<!tpu.dma_semaphore, #tpu.memory_space<semaphore_mem>>)
      } else {
      }
      %gt3A_145 = arith.constant 0 : i32
      %gt3A_146 = arith.cmpi sgt, %scan3A_76, %gt3A_145 : i32
      %convert_element_type3A_147 = arith.extui %gt3A_146 : i1 to i32
      %cond3A_148 = arith.constant 0 : i32
      %cond3A_149 = arith.cmpi ne, %convert_element_type3A_147, %cond3A_148 : i32
      scf.if %cond3A_149 {
        %dma_wait3A_164 = arith.constant 0 : i32
        %dma_wait3A_165 = tpu.memref_slice %arg7[%arg0, %dma_wait3A_164] : memref<2x371200xf32, #tpu.memory_space<hbm>> -> memref<1x400xf32, #tpu.memory_space<hbm>>
        %dma_wait3A_166 = tpu.memref_squeeze %dma_wait3A_165 : memref<1x400xf32, #tpu.memory_space<hbm>> -> memref<400xf32, #tpu.memory_space<hbm>>
        %dma_wait3A_167 = arith.constant 0 : i32
        %dma_wait3A_168 = tpu.memref_slice %arg7[%arg0, %dma_wait3A_167] : memref<2x371200xf32, #tpu.memory_space<hbm>> -> memref<1x400xf32, #tpu.memory_space<hbm>>
        %dma_wait3A_169 = tpu.memref_squeeze %dma_wait3A_168 : memref<1x400xf32, #tpu.memory_space<hbm>> -> memref<400xf32, #tpu.memory_space<hbm>>
        tpu.wait_dma2 semaphore(%arg22 : memref<!tpu.dma_semaphore, #tpu.memory_space<semaphore_mem>>) src(%arg18 : memref<400xf32, #tpu.memory_space<vmem>>) dst(%dma_wait3A_169 : memref<400xf32, #tpu.memory_space<hbm>>)
      } else {
      }
      %scan3A_150 = arith.constant 0 : i32
      %scan3A_151 = arith.constant 0 : i32
      %scan3A_152 = arith.constant 25 : i32
      %scan3A_153 = arith.addi %scan3A_151, %scan3A_152 : i32
      %scan3A_154 = arith.constant 1 : i32
      %scan3A_155 = scf.for %scan3A_164 = %scan3A_151 to %scan3A_153 step %scan3A_154 iter_args(%scan3A_165 = %scan3A_150) -> (i32)  : i32 {
        %mul3A_166 = arith.constant 16 : i32
        %mul3A_167 = arith.muli %scan3A_164, %mul3A_166 : i32
        %add3A_168 = vector.broadcast %mul3A_167 : i32 to vector<16xi32>
        %add3A_169 = arith.addi %add3A_168, %iota3A : vector<16xi32>
        %broadcast_in_dim3A = arith.constant 0.000000e+00 : f32
        %broadcast_in_dim3A_170 = vector.broadcast %broadcast_in_dim3A : f32 to vector<16xf32>
        %broadcast_in_dim3A_171 = arith.constant 0.000000e+00 : f32
        %broadcast_in_dim3A_172 = vector.broadcast %broadcast_in_dim3A_171 : f32 to vector<16xf32>
        %broadcast_in_dim3A_173 = arith.constant 0.000000e+00 : f32
        %broadcast_in_dim3A_174 = vector.broadcast %broadcast_in_dim3A_173 : f32 to vector<16xf32>
        %broadcast_in_dim3A_175 = arith.constant 0.000000e+00 : f32
        %broadcast_in_dim3A_176 = vector.broadcast %broadcast_in_dim3A_175 : f32 to vector<16xf32>
        %add3A_177 = arith.constant 0 : i32
        %add3A_178 = vector.broadcast %add3A_177 : i32 to vector<16xi32>
        %add3A_179 = arith.addi %add3A_178, %iota3A : vector<16xi32>
        %and3A = arith.constant 31 : i32
        %and3A_180 = vector.broadcast %and3A : i32 to vector<16xi32>
        %and3A_181 = arith.andi %add3A_179, %and3A_180 : vector<16xi32>
        %gather3A = tpu.vector_load_idx %arg15[%add3A_169, %and3A_181] : memref<400x32xf32, #tpu.memory_space<vmem>>[vector<16xi32>, vector<16xi32>], vector<16xf32>,
        %gather3A_182 = tpu.vector_load_idx %arg16[%add3A_169, %and3A_181] : memref<400x32xf32, #tpu.memory_space<vmem>>[vector<16xi32>, vector<16xi32>], vector<16xf32>,
        %mul3A_183 = arith.mulf %gather3A, %gather3A_182 : vector<16xf32>
        %add3A_184 = arith.addf %broadcast_in_dim3A_170, %mul3A_183 : vector<16xf32>
        %add3A_185 = arith.constant 1 : i32
        %add3A_186 = vector.broadcast %add3A_185 : i32 to vector<16xi32>
        %add3A_187 = arith.addi %add3A_186, %iota3A : vector<16xi32>
        %and3A_188 = arith.constant 31 : i32
        %and3A_189 = vector.broadcast %and3A_188 : i32 to vector<16xi32>
        %and3A_190 = arith.andi %add3A_187, %and3A_189 : vector<16xi32>
        %gather3A_191 = tpu.vector_load_idx %arg15[%add3A_169, %and3A_190] : memref<400x32xf32, #tpu.memory_space<vmem>>[vector<16xi32>, vector<16xi32>], vector<16xf32>,
        %gather3A_192 = tpu.vector_load_idx %arg16[%add3A_169, %and3A_190] : memref<400x32xf32, #tpu.memory_space<vmem>>[vector<16xi32>, vector<16xi32>], vector<16xf32>,
        %mul3A_193 = arith.mulf %gather3A_191, %gather3A_192 : vector<16xf32>
        %add3A_194 = arith.addf %broadcast_in_dim3A_172, %mul3A_193 : vector<16xf32>
        %add3A_195 = arith.constant 2 : i32
        %add3A_196 = vector.broadcast %add3A_195 : i32 to vector<16xi32>
        %add3A_197 = arith.addi %add3A_196, %iota3A : vector<16xi32>
        %and3A_198 = arith.constant 31 : i32
        %and3A_199 = vector.broadcast %and3A_198 : i32 to vector<16xi32>
        %and3A_200 = arith.andi %add3A_197, %and3A_199 : vector<16xi32>
        %gather3A_201 = tpu.vector_load_idx %arg15[%add3A_169, %and3A_200] : memref<400x32xf32, #tpu.memory_space<vmem>>[vector<16xi32>, vector<16xi32>], vector<16xf32>,
        %gather3A_202 = tpu.vector_load_idx %arg16[%add3A_169, %and3A_200] : memref<400x32xf32, #tpu.memory_space<vmem>>[vector<16xi32>, vector<16xi32>], vector<16xf32>,
        %mul3A_203 = arith.mulf %gather3A_201, %gather3A_202 : vector<16xf32>
        %add3A_204 = arith.addf %broadcast_in_dim3A_174, %mul3A_203 : vector<16xf32>
        %add3A_205 = arith.constant 3 : i32
        %add3A_206 = vector.broadcast %add3A_205 : i32 to vector<16xi32>
        %add3A_207 = arith.addi %add3A_206, %iota3A : vector<16xi32>
        %and3A_208 = arith.constant 31 : i32
        %and3A_209 = vector.broadcast %and3A_208 : i32 to vector<16xi32>
        %and3A_210 = arith.andi %add3A_207, %and3A_209 : vector<16xi32>
        %gather3A_211 = tpu.vector_load_idx %arg15[%add3A_169, %and3A_210] : memref<400x32xf32, #tpu.memory_space<vmem>>[vector<16xi32>, vector<16xi32>], vector<16xf32>,
        %gather3A_212 = tpu.vector_load_idx %arg16[%add3A_169, %and3A_210] : memref<400x32xf32, #tpu.memory_space<vmem>>[vector<16xi32>, vector<16xi32>], vector<16xf32>,
        %mul3A_213 = arith.mulf %gather3A_211, %gather3A_212 : vector<16xf32>
        %add3A_214 = arith.addf %broadcast_in_dim3A_176, %mul3A_213 : vector<16xf32>
        %add3A_215 = arith.constant 4 : i32
        %add3A_216 = vector.broadcast %add3A_215 : i32 to vector<16xi32>
        %add3A_217 = arith.addi %add3A_216, %iota3A : vector<16xi32>
        %and3A_218 = arith.constant 31 : i32
        %and3A_219 = vector.broadcast %and3A_218 : i32 to vector<16xi32>
        %and3A_220 = arith.andi %add3A_217, %and3A_219 : vector<16xi32>
        %gather3A_221 = tpu.vector_load_idx %arg15[%add3A_169, %and3A_220] : memref<400x32xf32, #tpu.memory_space<vmem>>[vector<16xi32>, vector<16xi32>], vector<16xf32>,
        %gather3A_222 = tpu.vector_load_idx %arg16[%add3A_169, %and3A_220] : memref<400x32xf32, #tpu.memory_space<vmem>>[vector<16xi32>, vector<16xi32>], vector<16xf32>,
        %mul3A_223 = arith.mulf %gather3A_221, %gather3A_222 : vector<16xf32>
        %add3A_224 = arith.addf %add3A_184, %mul3A_223 : vector<16xf32>
        %add3A_225 = arith.constant 5 : i32
        %add3A_226 = vector.broadcast %add3A_225 : i32 to vector<16xi32>
        %add3A_227 = arith.addi %add3A_226, %iota3A : vector<16xi32>
        %and3A_228 = arith.constant 31 : i32
        %and3A_229 = vector.broadcast %and3A_228 : i32 to vector<16xi32>
        %and3A_230 = arith.andi %add3A_227, %and3A_229 : vector<16xi32>
        %gather3A_231 = tpu.vector_load_idx %arg15[%add3A_169, %and3A_230] : memref<400x32xf32, #tpu.memory_space<vmem>>[vector<16xi32>, vector<16xi32>], vector<16xf32>,
        %gather3A_232 = tpu.vector_load_idx %arg16[%add3A_169, %and3A_230] : memref<400x32xf32, #tpu.memory_space<vmem>>[vector<16xi32>, vector<16xi32>], vector<16xf32>,
        %mul3A_233 = arith.mulf %gather3A_231, %gather3A_232 : vector<16xf32>
        %add3A_234 = arith.addf %add3A_194, %mul3A_233 : vector<16xf32>
        %add3A_235 = arith.constant 6 : i32
        %add3A_236 = vector.broadcast %add3A_235 : i32 to vector<16xi32>
        %add3A_237 = arith.addi %add3A_236, %iota3A : vector<16xi32>
        %and3A_238 = arith.constant 31 : i32
        %and3A_239 = vector.broadcast %and3A_238 : i32 to vector<16xi32>
        %and3A_240 = arith.andi %add3A_237, %and3A_239 : vector<16xi32>
        %gather3A_241 = tpu.vector_load_idx %arg15[%add3A_169, %and3A_240] : memref<400x32xf32, #tpu.memory_space<vmem>>[vector<16xi32>, vector<16xi32>], vector<16xf32>,
        %gather3A_242 = tpu.vector_load_idx %arg16[%add3A_169, %and3A_240] : memref<400x32xf32, #tpu.memory_space<vmem>>[vector<16xi32>, vector<16xi32>], vector<16xf32>,
        %mul3A_243 = arith.mulf %gather3A_241, %gather3A_242 : vector<16xf32>
        %add3A_244 = arith.addf %add3A_204, %mul3A_243 : vector<16xf32>
        %add3A_245 = arith.constant 7 : i32
        %add3A_246 = vector.broadcast %add3A_245 : i32 to vector<16xi32>
        %add3A_247 = arith.addi %add3A_246, %iota3A : vector<16xi32>
        %and3A_248 = arith.constant 31 : i32
        %and3A_249 = vector.broadcast %and3A_248 : i32 to vector<16xi32>
        %and3A_250 = arith.andi %add3A_247, %and3A_249 : vector<16xi32>
        %gather3A_251 = tpu.vector_load_idx %arg15[%add3A_169, %and3A_250] : memref<400x32xf32, #tpu.memory_space<vmem>>[vector<16xi32>, vector<16xi32>], vector<16xf32>,
        %gather3A_252 = tpu.vector_load_idx %arg16[%add3A_169, %and3A_250] : memref<400x32xf32, #tpu.memory_space<vmem>>[vector<16xi32>, vector<16xi32>], vector<16xf32>,
        %mul3A_253 = arith.mulf %gather3A_251, %gather3A_252 : vector<16xf32>
        %add3A_254 = arith.addf %add3A_214, %mul3A_253 : vector<16xf32>
        %add3A_255 = arith.constant 8 : i32
        %add3A_256 = vector.broadcast %add3A_255 : i32 to vector<16xi32>
        %add3A_257 = arith.addi %add3A_256, %iota3A : vector<16xi32>
        %and3A_258 = arith.constant 31 : i32
        %and3A_259 = vector.broadcast %and3A_258 : i32 to vector<16xi32>
        %and3A_260 = arith.andi %add3A_257, %and3A_259 : vector<16xi32>
        %gather3A_261 = tpu.vector_load_idx %arg15[%add3A_169, %and3A_260] : memref<400x32xf32, #tpu.memory_space<vmem>>[vector<16xi32>, vector<16xi32>], vector<16xf32>,
        %gather3A_262 = tpu.vector_load_idx %arg16[%add3A_169, %and3A_260] : memref<400x32xf32, #tpu.memory_space<vmem>>[vector<16xi32>, vector<16xi32>], vector<16xf32>,
        %mul3A_263 = arith.mulf %gather3A_261, %gather3A_262 : vector<16xf32>
        %add3A_264 = arith.addf %add3A_224, %mul3A_263 : vector<16xf32>
        %add3A_265 = arith.constant 9 : i32
        %add3A_266 = vector.broadcast %add3A_265 : i32 to vector<16xi32>
        %add3A_267 = arith.addi %add3A_266, %iota3A : vector<16xi32>
        %and3A_268 = arith.constant 31 : i32
        %and3A_269 = vector.broadcast %and3A_268 : i32 to vector<16xi32>
        %and3A_270 = arith.andi %add3A_267, %and3A_269 : vector<16xi32>
        %gather3A_271 = tpu.vector_load_idx %arg15[%add3A_169, %and3A_270] : memref<400x32xf32, #tpu.memory_space<vmem>>[vector<16xi32>, vector<16xi32>], vector<16xf32>,
        %gather3A_272 = tpu.vector_load_idx %arg16[%add3A_169, %and3A_270] : memref<400x32xf32, #tpu.memory_space<vmem>>[vector<16xi32>, vector<16xi32>], vector<16xf32>,
        %mul3A_273 = arith.mulf %gather3A_271, %gather3A_272 : vector<16xf32>
        %add3A_274 = arith.addf %add3A_234, %mul3A_273 : vector<16xf32>
        %add3A_275 = arith.constant 10 : i32
        %add3A_276 = vector.broadcast %add3A_275 : i32 to vector<16xi32>
        %add3A_277 = arith.addi %add3A_276, %iota3A : vector<16xi32>
        %and3A_278 = arith.constant 31 : i32
        %and3A_279 = vector.broadcast %and3A_278 : i32 to vector<16xi32>
        %and3A_280 = arith.andi %add3A_277, %and3A_279 : vector<16xi32>
        %gather3A_281 = tpu.vector_load_idx %arg15[%add3A_169, %and3A_280] : memref<400x32xf32, #tpu.memory_space<vmem>>[vector<16xi32>, vector<16xi32>], vector<16xf32>,
        %gather3A_282 = tpu.vector_load_idx %arg16[%add3A_169, %and3A_280] : memref<400x32xf32, #tpu.memory_space<vmem>>[vector<16xi32>, vector<16xi32>], vector<16xf32>,
        %mul3A_283 = arith.mulf %gather3A_281, %gather3A_282 : vector<16xf32>
        %add3A_284 = arith.addf %add3A_244, %mul3A_283 : vector<16xf32>
        %add3A_285 = arith.constant 11 : i32
        %add3A_286 = vector.broadcast %add3A_285 : i32 to vector<16xi32>
        %add3A_287 = arith.addi %add3A_286, %iota3A : vector<16xi32>
        %and3A_288 = arith.constant 31 : i32
        %and3A_289 = vector.broadcast %and3A_288 : i32 to vector<16xi32>
        %and3A_290 = arith.andi %add3A_287, %and3A_289 : vector<16xi32>
        %gather3A_291 = tpu.vector_load_idx %arg15[%add3A_169, %and3A_290] : memref<400x32xf32, #tpu.memory_space<vmem>>[vector<16xi32>, vector<16xi32>], vector<16xf32>,
        %gather3A_292 = tpu.vector_load_idx %arg16[%add3A_169, %and3A_290] : memref<400x32xf32, #tpu.memory_space<vmem>>[vector<16xi32>, vector<16xi32>], vector<16xf32>,
        %mul3A_293 = arith.mulf %gather3A_291, %gather3A_292 : vector<16xf32>
        %add3A_294 = arith.addf %add3A_254, %mul3A_293 : vector<16xf32>
        %add3A_295 = arith.constant 12 : i32
        %add3A_296 = vector.broadcast %add3A_295 : i32 to vector<16xi32>
        %add3A_297 = arith.addi %add3A_296, %iota3A : vector<16xi32>
        %and3A_298 = arith.constant 31 : i32
        %and3A_299 = vector.broadcast %and3A_298 : i32 to vector<16xi32>
        %and3A_300 = arith.andi %add3A_297, %and3A_299 : vector<16xi32>
        %gather3A_301 = tpu.vector_load_idx %arg15[%add3A_169, %and3A_300] : memref<400x32xf32, #tpu.memory_space<vmem>>[vector<16xi32>, vector<16xi32>], vector<16xf32>,
        %gather3A_302 = tpu.vector_load_idx %arg16[%add3A_169, %and3A_300] : memref<400x32xf32, #tpu.memory_space<vmem>>[vector<16xi32>, vector<16xi32>], vector<16xf32>,
        %mul3A_303 = arith.mulf %gather3A_301, %gather3A_302 : vector<16xf32>
        %add3A_304 = arith.addf %add3A_264, %mul3A_303 : vector<16xf32>
        %add3A_305 = arith.constant 13 : i32
        %add3A_306 = vector.broadcast %add3A_305 : i32 to vector<16xi32>
        %add3A_307 = arith.addi %add3A_306, %iota3A : vector<16xi32>
        %and3A_308 = arith.constant 31 : i32
        %and3A_309 = vector.broadcast %and3A_308 : i32 to vector<16xi32>
        %and3A_310 = arith.andi %add3A_307, %and3A_309 : vector<16xi32>
        %gather3A_311 = tpu.vector_load_idx %arg15[%add3A_169, %and3A_310] : memref<400x32xf32, #tpu.memory_space<vmem>>[vector<16xi32>, vector<16xi32>], vector<16xf32>,
        %gather3A_312 = tpu.vector_load_idx %arg16[%add3A_169, %and3A_310] : memref<400x32xf32, #tpu.memory_space<vmem>>[vector<16xi32>, vector<16xi32>], vector<16xf32>,
        %mul3A_313 = arith.mulf %gather3A_311, %gather3A_312 : vector<16xf32>
        %add3A_314 = arith.addf %add3A_274, %mul3A_313 : vector<16xf32>
        %add3A_315 = arith.constant 14 : i32
        %add3A_316 = vector.broadcast %add3A_315 : i32 to vector<16xi32>
        %add3A_317 = arith.addi %add3A_316, %iota3A : vector<16xi32>
        %and3A_318 = arith.constant 31 : i32
        %and3A_319 = vector.broadcast %and3A_318 : i32 to vector<16xi32>
        %and3A_320 = arith.andi %add3A_317, %and3A_319 : vector<16xi32>
        %gather3A_321 = tpu.vector_load_idx %arg15[%add3A_169, %and3A_320] : memref<400x32xf32, #tpu.memory_space<vmem>>[vector<16xi32>, vector<16xi32>], vector<16xf32>,
        %gather3A_322 = tpu.vector_load_idx %arg16[%add3A_169, %and3A_320] : memref<400x32xf32, #tpu.memory_space<vmem>>[vector<16xi32>, vector<16xi32>], vector<16xf32>,
        %mul3A_323 = arith.mulf %gather3A_321, %gather3A_322 : vector<16xf32>
        %add3A_324 = arith.addf %add3A_284, %mul3A_323 : vector<16xf32>
        %add3A_325 = arith.constant 15 : i32
        %add3A_326 = vector.broadcast %add3A_325 : i32 to vector<16xi32>
        %add3A_327 = arith.addi %add3A_326, %iota3A : vector<16xi32>
        %and3A_328 = arith.constant 31 : i32
        %and3A_329 = vector.broadcast %and3A_328 : i32 to vector<16xi32>
        %and3A_330 = arith.andi %add3A_327, %and3A_329 : vector<16xi32>
        %gather3A_331 = tpu.vector_load_idx %arg15[%add3A_169, %and3A_330] : memref<400x32xf32, #tpu.memory_space<vmem>>[vector<16xi32>, vector<16xi32>], vector<16xf32>,
        %gather3A_332 = tpu.vector_load_idx %arg16[%add3A_169, %and3A_330] : memref<400x32xf32, #tpu.memory_space<vmem>>[vector<16xi32>, vector<16xi32>], vector<16xf32>,
        %mul3A_333 = arith.mulf %gather3A_331, %gather3A_332 : vector<16xf32>
        %add3A_334 = arith.addf %add3A_294, %mul3A_333 : vector<16xf32>
        %add3A_335 = arith.constant 16 : i32
        %add3A_336 = vector.broadcast %add3A_335 : i32 to vector<16xi32>
        %add3A_337 = arith.addi %add3A_336, %iota3A : vector<16xi32>
        %and3A_338 = arith.constant 31 : i32
        %and3A_339 = vector.broadcast %and3A_338 : i32 to vector<16xi32>
        %and3A_340 = arith.andi %add3A_337, %and3A_339 : vector<16xi32>
        %gather3A_341 = tpu.vector_load_idx %arg15[%add3A_169, %and3A_340] : memref<400x32xf32, #tpu.memory_space<vmem>>[vector<16xi32>, vector<16xi32>], vector<16xf32>,
        %gather3A_342 = tpu.vector_load_idx %arg16[%add3A_169, %and3A_340] : memref<400x32xf32, #tpu.memory_space<vmem>>[vector<16xi32>, vector<16xi32>], vector<16xf32>,
        %mul3A_343 = arith.mulf %gather3A_341, %gather3A_342 : vector<16xf32>
        %add3A_344 = arith.addf %add3A_304, %mul3A_343 : vector<16xf32>
        %add3A_345 = arith.constant 17 : i32
        %add3A_346 = vector.broadcast %add3A_345 : i32 to vector<16xi32>
        %add3A_347 = arith.addi %add3A_346, %iota3A : vector<16xi32>
        %and3A_348 = arith.constant 31 : i32
        %and3A_349 = vector.broadcast %and3A_348 : i32 to vector<16xi32>
        %and3A_350 = arith.andi %add3A_347, %and3A_349 : vector<16xi32>
        %gather3A_351 = tpu.vector_load_idx %arg15[%add3A_169, %and3A_350] : memref<400x32xf32, #tpu.memory_space<vmem>>[vector<16xi32>, vector<16xi32>], vector<16xf32>,
        %gather3A_352 = tpu.vector_load_idx %arg16[%add3A_169, %and3A_350] : memref<400x32xf32, #tpu.memory_space<vmem>>[vector<16xi32>, vector<16xi32>], vector<16xf32>,
        %mul3A_353 = arith.mulf %gather3A_351, %gather3A_352 : vector<16xf32>
        %add3A_354 = arith.addf %add3A_314, %mul3A_353 : vector<16xf32>
        %add3A_355 = arith.constant 18 : i32
        %add3A_356 = vector.broadcast %add3A_355 : i32 to vector<16xi32>
        %add3A_357 = arith.addi %add3A_356, %iota3A : vector<16xi32>
        %and3A_358 = arith.constant 31 : i32
        %and3A_359 = vector.broadcast %and3A_358 : i32 to vector<16xi32>
        %and3A_360 = arith.andi %add3A_357, %and3A_359 : vector<16xi32>
        %gather3A_361 = tpu.vector_load_idx %arg15[%add3A_169, %and3A_360] : memref<400x32xf32, #tpu.memory_space<vmem>>[vector<16xi32>, vector<16xi32>], vector<16xf32>,
        %gather3A_362 = tpu.vector_load_idx %arg16[%add3A_169, %and3A_360] : memref<400x32xf32, #tpu.memory_space<vmem>>[vector<16xi32>, vector<16xi32>], vector<16xf32>,
        %mul3A_363 = arith.mulf %gather3A_361, %gather3A_362 : vector<16xf32>
        %add3A_364 = arith.addf %add3A_324, %mul3A_363 : vector<16xf32>
        %add3A_365 = arith.constant 19 : i32
        %add3A_366 = vector.broadcast %add3A_365 : i32 to vector<16xi32>
        %add3A_367 = arith.addi %add3A_366, %iota3A : vector<16xi32>
        %and3A_368 = arith.constant 31 : i32
        %and3A_369 = vector.broadcast %and3A_368 : i32 to vector<16xi32>
        %and3A_370 = arith.andi %add3A_367, %and3A_369 : vector<16xi32>
        %gather3A_371 = tpu.vector_load_idx %arg15[%add3A_169, %and3A_370] : memref<400x32xf32, #tpu.memory_space<vmem>>[vector<16xi32>, vector<16xi32>], vector<16xf32>,
        %gather3A_372 = tpu.vector_load_idx %arg16[%add3A_169, %and3A_370] : memref<400x32xf32, #tpu.memory_space<vmem>>[vector<16xi32>, vector<16xi32>], vector<16xf32>,
        %mul3A_373 = arith.mulf %gather3A_371, %gather3A_372 : vector<16xf32>
        %add3A_374 = arith.addf %add3A_334, %mul3A_373 : vector<16xf32>
        %add3A_375 = arith.constant 20 : i32
        %add3A_376 = vector.broadcast %add3A_375 : i32 to vector<16xi32>
        %add3A_377 = arith.addi %add3A_376, %iota3A : vector<16xi32>
        %and3A_378 = arith.constant 31 : i32
        %and3A_379 = vector.broadcast %and3A_378 : i32 to vector<16xi32>
        %and3A_380 = arith.andi %add3A_377, %and3A_379 : vector<16xi32>
        %gather3A_381 = tpu.vector_load_idx %arg15[%add3A_169, %and3A_380] : memref<400x32xf32, #tpu.memory_space<vmem>>[vector<16xi32>, vector<16xi32>], vector<16xf32>,
        %gather3A_382 = tpu.vector_load_idx %arg16[%add3A_169, %and3A_380] : memref<400x32xf32, #tpu.memory_space<vmem>>[vector<16xi32>, vector<16xi32>], vector<16xf32>,
        %mul3A_383 = arith.mulf %gather3A_381, %gather3A_382 : vector<16xf32>
        %add3A_384 = arith.addf %add3A_344, %mul3A_383 : vector<16xf32>
        %add3A_385 = arith.constant 21 : i32
        %add3A_386 = vector.broadcast %add3A_385 : i32 to vector<16xi32>
        %add3A_387 = arith.addi %add3A_386, %iota3A : vector<16xi32>
        %and3A_388 = arith.constant 31 : i32
        %and3A_389 = vector.broadcast %and3A_388 : i32 to vector<16xi32>
        %and3A_390 = arith.andi %add3A_387, %and3A_389 : vector<16xi32>
        %gather3A_391 = tpu.vector_load_idx %arg15[%add3A_169, %and3A_390] : memref<400x32xf32, #tpu.memory_space<vmem>>[vector<16xi32>, vector<16xi32>], vector<16xf32>,
        %gather3A_392 = tpu.vector_load_idx %arg16[%add3A_169, %and3A_390] : memref<400x32xf32, #tpu.memory_space<vmem>>[vector<16xi32>, vector<16xi32>], vector<16xf32>,
        %mul3A_393 = arith.mulf %gather3A_391, %gather3A_392 : vector<16xf32>
        %add3A_394 = arith.addf %add3A_354, %mul3A_393 : vector<16xf32>
        %add3A_395 = arith.constant 22 : i32
        %add3A_396 = vector.broadcast %add3A_395 : i32 to vector<16xi32>
        %add3A_397 = arith.addi %add3A_396, %iota3A : vector<16xi32>
        %and3A_398 = arith.constant 31 : i32
        %and3A_399 = vector.broadcast %and3A_398 : i32 to vector<16xi32>
        %and3A_400 = arith.andi %add3A_397, %and3A_399 : vector<16xi32>
        %gather3A_401 = tpu.vector_load_idx %arg15[%add3A_169, %and3A_400] : memref<400x32xf32, #tpu.memory_space<vmem>>[vector<16xi32>, vector<16xi32>], vector<16xf32>,
        %gather3A_402 = tpu.vector_load_idx %arg16[%add3A_169, %and3A_400] : memref<400x32xf32, #tpu.memory_space<vmem>>[vector<16xi32>, vector<16xi32>], vector<16xf32>,
        %mul3A_403 = arith.mulf %gather3A_401, %gather3A_402 : vector<16xf32>
        %add3A_404 = arith.addf %add3A_364, %mul3A_403 : vector<16xf32>
        %add3A_405 = arith.constant 23 : i32
        %add3A_406 = vector.broadcast %add3A_405 : i32 to vector<16xi32>
        %add3A_407 = arith.addi %add3A_406, %iota3A : vector<16xi32>
        %and3A_408 = arith.constant 31 : i32
        %and3A_409 = vector.broadcast %and3A_408 : i32 to vector<16xi32>
        %and3A_410 = arith.andi %add3A_407, %and3A_409 : vector<16xi32>
        %gather3A_411 = tpu.vector_load_idx %arg15[%add3A_169, %and3A_410] : memref<400x32xf32, #tpu.memory_space<vmem>>[vector<16xi32>, vector<16xi32>], vector<16xf32>,
        %gather3A_412 = tpu.vector_load_idx %arg16[%add3A_169, %and3A_410] : memref<400x32xf32, #tpu.memory_space<vmem>>[vector<16xi32>, vector<16xi32>], vector<16xf32>,
        %mul3A_413 = arith.mulf %gather3A_411, %gather3A_412 : vector<16xf32>
        %add3A_414 = arith.addf %add3A_374, %mul3A_413 : vector<16xf32>
        %add3A_415 = arith.constant 24 : i32
        %add3A_416 = vector.broadcast %add3A_415 : i32 to vector<16xi32>
        %add3A_417 = arith.addi %add3A_416, %iota3A : vector<16xi32>
        %and3A_418 = arith.constant 31 : i32
        %and3A_419 = vector.broadcast %and3A_418 : i32 to vector<16xi32>
        %and3A_420 = arith.andi %add3A_417, %and3A_419 : vector<16xi32>
        %gather3A_421 = tpu.vector_load_idx %arg15[%add3A_169, %and3A_420] : memref<400x32xf32, #tpu.memory_space<vmem>>[vector<16xi32>, vector<16xi32>], vector<16xf32>,
        %gather3A_422 = tpu.vector_load_idx %arg16[%add3A_169, %and3A_420] : memref<400x32xf32, #tpu.memory_space<vmem>>[vector<16xi32>, vector<16xi32>], vector<16xf32>,
        %mul3A_423 = arith.mulf %gather3A_421, %gather3A_422 : vector<16xf32>
        %add3A_424 = arith.addf %add3A_384, %mul3A_423 : vector<16xf32>
        %add3A_425 = arith.constant 25 : i32
        %add3A_426 = vector.broadcast %add3A_425 : i32 to vector<16xi32>
        %add3A_427 = arith.addi %add3A_426, %iota3A : vector<16xi32>
        %and3A_428 = arith.constant 31 : i32
        %and3A_429 = vector.broadcast %and3A_428 : i32 to vector<16xi32>
        %and3A_430 = arith.andi %add3A_427, %and3A_429 : vector<16xi32>
        %gather3A_431 = tpu.vector_load_idx %arg15[%add3A_169, %and3A_430] : memref<400x32xf32, #tpu.memory_space<vmem>>[vector<16xi32>, vector<16xi32>], vector<16xf32>,
        %gather3A_432 = tpu.vector_load_idx %arg16[%add3A_169, %and3A_430] : memref<400x32xf32, #tpu.memory_space<vmem>>[vector<16xi32>, vector<16xi32>], vector<16xf32>,
        %mul3A_433 = arith.mulf %gather3A_431, %gather3A_432 : vector<16xf32>
        %add3A_434 = arith.addf %add3A_394, %mul3A_433 : vector<16xf32>
        %add3A_435 = arith.constant 26 : i32
        %add3A_436 = vector.broadcast %add3A_435 : i32 to vector<16xi32>
        %add3A_437 = arith.addi %add3A_436, %iota3A : vector<16xi32>
        %and3A_438 = arith.constant 31 : i32
        %and3A_439 = vector.broadcast %and3A_438 : i32 to vector<16xi32>
        %and3A_440 = arith.andi %add3A_437, %and3A_439 : vector<16xi32>
        %gather3A_441 = tpu.vector_load_idx %arg15[%add3A_169, %and3A_440] : memref<400x32xf32, #tpu.memory_space<vmem>>[vector<16xi32>, vector<16xi32>], vector<16xf32>,
        %gather3A_442 = tpu.vector_load_idx %arg16[%add3A_169, %and3A_440] : memref<400x32xf32, #tpu.memory_space<vmem>>[vector<16xi32>, vector<16xi32>], vector<16xf32>,
        %mul3A_443 = arith.mulf %gather3A_441, %gather3A_442 : vector<16xf32>
        %add3A_444 = arith.addf %add3A_404, %mul3A_443 : vector<16xf32>
        %add3A_445 = arith.constant 27 : i32
        %add3A_446 = vector.broadcast %add3A_445 : i32 to vector<16xi32>
        %add3A_447 = arith.addi %add3A_446, %iota3A : vector<16xi32>
        %and3A_448 = arith.constant 31 : i32
        %and3A_449 = vector.broadcast %and3A_448 : i32 to vector<16xi32>
        %and3A_450 = arith.andi %add3A_447, %and3A_449 : vector<16xi32>
        %gather3A_451 = tpu.vector_load_idx %arg15[%add3A_169, %and3A_450] : memref<400x32xf32, #tpu.memory_space<vmem>>[vector<16xi32>, vector<16xi32>], vector<16xf32>,
        %gather3A_452 = tpu.vector_load_idx %arg16[%add3A_169, %and3A_450] : memref<400x32xf32, #tpu.memory_space<vmem>>[vector<16xi32>, vector<16xi32>], vector<16xf32>,
        %mul3A_453 = arith.mulf %gather3A_451, %gather3A_452 : vector<16xf32>
        %add3A_454 = arith.addf %add3A_414, %mul3A_453 : vector<16xf32>
        %add3A_455 = arith.constant 28 : i32
        %add3A_456 = vector.broadcast %add3A_455 : i32 to vector<16xi32>
        %add3A_457 = arith.addi %add3A_456, %iota3A : vector<16xi32>
        %and3A_458 = arith.constant 31 : i32
        %and3A_459 = vector.broadcast %and3A_458 : i32 to vector<16xi32>
        %and3A_460 = arith.andi %add3A_457, %and3A_459 : vector<16xi32>
        %gather3A_461 = tpu.vector_load_idx %arg15[%add3A_169, %and3A_460] : memref<400x32xf32, #tpu.memory_space<vmem>>[vector<16xi32>, vector<16xi32>], vector<16xf32>,
        %gather3A_462 = tpu.vector_load_idx %arg16[%add3A_169, %and3A_460] : memref<400x32xf32, #tpu.memory_space<vmem>>[vector<16xi32>, vector<16xi32>], vector<16xf32>,
        %mul3A_463 = arith.mulf %gather3A_461, %gather3A_462 : vector<16xf32>
        %add3A_464 = arith.addf %add3A_424, %mul3A_463 : vector<16xf32>
        %add3A_465 = arith.constant 29 : i32
        %add3A_466 = vector.broadcast %add3A_465 : i32 to vector<16xi32>
        %add3A_467 = arith.addi %add3A_466, %iota3A : vector<16xi32>
        %and3A_468 = arith.constant 31 : i32
        %and3A_469 = vector.broadcast %and3A_468 : i32 to vector<16xi32>
        %and3A_470 = arith.andi %add3A_467, %and3A_469 : vector<16xi32>
        %gather3A_471 = tpu.vector_load_idx %arg15[%add3A_169, %and3A_470] : memref<400x32xf32, #tpu.memory_space<vmem>>[vector<16xi32>, vector<16xi32>], vector<16xf32>,
        %gather3A_472 = tpu.vector_load_idx %arg16[%add3A_169, %and3A_470] : memref<400x32xf32, #tpu.memory_space<vmem>>[vector<16xi32>, vector<16xi32>], vector<16xf32>,
        %mul3A_473 = arith.mulf %gather3A_471, %gather3A_472 : vector<16xf32>
        %add3A_474 = arith.addf %add3A_434, %mul3A_473 : vector<16xf32>
        %add3A_475 = arith.constant 30 : i32
        %add3A_476 = vector.broadcast %add3A_475 : i32 to vector<16xi32>
        %add3A_477 = arith.addi %add3A_476, %iota3A : vector<16xi32>
        %and3A_478 = arith.constant 31 : i32
        %and3A_479 = vector.broadcast %and3A_478 : i32 to vector<16xi32>
        %and3A_480 = arith.andi %add3A_477, %and3A_479 : vector<16xi32>
        %gather3A_481 = tpu.vector_load_idx %arg15[%add3A_169, %and3A_480] : memref<400x32xf32, #tpu.memory_space<vmem>>[vector<16xi32>, vector<16xi32>], vector<16xf32>,
        %gather3A_482 = tpu.vector_load_idx %arg16[%add3A_169, %and3A_480] : memref<400x32xf32, #tpu.memory_space<vmem>>[vector<16xi32>, vector<16xi32>], vector<16xf32>,
        %mul3A_483 = arith.mulf %gather3A_481, %gather3A_482 : vector<16xf32>
        %add3A_484 = arith.addf %add3A_444, %mul3A_483 : vector<16xf32>
        %add3A_485 = arith.constant 31 : i32
        %add3A_486 = vector.broadcast %add3A_485 : i32 to vector<16xi32>
        %add3A_487 = arith.addi %add3A_486, %iota3A : vector<16xi32>
        %and3A_488 = arith.constant 31 : i32
        %and3A_489 = vector.broadcast %and3A_488 : i32 to vector<16xi32>
        %and3A_490 = arith.andi %add3A_487, %and3A_489 : vector<16xi32>
        %gather3A_491 = tpu.vector_load_idx %arg15[%add3A_169, %and3A_490] : memref<400x32xf32, #tpu.memory_space<vmem>>[vector<16xi32>, vector<16xi32>], vector<16xf32>,
        %gather3A_492 = tpu.vector_load_idx %arg16[%add3A_169, %and3A_490] : memref<400x32xf32, #tpu.memory_space<vmem>>[vector<16xi32>, vector<16xi32>], vector<16xf32>,
        %mul3A_493 = arith.mulf %gather3A_491, %gather3A_492 : vector<16xf32>
        %add3A_494 = arith.addf %add3A_454, %mul3A_493 : vector<16xf32>
        %add3A_495 = arith.addf %add3A_464, %add3A_474 : vector<16xf32>
        %add3A_496 = arith.addf %add3A_484, %add3A_494 : vector<16xf32>
        %add3A_497 = arith.addf %add3A_495, %add3A_496 : vector<16xf32>
        %mul3A_498 = arith.constant 16 : i32
        %mul3A_499 = arith.muli %scan3A_164, %mul3A_498 : i32
        %swap3A = arith.index_cast %mul3A_499 : i32 to index
        %swap3A_500 = tpu.vector_load %arg18[%swap3A] {strides = array<i32>} : memref<400xf32, #tpu.memory_space<vmem>>, vector<16xf32>,
        tpu.vector_store %arg18[%swap3A], %add3A_497 {strides = array<i32>} : memref<400xf32, #tpu.memory_space<vmem>>, vector<16xf32>,
        %scan3A_501 = arith.constant 0 : i32
        scf.yield %scan3A_501 : i32
      }
      %scan3A_156 = arith.constant 25 : i32
      %add3A_157 = arith.constant 400 : i32
      %add3A_158 = arith.addi %add3A_120, %add3A_157 : i32
      %dma_start3A_159 = tpu.memref_slice %arg7[%arg0, %add3A_158] : memref<2x371200xf32, #tpu.memory_space<hbm>> -> memref<1x400xf32, #tpu.memory_space<hbm>>
      %dma_start3A_160 = tpu.memref_squeeze %dma_start3A_159 : memref<1x400xf32, #tpu.memory_space<hbm>> -> memref<400xf32, #tpu.memory_space<hbm>>
      %dma_start3A_161 = tpu.memref_slice %arg7[%arg0, %add3A_158] : memref<2x371200xf32, #tpu.memory_space<hbm>> -> memref<1x400xf32, #tpu.memory_space<hbm>>
      %dma_start3A_162 = tpu.memref_squeeze %dma_start3A_161 : memref<1x400xf32, #tpu.memory_space<hbm>> -> memref<400xf32, #tpu.memory_space<hbm>>
      tpu.enqueue_dma source(%arg18 : memref<400xf32, #tpu.memory_space<vmem>>) target(%dma_start3A_162 : memref<400xf32, #tpu.memory_space<hbm>>) target_semaphore(%arg22 : memref<!tpu.dma_semaphore, #tpu.memory_space<semaphore_mem>>)
      %scan3A_163 = arith.constant 0 : i32
      scf.yield %scan3A_163 : i32
    }
    %scan3A_31 = arith.constant 25 : i32
    %dma_wait3A = arith.constant 0 : i32
    %dma_wait3A_32 = tpu.memref_slice %arg7[%arg0, %dma_wait3A] : memref<2x371200xf32, #tpu.memory_space<hbm>> -> memref<1x400xf32, #tpu.memory_space<hbm>>
    %dma_wait3A_33 = tpu.memref_squeeze %dma_wait3A_32 : memref<1x400xf32, #tpu.memory_space<hbm>> -> memref<400xf32, #tpu.memory_space<hbm>>
    %dma_wait3A_34 = arith.constant 0 : i32
    %dma_wait3A_35 = tpu.memref_slice %arg7[%arg0, %dma_wait3A_34] : memref<2x371200xf32, #tpu.memory_space<hbm>> -> memref<1x400xf32, #tpu.memory_space<hbm>>
    %dma_wait3A_36 = tpu.memref_squeeze %dma_wait3A_35 : memref<1x400xf32, #tpu.memory_space<hbm>> -> memref<400xf32, #tpu.memory_space<hbm>>
    tpu.wait_dma2 semaphore(%arg21 : memref<!tpu.dma_semaphore, #tpu.memory_space<semaphore_mem>>) src(%arg17 : memref<400xf32, #tpu.memory_space<vmem>>) dst(%dma_wait3A_36 : memref<400xf32, #tpu.memory_space<hbm>>)
    %dma_wait3A_37 = arith.constant 0 : i32
    %dma_wait3A_38 = tpu.memref_slice %arg7[%arg0, %dma_wait3A_37] : memref<2x371200xf32, #tpu.memory_space<hbm>> -> memref<1x400xf32, #tpu.memory_space<hbm>>
    %dma_wait3A_39 = tpu.memref_squeeze %dma_wait3A_38 : memref<1x400xf32, #tpu.memory_space<hbm>> -> memref<400xf32, #tpu.memory_space<hbm>>
    %dma_wait3A_40 = arith.constant 0 : i32
    %dma_wait3A_41 = tpu.memref_slice %arg7[%arg0, %dma_wait3A_40] : memref<2x371200xf32, #tpu.memory_space<hbm>> -> memref<1x400xf32, #tpu.memory_space<hbm>>
    %dma_wait3A_42 = tpu.memref_squeeze %dma_wait3A_41 : memref<1x400xf32, #tpu.memory_space<hbm>> -> memref<400xf32, #tpu.memory_space<hbm>>
    tpu.wait_dma2 semaphore(%arg22 : memref<!tpu.dma_semaphore, #tpu.memory_space<semaphore_mem>>) src(%arg18 : memref<400xf32, #tpu.memory_space<vmem>>) dst(%dma_wait3A_42 : memref<400xf32, #tpu.memory_space<hbm>>)
    %dma_start3A_43 = arith.constant 0 : i32
    %dma_start3A_44 = arith.constant 0 : i32
    %dma_start3A_45 = tpu.memref_slice %arg11[%dma_start3A_43, %dma_start3A_44] : memref<8x400xi32, #tpu.memory_space<vmem>> -> memref<1x400xi32, #tpu.memory_space<vmem>>
    %dma_start3A_46 = tpu.memref_squeeze %dma_start3A_45 : memref<1x400xi32, #tpu.memory_space<vmem>> -> memref<400xi32, #tpu.memory_space<vmem>>
    %dma_start3A_47 = arith.constant 0 : i32
    %dma_start3A_48 = arith.constant 0 : i32
    %dma_start3A_49 = tpu.memref_slice %arg8[%dma_start3A_47, %dma_start3A_48] : memref<10000x32xf32, #tpu.memory_space<vmem_shared>> -> memref<10000x32xf32, #tpu.memory_space<vmem_shared>>
    tpu.enqueue_indirect_dma source(%dma_start3A_49 : memref<10000x32xf32, #tpu.memory_space<vmem_shared>>) target(%arg13 : memref<400x32xf32, #tpu.memory_space<vmem>>) offsets(%dma_start3A_46 : memref<400xi32, #tpu.memory_space<vmem>>) semaphore(%arg19 : memref<!tpu.dma_semaphore, #tpu.memory_space<semaphore_mem>>)
    %dma_start3A_50 = arith.constant 0 : i32
    %dma_start3A_51 = arith.constant 0 : i32
    %dma_start3A_52 = tpu.memref_slice %arg12[%dma_start3A_50, %dma_start3A_51] : memref<8x400xi32, #tpu.memory_space<vmem>> -> memref<1x400xi32, #tpu.memory_space<vmem>>
    %dma_start3A_53 = tpu.memref_squeeze %dma_start3A_52 : memref<1x400xi32, #tpu.memory_space<vmem>> -> memref<400xi32, #tpu.memory_space<vmem>>
    %dma_start3A_54 = arith.constant 0 : i32
    %dma_start3A_55 = arith.constant 0 : i32
    %dma_start3A_56 = tpu.memref_slice %arg8[%dma_start3A_54, %dma_start3A_55] : memref<10000x32xf32, #tpu.memory_space<vmem_shared>> -> memref<10000x32xf32, #tpu.memory_space<vmem_shared>>
    tpu.enqueue_indirect_dma source(%dma_start3A_56 : memref<10000x32xf32, #tpu.memory_space<vmem_shared>>) target(%arg14 : memref<400x32xf32, #tpu.memory_space<vmem>>) offsets(%dma_start3A_53 : memref<400xi32, #tpu.memory_space<vmem>>) semaphore(%arg19 : memref<!tpu.dma_semaphore, #tpu.memory_space<semaphore_mem>>)
    %scan3A_57 = arith.constant 0 : i32
    %scan3A_58 = arith.constant 0 : i32
    %scan3A_59 = arith.constant 4 : i32
    %scan3A_60 = arith.addi %scan3A_58, %scan3A_59 : i32
    %scan3A_61 = arith.constant 1 : i32
    %scan3A_62 = scf.for %scan3A_76 = %scan3A_58 to %scan3A_60 step %scan3A_61 iter_args(%scan3A_77 = %scan3A_57) -> (i32)  : i32 {
      %mul3A_78 = arith.constant 2 : i32
      %mul3A_79 = arith.muli %mul3A_78, %scan3A_76 : i32
      %dma_wait3A_80 = arith.constant 0 : i32
      %dma_wait3A_81 = tpu.memref_slice %arg11[%mul3A_79, %dma_wait3A_80] : memref<8x400xi32, #tpu.memory_space<vmem>> -> memref<1x400xi32, #tpu.memory_space<vmem>>
      %dma_wait3A_82 = tpu.memref_squeeze %dma_wait3A_81 : memref<1x400xi32, #tpu.memory_space<vmem>> -> memref<400xi32, #tpu.memory_space<vmem>>
      %dma_wait3A_83 = arith.constant 0 : i32
      %dma_wait3A_84 = arith.constant 0 : i32
      %dma_wait3A_85 = tpu.memref_slice %arg8[%dma_wait3A_83, %dma_wait3A_84] : memref<10000x32xf32, #tpu.memory_space<vmem_shared>> -> memref<10000x32xf32, #tpu.memory_space<vmem_shared>>
      tpu.wait_indirect_dma semaphore(%arg19 : memref<!tpu.dma_semaphore, #tpu.memory_space<semaphore_mem>>) src(%dma_wait3A_85 : memref<10000x32xf32, #tpu.memory_space<vmem_shared>>) dst(%arg13 : memref<400x32xf32, #tpu.memory_space<vmem>>)
      %dma_wait3A_86 = arith.constant 0 : i32
      %dma_wait3A_87 = tpu.memref_slice %arg12[%mul3A_79, %dma_wait3A_86] : memref<8x400xi32, #tpu.memory_space<vmem>> -> memref<1x400xi32, #tpu.memory_space<vmem>>
      %dma_wait3A_88 = tpu.memref_squeeze %dma_wait3A_87 : memref<1x400xi32, #tpu.memory_space<vmem>> -> memref<400xi32, #tpu.memory_space<vmem>>
      %dma_wait3A_89 = arith.constant 0 : i32
      %dma_wait3A_90 = arith.constant 0 : i32
      %dma_wait3A_91 = tpu.memref_slice %arg8[%dma_wait3A_89, %dma_wait3A_90] : memref<10000x32xf32, #tpu.memory_space<vmem_shared>> -> memref<10000x32xf32, #tpu.memory_space<vmem_shared>>
      tpu.wait_indirect_dma semaphore(%arg19 : memref<!tpu.dma_semaphore, #tpu.memory_space<semaphore_mem>>) src(%dma_wait3A_91 : memref<10000x32xf32, #tpu.memory_space<vmem_shared>>) dst(%arg14 : memref<400x32xf32, #tpu.memory_space<vmem>>)
      %add3A = arith.constant 1 : i32
      %add3A_92 = arith.addi %mul3A_79, %add3A : i32
      %dma_start3A_93 = arith.constant 0 : i32
      %dma_start3A_94 = tpu.memref_slice %arg11[%add3A_92, %dma_start3A_93] : memref<8x400xi32, #tpu.memory_space<vmem>> -> memref<1x400xi32, #tpu.memory_space<vmem>>
      %dma_start3A_95 = tpu.memref_squeeze %dma_start3A_94 : memref<1x400xi32, #tpu.memory_space<vmem>> -> memref<400xi32, #tpu.memory_space<vmem>>
      %dma_start3A_96 = arith.constant 0 : i32
      %dma_start3A_97 = arith.constant 0 : i32
      %dma_start3A_98 = tpu.memref_slice %arg8[%dma_start3A_96, %dma_start3A_97] : memref<10000x32xf32, #tpu.memory_space<vmem_shared>> -> memref<10000x32xf32, #tpu.memory_space<vmem_shared>>
      tpu.enqueue_indirect_dma source(%dma_start3A_98 : memref<10000x32xf32, #tpu.memory_space<vmem_shared>>) target(%arg15 : memref<400x32xf32, #tpu.memory_space<vmem>>) offsets(%dma_start3A_95 : memref<400xi32, #tpu.memory_space<vmem>>) semaphore(%arg20 : memref<!tpu.dma_semaphore, #tpu.memory_space<semaphore_mem>>)
      %dma_start3A_99 = arith.constant 0 : i32
      %dma_start3A_100 = tpu.memref_slice %arg12[%add3A_92, %dma_start3A_99] : memref<8x400xi32, #tpu.memory_space<vmem>> -> memref<1x400xi32, #tpu.memory_space<vmem>>
      %dma_start3A_101 = tpu.memref_squeeze %dma_start3A_100 : memref<1x400xi32, #tpu.memory_space<vmem>> -> memref<400xi32, #tpu.memory_space<vmem>>
      %dma_start3A_102 = arith.constant 0 : i32
      %dma_start3A_103 = arith.constant 0 : i32
      %dma_start3A_104 = tpu.memref_slice %arg8[%dma_start3A_102, %dma_start3A_103] : memref<10000x32xf32, #tpu.memory_space<vmem_shared>> -> memref<10000x32xf32, #tpu.memory_space<vmem_shared>>
      tpu.enqueue_indirect_dma source(%dma_start3A_104 : memref<10000x32xf32, #tpu.memory_space<vmem_shared>>) target(%arg16 : memref<400x32xf32, #tpu.memory_space<vmem>>) offsets(%dma_start3A_101 : memref<400xi32, #tpu.memory_space<vmem>>) semaphore(%arg20 : memref<!tpu.dma_semaphore, #tpu.memory_space<semaphore_mem>>)
      %gt3A = arith.constant 0 : i32
      %gt3A_105 = arith.cmpi sgt, %scan3A_76, %gt3A : i32
      %convert_element_type3A = arith.extui %gt3A_105 : i1 to i32
      %cond3A = arith.constant 0 : i32
      %cond3A_106 = arith.cmpi ne, %convert_element_type3A, %cond3A : i32
      scf.if %cond3A_106 {
        %dma_wait3A_164 = arith.constant 0 : i32
        %dma_wait3A_165 = tpu.memref_slice %arg7[%arg0, %dma_wait3A_164] : memref<2x371200xf32, #tpu.memory_space<hbm>> -> memref<1x400xf32, #tpu.memory_space<hbm>>
        %dma_wait3A_166 = tpu.memref_squeeze %dma_wait3A_165 : memref<1x400xf32, #tpu.memory_space<hbm>> -> memref<400xf32, #tpu.memory_space<hbm>>
        %dma_wait3A_167 = arith.constant 0 : i32
        %dma_wait3A_168 = tpu.memref_slice %arg7[%arg0, %dma_wait3A_167] : memref<2x371200xf32, #tpu.memory_space<hbm>> -> memref<1x400xf32, #tpu.memory_space<hbm>>
        %dma_wait3A_169 = tpu.memref_squeeze %dma_wait3A_168 : memref<1x400xf32, #tpu.memory_space<hbm>> -> memref<400xf32, #tpu.memory_space<hbm>>
        tpu.wait_dma2 semaphore(%arg21 : memref<!tpu.dma_semaphore, #tpu.memory_space<semaphore_mem>>) src(%arg17 : memref<400xf32, #tpu.memory_space<vmem>>) dst(%dma_wait3A_169 : memref<400xf32, #tpu.memory_space<hbm>>)
      } else {
      }
      %scan3A_107 = arith.constant 0 : i32
      %scan3A_108 = arith.constant 0 : i32
      %scan3A_109 = arith.constant 25 : i32
      %scan3A_110 = arith.addi %scan3A_108, %scan3A_109 : i32
      %scan3A_111 = arith.constant 1 : i32
      %scan3A_112 = scf.for %scan3A_164 = %scan3A_108 to %scan3A_110 step %scan3A_111 iter_args(%scan3A_165 = %scan3A_107) -> (i32)  : i32 {
        %mul3A_166 = arith.constant 16 : i32
        %mul3A_167 = arith.muli %scan3A_164, %mul3A_166 : i32
        %add3A_168 = vector.broadcast %mul3A_167 : i32 to vector<16xi32>
        %add3A_169 = arith.addi %add3A_168, %iota3A : vector<16xi32>
        %broadcast_in_dim3A = arith.constant 0.000000e+00 : f32
        %broadcast_in_dim3A_170 = vector.broadcast %broadcast_in_dim3A : f32 to vector<16xf32>
        %broadcast_in_dim3A_171 = arith.constant 0.000000e+00 : f32
        %broadcast_in_dim3A_172 = vector.broadcast %broadcast_in_dim3A_171 : f32 to vector<16xf32>
        %broadcast_in_dim3A_173 = arith.constant 0.000000e+00 : f32
        %broadcast_in_dim3A_174 = vector.broadcast %broadcast_in_dim3A_173 : f32 to vector<16xf32>
        %broadcast_in_dim3A_175 = arith.constant 0.000000e+00 : f32
        %broadcast_in_dim3A_176 = vector.broadcast %broadcast_in_dim3A_175 : f32 to vector<16xf32>
        %add3A_177 = arith.constant 0 : i32
        %add3A_178 = vector.broadcast %add3A_177 : i32 to vector<16xi32>
        %add3A_179 = arith.addi %add3A_178, %iota3A : vector<16xi32>
        %and3A = arith.constant 31 : i32
        %and3A_180 = vector.broadcast %and3A : i32 to vector<16xi32>
        %and3A_181 = arith.andi %add3A_179, %and3A_180 : vector<16xi32>
        %gather3A = tpu.vector_load_idx %arg13[%add3A_169, %and3A_181] : memref<400x32xf32, #tpu.memory_space<vmem>>[vector<16xi32>, vector<16xi32>], vector<16xf32>,
        %gather3A_182 = tpu.vector_load_idx %arg14[%add3A_169, %and3A_181] : memref<400x32xf32, #tpu.memory_space<vmem>>[vector<16xi32>, vector<16xi32>], vector<16xf32>,
        %mul3A_183 = arith.mulf %gather3A, %gather3A_182 : vector<16xf32>
        %add3A_184 = arith.addf %broadcast_in_dim3A_170, %mul3A_183 : vector<16xf32>
        %add3A_185 = arith.constant 1 : i32
        %add3A_186 = vector.broadcast %add3A_185 : i32 to vector<16xi32>
        %add3A_187 = arith.addi %add3A_186, %iota3A : vector<16xi32>
        %and3A_188 = arith.constant 31 : i32
        %and3A_189 = vector.broadcast %and3A_188 : i32 to vector<16xi32>
        %and3A_190 = arith.andi %add3A_187, %and3A_189 : vector<16xi32>
        %gather3A_191 = tpu.vector_load_idx %arg13[%add3A_169, %and3A_190] : memref<400x32xf32, #tpu.memory_space<vmem>>[vector<16xi32>, vector<16xi32>], vector<16xf32>,
        %gather3A_192 = tpu.vector_load_idx %arg14[%add3A_169, %and3A_190] : memref<400x32xf32, #tpu.memory_space<vmem>>[vector<16xi32>, vector<16xi32>], vector<16xf32>,
        %mul3A_193 = arith.mulf %gather3A_191, %gather3A_192 : vector<16xf32>
        %add3A_194 = arith.addf %broadcast_in_dim3A_172, %mul3A_193 : vector<16xf32>
        %add3A_195 = arith.constant 2 : i32
        %add3A_196 = vector.broadcast %add3A_195 : i32 to vector<16xi32>
        %add3A_197 = arith.addi %add3A_196, %iota3A : vector<16xi32>
        %and3A_198 = arith.constant 31 : i32
        %and3A_199 = vector.broadcast %and3A_198 : i32 to vector<16xi32>
        %and3A_200 = arith.andi %add3A_197, %and3A_199 : vector<16xi32>
        %gather3A_201 = tpu.vector_load_idx %arg13[%add3A_169, %and3A_200] : memref<400x32xf32, #tpu.memory_space<vmem>>[vector<16xi32>, vector<16xi32>], vector<16xf32>,
        %gather3A_202 = tpu.vector_load_idx %arg14[%add3A_169, %and3A_200] : memref<400x32xf32, #tpu.memory_space<vmem>>[vector<16xi32>, vector<16xi32>], vector<16xf32>,
        %mul3A_203 = arith.mulf %gather3A_201, %gather3A_202 : vector<16xf32>
        %add3A_204 = arith.addf %broadcast_in_dim3A_174, %mul3A_203 : vector<16xf32>
        %add3A_205 = arith.constant 3 : i32
        %add3A_206 = vector.broadcast %add3A_205 : i32 to vector<16xi32>
        %add3A_207 = arith.addi %add3A_206, %iota3A : vector<16xi32>
        %and3A_208 = arith.constant 31 : i32
        %and3A_209 = vector.broadcast %and3A_208 : i32 to vector<16xi32>
        %and3A_210 = arith.andi %add3A_207, %and3A_209 : vector<16xi32>
        %gather3A_211 = tpu.vector_load_idx %arg13[%add3A_169, %and3A_210] : memref<400x32xf32, #tpu.memory_space<vmem>>[vector<16xi32>, vector<16xi32>], vector<16xf32>,
        %gather3A_212 = tpu.vector_load_idx %arg14[%add3A_169, %and3A_210] : memref<400x32xf32, #tpu.memory_space<vmem>>[vector<16xi32>, vector<16xi32>], vector<16xf32>,
        %mul3A_213 = arith.mulf %gather3A_211, %gather3A_212 : vector<16xf32>
        %add3A_214 = arith.addf %broadcast_in_dim3A_176, %mul3A_213 : vector<16xf32>
        %add3A_215 = arith.constant 4 : i32
        %add3A_216 = vector.broadcast %add3A_215 : i32 to vector<16xi32>
        %add3A_217 = arith.addi %add3A_216, %iota3A : vector<16xi32>
        %and3A_218 = arith.constant 31 : i32
        %and3A_219 = vector.broadcast %and3A_218 : i32 to vector<16xi32>
        %and3A_220 = arith.andi %add3A_217, %and3A_219 : vector<16xi32>
        %gather3A_221 = tpu.vector_load_idx %arg13[%add3A_169, %and3A_220] : memref<400x32xf32, #tpu.memory_space<vmem>>[vector<16xi32>, vector<16xi32>], vector<16xf32>,
        %gather3A_222 = tpu.vector_load_idx %arg14[%add3A_169, %and3A_220] : memref<400x32xf32, #tpu.memory_space<vmem>>[vector<16xi32>, vector<16xi32>], vector<16xf32>,
        %mul3A_223 = arith.mulf %gather3A_221, %gather3A_222 : vector<16xf32>
        %add3A_224 = arith.addf %add3A_184, %mul3A_223 : vector<16xf32>
        %add3A_225 = arith.constant 5 : i32
        %add3A_226 = vector.broadcast %add3A_225 : i32 to vector<16xi32>
        %add3A_227 = arith.addi %add3A_226, %iota3A : vector<16xi32>
        %and3A_228 = arith.constant 31 : i32
        %and3A_229 = vector.broadcast %and3A_228 : i32 to vector<16xi32>
        %and3A_230 = arith.andi %add3A_227, %and3A_229 : vector<16xi32>
        %gather3A_231 = tpu.vector_load_idx %arg13[%add3A_169, %and3A_230] : memref<400x32xf32, #tpu.memory_space<vmem>>[vector<16xi32>, vector<16xi32>], vector<16xf32>,
        %gather3A_232 = tpu.vector_load_idx %arg14[%add3A_169, %and3A_230] : memref<400x32xf32, #tpu.memory_space<vmem>>[vector<16xi32>, vector<16xi32>], vector<16xf32>,
        %mul3A_233 = arith.mulf %gather3A_231, %gather3A_232 : vector<16xf32>
        %add3A_234 = arith.addf %add3A_194, %mul3A_233 : vector<16xf32>
        %add3A_235 = arith.constant 6 : i32
        %add3A_236 = vector.broadcast %add3A_235 : i32 to vector<16xi32>
        %add3A_237 = arith.addi %add3A_236, %iota3A : vector<16xi32>
        %and3A_238 = arith.constant 31 : i32
        %and3A_239 = vector.broadcast %and3A_238 : i32 to vector<16xi32>
        %and3A_240 = arith.andi %add3A_237, %and3A_239 : vector<16xi32>
        %gather3A_241 = tpu.vector_load_idx %arg13[%add3A_169, %and3A_240] : memref<400x32xf32, #tpu.memory_space<vmem>>[vector<16xi32>, vector<16xi32>], vector<16xf32>,
        %gather3A_242 = tpu.vector_load_idx %arg14[%add3A_169, %and3A_240] : memref<400x32xf32, #tpu.memory_space<vmem>>[vector<16xi32>, vector<16xi32>], vector<16xf32>,
        %mul3A_243 = arith.mulf %gather3A_241, %gather3A_242 : vector<16xf32>
        %add3A_244 = arith.addf %add3A_204, %mul3A_243 : vector<16xf32>
        %add3A_245 = arith.constant 7 : i32
        %add3A_246 = vector.broadcast %add3A_245 : i32 to vector<16xi32>
        %add3A_247 = arith.addi %add3A_246, %iota3A : vector<16xi32>
        %and3A_248 = arith.constant 31 : i32
        %and3A_249 = vector.broadcast %and3A_248 : i32 to vector<16xi32>
        %and3A_250 = arith.andi %add3A_247, %and3A_249 : vector<16xi32>
        %gather3A_251 = tpu.vector_load_idx %arg13[%add3A_169, %and3A_250] : memref<400x32xf32, #tpu.memory_space<vmem>>[vector<16xi32>, vector<16xi32>], vector<16xf32>,
        %gather3A_252 = tpu.vector_load_idx %arg14[%add3A_169, %and3A_250] : memref<400x32xf32, #tpu.memory_space<vmem>>[vector<16xi32>, vector<16xi32>], vector<16xf32>,
        %mul3A_253 = arith.mulf %gather3A_251, %gather3A_252 : vector<16xf32>
        %add3A_254 = arith.addf %add3A_214, %mul3A_253 : vector<16xf32>
        %add3A_255 = arith.constant 8 : i32
        %add3A_256 = vector.broadcast %add3A_255 : i32 to vector<16xi32>
        %add3A_257 = arith.addi %add3A_256, %iota3A : vector<16xi32>
        %and3A_258 = arith.constant 31 : i32
        %and3A_259 = vector.broadcast %and3A_258 : i32 to vector<16xi32>
        %and3A_260 = arith.andi %add3A_257, %and3A_259 : vector<16xi32>
        %gather3A_261 = tpu.vector_load_idx %arg13[%add3A_169, %and3A_260] : memref<400x32xf32, #tpu.memory_space<vmem>>[vector<16xi32>, vector<16xi32>], vector<16xf32>,
        %gather3A_262 = tpu.vector_load_idx %arg14[%add3A_169, %and3A_260] : memref<400x32xf32, #tpu.memory_space<vmem>>[vector<16xi32>, vector<16xi32>], vector<16xf32>,
        %mul3A_263 = arith.mulf %gather3A_261, %gather3A_262 : vector<16xf32>
        %add3A_264 = arith.addf %add3A_224, %mul3A_263 : vector<16xf32>
        %add3A_265 = arith.constant 9 : i32
        %add3A_266 = vector.broadcast %add3A_265 : i32 to vector<16xi32>
        %add3A_267 = arith.addi %add3A_266, %iota3A : vector<16xi32>
        %and3A_268 = arith.constant 31 : i32
        %and3A_269 = vector.broadcast %and3A_268 : i32 to vector<16xi32>
        %and3A_270 = arith.andi %add3A_267, %and3A_269 : vector<16xi32>
        %gather3A_271 = tpu.vector_load_idx %arg13[%add3A_169, %and3A_270] : memref<400x32xf32, #tpu.memory_space<vmem>>[vector<16xi32>, vector<16xi32>], vector<16xf32>,
        %gather3A_272 = tpu.vector_load_idx %arg14[%add3A_169, %and3A_270] : memref<400x32xf32, #tpu.memory_space<vmem>>[vector<16xi32>, vector<16xi32>], vector<16xf32>,
        %mul3A_273 = arith.mulf %gather3A_271, %gather3A_272 : vector<16xf32>
        %add3A_274 = arith.addf %add3A_234, %mul3A_273 : vector<16xf32>
        %add3A_275 = arith.constant 10 : i32
        %add3A_276 = vector.broadcast %add3A_275 : i32 to vector<16xi32>
        %add3A_277 = arith.addi %add3A_276, %iota3A : vector<16xi32>
        %and3A_278 = arith.constant 31 : i32
        %and3A_279 = vector.broadcast %and3A_278 : i32 to vector<16xi32>
        %and3A_280 = arith.andi %add3A_277, %and3A_279 : vector<16xi32>
        %gather3A_281 = tpu.vector_load_idx %arg13[%add3A_169, %and3A_280] : memref<400x32xf32, #tpu.memory_space<vmem>>[vector<16xi32>, vector<16xi32>], vector<16xf32>,
        %gather3A_282 = tpu.vector_load_idx %arg14[%add3A_169, %and3A_280] : memref<400x32xf32, #tpu.memory_space<vmem>>[vector<16xi32>, vector<16xi32>], vector<16xf32>,
        %mul3A_283 = arith.mulf %gather3A_281, %gather3A_282 : vector<16xf32>
        %add3A_284 = arith.addf %add3A_244, %mul3A_283 : vector<16xf32>
        %add3A_285 = arith.constant 11 : i32
        %add3A_286 = vector.broadcast %add3A_285 : i32 to vector<16xi32>
        %add3A_287 = arith.addi %add3A_286, %iota3A : vector<16xi32>
        %and3A_288 = arith.constant 31 : i32
        %and3A_289 = vector.broadcast %and3A_288 : i32 to vector<16xi32>
        %and3A_290 = arith.andi %add3A_287, %and3A_289 : vector<16xi32>
        %gather3A_291 = tpu.vector_load_idx %arg13[%add3A_169, %and3A_290] : memref<400x32xf32, #tpu.memory_space<vmem>>[vector<16xi32>, vector<16xi32>], vector<16xf32>,
        %gather3A_292 = tpu.vector_load_idx %arg14[%add3A_169, %and3A_290] : memref<400x32xf32, #tpu.memory_space<vmem>>[vector<16xi32>, vector<16xi32>], vector<16xf32>,
        %mul3A_293 = arith.mulf %gather3A_291, %gather3A_292 : vector<16xf32>
        %add3A_294 = arith.addf %add3A_254, %mul3A_293 : vector<16xf32>
        %add3A_295 = arith.constant 12 : i32
        %add3A_296 = vector.broadcast %add3A_295 : i32 to vector<16xi32>
        %add3A_297 = arith.addi %add3A_296, %iota3A : vector<16xi32>
        %and3A_298 = arith.constant 31 : i32
        %and3A_299 = vector.broadcast %and3A_298 : i32 to vector<16xi32>
        %and3A_300 = arith.andi %add3A_297, %and3A_299 : vector<16xi32>
        %gather3A_301 = tpu.vector_load_idx %arg13[%add3A_169, %and3A_300] : memref<400x32xf32, #tpu.memory_space<vmem>>[vector<16xi32>, vector<16xi32>], vector<16xf32>,
        %gather3A_302 = tpu.vector_load_idx %arg14[%add3A_169, %and3A_300] : memref<400x32xf32, #tpu.memory_space<vmem>>[vector<16xi32>, vector<16xi32>], vector<16xf32>,
        %mul3A_303 = arith.mulf %gather3A_301, %gather3A_302 : vector<16xf32>
        %add3A_304 = arith.addf %add3A_264, %mul3A_303 : vector<16xf32>
        %add3A_305 = arith.constant 13 : i32
        %add3A_306 = vector.broadcast %add3A_305 : i32 to vector<16xi32>
        %add3A_307 = arith.addi %add3A_306, %iota3A : vector<16xi32>
        %and3A_308 = arith.constant 31 : i32
        %and3A_309 = vector.broadcast %and3A_308 : i32 to vector<16xi32>
        %and3A_310 = arith.andi %add3A_307, %and3A_309 : vector<16xi32>
        %gather3A_311 = tpu.vector_load_idx %arg13[%add3A_169, %and3A_310] : memref<400x32xf32, #tpu.memory_space<vmem>>[vector<16xi32>, vector<16xi32>], vector<16xf32>,
        %gather3A_312 = tpu.vector_load_idx %arg14[%add3A_169, %and3A_310] : memref<400x32xf32, #tpu.memory_space<vmem>>[vector<16xi32>, vector<16xi32>], vector<16xf32>,
        %mul3A_313 = arith.mulf %gather3A_311, %gather3A_312 : vector<16xf32>
        %add3A_314 = arith.addf %add3A_274, %mul3A_313 : vector<16xf32>
        %add3A_315 = arith.constant 14 : i32
        %add3A_316 = vector.broadcast %add3A_315 : i32 to vector<16xi32>
        %add3A_317 = arith.addi %add3A_316, %iota3A : vector<16xi32>
        %and3A_318 = arith.constant 31 : i32
        %and3A_319 = vector.broadcast %and3A_318 : i32 to vector<16xi32>
        %and3A_320 = arith.andi %add3A_317, %and3A_319 : vector<16xi32>
        %gather3A_321 = tpu.vector_load_idx %arg13[%add3A_169, %and3A_320] : memref<400x32xf32, #tpu.memory_space<vmem>>[vector<16xi32>, vector<16xi32>], vector<16xf32>,
        %gather3A_322 = tpu.vector_load_idx %arg14[%add3A_169, %and3A_320] : memref<400x32xf32, #tpu.memory_space<vmem>>[vector<16xi32>, vector<16xi32>], vector<16xf32>,
        %mul3A_323 = arith.mulf %gather3A_321, %gather3A_322 : vector<16xf32>
        %add3A_324 = arith.addf %add3A_284, %mul3A_323 : vector<16xf32>
        %add3A_325 = arith.constant 15 : i32
        %add3A_326 = vector.broadcast %add3A_325 : i32 to vector<16xi32>
        %add3A_327 = arith.addi %add3A_326, %iota3A : vector<16xi32>
        %and3A_328 = arith.constant 31 : i32
        %and3A_329 = vector.broadcast %and3A_328 : i32 to vector<16xi32>
        %and3A_330 = arith.andi %add3A_327, %and3A_329 : vector<16xi32>
        %gather3A_331 = tpu.vector_load_idx %arg13[%add3A_169, %and3A_330] : memref<400x32xf32, #tpu.memory_space<vmem>>[vector<16xi32>, vector<16xi32>], vector<16xf32>,
        %gather3A_332 = tpu.vector_load_idx %arg14[%add3A_169, %and3A_330] : memref<400x32xf32, #tpu.memory_space<vmem>>[vector<16xi32>, vector<16xi32>], vector<16xf32>,
        %mul3A_333 = arith.mulf %gather3A_331, %gather3A_332 : vector<16xf32>
        %add3A_334 = arith.addf %add3A_294, %mul3A_333 : vector<16xf32>
        %add3A_335 = arith.constant 16 : i32
        %add3A_336 = vector.broadcast %add3A_335 : i32 to vector<16xi32>
        %add3A_337 = arith.addi %add3A_336, %iota3A : vector<16xi32>
        %and3A_338 = arith.constant 31 : i32
        %and3A_339 = vector.broadcast %and3A_338 : i32 to vector<16xi32>
        %and3A_340 = arith.andi %add3A_337, %and3A_339 : vector<16xi32>
        %gather3A_341 = tpu.vector_load_idx %arg13[%add3A_169, %and3A_340] : memref<400x32xf32, #tpu.memory_space<vmem>>[vector<16xi32>, vector<16xi32>], vector<16xf32>,
        %gather3A_342 = tpu.vector_load_idx %arg14[%add3A_169, %and3A_340] : memref<400x32xf32, #tpu.memory_space<vmem>>[vector<16xi32>, vector<16xi32>], vector<16xf32>,
        %mul3A_343 = arith.mulf %gather3A_341, %gather3A_342 : vector<16xf32>
        %add3A_344 = arith.addf %add3A_304, %mul3A_343 : vector<16xf32>
        %add3A_345 = arith.constant 17 : i32
        %add3A_346 = vector.broadcast %add3A_345 : i32 to vector<16xi32>
        %add3A_347 = arith.addi %add3A_346, %iota3A : vector<16xi32>
        %and3A_348 = arith.constant 31 : i32
        %and3A_349 = vector.broadcast %and3A_348 : i32 to vector<16xi32>
        %and3A_350 = arith.andi %add3A_347, %and3A_349 : vector<16xi32>
        %gather3A_351 = tpu.vector_load_idx %arg13[%add3A_169, %and3A_350] : memref<400x32xf32, #tpu.memory_space<vmem>>[vector<16xi32>, vector<16xi32>], vector<16xf32>,
        %gather3A_352 = tpu.vector_load_idx %arg14[%add3A_169, %and3A_350] : memref<400x32xf32, #tpu.memory_space<vmem>>[vector<16xi32>, vector<16xi32>], vector<16xf32>,
        %mul3A_353 = arith.mulf %gather3A_351, %gather3A_352 : vector<16xf32>
        %add3A_354 = arith.addf %add3A_314, %mul3A_353 : vector<16xf32>
        %add3A_355 = arith.constant 18 : i32
        %add3A_356 = vector.broadcast %add3A_355 : i32 to vector<16xi32>
        %add3A_357 = arith.addi %add3A_356, %iota3A : vector<16xi32>
        %and3A_358 = arith.constant 31 : i32
        %and3A_359 = vector.broadcast %and3A_358 : i32 to vector<16xi32>
        %and3A_360 = arith.andi %add3A_357, %and3A_359 : vector<16xi32>
        %gather3A_361 = tpu.vector_load_idx %arg13[%add3A_169, %and3A_360] : memref<400x32xf32, #tpu.memory_space<vmem>>[vector<16xi32>, vector<16xi32>], vector<16xf32>,
        %gather3A_362 = tpu.vector_load_idx %arg14[%add3A_169, %and3A_360] : memref<400x32xf32, #tpu.memory_space<vmem>>[vector<16xi32>, vector<16xi32>], vector<16xf32>,
        %mul3A_363 = arith.mulf %gather3A_361, %gather3A_362 : vector<16xf32>
        %add3A_364 = arith.addf %add3A_324, %mul3A_363 : vector<16xf32>
        %add3A_365 = arith.constant 19 : i32
        %add3A_366 = vector.broadcast %add3A_365 : i32 to vector<16xi32>
        %add3A_367 = arith.addi %add3A_366, %iota3A : vector<16xi32>
        %and3A_368 = arith.constant 31 : i32
        %and3A_369 = vector.broadcast %and3A_368 : i32 to vector<16xi32>
        %and3A_370 = arith.andi %add3A_367, %and3A_369 : vector<16xi32>
        %gather3A_371 = tpu.vector_load_idx %arg13[%add3A_169, %and3A_370] : memref<400x32xf32, #tpu.memory_space<vmem>>[vector<16xi32>, vector<16xi32>], vector<16xf32>,
        %gather3A_372 = tpu.vector_load_idx %arg14[%add3A_169, %and3A_370] : memref<400x32xf32, #tpu.memory_space<vmem>>[vector<16xi32>, vector<16xi32>], vector<16xf32>,
        %mul3A_373 = arith.mulf %gather3A_371, %gather3A_372 : vector<16xf32>
        %add3A_374 = arith.addf %add3A_334, %mul3A_373 : vector<16xf32>
        %add3A_375 = arith.constant 20 : i32
        %add3A_376 = vector.broadcast %add3A_375 : i32 to vector<16xi32>
        %add3A_377 = arith.addi %add3A_376, %iota3A : vector<16xi32>
        %and3A_378 = arith.constant 31 : i32
        %and3A_379 = vector.broadcast %and3A_378 : i32 to vector<16xi32>
        %and3A_380 = arith.andi %add3A_377, %and3A_379 : vector<16xi32>
        %gather3A_381 = tpu.vector_load_idx %arg13[%add3A_169, %and3A_380] : memref<400x32xf32, #tpu.memory_space<vmem>>[vector<16xi32>, vector<16xi32>], vector<16xf32>,
        %gather3A_382 = tpu.vector_load_idx %arg14[%add3A_169, %and3A_380] : memref<400x32xf32, #tpu.memory_space<vmem>>[vector<16xi32>, vector<16xi32>], vector<16xf32>,
        %mul3A_383 = arith.mulf %gather3A_381, %gather3A_382 : vector<16xf32>
        %add3A_384 = arith.addf %add3A_344, %mul3A_383 : vector<16xf32>
        %add3A_385 = arith.constant 21 : i32
        %add3A_386 = vector.broadcast %add3A_385 : i32 to vector<16xi32>
        %add3A_387 = arith.addi %add3A_386, %iota3A : vector<16xi32>
        %and3A_388 = arith.constant 31 : i32
        %and3A_389 = vector.broadcast %and3A_388 : i32 to vector<16xi32>
        %and3A_390 = arith.andi %add3A_387, %and3A_389 : vector<16xi32>
        %gather3A_391 = tpu.vector_load_idx %arg13[%add3A_169, %and3A_390] : memref<400x32xf32, #tpu.memory_space<vmem>>[vector<16xi32>, vector<16xi32>], vector<16xf32>,
        %gather3A_392 = tpu.vector_load_idx %arg14[%add3A_169, %and3A_390] : memref<400x32xf32, #tpu.memory_space<vmem>>[vector<16xi32>, vector<16xi32>], vector<16xf32>,
        %mul3A_393 = arith.mulf %gather3A_391, %gather3A_392 : vector<16xf32>
        %add3A_394 = arith.addf %add3A_354, %mul3A_393 : vector<16xf32>
        %add3A_395 = arith.constant 22 : i32
        %add3A_396 = vector.broadcast %add3A_395 : i32 to vector<16xi32>
        %add3A_397 = arith.addi %add3A_396, %iota3A : vector<16xi32>
        %and3A_398 = arith.constant 31 : i32
        %and3A_399 = vector.broadcast %and3A_398 : i32 to vector<16xi32>
        %and3A_400 = arith.andi %add3A_397, %and3A_399 : vector<16xi32>
        %gather3A_401 = tpu.vector_load_idx %arg13[%add3A_169, %and3A_400] : memref<400x32xf32, #tpu.memory_space<vmem>>[vector<16xi32>, vector<16xi32>], vector<16xf32>,
        %gather3A_402 = tpu.vector_load_idx %arg14[%add3A_169, %and3A_400] : memref<400x32xf32, #tpu.memory_space<vmem>>[vector<16xi32>, vector<16xi32>], vector<16xf32>,
        %mul3A_403 = arith.mulf %gather3A_401, %gather3A_402 : vector<16xf32>
        %add3A_404 = arith.addf %add3A_364, %mul3A_403 : vector<16xf32>
        %add3A_405 = arith.constant 23 : i32
        %add3A_406 = vector.broadcast %add3A_405 : i32 to vector<16xi32>
        %add3A_407 = arith.addi %add3A_406, %iota3A : vector<16xi32>
        %and3A_408 = arith.constant 31 : i32
        %and3A_409 = vector.broadcast %and3A_408 : i32 to vector<16xi32>
        %and3A_410 = arith.andi %add3A_407, %and3A_409 : vector<16xi32>
        %gather3A_411 = tpu.vector_load_idx %arg13[%add3A_169, %and3A_410] : memref<400x32xf32, #tpu.memory_space<vmem>>[vector<16xi32>, vector<16xi32>], vector<16xf32>,
        %gather3A_412 = tpu.vector_load_idx %arg14[%add3A_169, %and3A_410] : memref<400x32xf32, #tpu.memory_space<vmem>>[vector<16xi32>, vector<16xi32>], vector<16xf32>,
        %mul3A_413 = arith.mulf %gather3A_411, %gather3A_412 : vector<16xf32>
        %add3A_414 = arith.addf %add3A_374, %mul3A_413 : vector<16xf32>
        %add3A_415 = arith.constant 24 : i32
        %add3A_416 = vector.broadcast %add3A_415 : i32 to vector<16xi32>
        %add3A_417 = arith.addi %add3A_416, %iota3A : vector<16xi32>
        %and3A_418 = arith.constant 31 : i32
        %and3A_419 = vector.broadcast %and3A_418 : i32 to vector<16xi32>
        %and3A_420 = arith.andi %add3A_417, %and3A_419 : vector<16xi32>
        %gather3A_421 = tpu.vector_load_idx %arg13[%add3A_169, %and3A_420] : memref<400x32xf32, #tpu.memory_space<vmem>>[vector<16xi32>, vector<16xi32>], vector<16xf32>,
        %gather3A_422 = tpu.vector_load_idx %arg14[%add3A_169, %and3A_420] : memref<400x32xf32, #tpu.memory_space<vmem>>[vector<16xi32>, vector<16xi32>], vector<16xf32>,
        %mul3A_423 = arith.mulf %gather3A_421, %gather3A_422 : vector<16xf32>
        %add3A_424 = arith.addf %add3A_384, %mul3A_423 : vector<16xf32>
        %add3A_425 = arith.constant 25 : i32
        %add3A_426 = vector.broadcast %add3A_425 : i32 to vector<16xi32>
        %add3A_427 = arith.addi %add3A_426, %iota3A : vector<16xi32>
        %and3A_428 = arith.constant 31 : i32
        %and3A_429 = vector.broadcast %and3A_428 : i32 to vector<16xi32>
        %and3A_430 = arith.andi %add3A_427, %and3A_429 : vector<16xi32>
        %gather3A_431 = tpu.vector_load_idx %arg13[%add3A_169, %and3A_430] : memref<400x32xf32, #tpu.memory_space<vmem>>[vector<16xi32>, vector<16xi32>], vector<16xf32>,
        %gather3A_432 = tpu.vector_load_idx %arg14[%add3A_169, %and3A_430] : memref<400x32xf32, #tpu.memory_space<vmem>>[vector<16xi32>, vector<16xi32>], vector<16xf32>,
        %mul3A_433 = arith.mulf %gather3A_431, %gather3A_432 : vector<16xf32>
        %add3A_434 = arith.addf %add3A_394, %mul3A_433 : vector<16xf32>
        %add3A_435 = arith.constant 26 : i32
        %add3A_436 = vector.broadcast %add3A_435 : i32 to vector<16xi32>
        %add3A_437 = arith.addi %add3A_436, %iota3A : vector<16xi32>
        %and3A_438 = arith.constant 31 : i32
        %and3A_439 = vector.broadcast %and3A_438 : i32 to vector<16xi32>
        %and3A_440 = arith.andi %add3A_437, %and3A_439 : vector<16xi32>
        %gather3A_441 = tpu.vector_load_idx %arg13[%add3A_169, %and3A_440] : memref<400x32xf32, #tpu.memory_space<vmem>>[vector<16xi32>, vector<16xi32>], vector<16xf32>,
        %gather3A_442 = tpu.vector_load_idx %arg14[%add3A_169, %and3A_440] : memref<400x32xf32, #tpu.memory_space<vmem>>[vector<16xi32>, vector<16xi32>], vector<16xf32>,
        %mul3A_443 = arith.mulf %gather3A_441, %gather3A_442 : vector<16xf32>
        %add3A_444 = arith.addf %add3A_404, %mul3A_443 : vector<16xf32>
        %add3A_445 = arith.constant 27 : i32
        %add3A_446 = vector.broadcast %add3A_445 : i32 to vector<16xi32>
        %add3A_447 = arith.addi %add3A_446, %iota3A : vector<16xi32>
        %and3A_448 = arith.constant 31 : i32
        %and3A_449 = vector.broadcast %and3A_448 : i32 to vector<16xi32>
        %and3A_450 = arith.andi %add3A_447, %and3A_449 : vector<16xi32>
        %gather3A_451 = tpu.vector_load_idx %arg13[%add3A_169, %and3A_450] : memref<400x32xf32, #tpu.memory_space<vmem>>[vector<16xi32>, vector<16xi32>], vector<16xf32>,
        %gather3A_452 = tpu.vector_load_idx %arg14[%add3A_169, %and3A_450] : memref<400x32xf32, #tpu.memory_space<vmem>>[vector<16xi32>, vector<16xi32>], vector<16xf32>,
        %mul3A_453 = arith.mulf %gather3A_451, %gather3A_452 : vector<16xf32>
        %add3A_454 = arith.addf %add3A_414, %mul3A_453 : vector<16xf32>
        %add3A_455 = arith.constant 28 : i32
        %add3A_456 = vector.broadcast %add3A_455 : i32 to vector<16xi32>
        %add3A_457 = arith.addi %add3A_456, %iota3A : vector<16xi32>
        %and3A_458 = arith.constant 31 : i32
        %and3A_459 = vector.broadcast %and3A_458 : i32 to vector<16xi32>
        %and3A_460 = arith.andi %add3A_457, %and3A_459 : vector<16xi32>
        %gather3A_461 = tpu.vector_load_idx %arg13[%add3A_169, %and3A_460] : memref<400x32xf32, #tpu.memory_space<vmem>>[vector<16xi32>, vector<16xi32>], vector<16xf32>,
        %gather3A_462 = tpu.vector_load_idx %arg14[%add3A_169, %and3A_460] : memref<400x32xf32, #tpu.memory_space<vmem>>[vector<16xi32>, vector<16xi32>], vector<16xf32>,
        %mul3A_463 = arith.mulf %gather3A_461, %gather3A_462 : vector<16xf32>
        %add3A_464 = arith.addf %add3A_424, %mul3A_463 : vector<16xf32>
        %add3A_465 = arith.constant 29 : i32
        %add3A_466 = vector.broadcast %add3A_465 : i32 to vector<16xi32>
        %add3A_467 = arith.addi %add3A_466, %iota3A : vector<16xi32>
        %and3A_468 = arith.constant 31 : i32
        %and3A_469 = vector.broadcast %and3A_468 : i32 to vector<16xi32>
        %and3A_470 = arith.andi %add3A_467, %and3A_469 : vector<16xi32>
        %gather3A_471 = tpu.vector_load_idx %arg13[%add3A_169, %and3A_470] : memref<400x32xf32, #tpu.memory_space<vmem>>[vector<16xi32>, vector<16xi32>], vector<16xf32>,
        %gather3A_472 = tpu.vector_load_idx %arg14[%add3A_169, %and3A_470] : memref<400x32xf32, #tpu.memory_space<vmem>>[vector<16xi32>, vector<16xi32>], vector<16xf32>,
        %mul3A_473 = arith.mulf %gather3A_471, %gather3A_472 : vector<16xf32>
        %add3A_474 = arith.addf %add3A_434, %mul3A_473 : vector<16xf32>
        %add3A_475 = arith.constant 30 : i32
        %add3A_476 = vector.broadcast %add3A_475 : i32 to vector<16xi32>
        %add3A_477 = arith.addi %add3A_476, %iota3A : vector<16xi32>
        %and3A_478 = arith.constant 31 : i32
        %and3A_479 = vector.broadcast %and3A_478 : i32 to vector<16xi32>
        %and3A_480 = arith.andi %add3A_477, %and3A_479 : vector<16xi32>
        %gather3A_481 = tpu.vector_load_idx %arg13[%add3A_169, %and3A_480] : memref<400x32xf32, #tpu.memory_space<vmem>>[vector<16xi32>, vector<16xi32>], vector<16xf32>,
        %gather3A_482 = tpu.vector_load_idx %arg14[%add3A_169, %and3A_480] : memref<400x32xf32, #tpu.memory_space<vmem>>[vector<16xi32>, vector<16xi32>], vector<16xf32>,
        %mul3A_483 = arith.mulf %gather3A_481, %gather3A_482 : vector<16xf32>
        %add3A_484 = arith.addf %add3A_444, %mul3A_483 : vector<16xf32>
        %add3A_485 = arith.constant 31 : i32
        %add3A_486 = vector.broadcast %add3A_485 : i32 to vector<16xi32>
        %add3A_487 = arith.addi %add3A_486, %iota3A : vector<16xi32>
        %and3A_488 = arith.constant 31 : i32
        %and3A_489 = vector.broadcast %and3A_488 : i32 to vector<16xi32>
        %and3A_490 = arith.andi %add3A_487, %and3A_489 : vector<16xi32>
        %gather3A_491 = tpu.vector_load_idx %arg13[%add3A_169, %and3A_490] : memref<400x32xf32, #tpu.memory_space<vmem>>[vector<16xi32>, vector<16xi32>], vector<16xf32>,
        %gather3A_492 = tpu.vector_load_idx %arg14[%add3A_169, %and3A_490] : memref<400x32xf32, #tpu.memory_space<vmem>>[vector<16xi32>, vector<16xi32>], vector<16xf32>,
        %mul3A_493 = arith.mulf %gather3A_491, %gather3A_492 : vector<16xf32>
        %add3A_494 = arith.addf %add3A_454, %mul3A_493 : vector<16xf32>
        %add3A_495 = arith.addf %add3A_464, %add3A_474 : vector<16xf32>
        %add3A_496 = arith.addf %add3A_484, %add3A_494 : vector<16xf32>
        %add3A_497 = arith.addf %add3A_495, %add3A_496 : vector<16xf32>
        %mul3A_498 = arith.constant 16 : i32
        %mul3A_499 = arith.muli %scan3A_164, %mul3A_498 : i32
        %swap3A = arith.index_cast %mul3A_499 : i32 to index
        %swap3A_500 = tpu.vector_load %arg17[%swap3A] {strides = array<i32>} : memref<400xf32, #tpu.memory_space<vmem>>, vector<16xf32>,
        tpu.vector_store %arg17[%swap3A], %add3A_497 {strides = array<i32>} : memref<400xf32, #tpu.memory_space<vmem>>, vector<16xf32>,
        %scan3A_501 = arith.constant 0 : i32
        scf.yield %scan3A_501 : i32
      }
      %scan3A_113 = arith.constant 25 : i32
      %mul3A_114 = arith.constant 8 : i32
      %mul3A_115 = arith.muli %arg1, %mul3A_114 : i32
      %add3A_116 = arith.addi %mul3A_115, %mul3A_79 : i32
      %mul3A_117 = arith.constant 400 : i32
      %mul3A_118 = arith.muli %add3A_116, %mul3A_117 : i32
      %add3A_119 = arith.constant 320000 : i32
      %add3A_120 = arith.addi %add3A_119, %mul3A_118 : i32
      %dma_start3A_121 = tpu.memref_slice %arg7[%arg0, %add3A_120] : memref<2x371200xf32, #tpu.memory_space<hbm>> -> memref<1x400xf32, #tpu.memory_space<hbm>>
      %dma_start3A_122 = tpu.memref_squeeze %dma_start3A_121 : memref<1x400xf32, #tpu.memory_space<hbm>> -> memref<400xf32, #tpu.memory_space<hbm>>
      %dma_start3A_123 = tpu.memref_slice %arg7[%arg0, %add3A_120] : memref<2x371200xf32, #tpu.memory_space<hbm>> -> memref<1x400xf32, #tpu.memory_space<hbm>>
      %dma_start3A_124 = tpu.memref_squeeze %dma_start3A_123 : memref<1x400xf32, #tpu.memory_space<hbm>> -> memref<400xf32, #tpu.memory_space<hbm>>
      tpu.enqueue_dma source(%arg17 : memref<400xf32, #tpu.memory_space<vmem>>) target(%dma_start3A_124 : memref<400xf32, #tpu.memory_space<hbm>>) target_semaphore(%arg21 : memref<!tpu.dma_semaphore, #tpu.memory_space<semaphore_mem>>)
      %add3A_125 = arith.constant 1 : i32
      %add3A_126 = arith.addi %mul3A_79, %add3A_125 : i32
      %dma_wait3A_127 = arith.constant 0 : i32
      %dma_wait3A_128 = tpu.memref_slice %arg11[%add3A_126, %dma_wait3A_127] : memref<8x400xi32, #tpu.memory_space<vmem>> -> memref<1x400xi32, #tpu.memory_space<vmem>>
      %dma_wait3A_129 = tpu.memref_squeeze %dma_wait3A_128 : memref<1x400xi32, #tpu.memory_space<vmem>> -> memref<400xi32, #tpu.memory_space<vmem>>
      %dma_wait3A_130 = arith.constant 0 : i32
      %dma_wait3A_131 = arith.constant 0 : i32
      %dma_wait3A_132 = tpu.memref_slice %arg8[%dma_wait3A_130, %dma_wait3A_131] : memref<10000x32xf32, #tpu.memory_space<vmem_shared>> -> memref<10000x32xf32, #tpu.memory_space<vmem_shared>>
      tpu.wait_indirect_dma semaphore(%arg20 : memref<!tpu.dma_semaphore, #tpu.memory_space<semaphore_mem>>) src(%dma_wait3A_132 : memref<10000x32xf32, #tpu.memory_space<vmem_shared>>) dst(%arg15 : memref<400x32xf32, #tpu.memory_space<vmem>>)
      %dma_wait3A_133 = arith.constant 0 : i32
      %dma_wait3A_134 = tpu.memref_slice %arg12[%add3A_126, %dma_wait3A_133] : memref<8x400xi32, #tpu.memory_space<vmem>> -> memref<1x400xi32, #tpu.memory_space<vmem>>
      %dma_wait3A_135 = tpu.memref_squeeze %dma_wait3A_134 : memref<1x400xi32, #tpu.memory_space<vmem>> -> memref<400xi32, #tpu.memory_space<vmem>>
      %dma_wait3A_136 = arith.constant 0 : i32
      %dma_wait3A_137 = arith.constant 0 : i32
      %dma_wait3A_138 = tpu.memref_slice %arg8[%dma_wait3A_136, %dma_wait3A_137] : memref<10000x32xf32, #tpu.memory_space<vmem_shared>> -> memref<10000x32xf32, #tpu.memory_space<vmem_shared>>
      tpu.wait_indirect_dma semaphore(%arg20 : memref<!tpu.dma_semaphore, #tpu.memory_space<semaphore_mem>>) src(%dma_wait3A_138 : memref<10000x32xf32, #tpu.memory_space<vmem_shared>>) dst(%arg16 : memref<400x32xf32, #tpu.memory_space<vmem>>)
      %add3A_139 = arith.constant 2 : i32
      %add3A_140 = arith.addi %mul3A_79, %add3A_139 : i32
      %lt3A = arith.constant 8 : i32
      %lt3A_141 = arith.cmpi slt, %add3A_140, %lt3A : i32
      %convert_element_type3A_142 = arith.extui %lt3A_141 : i1 to i32
      %cond3A_143 = arith.constant 0 : i32
      %cond3A_144 = arith.cmpi ne, %convert_element_type3A_142, %cond3A_143 : i32
      scf.if %cond3A_144 {
        %add3A_164 = arith.constant 2 : i32
        %add3A_165 = arith.addi %mul3A_79, %add3A_164 : i32
        %dma_start3A_166 = arith.constant 0 : i32
        %dma_start3A_167 = tpu.memref_slice %arg11[%add3A_165, %dma_start3A_166] : memref<8x400xi32, #tpu.memory_space<vmem>> -> memref<1x400xi32, #tpu.memory_space<vmem>>
        %dma_start3A_168 = tpu.memref_squeeze %dma_start3A_167 : memref<1x400xi32, #tpu.memory_space<vmem>> -> memref<400xi32, #tpu.memory_space<vmem>>
        %dma_start3A_169 = arith.constant 0 : i32
        %dma_start3A_170 = arith.constant 0 : i32
        %dma_start3A_171 = tpu.memref_slice %arg8[%dma_start3A_169, %dma_start3A_170] : memref<10000x32xf32, #tpu.memory_space<vmem_shared>> -> memref<10000x32xf32, #tpu.memory_space<vmem_shared>>
        tpu.enqueue_indirect_dma source(%dma_start3A_171 : memref<10000x32xf32, #tpu.memory_space<vmem_shared>>) target(%arg13 : memref<400x32xf32, #tpu.memory_space<vmem>>) offsets(%dma_start3A_168 : memref<400xi32, #tpu.memory_space<vmem>>) semaphore(%arg19 : memref<!tpu.dma_semaphore, #tpu.memory_space<semaphore_mem>>)
        %dma_start3A_172 = arith.constant 0 : i32
        %dma_start3A_173 = tpu.memref_slice %arg12[%add3A_165, %dma_start3A_172] : memref<8x400xi32, #tpu.memory_space<vmem>> -> memref<1x400xi32, #tpu.memory_space<vmem>>
        %dma_start3A_174 = tpu.memref_squeeze %dma_start3A_173 : memref<1x400xi32, #tpu.memory_space<vmem>> -> memref<400xi32, #tpu.memory_space<vmem>>
        %dma_start3A_175 = arith.constant 0 : i32
        %dma_start3A_176 = arith.constant 0 : i32
        %dma_start3A_177 = tpu.memref_slice %arg8[%dma_start3A_175, %dma_start3A_176] : memref<10000x32xf32, #tpu.memory_space<vmem_shared>> -> memref<10000x32xf32, #tpu.memory_space<vmem_shared>>
        tpu.enqueue_indirect_dma source(%dma_start3A_177 : memref<10000x32xf32, #tpu.memory_space<vmem_shared>>) target(%arg14 : memref<400x32xf32, #tpu.memory_space<vmem>>) offsets(%dma_start3A_174 : memref<400xi32, #tpu.memory_space<vmem>>) semaphore(%arg19 : memref<!tpu.dma_semaphore, #tpu.memory_space<semaphore_mem>>)
      } else {
      }
      %gt3A_145 = arith.constant 0 : i32
      %gt3A_146 = arith.cmpi sgt, %scan3A_76, %gt3A_145 : i32
      %convert_element_type3A_147 = arith.extui %gt3A_146 : i1 to i32
      %cond3A_148 = arith.constant 0 : i32
      %cond3A_149 = arith.cmpi ne, %convert_element_type3A_147, %cond3A_148 : i32
      scf.if %cond3A_149 {
        %dma_wait3A_164 = arith.constant 0 : i32
        %dma_wait3A_165 = tpu.memref_slice %arg7[%arg0, %dma_wait3A_164] : memref<2x371200xf32, #tpu.memory_space<hbm>> -> memref<1x400xf32, #tpu.memory_space<hbm>>
        %dma_wait3A_166 = tpu.memref_squeeze %dma_wait3A_165 : memref<1x400xf32, #tpu.memory_space<hbm>> -> memref<400xf32, #tpu.memory_space<hbm>>
        %dma_wait3A_167 = arith.constant 0 : i32
        %dma_wait3A_168 = tpu.memref_slice %arg7[%arg0, %dma_wait3A_167] : memref<2x371200xf32, #tpu.memory_space<hbm>> -> memref<1x400xf32, #tpu.memory_space<hbm>>
        %dma_wait3A_169 = tpu.memref_squeeze %dma_wait3A_168 : memref<1x400xf32, #tpu.memory_space<hbm>> -> memref<400xf32, #tpu.memory_space<hbm>>
        tpu.wait_dma2 semaphore(%arg22 : memref<!tpu.dma_semaphore, #tpu.memory_space<semaphore_mem>>) src(%arg18 : memref<400xf32, #tpu.memory_space<vmem>>) dst(%dma_wait3A_169 : memref<400xf32, #tpu.memory_space<hbm>>)
      } else {
      }
      %scan3A_150 = arith.constant 0 : i32
      %scan3A_151 = arith.constant 0 : i32
      %scan3A_152 = arith.constant 25 : i32
      %scan3A_153 = arith.addi %scan3A_151, %scan3A_152 : i32
      %scan3A_154 = arith.constant 1 : i32
      %scan3A_155 = scf.for %scan3A_164 = %scan3A_151 to %scan3A_153 step %scan3A_154 iter_args(%scan3A_165 = %scan3A_150) -> (i32)  : i32 {
        %mul3A_166 = arith.constant 16 : i32
        %mul3A_167 = arith.muli %scan3A_164, %mul3A_166 : i32
        %add3A_168 = vector.broadcast %mul3A_167 : i32 to vector<16xi32>
        %add3A_169 = arith.addi %add3A_168, %iota3A : vector<16xi32>
        %broadcast_in_dim3A = arith.constant 0.000000e+00 : f32
        %broadcast_in_dim3A_170 = vector.broadcast %broadcast_in_dim3A : f32 to vector<16xf32>
        %broadcast_in_dim3A_171 = arith.constant 0.000000e+00 : f32
        %broadcast_in_dim3A_172 = vector.broadcast %broadcast_in_dim3A_171 : f32 to vector<16xf32>
        %broadcast_in_dim3A_173 = arith.constant 0.000000e+00 : f32
        %broadcast_in_dim3A_174 = vector.broadcast %broadcast_in_dim3A_173 : f32 to vector<16xf32>
        %broadcast_in_dim3A_175 = arith.constant 0.000000e+00 : f32
        %broadcast_in_dim3A_176 = vector.broadcast %broadcast_in_dim3A_175 : f32 to vector<16xf32>
        %add3A_177 = arith.constant 0 : i32
        %add3A_178 = vector.broadcast %add3A_177 : i32 to vector<16xi32>
        %add3A_179 = arith.addi %add3A_178, %iota3A : vector<16xi32>
        %and3A = arith.constant 31 : i32
        %and3A_180 = vector.broadcast %and3A : i32 to vector<16xi32>
        %and3A_181 = arith.andi %add3A_179, %and3A_180 : vector<16xi32>
        %gather3A = tpu.vector_load_idx %arg15[%add3A_169, %and3A_181] : memref<400x32xf32, #tpu.memory_space<vmem>>[vector<16xi32>, vector<16xi32>], vector<16xf32>,
        %gather3A_182 = tpu.vector_load_idx %arg16[%add3A_169, %and3A_181] : memref<400x32xf32, #tpu.memory_space<vmem>>[vector<16xi32>, vector<16xi32>], vector<16xf32>,
        %mul3A_183 = arith.mulf %gather3A, %gather3A_182 : vector<16xf32>
        %add3A_184 = arith.addf %broadcast_in_dim3A_170, %mul3A_183 : vector<16xf32>
        %add3A_185 = arith.constant 1 : i32
        %add3A_186 = vector.broadcast %add3A_185 : i32 to vector<16xi32>
        %add3A_187 = arith.addi %add3A_186, %iota3A : vector<16xi32>
        %and3A_188 = arith.constant 31 : i32
        %and3A_189 = vector.broadcast %and3A_188 : i32 to vector<16xi32>
        %and3A_190 = arith.andi %add3A_187, %and3A_189 : vector<16xi32>
        %gather3A_191 = tpu.vector_load_idx %arg15[%add3A_169, %and3A_190] : memref<400x32xf32, #tpu.memory_space<vmem>>[vector<16xi32>, vector<16xi32>], vector<16xf32>,
        %gather3A_192 = tpu.vector_load_idx %arg16[%add3A_169, %and3A_190] : memref<400x32xf32, #tpu.memory_space<vmem>>[vector<16xi32>, vector<16xi32>], vector<16xf32>,
        %mul3A_193 = arith.mulf %gather3A_191, %gather3A_192 : vector<16xf32>
        %add3A_194 = arith.addf %broadcast_in_dim3A_172, %mul3A_193 : vector<16xf32>
        %add3A_195 = arith.constant 2 : i32
        %add3A_196 = vector.broadcast %add3A_195 : i32 to vector<16xi32>
        %add3A_197 = arith.addi %add3A_196, %iota3A : vector<16xi32>
        %and3A_198 = arith.constant 31 : i32
        %and3A_199 = vector.broadcast %and3A_198 : i32 to vector<16xi32>
        %and3A_200 = arith.andi %add3A_197, %and3A_199 : vector<16xi32>
        %gather3A_201 = tpu.vector_load_idx %arg15[%add3A_169, %and3A_200] : memref<400x32xf32, #tpu.memory_space<vmem>>[vector<16xi32>, vector<16xi32>], vector<16xf32>,
        %gather3A_202 = tpu.vector_load_idx %arg16[%add3A_169, %and3A_200] : memref<400x32xf32, #tpu.memory_space<vmem>>[vector<16xi32>, vector<16xi32>], vector<16xf32>,
        %mul3A_203 = arith.mulf %gather3A_201, %gather3A_202 : vector<16xf32>
        %add3A_204 = arith.addf %broadcast_in_dim3A_174, %mul3A_203 : vector<16xf32>
        %add3A_205 = arith.constant 3 : i32
        %add3A_206 = vector.broadcast %add3A_205 : i32 to vector<16xi32>
        %add3A_207 = arith.addi %add3A_206, %iota3A : vector<16xi32>
        %and3A_208 = arith.constant 31 : i32
        %and3A_209 = vector.broadcast %and3A_208 : i32 to vector<16xi32>
        %and3A_210 = arith.andi %add3A_207, %and3A_209 : vector<16xi32>
        %gather3A_211 = tpu.vector_load_idx %arg15[%add3A_169, %and3A_210] : memref<400x32xf32, #tpu.memory_space<vmem>>[vector<16xi32>, vector<16xi32>], vector<16xf32>,
        %gather3A_212 = tpu.vector_load_idx %arg16[%add3A_169, %and3A_210] : memref<400x32xf32, #tpu.memory_space<vmem>>[vector<16xi32>, vector<16xi32>], vector<16xf32>,
        %mul3A_213 = arith.mulf %gather3A_211, %gather3A_212 : vector<16xf32>
        %add3A_214 = arith.addf %broadcast_in_dim3A_176, %mul3A_213 : vector<16xf32>
        %add3A_215 = arith.constant 4 : i32
        %add3A_216 = vector.broadcast %add3A_215 : i32 to vector<16xi32>
        %add3A_217 = arith.addi %add3A_216, %iota3A : vector<16xi32>
        %and3A_218 = arith.constant 31 : i32
        %and3A_219 = vector.broadcast %and3A_218 : i32 to vector<16xi32>
        %and3A_220 = arith.andi %add3A_217, %and3A_219 : vector<16xi32>
        %gather3A_221 = tpu.vector_load_idx %arg15[%add3A_169, %and3A_220] : memref<400x32xf32, #tpu.memory_space<vmem>>[vector<16xi32>, vector<16xi32>], vector<16xf32>,
        %gather3A_222 = tpu.vector_load_idx %arg16[%add3A_169, %and3A_220] : memref<400x32xf32, #tpu.memory_space<vmem>>[vector<16xi32>, vector<16xi32>], vector<16xf32>,
        %mul3A_223 = arith.mulf %gather3A_221, %gather3A_222 : vector<16xf32>
        %add3A_224 = arith.addf %add3A_184, %mul3A_223 : vector<16xf32>
        %add3A_225 = arith.constant 5 : i32
        %add3A_226 = vector.broadcast %add3A_225 : i32 to vector<16xi32>
        %add3A_227 = arith.addi %add3A_226, %iota3A : vector<16xi32>
        %and3A_228 = arith.constant 31 : i32
        %and3A_229 = vector.broadcast %and3A_228 : i32 to vector<16xi32>
        %and3A_230 = arith.andi %add3A_227, %and3A_229 : vector<16xi32>
        %gather3A_231 = tpu.vector_load_idx %arg15[%add3A_169, %and3A_230] : memref<400x32xf32, #tpu.memory_space<vmem>>[vector<16xi32>, vector<16xi32>], vector<16xf32>,
        %gather3A_232 = tpu.vector_load_idx %arg16[%add3A_169, %and3A_230] : memref<400x32xf32, #tpu.memory_space<vmem>>[vector<16xi32>, vector<16xi32>], vector<16xf32>,
        %mul3A_233 = arith.mulf %gather3A_231, %gather3A_232 : vector<16xf32>
        %add3A_234 = arith.addf %add3A_194, %mul3A_233 : vector<16xf32>
        %add3A_235 = arith.constant 6 : i32
        %add3A_236 = vector.broadcast %add3A_235 : i32 to vector<16xi32>
        %add3A_237 = arith.addi %add3A_236, %iota3A : vector<16xi32>
        %and3A_238 = arith.constant 31 : i32
        %and3A_239 = vector.broadcast %and3A_238 : i32 to vector<16xi32>
        %and3A_240 = arith.andi %add3A_237, %and3A_239 : vector<16xi32>
        %gather3A_241 = tpu.vector_load_idx %arg15[%add3A_169, %and3A_240] : memref<400x32xf32, #tpu.memory_space<vmem>>[vector<16xi32>, vector<16xi32>], vector<16xf32>,
        %gather3A_242 = tpu.vector_load_idx %arg16[%add3A_169, %and3A_240] : memref<400x32xf32, #tpu.memory_space<vmem>>[vector<16xi32>, vector<16xi32>], vector<16xf32>,
        %mul3A_243 = arith.mulf %gather3A_241, %gather3A_242 : vector<16xf32>
        %add3A_244 = arith.addf %add3A_204, %mul3A_243 : vector<16xf32>
        %add3A_245 = arith.constant 7 : i32
        %add3A_246 = vector.broadcast %add3A_245 : i32 to vector<16xi32>
        %add3A_247 = arith.addi %add3A_246, %iota3A : vector<16xi32>
        %and3A_248 = arith.constant 31 : i32
        %and3A_249 = vector.broadcast %and3A_248 : i32 to vector<16xi32>
        %and3A_250 = arith.andi %add3A_247, %and3A_249 : vector<16xi32>
        %gather3A_251 = tpu.vector_load_idx %arg15[%add3A_169, %and3A_250] : memref<400x32xf32, #tpu.memory_space<vmem>>[vector<16xi32>, vector<16xi32>], vector<16xf32>,
        %gather3A_252 = tpu.vector_load_idx %arg16[%add3A_169, %and3A_250] : memref<400x32xf32, #tpu.memory_space<vmem>>[vector<16xi32>, vector<16xi32>], vector<16xf32>,
        %mul3A_253 = arith.mulf %gather3A_251, %gather3A_252 : vector<16xf32>
        %add3A_254 = arith.addf %add3A_214, %mul3A_253 : vector<16xf32>
        %add3A_255 = arith.constant 8 : i32
        %add3A_256 = vector.broadcast %add3A_255 : i32 to vector<16xi32>
        %add3A_257 = arith.addi %add3A_256, %iota3A : vector<16xi32>
        %and3A_258 = arith.constant 31 : i32
        %and3A_259 = vector.broadcast %and3A_258 : i32 to vector<16xi32>
        %and3A_260 = arith.andi %add3A_257, %and3A_259 : vector<16xi32>
        %gather3A_261 = tpu.vector_load_idx %arg15[%add3A_169, %and3A_260] : memref<400x32xf32, #tpu.memory_space<vmem>>[vector<16xi32>, vector<16xi32>], vector<16xf32>,
        %gather3A_262 = tpu.vector_load_idx %arg16[%add3A_169, %and3A_260] : memref<400x32xf32, #tpu.memory_space<vmem>>[vector<16xi32>, vector<16xi32>], vector<16xf32>,
        %mul3A_263 = arith.mulf %gather3A_261, %gather3A_262 : vector<16xf32>
        %add3A_264 = arith.addf %add3A_224, %mul3A_263 : vector<16xf32>
        %add3A_265 = arith.constant 9 : i32
        %add3A_266 = vector.broadcast %add3A_265 : i32 to vector<16xi32>
        %add3A_267 = arith.addi %add3A_266, %iota3A : vector<16xi32>
        %and3A_268 = arith.constant 31 : i32
        %and3A_269 = vector.broadcast %and3A_268 : i32 to vector<16xi32>
        %and3A_270 = arith.andi %add3A_267, %and3A_269 : vector<16xi32>
        %gather3A_271 = tpu.vector_load_idx %arg15[%add3A_169, %and3A_270] : memref<400x32xf32, #tpu.memory_space<vmem>>[vector<16xi32>, vector<16xi32>], vector<16xf32>,
        %gather3A_272 = tpu.vector_load_idx %arg16[%add3A_169, %and3A_270] : memref<400x32xf32, #tpu.memory_space<vmem>>[vector<16xi32>, vector<16xi32>], vector<16xf32>,
        %mul3A_273 = arith.mulf %gather3A_271, %gather3A_272 : vector<16xf32>
        %add3A_274 = arith.addf %add3A_234, %mul3A_273 : vector<16xf32>
        %add3A_275 = arith.constant 10 : i32
        %add3A_276 = vector.broadcast %add3A_275 : i32 to vector<16xi32>
        %add3A_277 = arith.addi %add3A_276, %iota3A : vector<16xi32>
        %and3A_278 = arith.constant 31 : i32
        %and3A_279 = vector.broadcast %and3A_278 : i32 to vector<16xi32>
        %and3A_280 = arith.andi %add3A_277, %and3A_279 : vector<16xi32>
        %gather3A_281 = tpu.vector_load_idx %arg15[%add3A_169, %and3A_280] : memref<400x32xf32, #tpu.memory_space<vmem>>[vector<16xi32>, vector<16xi32>], vector<16xf32>,
        %gather3A_282 = tpu.vector_load_idx %arg16[%add3A_169, %and3A_280] : memref<400x32xf32, #tpu.memory_space<vmem>>[vector<16xi32>, vector<16xi32>], vector<16xf32>,
        %mul3A_283 = arith.mulf %gather3A_281, %gather3A_282 : vector<16xf32>
        %add3A_284 = arith.addf %add3A_244, %mul3A_283 : vector<16xf32>
        %add3A_285 = arith.constant 11 : i32
        %add3A_286 = vector.broadcast %add3A_285 : i32 to vector<16xi32>
        %add3A_287 = arith.addi %add3A_286, %iota3A : vector<16xi32>
        %and3A_288 = arith.constant 31 : i32
        %and3A_289 = vector.broadcast %and3A_288 : i32 to vector<16xi32>
        %and3A_290 = arith.andi %add3A_287, %and3A_289 : vector<16xi32>
        %gather3A_291 = tpu.vector_load_idx %arg15[%add3A_169, %and3A_290] : memref<400x32xf32, #tpu.memory_space<vmem>>[vector<16xi32>, vector<16xi32>], vector<16xf32>,
        %gather3A_292 = tpu.vector_load_idx %arg16[%add3A_169, %and3A_290] : memref<400x32xf32, #tpu.memory_space<vmem>>[vector<16xi32>, vector<16xi32>], vector<16xf32>,
        %mul3A_293 = arith.mulf %gather3A_291, %gather3A_292 : vector<16xf32>
        %add3A_294 = arith.addf %add3A_254, %mul3A_293 : vector<16xf32>
        %add3A_295 = arith.constant 12 : i32
        %add3A_296 = vector.broadcast %add3A_295 : i32 to vector<16xi32>
        %add3A_297 = arith.addi %add3A_296, %iota3A : vector<16xi32>
        %and3A_298 = arith.constant 31 : i32
        %and3A_299 = vector.broadcast %and3A_298 : i32 to vector<16xi32>
        %and3A_300 = arith.andi %add3A_297, %and3A_299 : vector<16xi32>
        %gather3A_301 = tpu.vector_load_idx %arg15[%add3A_169, %and3A_300] : memref<400x32xf32, #tpu.memory_space<vmem>>[vector<16xi32>, vector<16xi32>], vector<16xf32>,
        %gather3A_302 = tpu.vector_load_idx %arg16[%add3A_169, %and3A_300] : memref<400x32xf32, #tpu.memory_space<vmem>>[vector<16xi32>, vector<16xi32>], vector<16xf32>,
        %mul3A_303 = arith.mulf %gather3A_301, %gather3A_302 : vector<16xf32>
        %add3A_304 = arith.addf %add3A_264, %mul3A_303 : vector<16xf32>
        %add3A_305 = arith.constant 13 : i32
        %add3A_306 = vector.broadcast %add3A_305 : i32 to vector<16xi32>
        %add3A_307 = arith.addi %add3A_306, %iota3A : vector<16xi32>
        %and3A_308 = arith.constant 31 : i32
        %and3A_309 = vector.broadcast %and3A_308 : i32 to vector<16xi32>
        %and3A_310 = arith.andi %add3A_307, %and3A_309 : vector<16xi32>
        %gather3A_311 = tpu.vector_load_idx %arg15[%add3A_169, %and3A_310] : memref<400x32xf32, #tpu.memory_space<vmem>>[vector<16xi32>, vector<16xi32>], vector<16xf32>,
        %gather3A_312 = tpu.vector_load_idx %arg16[%add3A_169, %and3A_310] : memref<400x32xf32, #tpu.memory_space<vmem>>[vector<16xi32>, vector<16xi32>], vector<16xf32>,
        %mul3A_313 = arith.mulf %gather3A_311, %gather3A_312 : vector<16xf32>
        %add3A_314 = arith.addf %add3A_274, %mul3A_313 : vector<16xf32>
        %add3A_315 = arith.constant 14 : i32
        %add3A_316 = vector.broadcast %add3A_315 : i32 to vector<16xi32>
        %add3A_317 = arith.addi %add3A_316, %iota3A : vector<16xi32>
        %and3A_318 = arith.constant 31 : i32
        %and3A_319 = vector.broadcast %and3A_318 : i32 to vector<16xi32>
        %and3A_320 = arith.andi %add3A_317, %and3A_319 : vector<16xi32>
        %gather3A_321 = tpu.vector_load_idx %arg15[%add3A_169, %and3A_320] : memref<400x32xf32, #tpu.memory_space<vmem>>[vector<16xi32>, vector<16xi32>], vector<16xf32>,
        %gather3A_322 = tpu.vector_load_idx %arg16[%add3A_169, %and3A_320] : memref<400x32xf32, #tpu.memory_space<vmem>>[vector<16xi32>, vector<16xi32>], vector<16xf32>,
        %mul3A_323 = arith.mulf %gather3A_321, %gather3A_322 : vector<16xf32>
        %add3A_324 = arith.addf %add3A_284, %mul3A_323 : vector<16xf32>
        %add3A_325 = arith.constant 15 : i32
        %add3A_326 = vector.broadcast %add3A_325 : i32 to vector<16xi32>
        %add3A_327 = arith.addi %add3A_326, %iota3A : vector<16xi32>
        %and3A_328 = arith.constant 31 : i32
        %and3A_329 = vector.broadcast %and3A_328 : i32 to vector<16xi32>
        %and3A_330 = arith.andi %add3A_327, %and3A_329 : vector<16xi32>
        %gather3A_331 = tpu.vector_load_idx %arg15[%add3A_169, %and3A_330] : memref<400x32xf32, #tpu.memory_space<vmem>>[vector<16xi32>, vector<16xi32>], vector<16xf32>,
        %gather3A_332 = tpu.vector_load_idx %arg16[%add3A_169, %and3A_330] : memref<400x32xf32, #tpu.memory_space<vmem>>[vector<16xi32>, vector<16xi32>], vector<16xf32>,
        %mul3A_333 = arith.mulf %gather3A_331, %gather3A_332 : vector<16xf32>
        %add3A_334 = arith.addf %add3A_294, %mul3A_333 : vector<16xf32>
        %add3A_335 = arith.constant 16 : i32
        %add3A_336 = vector.broadcast %add3A_335 : i32 to vector<16xi32>
        %add3A_337 = arith.addi %add3A_336, %iota3A : vector<16xi32>
        %and3A_338 = arith.constant 31 : i32
        %and3A_339 = vector.broadcast %and3A_338 : i32 to vector<16xi32>
        %and3A_340 = arith.andi %add3A_337, %and3A_339 : vector<16xi32>
        %gather3A_341 = tpu.vector_load_idx %arg15[%add3A_169, %and3A_340] : memref<400x32xf32, #tpu.memory_space<vmem>>[vector<16xi32>, vector<16xi32>], vector<16xf32>,
        %gather3A_342 = tpu.vector_load_idx %arg16[%add3A_169, %and3A_340] : memref<400x32xf32, #tpu.memory_space<vmem>>[vector<16xi32>, vector<16xi32>], vector<16xf32>,
        %mul3A_343 = arith.mulf %gather3A_341, %gather3A_342 : vector<16xf32>
        %add3A_344 = arith.addf %add3A_304, %mul3A_343 : vector<16xf32>
        %add3A_345 = arith.constant 17 : i32
        %add3A_346 = vector.broadcast %add3A_345 : i32 to vector<16xi32>
        %add3A_347 = arith.addi %add3A_346, %iota3A : vector<16xi32>
        %and3A_348 = arith.constant 31 : i32
        %and3A_349 = vector.broadcast %and3A_348 : i32 to vector<16xi32>
        %and3A_350 = arith.andi %add3A_347, %and3A_349 : vector<16xi32>
        %gather3A_351 = tpu.vector_load_idx %arg15[%add3A_169, %and3A_350] : memref<400x32xf32, #tpu.memory_space<vmem>>[vector<16xi32>, vector<16xi32>], vector<16xf32>,
        %gather3A_352 = tpu.vector_load_idx %arg16[%add3A_169, %and3A_350] : memref<400x32xf32, #tpu.memory_space<vmem>>[vector<16xi32>, vector<16xi32>], vector<16xf32>,
        %mul3A_353 = arith.mulf %gather3A_351, %gather3A_352 : vector<16xf32>
        %add3A_354 = arith.addf %add3A_314, %mul3A_353 : vector<16xf32>
        %add3A_355 = arith.constant 18 : i32
        %add3A_356 = vector.broadcast %add3A_355 : i32 to vector<16xi32>
        %add3A_357 = arith.addi %add3A_356, %iota3A : vector<16xi32>
        %and3A_358 = arith.constant 31 : i32
        %and3A_359 = vector.broadcast %and3A_358 : i32 to vector<16xi32>
        %and3A_360 = arith.andi %add3A_357, %and3A_359 : vector<16xi32>
        %gather3A_361 = tpu.vector_load_idx %arg15[%add3A_169, %and3A_360] : memref<400x32xf32, #tpu.memory_space<vmem>>[vector<16xi32>, vector<16xi32>], vector<16xf32>,
        %gather3A_362 = tpu.vector_load_idx %arg16[%add3A_169, %and3A_360] : memref<400x32xf32, #tpu.memory_space<vmem>>[vector<16xi32>, vector<16xi32>], vector<16xf32>,
        %mul3A_363 = arith.mulf %gather3A_361, %gather3A_362 : vector<16xf32>
        %add3A_364 = arith.addf %add3A_324, %mul3A_363 : vector<16xf32>
        %add3A_365 = arith.constant 19 : i32
        %add3A_366 = vector.broadcast %add3A_365 : i32 to vector<16xi32>
        %add3A_367 = arith.addi %add3A_366, %iota3A : vector<16xi32>
        %and3A_368 = arith.constant 31 : i32
        %and3A_369 = vector.broadcast %and3A_368 : i32 to vector<16xi32>
        %and3A_370 = arith.andi %add3A_367, %and3A_369 : vector<16xi32>
        %gather3A_371 = tpu.vector_load_idx %arg15[%add3A_169, %and3A_370] : memref<400x32xf32, #tpu.memory_space<vmem>>[vector<16xi32>, vector<16xi32>], vector<16xf32>,
        %gather3A_372 = tpu.vector_load_idx %arg16[%add3A_169, %and3A_370] : memref<400x32xf32, #tpu.memory_space<vmem>>[vector<16xi32>, vector<16xi32>], vector<16xf32>,
        %mul3A_373 = arith.mulf %gather3A_371, %gather3A_372 : vector<16xf32>
        %add3A_374 = arith.addf %add3A_334, %mul3A_373 : vector<16xf32>
        %add3A_375 = arith.constant 20 : i32
        %add3A_376 = vector.broadcast %add3A_375 : i32 to vector<16xi32>
        %add3A_377 = arith.addi %add3A_376, %iota3A : vector<16xi32>
        %and3A_378 = arith.constant 31 : i32
        %and3A_379 = vector.broadcast %and3A_378 : i32 to vector<16xi32>
        %and3A_380 = arith.andi %add3A_377, %and3A_379 : vector<16xi32>
        %gather3A_381 = tpu.vector_load_idx %arg15[%add3A_169, %and3A_380] : memref<400x32xf32, #tpu.memory_space<vmem>>[vector<16xi32>, vector<16xi32>], vector<16xf32>,
        %gather3A_382 = tpu.vector_load_idx %arg16[%add3A_169, %and3A_380] : memref<400x32xf32, #tpu.memory_space<vmem>>[vector<16xi32>, vector<16xi32>], vector<16xf32>,
        %mul3A_383 = arith.mulf %gather3A_381, %gather3A_382 : vector<16xf32>
        %add3A_384 = arith.addf %add3A_344, %mul3A_383 : vector<16xf32>
        %add3A_385 = arith.constant 21 : i32
        %add3A_386 = vector.broadcast %add3A_385 : i32 to vector<16xi32>
        %add3A_387 = arith.addi %add3A_386, %iota3A : vector<16xi32>
        %and3A_388 = arith.constant 31 : i32
        %and3A_389 = vector.broadcast %and3A_388 : i32 to vector<16xi32>
        %and3A_390 = arith.andi %add3A_387, %and3A_389 : vector<16xi32>
        %gather3A_391 = tpu.vector_load_idx %arg15[%add3A_169, %and3A_390] : memref<400x32xf32, #tpu.memory_space<vmem>>[vector<16xi32>, vector<16xi32>], vector<16xf32>,
        %gather3A_392 = tpu.vector_load_idx %arg16[%add3A_169, %and3A_390] : memref<400x32xf32, #tpu.memory_space<vmem>>[vector<16xi32>, vector<16xi32>], vector<16xf32>,
        %mul3A_393 = arith.mulf %gather3A_391, %gather3A_392 : vector<16xf32>
        %add3A_394 = arith.addf %add3A_354, %mul3A_393 : vector<16xf32>
        %add3A_395 = arith.constant 22 : i32
        %add3A_396 = vector.broadcast %add3A_395 : i32 to vector<16xi32>
        %add3A_397 = arith.addi %add3A_396, %iota3A : vector<16xi32>
        %and3A_398 = arith.constant 31 : i32
        %and3A_399 = vector.broadcast %and3A_398 : i32 to vector<16xi32>
        %and3A_400 = arith.andi %add3A_397, %and3A_399 : vector<16xi32>
        %gather3A_401 = tpu.vector_load_idx %arg15[%add3A_169, %and3A_400] : memref<400x32xf32, #tpu.memory_space<vmem>>[vector<16xi32>, vector<16xi32>], vector<16xf32>,
        %gather3A_402 = tpu.vector_load_idx %arg16[%add3A_169, %and3A_400] : memref<400x32xf32, #tpu.memory_space<vmem>>[vector<16xi32>, vector<16xi32>], vector<16xf32>,
        %mul3A_403 = arith.mulf %gather3A_401, %gather3A_402 : vector<16xf32>
        %add3A_404 = arith.addf %add3A_364, %mul3A_403 : vector<16xf32>
        %add3A_405 = arith.constant 23 : i32
        %add3A_406 = vector.broadcast %add3A_405 : i32 to vector<16xi32>
        %add3A_407 = arith.addi %add3A_406, %iota3A : vector<16xi32>
        %and3A_408 = arith.constant 31 : i32
        %and3A_409 = vector.broadcast %and3A_408 : i32 to vector<16xi32>
        %and3A_410 = arith.andi %add3A_407, %and3A_409 : vector<16xi32>
        %gather3A_411 = tpu.vector_load_idx %arg15[%add3A_169, %and3A_410] : memref<400x32xf32, #tpu.memory_space<vmem>>[vector<16xi32>, vector<16xi32>], vector<16xf32>,
        %gather3A_412 = tpu.vector_load_idx %arg16[%add3A_169, %and3A_410] : memref<400x32xf32, #tpu.memory_space<vmem>>[vector<16xi32>, vector<16xi32>], vector<16xf32>,
        %mul3A_413 = arith.mulf %gather3A_411, %gather3A_412 : vector<16xf32>
        %add3A_414 = arith.addf %add3A_374, %mul3A_413 : vector<16xf32>
        %add3A_415 = arith.constant 24 : i32
        %add3A_416 = vector.broadcast %add3A_415 : i32 to vector<16xi32>
        %add3A_417 = arith.addi %add3A_416, %iota3A : vector<16xi32>
        %and3A_418 = arith.constant 31 : i32
        %and3A_419 = vector.broadcast %and3A_418 : i32 to vector<16xi32>
        %and3A_420 = arith.andi %add3A_417, %and3A_419 : vector<16xi32>
        %gather3A_421 = tpu.vector_load_idx %arg15[%add3A_169, %and3A_420] : memref<400x32xf32, #tpu.memory_space<vmem>>[vector<16xi32>, vector<16xi32>], vector<16xf32>,
        %gather3A_422 = tpu.vector_load_idx %arg16[%add3A_169, %and3A_420] : memref<400x32xf32, #tpu.memory_space<vmem>>[vector<16xi32>, vector<16xi32>], vector<16xf32>,
        %mul3A_423 = arith.mulf %gather3A_421, %gather3A_422 : vector<16xf32>
        %add3A_424 = arith.addf %add3A_384, %mul3A_423 : vector<16xf32>
        %add3A_425 = arith.constant 25 : i32
        %add3A_426 = vector.broadcast %add3A_425 : i32 to vector<16xi32>
        %add3A_427 = arith.addi %add3A_426, %iota3A : vector<16xi32>
        %and3A_428 = arith.constant 31 : i32
        %and3A_429 = vector.broadcast %and3A_428 : i32 to vector<16xi32>
        %and3A_430 = arith.andi %add3A_427, %and3A_429 : vector<16xi32>
        %gather3A_431 = tpu.vector_load_idx %arg15[%add3A_169, %and3A_430] : memref<400x32xf32, #tpu.memory_space<vmem>>[vector<16xi32>, vector<16xi32>], vector<16xf32>,
        %gather3A_432 = tpu.vector_load_idx %arg16[%add3A_169, %and3A_430] : memref<400x32xf32, #tpu.memory_space<vmem>>[vector<16xi32>, vector<16xi32>], vector<16xf32>,
        %mul3A_433 = arith.mulf %gather3A_431, %gather3A_432 : vector<16xf32>
        %add3A_434 = arith.addf %add3A_394, %mul3A_433 : vector<16xf32>
        %add3A_435 = arith.constant 26 : i32
        %add3A_436 = vector.broadcast %add3A_435 : i32 to vector<16xi32>
        %add3A_437 = arith.addi %add3A_436, %iota3A : vector<16xi32>
        %and3A_438 = arith.constant 31 : i32
        %and3A_439 = vector.broadcast %and3A_438 : i32 to vector<16xi32>
        %and3A_440 = arith.andi %add3A_437, %and3A_439 : vector<16xi32>
        %gather3A_441 = tpu.vector_load_idx %arg15[%add3A_169, %and3A_440] : memref<400x32xf32, #tpu.memory_space<vmem>>[vector<16xi32>, vector<16xi32>], vector<16xf32>,
        %gather3A_442 = tpu.vector_load_idx %arg16[%add3A_169, %and3A_440] : memref<400x32xf32, #tpu.memory_space<vmem>>[vector<16xi32>, vector<16xi32>], vector<16xf32>,
        %mul3A_443 = arith.mulf %gather3A_441, %gather3A_442 : vector<16xf32>
        %add3A_444 = arith.addf %add3A_404, %mul3A_443 : vector<16xf32>
        %add3A_445 = arith.constant 27 : i32
        %add3A_446 = vector.broadcast %add3A_445 : i32 to vector<16xi32>
        %add3A_447 = arith.addi %add3A_446, %iota3A : vector<16xi32>
        %and3A_448 = arith.constant 31 : i32
        %and3A_449 = vector.broadcast %and3A_448 : i32 to vector<16xi32>
        %and3A_450 = arith.andi %add3A_447, %and3A_449 : vector<16xi32>
        %gather3A_451 = tpu.vector_load_idx %arg15[%add3A_169, %and3A_450] : memref<400x32xf32, #tpu.memory_space<vmem>>[vector<16xi32>, vector<16xi32>], vector<16xf32>,
        %gather3A_452 = tpu.vector_load_idx %arg16[%add3A_169, %and3A_450] : memref<400x32xf32, #tpu.memory_space<vmem>>[vector<16xi32>, vector<16xi32>], vector<16xf32>,
        %mul3A_453 = arith.mulf %gather3A_451, %gather3A_452 : vector<16xf32>
        %add3A_454 = arith.addf %add3A_414, %mul3A_453 : vector<16xf32>
        %add3A_455 = arith.constant 28 : i32
        %add3A_456 = vector.broadcast %add3A_455 : i32 to vector<16xi32>
        %add3A_457 = arith.addi %add3A_456, %iota3A : vector<16xi32>
        %and3A_458 = arith.constant 31 : i32
        %and3A_459 = vector.broadcast %and3A_458 : i32 to vector<16xi32>
        %and3A_460 = arith.andi %add3A_457, %and3A_459 : vector<16xi32>
        %gather3A_461 = tpu.vector_load_idx %arg15[%add3A_169, %and3A_460] : memref<400x32xf32, #tpu.memory_space<vmem>>[vector<16xi32>, vector<16xi32>], vector<16xf32>,
        %gather3A_462 = tpu.vector_load_idx %arg16[%add3A_169, %and3A_460] : memref<400x32xf32, #tpu.memory_space<vmem>>[vector<16xi32>, vector<16xi32>], vector<16xf32>,
        %mul3A_463 = arith.mulf %gather3A_461, %gather3A_462 : vector<16xf32>
        %add3A_464 = arith.addf %add3A_424, %mul3A_463 : vector<16xf32>
        %add3A_465 = arith.constant 29 : i32
        %add3A_466 = vector.broadcast %add3A_465 : i32 to vector<16xi32>
        %add3A_467 = arith.addi %add3A_466, %iota3A : vector<16xi32>
        %and3A_468 = arith.constant 31 : i32
        %and3A_469 = vector.broadcast %and3A_468 : i32 to vector<16xi32>
        %and3A_470 = arith.andi %add3A_467, %and3A_469 : vector<16xi32>
        %gather3A_471 = tpu.vector_load_idx %arg15[%add3A_169, %and3A_470] : memref<400x32xf32, #tpu.memory_space<vmem>>[vector<16xi32>, vector<16xi32>], vector<16xf32>,
        %gather3A_472 = tpu.vector_load_idx %arg16[%add3A_169, %and3A_470] : memref<400x32xf32, #tpu.memory_space<vmem>>[vector<16xi32>, vector<16xi32>], vector<16xf32>,
        %mul3A_473 = arith.mulf %gather3A_471, %gather3A_472 : vector<16xf32>
        %add3A_474 = arith.addf %add3A_434, %mul3A_473 : vector<16xf32>
        %add3A_475 = arith.constant 30 : i32
        %add3A_476 = vector.broadcast %add3A_475 : i32 to vector<16xi32>
        %add3A_477 = arith.addi %add3A_476, %iota3A : vector<16xi32>
        %and3A_478 = arith.constant 31 : i32
        %and3A_479 = vector.broadcast %and3A_478 : i32 to vector<16xi32>
        %and3A_480 = arith.andi %add3A_477, %and3A_479 : vector<16xi32>
        %gather3A_481 = tpu.vector_load_idx %arg15[%add3A_169, %and3A_480] : memref<400x32xf32, #tpu.memory_space<vmem>>[vector<16xi32>, vector<16xi32>], vector<16xf32>,
        %gather3A_482 = tpu.vector_load_idx %arg16[%add3A_169, %and3A_480] : memref<400x32xf32, #tpu.memory_space<vmem>>[vector<16xi32>, vector<16xi32>], vector<16xf32>,
        %mul3A_483 = arith.mulf %gather3A_481, %gather3A_482 : vector<16xf32>
        %add3A_484 = arith.addf %add3A_444, %mul3A_483 : vector<16xf32>
        %add3A_485 = arith.constant 31 : i32
        %add3A_486 = vector.broadcast %add3A_485 : i32 to vector<16xi32>
        %add3A_487 = arith.addi %add3A_486, %iota3A : vector<16xi32>
        %and3A_488 = arith.constant 31 : i32
        %and3A_489 = vector.broadcast %and3A_488 : i32 to vector<16xi32>
        %and3A_490 = arith.andi %add3A_487, %and3A_489 : vector<16xi32>
        %gather3A_491 = tpu.vector_load_idx %arg15[%add3A_169, %and3A_490] : memref<400x32xf32, #tpu.memory_space<vmem>>[vector<16xi32>, vector<16xi32>], vector<16xf32>,
        %gather3A_492 = tpu.vector_load_idx %arg16[%add3A_169, %and3A_490] : memref<400x32xf32, #tpu.memory_space<vmem>>[vector<16xi32>, vector<16xi32>], vector<16xf32>,
        %mul3A_493 = arith.mulf %gather3A_491, %gather3A_492 : vector<16xf32>
        %add3A_494 = arith.addf %add3A_454, %mul3A_493 : vector<16xf32>
        %add3A_495 = arith.addf %add3A_464, %add3A_474 : vector<16xf32>
        %add3A_496 = arith.addf %add3A_484, %add3A_494 : vector<16xf32>
        %add3A_497 = arith.addf %add3A_495, %add3A_496 : vector<16xf32>
        %mul3A_498 = arith.constant 16 : i32
        %mul3A_499 = arith.muli %scan3A_164, %mul3A_498 : i32
        %swap3A = arith.index_cast %mul3A_499 : i32 to index
        %swap3A_500 = tpu.vector_load %arg18[%swap3A] {strides = array<i32>} : memref<400xf32, #tpu.memory_space<vmem>>, vector<16xf32>,
        tpu.vector_store %arg18[%swap3A], %add3A_497 {strides = array<i32>} : memref<400xf32, #tpu.memory_space<vmem>>, vector<16xf32>,
        %scan3A_501 = arith.constant 0 : i32
        scf.yield %scan3A_501 : i32
      }
      %scan3A_156 = arith.constant 25 : i32
      %add3A_157 = arith.constant 400 : i32
      %add3A_158 = arith.addi %add3A_120, %add3A_157 : i32
      %dma_start3A_159 = tpu.memref_slice %arg7[%arg0, %add3A_158] : memref<2x371200xf32, #tpu.memory_space<hbm>> -> memref<1x400xf32, #tpu.memory_space<hbm>>
      %dma_start3A_160 = tpu.memref_squeeze %dma_start3A_159 : memref<1x400xf32, #tpu.memory_space<hbm>> -> memref<400xf32, #tpu.memory_space<hbm>>
      %dma_start3A_161 = tpu.memref_slice %arg7[%arg0, %add3A_158] : memref<2x371200xf32, #tpu.memory_space<hbm>> -> memref<1x400xf32, #tpu.memory_space<hbm>>
      %dma_start3A_162 = tpu.memref_squeeze %dma_start3A_161 : memref<1x400xf32, #tpu.memory_space<hbm>> -> memref<400xf32, #tpu.memory_space<hbm>>
      tpu.enqueue_dma source(%arg18 : memref<400xf32, #tpu.memory_space<vmem>>) target(%dma_start3A_162 : memref<400xf32, #tpu.memory_space<hbm>>) target_semaphore(%arg22 : memref<!tpu.dma_semaphore, #tpu.memory_space<semaphore_mem>>)
      %scan3A_163 = arith.constant 0 : i32
      scf.yield %scan3A_163 : i32
    }
    %scan3A_63 = arith.constant 4 : i32
    %dma_wait3A_64 = arith.constant 0 : i32
    %dma_wait3A_65 = tpu.memref_slice %arg7[%arg0, %dma_wait3A_64] : memref<2x371200xf32, #tpu.memory_space<hbm>> -> memref<1x400xf32, #tpu.memory_space<hbm>>
    %dma_wait3A_66 = tpu.memref_squeeze %dma_wait3A_65 : memref<1x400xf32, #tpu.memory_space<hbm>> -> memref<400xf32, #tpu.memory_space<hbm>>
    %dma_wait3A_67 = arith.constant 0 : i32
    %dma_wait3A_68 = tpu.memref_slice %arg7[%arg0, %dma_wait3A_67] : memref<2x371200xf32, #tpu.memory_space<hbm>> -> memref<1x400xf32, #tpu.memory_space<hbm>>
    %dma_wait3A_69 = tpu.memref_squeeze %dma_wait3A_68 : memref<1x400xf32, #tpu.memory_space<hbm>> -> memref<400xf32, #tpu.memory_space<hbm>>
    tpu.wait_dma2 semaphore(%arg21 : memref<!tpu.dma_semaphore, #tpu.memory_space<semaphore_mem>>) src(%arg17 : memref<400xf32, #tpu.memory_space<vmem>>) dst(%dma_wait3A_69 : memref<400xf32, #tpu.memory_space<hbm>>)
    %dma_wait3A_70 = arith.constant 0 : i32
    %dma_wait3A_71 = tpu.memref_slice %arg7[%arg0, %dma_wait3A_70] : memref<2x371200xf32, #tpu.memory_space<hbm>> -> memref<1x400xf32, #tpu.memory_space<hbm>>
    %dma_wait3A_72 = tpu.memref_squeeze %dma_wait3A_71 : memref<1x400xf32, #tpu.memory_space<hbm>> -> memref<400xf32, #tpu.memory_space<hbm>>
    %dma_wait3A_73 = arith.constant 0 : i32
    %dma_wait3A_74 = tpu.memref_slice %arg7[%arg0, %dma_wait3A_73] : memref<2x371200xf32, #tpu.memory_space<hbm>> -> memref<1x400xf32, #tpu.memory_space<hbm>>
    %dma_wait3A_75 = tpu.memref_squeeze %dma_wait3A_74 : memref<1x400xf32, #tpu.memory_space<hbm>> -> memref<400xf32, #tpu.memory_space<hbm>>
    tpu.wait_dma2 semaphore(%arg22 : memref<!tpu.dma_semaphore, #tpu.memory_space<semaphore_mem>>) src(%arg18 : memref<400xf32, #tpu.memory_space<vmem>>) dst(%dma_wait3A_75 : memref<400xf32, #tpu.memory_space<hbm>>)
    return
  }
}

module attributes {stable_mosaic.version = 14 : i64} {
  func.func @_prep_body(%arg0: memref<10000x128xf32, #tpu.memory_space<vmem>>, %arg1: memref<128x64xf32, #tpu.memory_space<vmem>>, %arg2: memref<10240x2xf32, #tpu.memory_space<vmem>>, %arg3: memref<10240x1xf32, #tpu.memory_space<vmem>>, %arg4: memref<10240x64xf32, #tpu.memory_space<vmem>>) attributes {dimension_semantics = [], scalar_prefetch = 0 : i64, scratch_operands = 0 : i64, tpu.core_type = #tpu.core_type<tc>} {
    %get3A = arith.constant 0 : index
    %get3A_0 = arith.constant 0 : index
    %get3A_1 = vector.load %arg2[%get3A, %get3A_0] : memref<10240x2xf32, #tpu.memory_space<vmem>>, vector<10240x2xf32>
    %slice3A = vector.extract_strided_slice %get3A_1 {offsets = [0, 0], sizes = [10240, 1], strides = [1, 1]} : vector<10240x2xf32> to vector<10240x1xf32>
    %slice3A_2 = vector.extract_strided_slice %get3A_1 {offsets = [0, 1], sizes = [10240, 1], strides = [1, 1]} : vector<10240x2xf32> to vector<10240x1xf32>
    %add3A = arith.addf %slice3A, %slice3A_2 : vector<10240x1xf32>
    %add3A_3 = arith.constant 1.000000e+00 : f32
    %add3A_4 = vector.broadcast %add3A_3 : f32 to vector<10240x1xf32>
    %add3A_5 = arith.addf %add3A, %add3A_4 : vector<10240x1xf32>
    %rsqrt3A = math.rsqrt %add3A_5 : vector<10240x1xf32>
    %swap3A = arith.constant 0 : index
    %swap3A_6 = arith.constant 0 : index
    %swap3A_7 = vector.load %arg3[%swap3A, %swap3A_6] : memref<10240x1xf32, #tpu.memory_space<vmem>>, vector<10240x1xf32>
    tpu.vector_store %arg3[%swap3A, %swap3A_6], %rsqrt3A {strides = array<i32>} : memref<10240x1xf32, #tpu.memory_space<vmem>>, vector<10240x1xf32>,
    %get3A_8 = arith.constant 0 : index
    %get3A_9 = arith.constant 0 : index
    %get3A_10 = vector.load %arg0[%get3A_8, %get3A_9] : memref<10000x128xf32, #tpu.memory_space<vmem>>, vector<10000x128xf32>
    %get3A_11 = arith.constant 0 : index
    %get3A_12 = arith.constant 0 : index
    %get3A_13 = vector.load %arg1[%get3A_11, %get3A_12] : memref<128x64xf32, #tpu.memory_space<vmem>>, vector<128x64xf32>
    %dot_general3A = arith.constant dense<0.000000e+00> : vector<10000x64xf32>
    %dot_general3A_14 = tpu.matmul %get3A_10, %get3A_13, %dot_general3A {dimension_numbers = #tpu.dot_dimension_numbers<[1], [0], [0], [1], [0, 0, 1, 1], [], []>, transpose_lhs_hint = false} : vector<10000x128xf32>, vector<128x64xf32>, vector<10000x64xf32> -> vector<10000x64xf32>
    %slice3A_15 = vector.extract_strided_slice %rsqrt3A {offsets = [0, 0], sizes = [10000, 1], strides = [1, 1]} : vector<10240x1xf32> to vector<10000x1xf32>
    %mul3A = vector.broadcast %slice3A_15 : vector<10000x1xf32> to vector<10000x64xf32>
    %mul3A_16 = arith.mulf %mul3A, %dot_general3A_14 : vector<10000x64xf32>
    %swap3A_17 = arith.constant 0 : index
    %swap3A_18 = arith.constant 0 : index
    %swap3A_19 = vector.load %arg4[%swap3A_17, %swap3A_18] : memref<10240x64xf32, #tpu.memory_space<vmem>>, vector<10000x64xf32>
    tpu.vector_store %arg4[%swap3A_17, %swap3A_18], %mul3A_16 {strides = array<i32>} : memref<10240x64xf32, #tpu.memory_space<vmem>>, vector<10000x64xf32>,
    %broadcast_in_dim3A = arith.constant 0.000000e+00 : f32
    %broadcast_in_dim3A_20 = vector.broadcast %broadcast_in_dim3A : f32 to vector<240x64xf32>
    %swap3A_21 = arith.constant 10000 : index
    %swap3A_22 = arith.constant 0 : index
    %swap3A_23 = vector.load %arg4[%swap3A_21, %swap3A_22] : memref<10240x64xf32, #tpu.memory_space<vmem>>, vector<240x64xf32>
    tpu.vector_store %arg4[%swap3A_21, %swap3A_22], %broadcast_in_dim3A_20 {strides = array<i32>} : memref<10240x64xf32, #tpu.memory_space<vmem>>, vector<240x64xf32>,
    return
  }
}

module attributes {stable_mosaic.version = 14 : i64} {
  func.func @_mid_body(%arg0: memref<10240x64xf32, #tpu.memory_space<vmem>>, %arg1: memref<10240x64xf32, #tpu.memory_space<vmem>>, %arg2: memref<10240x1xf32, #tpu.memory_space<vmem>>, %arg3: memref<64xf32, #tpu.memory_space<vmem>>, %arg4: memref<64x64xf32, #tpu.memory_space<vmem>>, %arg5: memref<10240x64xf32, #tpu.memory_space<vmem>>) attributes {dimension_semantics = [], scalar_prefetch = 0 : i64, scratch_operands = 0 : i64, tpu.core_type = #tpu.core_type<tc>} {
    %get3A = arith.constant 0 : index
    %get3A_0 = arith.constant 0 : index
    %get3A_1 = vector.load %arg2[%get3A, %get3A_0] : memref<10240x1xf32, #tpu.memory_space<vmem>>, vector<10240x1xf32>
    %get3A_2 = arith.constant 0 : index
    %get3A_3 = arith.constant 0 : index
    %get3A_4 = vector.load %arg0[%get3A_2, %get3A_3] : memref<10240x64xf32, #tpu.memory_space<vmem>>, vector<10240x64xf32>
    %get3A_5 = arith.constant 0 : index
    %get3A_6 = arith.constant 0 : index
    %get3A_7 = vector.load %arg1[%get3A_5, %get3A_6] : memref<10240x64xf32, #tpu.memory_space<vmem>>, vector<10240x64xf32>
    %add3A = arith.addf %get3A_4, %get3A_7 : vector<10240x64xf32>
    %mul3A = vector.broadcast %get3A_1 : vector<10240x1xf32> to vector<10240x64xf32>
    %mul3A_8 = arith.mulf %mul3A, %add3A : vector<10240x64xf32>
    %get3A_9 = arith.constant 0 : index
    %get3A_10 = vector.load %arg3[%get3A_9] : memref<64xf32, #tpu.memory_space<vmem>>, vector<64xf32>
    %broadcast_in_dim3A = vector.shape_cast %get3A_10 : vector<64xf32> to vector<1x64xf32>
    %add3A_11 = vector.broadcast %broadcast_in_dim3A : vector<1x64xf32> to vector<10240x64xf32>
    %add3A_12 = arith.addf %mul3A_8, %add3A_11 : vector<10240x64xf32>
    %max3A = arith.constant 0.000000e+00 : f32
    %max3A_13 = vector.broadcast %max3A : f32 to vector<10240x64xf32>
    %max3A_14 = arith.maximumf %add3A_12, %max3A_13 : vector<10240x64xf32>
    %get3A_15 = arith.constant 0 : index
    %get3A_16 = arith.constant 0 : index
    %get3A_17 = vector.load %arg4[%get3A_15, %get3A_16] : memref<64x64xf32, #tpu.memory_space<vmem>>, vector<64x64xf32>
    %dot_general3A = arith.constant dense<0.000000e+00> : vector<10240x64xf32>
    %dot_general3A_18 = tpu.matmul %max3A_14, %get3A_17, %dot_general3A {dimension_numbers = #tpu.dot_dimension_numbers<[1], [0], [0], [1], [0, 0, 1, 1], [], []>, transpose_lhs_hint = false} : vector<10240x64xf32>, vector<64x64xf32>, vector<10240x64xf32> -> vector<10240x64xf32>
    %mul3A_19 = vector.broadcast %get3A_1 : vector<10240x1xf32> to vector<10240x64xf32>
    %mul3A_20 = arith.mulf %mul3A_19, %dot_general3A_18 : vector<10240x64xf32>
    %slice3A = vector.extract_strided_slice %mul3A_20 {offsets = [0, 0], sizes = [10000, 64], strides = [1, 1]} : vector<10240x64xf32> to vector<10000x64xf32>
    %swap3A = arith.constant 0 : index
    %swap3A_21 = arith.constant 0 : index
    %swap3A_22 = vector.load %arg5[%swap3A, %swap3A_21] : memref<10240x64xf32, #tpu.memory_space<vmem>>, vector<10000x64xf32>
    tpu.vector_store %arg5[%swap3A, %swap3A_21], %slice3A {strides = array<i32>} : memref<10240x64xf32, #tpu.memory_space<vmem>>, vector<10000x64xf32>,
    %broadcast_in_dim3A_23 = arith.constant 0.000000e+00 : f32
    %broadcast_in_dim3A_24 = vector.broadcast %broadcast_in_dim3A_23 : f32 to vector<240x64xf32>
    %swap3A_25 = arith.constant 10000 : index
    %swap3A_26 = arith.constant 0 : index
    %swap3A_27 = vector.load %arg5[%swap3A_25, %swap3A_26] : memref<10240x64xf32, #tpu.memory_space<vmem>>, vector<240x64xf32>
    tpu.vector_store %arg5[%swap3A_25, %swap3A_26], %broadcast_in_dim3A_24 {strides = array<i32>} : memref<10240x64xf32, #tpu.memory_space<vmem>>, vector<240x64xf32>,
    return
  }
}

module attributes {stable_mosaic.version = 14 : i64} {
  func.func @_combine_body(%arg0: memref<2x2900x128xf32, #tpu.memory_space<vmem>>, %arg1: memref<2500x128xi32, #tpu.memory_space<vmem>>, %arg2: memref<2500x128xi32, #tpu.memory_space<vmem>>, %arg3: memref<400x128xi32, #tpu.memory_space<vmem>>, %arg4: memref<400x128xi32, #tpu.memory_space<vmem>>, %arg5: memref<1x1xf32, #tpu.memory_space<vmem>>) attributes {dimension_semantics = [], scalar_prefetch = 0 : i64, scratch_operands = 0 : i64, tpu.core_type = #tpu.core_type<tc>} {
    %get3A = arith.constant 0 : index
    %get3A_0 = arith.constant 0 : index
    %get3A_1 = arith.constant 0 : index
    %get3A_2 = vector.load %arg0[%get3A, %get3A_0, %get3A_1] : memref<2x2900x128xf32, #tpu.memory_space<vmem>>, vector<1x2900x128xf32>
    %get3A_3 = vector.shape_cast %get3A_2 : vector<1x2900x128xf32> to vector<2900x128xf32>
    %get3A_4 = arith.constant 1 : index
    %get3A_5 = arith.constant 0 : index
    %get3A_6 = arith.constant 0 : index
    %get3A_7 = vector.load %arg0[%get3A_4, %get3A_5, %get3A_6] : memref<2x2900x128xf32, #tpu.memory_space<vmem>>, vector<1x2900x128xf32>
    %get3A_8 = vector.shape_cast %get3A_7 : vector<1x2900x128xf32> to vector<2900x128xf32>
    %add3A = arith.addf %get3A_3, %get3A_8 : vector<2900x128xf32>
    %slice3A = vector.extract_strided_slice %add3A {offsets = [0, 0], sizes = [2500, 128], strides = [1, 1]} : vector<2900x128xf32> to vector<2500x128xf32>
    %slice3A_9 = vector.extract_strided_slice %add3A {offsets = [2500, 0], sizes = [400, 128], strides = [1, 1]} : vector<2900x128xf32> to vector<400x128xf32>
    %get3A_10 = arith.constant 0 : index
    %get3A_11 = arith.constant 0 : index
    %get3A_12 = vector.load %arg1[%get3A_10, %get3A_11] : memref<2500x128xi32, #tpu.memory_space<vmem>>, vector<2500x128xi32>
    %get3A_13 = arith.constant 0 : index
    %get3A_14 = arith.constant 0 : index
    %get3A_15 = vector.load %arg2[%get3A_13, %get3A_14] : memref<2500x128xi32, #tpu.memory_space<vmem>>, vector<2500x128xi32>
    %lt3A = arith.cmpi slt, %get3A_12, %get3A_15 : vector<2500x128xi32>
    %convert_element_type3A = arith.extui %lt3A : vector<2500x128xi1> to vector<2500x128xi32>
    %convert_element_type3A_16 = arith.sitofp %convert_element_type3A : vector<2500x128xi32> to vector<2500x128xf32>
    %get3A_17 = arith.constant 0 : index
    %get3A_18 = arith.constant 0 : index
    %get3A_19 = vector.load %arg3[%get3A_17, %get3A_18] : memref<400x128xi32, #tpu.memory_space<vmem>>, vector<400x128xi32>
    %get3A_20 = arith.constant 0 : index
    %get3A_21 = arith.constant 0 : index
    %get3A_22 = vector.load %arg4[%get3A_20, %get3A_21] : memref<400x128xi32, #tpu.memory_space<vmem>>, vector<400x128xi32>
    %lt3A_23 = arith.cmpi slt, %get3A_19, %get3A_22 : vector<400x128xi32>
    %convert_element_type3A_24 = arith.extui %lt3A_23 : vector<400x128xi1> to vector<400x128xi32>
    %convert_element_type3A_25 = arith.sitofp %convert_element_type3A_24 : vector<400x128xi32> to vector<400x128xf32>
    %sub3A = arith.constant 1.000000e+00 : f32
    %sub3A_26 = vector.broadcast %sub3A : f32 to vector<2500x128xf32>
    %sub3A_27 = arith.subf %slice3A, %sub3A_26 : vector<2500x128xf32>
    %mul3A = arith.mulf %convert_element_type3A_16, %sub3A_27 : vector<2500x128xf32>
    %mul3A_28 = arith.mulf %mul3A, %sub3A_27 : vector<2500x128xf32>
    %reduce_sum3A = vector.shape_cast %mul3A_28 : vector<2500x128xf32> to vector<1x2500x128xf32>
    %reduce_sum3A_29 = arith.constant dense<0.000000e+00> : vector<1xf32>
    %reduce_sum3A_30 = vector.multi_reduction <add>, %reduce_sum3A, %reduce_sum3A_29 [1, 2] : vector<1x2500x128xf32> to vector<1xf32>
    %reduce_sum3A_31 = vector.shape_cast %reduce_sum3A_30 : vector<1xf32> to vector<1x1x1xf32>
    %reduce_sum3A_32 = vector.extract %reduce_sum3A_31[0, 0, 0] : f32 from vector<1x1x1xf32>
    %mul3A_33 = arith.mulf %convert_element_type3A_25, %slice3A_9 : vector<400x128xf32>
    %mul3A_34 = arith.mulf %mul3A_33, %slice3A_9 : vector<400x128xf32>
    %reduce_sum3A_35 = vector.shape_cast %mul3A_34 : vector<400x128xf32> to vector<1x400x128xf32>
    %reduce_sum3A_36 = arith.constant dense<0.000000e+00> : vector<1xf32>
    %reduce_sum3A_37 = vector.multi_reduction <add>, %reduce_sum3A_35, %reduce_sum3A_36 [1, 2] : vector<1x400x128xf32> to vector<1xf32>
    %reduce_sum3A_38 = vector.shape_cast %reduce_sum3A_37 : vector<1xf32> to vector<1x1x1xf32>
    %reduce_sum3A_39 = vector.extract %reduce_sum3A_38[0, 0, 0] : f32 from vector<1x1x1xf32>
    %reduce_sum3A_40 = vector.shape_cast %convert_element_type3A_16 : vector<2500x128xf32> to vector<1x2500x128xf32>
    %reduce_sum3A_41 = arith.constant dense<0.000000e+00> : vector<1xf32>
    %reduce_sum3A_42 = vector.multi_reduction <add>, %reduce_sum3A_40, %reduce_sum3A_41 [1, 2] : vector<1x2500x128xf32> to vector<1xf32>
    %reduce_sum3A_43 = vector.shape_cast %reduce_sum3A_42 : vector<1xf32> to vector<1x1x1xf32>
    %reduce_sum3A_44 = vector.extract %reduce_sum3A_43[0, 0, 0] : f32 from vector<1x1x1xf32>
    %reduce_sum3A_45 = vector.shape_cast %convert_element_type3A_25 : vector<400x128xf32> to vector<1x400x128xf32>
    %reduce_sum3A_46 = arith.constant dense<0.000000e+00> : vector<1xf32>
    %reduce_sum3A_47 = vector.multi_reduction <add>, %reduce_sum3A_45, %reduce_sum3A_46 [1, 2] : vector<1x400x128xf32> to vector<1xf32>
    %reduce_sum3A_48 = vector.shape_cast %reduce_sum3A_47 : vector<1xf32> to vector<1x1x1xf32>
    %reduce_sum3A_49 = vector.extract %reduce_sum3A_48[0, 0, 0] : f32 from vector<1x1x1xf32>
    %add3A_50 = arith.addf %reduce_sum3A_44, %reduce_sum3A_49 : f32
    %add3A_51 = arith.addf %reduce_sum3A_39, %reduce_sum3A_32 : f32
    %mul3A_52 = arith.constant 1.000000e+04 : f32
    %mul3A_53 = arith.mulf %add3A_51, %mul3A_52 : f32
    %div3A = arith.divf %mul3A_53, %add3A_50 : f32
    %broadcast_in_dim3A = vector.broadcast %div3A : f32 to vector<1x1xf32>
    %swap3A = arith.constant 0 : index
    %swap3A_54 = arith.constant 0 : index
    %swap3A_55 = vector.load %arg5[%swap3A, %swap3A_54] : memref<1x1xf32, #tpu.memory_space<vmem>>, vector<1x1xf32>
    tpu.vector_store %arg5[%swap3A, %swap3A_54], %broadcast_in_dim3A {strides = array<i32>} : memref<1x1xf32, #tpu.memory_space<vmem>>, vector<1x1xf32>,
    return
  }
}

</mosaic_0001>

<sc_bundles>
// kernel: kernel.12.cloned.1.call-start
scs
__scs_entry_jumppad:
0x0: {  	(pc) =	sbr.rel $0x88, $3  }
0x1: {  	(tag) =	ssettag $0x0;
	lr =	simm.s32 $0x1  }
0x2: {  	[smem:$0x3F9A] =	sst lr;
	_ =	strace $0xD0000000  }
0x3: {  	_ = 	snop  }
0x4: {  	_ = 	snop  }
0x5: {  	_ = 	snop  }
0x6: {  	_ = 	snop  }
0x7: {  	_ = 	snop  }
__scs_overlays_trampoline_lowered:
0x8: {  	[smem:$0x3FA9] =	sst s0  }
0x9: {  	[smem:$0x3FAA] =	sst s1  }
0xa: {  	[smem:$0x3FAB] =	sst s2  }
0xb: {  	[smem:$0x3FAC] =	sst s3  }
0xc: {  	[smem:$0x3FAD] =	sst s4  }
0xd: {  	[smem:$0x3FAE] =	sst s5  }
0xe: {  	[smem:$0x3FAF] =	sst s6  }
0xf: {  	[smem:$0x3FB0] =	sst s7  }
0x10: {  	[smem:$0x3FB1] =	sst s8  }
0x11: {  	[smem:$0x3FB2] =	sst s9;
	s0 =	simm.s32 @!p0 $0x0  }
0x12: {  	s1 =	sld [smem:$0x3F98];
	s0 =	simm.s32 @p0 $0x1  }
0x13: {  	[smem:$0x3FB3] =	sst s0;
	s0 =	simm.s32 @!p1 $0x0  }
0x14: {  	s2 =	sld [smem:$0x3F97];
	s0 =	simm.s32 @p1 $0x1  }
0x15: {  	[smem:$0x3FB4] =	sst s0;
	s0 =	simm.s32 @!p2 $0x0  }
0x16: {  	s3 =	sld [smem:$0x3FDB];
	s0 =	simm.s32 @p2 $0x1  }
0x17: {  	s4 =	simm.s32 $0x1BF5;
	[smem:$0x3FB6] =	sst s0  }
0x18: {  	s0 =	sld [smem:$0x3F99];
	_ =	swait.ge [sflag:s4], $0x0  }
0x19: {  	s7 =	sld [smem:$0x3F9A]  }
0x1a: {  	s8 =	sadd.s32 $0xFFFFE003, lr  }
0x1b: {  	s9 =	sadd.s32 $0xFFFFFEF7, lr;
	s5 =	simm.s32 $0xFFFFFFFF;
	p2 =	slt.u32 s8, $0xFFFFF086  }
0x1c: {  	p1 =	slt.u32 s9, $0xF7A;
	s5 =	simm.s32 @!p2 $0x0  }
0x1d: {  	s5 =	simm.s32 @p1 $0x1;
	p0 =	seq.s32 s7, s2  }
0x1e: {  	s7 =	smul.u32 @!p0 $0xF7A, s2;
	p2 =	seq.s32 @!p0 s5, $0x0  }
0x1f: {  	s9 =	smul.u32 $0xF7A, s1;
	s8 =	simm.s32 @!p0 $0x1BF5;
	p2 =	por !p2, p0  }
0x20: {  	[sflag:s8] =	ssyncset.s32 @!p0 $0xFFFFF086;
	s6 =	sadd.s32 @!p0 s3, s7;
	s7 =	simm.s32 @!p0 $0x108  }
0x21: {  	s3 =	sadd.s32 s3, s9;
	s6 =	sadd.s32 @!p0 $0x88, s6;
	s7 =	simm.s32 @p2 $0x1082  }
0x22: {  	[simem:s7], [sflag:s8] =	dma.local @!p0 [hbm:s6], $0xF7A  }
0x23: {  	s9 =	sor.u32 $0xD0000000, s2;
	s6 =	simm.s32 $0x108;
	_ =	swait.ge @!p0 [sflag:s8], $0x0  }
0x24: {  	s3 =	sadd.s32 $0x88, s3;
	s6 =	simm.s32 @!p1 $0x1082;
	[sflag:s4] =	ssyncset.s32 $0xFFFFF086  }
0x25: {  	[simem:s6], [sflag:s4] =	dma.local [hbm:s3], $0xF7A  }
0x26: {  	[smem:$0x3F9A] =	sst s1;
	(tag) =	ssettag s2;
	_ =	strace s9  }
0x27: {  	s1 =	sld [smem:$0x3FAA]  }
0x28: {  	s2 =	sld [smem:$0x3FAB]  }
0x29: {  	s4 =	sld [smem:$0x3FAD]  }
0x2a: {  	p0 =	seq.s32 s5, $0x0;
	s5 =	sld [smem:$0x3FAE]  }
0x2b: {  	s6 =	sld [smem:$0x3FAF]  }
0x2c: {  	s7 =	sld [smem:$0x3FB0]  }
0x2d: {  	s3 =	simm.s32 $0x108;
	s8 =	sld [smem:$0x3FB1]  }
0x2e: {  	s3 =	simm.s32 @!p0 $0x1082;
	s9 =	sld [smem:$0x3FB2]  }
0x2f: {  	lr =	sadd.s32 s0, s3;
	s0 =	sld [smem:$0x3FA9]  }
0x30: {  	s3 =	sld [smem:$0x3FAC]  }
0x31: {  	[smem:$0x3FB5] =	sst s10  }
0x32: {  	s10 =	sld [smem:$0x3FB3];
	_ =	sdelay $0x3  }
0x33: {  	p0 =	seq.s32 s10, $0x1;
	s10 =	sld [smem:$0x3FB5];
	_ =	sdelay $0x3  }
0x34: {  	[smem:$0x3FB5] =	sst s10  }
0x35: {  	s10 =	sld [smem:$0x3FB4];
	_ =	sdelay $0x3  }
0x36: {  	p1 =	seq.s32 s10, $0x1;
	s10 =	sld [smem:$0x3FB5];
	_ =	sdelay $0x3  }
0x37: {  	[smem:$0x3FB5] =	sst s10  }
0x38: {  	s10 =	sld [smem:$0x3FB6]  }
0x39: {  	_ = 	snop;
	(pc) =	sbr.ind lr, $3  }
0x3a: {  	_ = 	snop  }
0x3b: {  	_ = 	snop  }
0x3c: {  	p2 =	seq.s32 s10, $0x1;
	s10 =	sld [smem:$0x3FB5]  }
0x3d: {  	_ =	shalt  }
0x3e: {  	_ =	shalt  }
0x3f: {  	_ =	shalt  }
0x40: {  	_ =	shalt  }
0x41: {  	_ =	shalt  }
0x42: {  	_ =	shalt  }
0x43: {  	_ =	shalt  }
0x44: {  	_ =	shalt  }
0x45: {  	_ =	shalt  }
0x46: {  	_ =	shalt  }
0x47: {  	_ =	shalt  }
0x48: {  	_ =	shalt  }
0x49: {  	_ =	shalt  }
0x4a: {  	_ =	shalt  }
0x4b: {  	_ =	shalt  }
0x4c: {  	_ =	shalt  }
0x4d: {  	_ =	shalt  }
0x4e: {  	_ =	shalt  }
0x4f: {  	_ =	shalt  }
0x50: {  	_ =	shalt  }
0x51: {  	_ =	shalt  }
0x52: {  	_ =	shalt  }
0x53: {  	_ =	shalt  }
0x54: {  	_ =	shalt  }
0x55: {  	_ =	shalt  }
0x56: {  	_ =	shalt  }
0x57: {  	_ =	shalt  }
0x58: {  	_ =	shalt  }
0x59: {  	_ =	shalt  }
0x5a: {  	_ =	shalt  }
0x5b: {  	_ =	shalt  }
0x5c: {  	_ =	shalt  }
0x5d: {  	_ =	shalt  }
0x5e: {  	_ =	shalt  }
0x5f: {  	_ =	shalt  }
0x60: {  	_ =	shalt  }
0x61: {  	_ =	shalt  }
0x62: {  	_ =	shalt  }
0x63: {  	_ =	shalt  }
0x64: {  	_ =	shalt  }
0x65: {  	_ =	shalt  }
0x66: {  	_ =	shalt  }
0x67: {  	_ =	shalt  }
0x68: {  	_ =	shalt  }
0x69: {  	_ =	shalt  }
0x6a: {  	_ =	shalt  }
0x6b: {  	_ =	shalt  }
0x6c: {  	_ =	shalt  }
0x6d: {  	_ =	shalt  }
0x6e: {  	_ =	shalt  }
0x6f: {  	_ =	shalt  }
0x70: {  	_ =	shalt  }
0x71: {  	_ =	shalt  }
0x72: {  	_ =	shalt  }
0x73: {  	_ =	shalt  }
0x74: {  	_ =	shalt  }
0x75: {  	_ =	shalt  }
0x76: {  	_ =	shalt  }
0x77: {  	_ =	shalt  }
0x78: {  	_ =	shalt  }
0x79: {  	_ =	shalt  }
0x7a: {  	_ =	shalt  }
0x7b: {  	_ =	shalt  }
0x7c: {  	_ =	shalt  }
0x7d: {  	_ =	shalt  }
0x7e: {  	_ =	shalt  }
0x7f: {  	_ =	shalt  }
0x80: {  	_ =	shalt  }
0x81: {  	_ =	shalt  }
0x82: {  	_ =	shalt  }
0x83: {  	_ =	shalt  }
0x84: {  	_ =	shalt  }
0x85: {  	_ =	shalt  }
0x86: {  	_ =	shalt  }
0x87: {  	_ =	shalt  }
.Lfunc_end0:
.L_simem_size_0:
called_computation.1_lowered:
.L_overlay_start_0:
0x88: {  	s2 =	sld [smem:$0x3FD9]  }
0x89: {  	s3 =	sld [smem:$0x3FFE];
	_ =	sdelay $0x1  }
0x8a: {  	s1 =	srdreg.scid  }
0x8b: {  	s0 =	sand.u32 $0x1, s1  }
0x8c: {  	s16 =	sshll.u32 s0, $0xA;
	s2 =	sadd.s32 s3, s2  }
0x8d: {  	s2 =	sadd.s32 s2, s16  }
0x8e: {  	[smem:$0x3FC1] =	sst s2  }
0x8f: {  	_ = 	snop  }
0x90: {  	(tm) =	ssettm $0x1  }
0x91: {  	s17 =	sld [smem:$0x3FFB];
	_ =	sdelay $0x3  }
0x92: {  	_ =	strace s17  }
0x93: {  	s2 =	sld [smem:$0x3FFC];
	_ =	sdelay $0x3  }
0x94: {  	_ =	strace s2  }
0x95: {  	s2 =	sld [smem:$0x3FFD];
	_ =	sdelay $0x3  }
0x96: {  	_ =	strace s2  }
0x97: {  	_ =	strace $0x8FFFFFFF  }
0x98: {  	s18 =	sld [smem:$0x3FDB];
	_ =	sdelay $0x1  }
0x99: {  	s19 =	simm.s32 $_scs_section_size  }
0x9a: {  	s4 =	simm.s32 $_size__tile_overlayer_lowered;
	s5 =	simm.s32 $_tile_overlayer_lowered  }
0x9b: {  	s22 =	simm.s32 $0x1BFF;
	s21 =	sshll.u32 s5, $0x1;
	s2 =	sadd.s32 s19, s18  }
0x9c: {  	s6 =	simm.s32 $0x0;
	s20 =	sshll.u32 s4, $0x1;
	s4 =	sadd.s32 s21, s2  }
0x9d: {  	[timem:s6], [sflag:s22] =	dma.local [hbm:s4], s20  }
0x9e: {  	_ =	swait.ge [sflag:s22], s20  }
0x9f: {  	s3 =	ssub.s32 $0x0, s20;
	[sflag:s22] =	ssyncset.done $0x0  }
0xa0: {  	[sflag:s22] =	ssyncadd.s32 s3;
	_ =	sdelay $0x1  }
0xa1: {  	s23 =	simm.s32 $0x1B8B  }
0xa2: {  	_ =	swait.ge [sflag:s23], $0x1  }
0xa3: {  	[sflag:s23] =	ssyncset.done $0x0  }
0xa4: {  	s25 =	simm.s32 $0x1B8E;
	s24 =	sld [smem:$0x3FFE];
	[sflag:s23] =	ssyncadd.s32 $0xFFFFFFFF  }
0xa5: {  	s26 =	simm.s32 $execute0_lowered;
	[smem:$0x3FD2] =	sst s25  }
0xa6: {  	s4 =	sshll.u32 s26, $0x1;
	_ =	strace $0x80000049;
	[dreg:$0x1] =	wrdreg $0xFFFFFFFF  }
0xa7: {  	s28 =	simm.s32 $_size_execute0_lowered;
	s2 =	sadd.s32 s2, s4;
	[dreg:$0x0] =	wrdreg $0x0  }
0xa8: {  	s4 =	sshll.u32 s28, $0x1;
	[dreg:$0x2] =	wrdreg s2  }
0xa9: {  	[dreg:$0x3] =	wrdreg s4  }
0xaa: {  	[dreg:$0x4] =	wrdreg $0xC0  }
0xab: {  	_ =	task [dreg:s6], $0x5FFFF  }
0xac: {  	[dreg:$0x1] =	wrdreg $0xFFFFFFFF  }
0xad: {  	[dreg:$0x0] =	wrdreg $0x60  }
0xae: {  	[dreg:$0x2] =	wrdreg s24  }
0xaf: {  	[dreg:$0x3] =	wrdreg $0x50000  }
0xb0: {  	[dreg:$0x4] =	wrdreg $0x0  }
0xb1: {  	[dreg:$0x5] =	wrdreg $0x9  }
0xb2: {  	_ =	task.clear_ibuf [dreg:s6], $0x6FFFF;
	_ =	strace $0x90000049  }
0xb3: {  	s29 =	simm.s32 $0x9;
	_ =	strace $0x8000004B  }
0xb4: {  	_ =	swait.ge [sflag:s29], $0x1  }
0xb5: {  	[sflag:s29] =	ssyncadd.s32 $0xFFFFFFFF  }
0xb6: {  	_ =	strace $0x9000004B  }
0xb7: {  	_ =	sfence  }
0xb8: {  	s30 =	sld [smem:$0x0];
	_ =	sdelay $0x2  }
0xb9: {  	s31 =	sshll.u32 s1, $0xD;
	s1 =	sshrl.u32 s1, $0x2  }
0xba: {  	s3 =	sand.u32 $0x4000, s31;
	s1 =	sadd.s32 s1, s30  }
0xbb: {  	s0 =	sor.u32 s3, s0;
	s1 =	sshll.u32 s1, $0x11  }
0xbc: {  	s0 =	sor.u32 s1, s0  }
0xbd: {  	s0 =	sadd.s32 $0x8F2B, s0  }
0xbe: {  	[sflag:s0] =	ssyncadd.remote.s32 $0x1  }
0xbf: {  	_ =	sfence.sel $0xFFFF  }
0xc0: {  	[dreg:$0x0] =	wrdreg $0xFFFFFFFF;
	(pc) =	sbr.abs _section_cstart, $3  }
0xc1: {  	[dreg:$0x1] =	wrdreg $0xFFFFFFFF  }
0xc2: {  	_ =	task.clear_ibuf [dreg:s6], $0x2FFFF;
	_ =	strace $0x9FFFFFFF  }
0xc3: {  	(tm) =	ssettm $0x7FFFFFFF  }
tec
execute0_lowered:
.L_overlay_start_1:
0x0: {  	(tag) =	ssettag $0x1  }
0x1: {  	s5 =	rddreg [dreg:$0x0]  }
0x2: {  	s2 =	rddreg [dreg:$0x1]  }
0x3: {  	s3 =	rddreg [dreg:$0x2]  }
0x4: {  	s1 =	stileid.u32;
	s4 =	simm.s32 $0x0;
	s7 =	srdreg.scid  }
0x5: {  	s13 =	simm.s32 $0x3;
	s16 =	simm.s32 $0x1;
	s17 =	simm.s32 $0x4  }
0x6: {  	s18 =	simm.s32 $0x8;
	s19 =	simm.s32 $0xA000;
	s20 =	simm.s32 $0xEE20  }
0x7: {  	s21 =	simm.s32 $0x190;
	s22 =	simm.s32 $0x16E40;
	s6 =	smul.u32 $0x9C4, s1  }
0x8: {  	s23 =	simm.s32 $0x2;
	s24 =	simm.s32 $0xEC90;
	s8 =	smul.u32 $0xA000, s1  }
0x9: {  	s28 =	simm.s32 $0x0;
	[smem:$0x7FF] =	sst s4;
	s26 =	smul.u32 $0x14000, s1  }
0xa: {  	s7 =	sand.u32 $0x1, s7;
	s29 =	smul.u32 $0x5000, s1;
	s14 =	sshll.u32 s1, $0x6  }
0xb: {  	_ =	strace $0x8000004A;
	s9 =	sshll.u32 s7, $0x5;
	s7 =	ssub.s32 $0x2, s7  }
0xc: {  	s14 =	sor.u32 $0x1C03, s14;
	s10 =	sadd.s32 s6, s5;
	s25 =	sor.u32 s9, s8  }
0xd: {  	s30 =	sshrl.u32 s7, $0x1;
	s31 =	sshrl.u32 s26, $0x2;
	s15 =	sadd.s32 s29, s3  }
0xe: {  	s26 =	simm.s32 $0x13AB0;
	s6 =	sshrl.u32 s25, $0x3;
	s12 =	ssub.s32 s7, s30  }
0xf: {  	s8 =	sadd.s32 $0xB000, s10;
	s9 =	sadd.s32 $0x1200, s10;
	s15 =	sshrl.u32 s15, $0x3  }
0x10: {  	s25 =	simm.s32 $0x13920;
	s11 =	sadd.s32 s6, s5;
	s6 =	sadd.s32 s31, s2  }
0x11: {  	s5 =	sadd.s32 s29, s2;
	s6 =	sadd.s32 $0x3200, s6;
	s7 =	sadd.s32 $0x14E00, s11  }
0x12: {  	v0 =	vimm.f32 $0.0e+00;
	s10 =	sadd.s32 $0x28E00, s11;
	s11 =	smax.u32 s12, $0x1;
	s12 =	simm.s32 $0x13C40  }
.LBB2_1:
0x13: {  	s29 =	sand.u32 $0xFF80, s4  }
0x14: {  	s30 =	sand.u32 $0x10, s4;
	s31 =	sshrl.u32 s29, $0x2  }
0x15: {  	s29 =	simm.s32 $0x40;
	s31 =	sor.u32 s30, s31;
	s30 =	simm.s32 $0x0  }
.LBB2_2:
0x16: {  	p0 =	sne.s32 s29, $0xC7C0  }
0x17: {  	[tilespmem:s31+$0x13C40] =	vst v0;
	s30 =	sadd.s32 $0x10, s30;
	s31 =	smov.u32 s29;
	s29 =	sadd.s32 $0x40, s29  }
.Ltmp0:
0x18: {  	(pc) =	sbr.rel @p0 .LBB2_2-.Ltmp0, $4  }
0x19: {  	_ = 	snop  }
0x1a: {  	s31 =	sand.u32 $0xFF80, s31  }
0x1b: {  	s0 =	sand.u32 $0x10, s30;
	s31 =	sshrl.u32 s31, $0x2  }
0x1c: {  	s31 =	sor.u32 s0, s31  }
0x1d: {  	[tilespmem:s31+$0x13C40] =	vst v0  }
0x1e: {  	[spmem:s5] =	stream.linear.scatter [tilespmem:s12], [sflag:$0x3], $0x3200, $0x38;
	[tilespmem:$0x1A040] =	vst v63  }
0x1f: {  	_ =	swait.ge [sflag:s13], $0x3200  }
0x20: {  	[sflag:s13] =	ssyncset.done $0x0  }
0x21: {  	[sflag:s13] =	ssyncadd.s32 $0xFFFFCE00  }
0x22: {  	[spmem:s6] =	stream.linear.scatter [tilespmem:s12], [sflag:$0x3], $0x1E00, $0x38;
	[tilespmem:$0x1A040] =	vst v63  }
0x23: {  	_ =	swait.ge [sflag:s13], $0x1E00  }
0x24: {  	[sflag:s13] =	ssyncset.done $0x0  }
0x25: {  	[sflag:s13] =	ssyncadd.s32 $0xFFFFE200  }
0x26: {  	[spmem:s15@s17], [sflag:s14] =	dma.strided [hbm:s7@s18], $0xA00, s16, $0x4   }
0x27: {  	_ =	swait.ge [sflag:s13], $0xA00  }
0x28: {  	[sflag:s13] =	ssyncset.done $0x0  }
0x29: {  	s0 =	simm.s32 $0x0;
	[sflag:s13] =	ssyncadd.s32 $0xFFFFF600  }
0x2a: {  	[tilespmem:s19], [sflag:$0x3] =	stream.linear.gather [hbm4b:s8+s0], $0x4E20, $0x38;
	[tilespmem:$0x1A040] =	vst v63  }
0x2b: {  	_ =	swait.ge [sflag:s13], $0x4E20  }
0x2c: {  	[sflag:s13] =	ssyncset.done $0x0  }
0x2d: {  	[sflag:s13] =	ssyncadd.s32 $0xFFFFB1E0  }
0x2e: {  	[tilespmem:s20], [sflag:$0x3] =	stream.linear.gather [hbm4b:s9+s0], $0x4E20, $0x38;
	[tilespmem:$0x1A040] =	vst v63  }
0x2f: {  	_ =	swait.ge [sflag:s13], $0x4E20  }
0x30: {  	[sflag:s13] =	ssyncset.done $0x0  }
0x31: {  	[sflag:s13] =	ssyncadd.s32 $0xFFFFB1E0  }
0x32: {  	[bflag:$0x0] =	sbarrier.arrive $0xFFFF  }
0x33: {  	[tilespmem:s12], [sflag:$0x1] =	stream.indirect.gather [spmem:s3], $0x20, s19, s21, $0xb8;
	[tilespmem:$0x1A040] =	vst v63  }
0x34: {  	_ =	swait.ge [sflag:s16], $0x3200  }
0x35: {  	[sflag:s16] =	ssyncset.done $0x0  }
0x36: {  	s30 =	simm.s32 $0xA190;
	[sflag:s16] =	ssyncadd.s32 $0xFFFFCE00  }
0x37: {  	[tilespmem:s22], [sflag:$0x2] =	stream.indirect.gather [spmem:s3], $0x20, s30, s21, $0xb8;
	[tilespmem:$0x1A040] =	vst v63  }
0x38: {  	s31 =	simm.s32 $0xEE20  }
0x39: {  	[spmem:s2] =	stream.indirect.scatter.add.f32 [tilespmem:s12], [sflag:$0x3], $0x20, s31, s21, $0xb8;
	[tilespmem:$0x1A040] =	vst v63  }
0x3a: {  	_ =	swait.ge [sflag:s13], $0x3200  }
0x3b: {  	[sflag:s13] =	ssyncset.done $0x0  }
0x3c: {  	[sflag:s13] =	ssyncadd.s32 $0xFFFFCE00  }
0x3d: {  	_ =	swait.ge [sflag:s23], $0x3200  }
0x3e: {  	[sflag:s23] =	ssyncset.done $0x0  }
0x3f: {  	s30 =	simm.s32 $0xA320;
	[sflag:s23] =	ssyncadd.s32 $0xFFFFCE00  }
0x40: {  	[tilespmem:s12], [sflag:$0x1] =	stream.indirect.gather [spmem:s3], $0x20, s30, s21, $0xb8;
	[tilespmem:$0x1A040] =	vst v63  }
0x41: {  	s31 =	simm.s32 $0xEFB0  }
0x42: {  	[spmem:s2] =	stream.indirect.scatter.add.f32 [tilespmem:s22], [sflag:$0x3], $0x20, s31, s21, $0xb8;
	[tilespmem:$0x1A040] =	vst v63  }
0x43: {  	_ =	swait.ge [sflag:s13], $0x3200  }
0x44: {  	s29 =	simm.s32 $0xC80;
	[sflag:s13] =	ssyncset.done $0x0  }
.LBB2_4:
0x45: {  	p0 =	sne.s32 s29, $0x11F80  }
0x46: {  	[sflag:s13] =	ssyncadd.s32 $0xFFFFCE00;
	s0 =	smov.u32 s29;
	s29 =	sadd.s32 $0xC80, s29  }
0x47: {  	_ = 	snop  }
0x48: {  	_ =	swait.ge [sflag:s16], $0x3200  }
0x49: {  	s0 =	sshra.s32 s0, $0x2;
	[sflag:s16] =	ssyncset.done $0x0  }
0x4a: {  	s30 =	sadd.s32 $0xA190, s0;
	[sflag:s16] =	ssyncadd.s32 $0xFFFFCE00  }
0x4b: {  	[tilespmem:s22], [sflag:$0x2] =	stream.indirect.gather [spmem:s3], $0x20, s30, s21, $0xb8;
	[tilespmem:$0x1A040] =	vst v63  }
0x4c: {  	s30 =	sadd.s32 $0xEE20, s0  }
0x4d: {  	[spmem:s2] =	stream.indirect.scatter.add.f32 [tilespmem:s12], [sflag:$0x3], $0x20, s30, s21, $0xb8;
	[tilespmem:$0x1A040] =	vst v63  }
0x4e: {  	_ =	swait.ge [sflag:s13], $0x3200  }
0x4f: {  	[sflag:s13] =	ssyncset.done $0x0  }
0x50: {  	[sflag:s13] =	ssyncadd.s32 $0xFFFFCE00  }
0x51: {  	_ =	swait.ge [sflag:s23], $0x3200  }
0x52: {  	[sflag:s23] =	ssyncset.done $0x0  }
0x53: {  	s30 =	sadd.s32 $0xA320, s0;
	[sflag:s23] =	ssyncadd.s32 $0xFFFFCE00  }
0x54: {  	[tilespmem:s12], [sflag:$0x1] =	stream.indirect.gather [spmem:s3], $0x20, s30, s21, $0xb8;
	[tilespmem:$0x1A040] =	vst v63  }
.Ltmp1:
0x55: {  	_ = 	snop;
	(pc) =	sbr.rel @p0 .LBB2_4-.Ltmp1, $4  }
0x56: {  	s0 =	sadd.s32 $0xEFB0, s0  }
0x57: {  	[spmem:s2] =	stream.indirect.scatter.add.f32 [tilespmem:s22], [sflag:$0x3], $0x20, s0, s21, $0xb8;
	[tilespmem:$0x1A040] =	vst v63  }
0x58: {  	_ =	swait.ge [sflag:s13], $0x3200  }
0x59: {  	[sflag:s13] =	ssyncset.done $0x0  }
0x5a: {  	[sflag:s13] =	ssyncadd.s32 $0xFFFFCE00  }
0x5b: {  	_ =	swait.ge [sflag:s16], $0x3200  }
0x5c: {  	[sflag:s16] =	ssyncset.done $0x0  }
0x5d: {  	[sflag:s16] =	ssyncadd.s32 $0xFFFFCE00  }
0x5e: {  	[tilespmem:s22], [sflag:$0x2] =	stream.indirect.gather [spmem:s3], $0x20, s24, s21, $0xb8;
	[tilespmem:$0x1A040] =	vst v63  }
0x5f: {  	_ = 	snop  }
0x60: {  	[spmem:s2] =	stream.indirect.scatter.add.f32 [tilespmem:s12], [sflag:$0x3], $0x20, s25, s21, $0xb8;
	[tilespmem:$0x1A040] =	vst v63  }
0x61: {  	_ =	swait.ge [sflag:s13], $0x3200  }
0x62: {  	[sflag:s13] =	ssyncset.done $0x0  }
0x63: {  	[sflag:s13] =	ssyncadd.s32 $0xFFFFCE00  }
0x64: {  	_ =	swait.ge [sflag:s23], $0x3200  }
0x65: {  	[sflag:s23] =	ssyncset.done $0x0  }
0x66: {  	[sflag:s23] =	ssyncadd.s32 $0xFFFFCE00  }
0x67: {  	[spmem:s2] =	stream.indirect.scatter.add.f32 [tilespmem:s22], [sflag:$0x3], $0x20, s26, s21, $0xb8;
	[tilespmem:$0x1A040] =	vst v63  }
0x68: {  	_ =	swait.ge [sflag:s13], $0x3200  }
0x69: {  	s28 =	sadd.s32 $0x1, s28;
	[sflag:s13] =	ssyncset.done $0x0  }
0x6a: {  	p0 =	sne.s32 s28, s11;
	[sflag:s13] =	ssyncadd.s32 $0xFFFFCE00  }
.Ltmp2:
0x6b: {  	s0 =	sshrl.u32 s5, $0x3;
	[bflag:$0x0] =	sbarrier.arrive $0xFFFF;
	(pc) =	sbr.rel @p0 .LBB2_1-.Ltmp2, $4  }
0x6c: {  	[hbm:s10@s18], [sflag:s14] =	dma.strided [spmem:s0@s17], $0xA00, s16, $0x4   }
0x6d: {  	_ =	swait.ge [sflag:s13], $0xA00  }
0x6e: {  	[sflag:s13] =	ssyncset.done $0x0  }
0x6f: {  	[sflag:s13] =	ssyncadd.s32 $0xFFFFF600  }
0x70: {  	_ =	sfence.sel $0x180000  }
0x71: {  	[bflag:$0x0] =	sbarrier.arrive $0xFFFF  }
0x72: {  	_ =	strace $0x9000004A  }
0x73: {  	[bflag:$0x2] =	sbarrier.arrive $0xFFFF  }
0x74: {  	p0 =	sne.s32 s1, $0x0;
	s0 =	rddreg [dreg:$0x3]  }
0x75: {  	s0 =	sadd.s32 @!p0 $0x100000, s0  }
0x76: {  	[sflag:s0] =	ssyncadd.tile.s32 @!p0 $0x1;
	_ =	shalt  }
.Lfunc_end2:
_tile_overlayer_lowered:
.L_overlay_start_2:
0x77: {  	(tag) =	ssettag $0x2  }
0x78: {  	s0 =	rddreg [dreg:$0x0];
	s2 =	stileid.u32  }
0x79: {  	s1 =	rddreg [dreg:$0x1];
	p0 =	sne.s32 s2, $0x0  }
0x7a: {  	s3 =	rddreg [dreg:$0x2];
	[bflag:$0x3] =	sbarrier.arrive $0xFFFF;
	s2 =	simm.s32 @!p0 $0x1C03  }
0x7b: {  	[timem:s3], [sflag:s2] =	dma.local @!p0 [hbm:s0], s1  }
0x7c: {  	s0 =	simm.s32 @!p0 $0x3  }
0x7d: {  	_ =	swait.ge @!p0 [sflag:s0], s1  }
0x7e: {  	s1 =	ssub.s32 @!p0 $0x0, s1;
	[sflag:s0] =	ssyncset.done @!p0 $0x0  }
0x7f: {  	[sflag:s0] =	ssyncadd.s32 @!p0 s1  }
0x80: {  	[bflag:$0x3] =	sbarrier.arrive $0xFFFF  }
0x81: {  	_ =	shalt  }

// kernel: kernel.15.cloned.1.call-start
scs
__scs_entry_jumppad:
0x0: {  	(pc) =	sbr.rel $0x88, $3  }
0x1: {  	(tag) =	ssettag $0x0;
	lr =	simm.s32 $0x1  }
0x2: {  	[smem:$0x3F9A] =	sst lr;
	_ =	strace $0xD0000000  }
0x3: {  	_ = 	snop  }
0x4: {  	_ = 	snop  }
0x5: {  	_ = 	snop  }
0x6: {  	_ = 	snop  }
0x7: {  	_ = 	snop  }
__scs_overlays_trampoline_lowered:
0x8: {  	[smem:$0x3FA9] =	sst s0  }
0x9: {  	[smem:$0x3FAA] =	sst s1  }
0xa: {  	[smem:$0x3FAB] =	sst s2  }
0xb: {  	[smem:$0x3FAC] =	sst s3  }
0xc: {  	[smem:$0x3FAD] =	sst s4  }
0xd: {  	[smem:$0x3FAE] =	sst s5  }
0xe: {  	[smem:$0x3FAF] =	sst s6  }
0xf: {  	[smem:$0x3FB0] =	sst s7  }
0x10: {  	[smem:$0x3FB1] =	sst s8  }
0x11: {  	[smem:$0x3FB2] =	sst s9;
	s0 =	simm.s32 @!p0 $0x0  }
0x12: {  	s1 =	sld [smem:$0x3F98];
	s0 =	simm.s32 @p0 $0x1  }
0x13: {  	[smem:$0x3FB3] =	sst s0;
	s0 =	simm.s32 @!p1 $0x0  }
0x14: {  	s2 =	sld [smem:$0x3F97];
	s0 =	simm.s32 @p1 $0x1  }
0x15: {  	[smem:$0x3FB4] =	sst s0;
	s0 =	simm.s32 @!p2 $0x0  }
0x16: {  	s3 =	sld [smem:$0x3FDB];
	s0 =	simm.s32 @p2 $0x1  }
0x17: {  	s4 =	simm.s32 $0x1BF5;
	[smem:$0x3FB6] =	sst s0  }
0x18: {  	s0 =	sld [smem:$0x3F99];
	_ =	swait.ge [sflag:s4], $0x0  }
0x19: {  	s7 =	sld [smem:$0x3F9A]  }
0x1a: {  	s8 =	sadd.s32 $0xFFFFE003, lr  }
0x1b: {  	s9 =	sadd.s32 $0xFFFFFEF7, lr;
	s5 =	simm.s32 $0xFFFFFFFF;
	p2 =	slt.u32 s8, $0xFFFFF086  }
0x1c: {  	p1 =	slt.u32 s9, $0xF7A;
	s5 =	simm.s32 @!p2 $0x0  }
0x1d: {  	s5 =	simm.s32 @p1 $0x1;
	p0 =	seq.s32 s7, s2  }
0x1e: {  	s7 =	smul.u32 @!p0 $0xF7A, s2;
	p2 =	seq.s32 @!p0 s5, $0x0  }
0x1f: {  	s9 =	smul.u32 $0xF7A, s1;
	s8 =	simm.s32 @!p0 $0x1BF5;
	p2 =	por !p2, p0  }
0x20: {  	[sflag:s8] =	ssyncset.s32 @!p0 $0xFFFFF086;
	s6 =	sadd.s32 @!p0 s3, s7;
	s7 =	simm.s32 @!p0 $0x108  }
0x21: {  	s3 =	sadd.s32 s3, s9;
	s6 =	sadd.s32 @!p0 $0x88, s6;
	s7 =	simm.s32 @p2 $0x1082  }
0x22: {  	[simem:s7], [sflag:s8] =	dma.local @!p0 [hbm:s6], $0xF7A  }
0x23: {  	s9 =	sor.u32 $0xD0000000, s2;
	s6 =	simm.s32 $0x108;
	_ =	swait.ge @!p0 [sflag:s8], $0x0  }
0x24: {  	s3 =	sadd.s32 $0x88, s3;
	s6 =	simm.s32 @!p1 $0x1082;
	[sflag:s4] =	ssyncset.s32 $0xFFFFF086  }
0x25: {  	[simem:s6], [sflag:s4] =	dma.local [hbm:s3], $0xF7A  }
0x26: {  	[smem:$0x3F9A] =	sst s1;
	(tag) =	ssettag s2;
	_ =	strace s9  }
0x27: {  	s1 =	sld [smem:$0x3FAA]  }
0x28: {  	s2 =	sld [smem:$0x3FAB]  }
0x29: {  	s4 =	sld [smem:$0x3FAD]  }
0x2a: {  	p0 =	seq.s32 s5, $0x0;
	s5 =	sld [smem:$0x3FAE]  }
0x2b: {  	s6 =	sld [smem:$0x3FAF]  }
0x2c: {  	s7 =	sld [smem:$0x3FB0]  }
0x2d: {  	s3 =	simm.s32 $0x108;
	s8 =	sld [smem:$0x3FB1]  }
0x2e: {  	s3 =	simm.s32 @!p0 $0x1082;
	s9 =	sld [smem:$0x3FB2]  }
0x2f: {  	lr =	sadd.s32 s0, s3;
	s0 =	sld [smem:$0x3FA9]  }
0x30: {  	s3 =	sld [smem:$0x3FAC]  }
0x31: {  	[smem:$0x3FB5] =	sst s10  }
0x32: {  	s10 =	sld [smem:$0x3FB3];
	_ =	sdelay $0x3  }
0x33: {  	p0 =	seq.s32 s10, $0x1;
	s10 =	sld [smem:$0x3FB5];
	_ =	sdelay $0x3  }
0x34: {  	[smem:$0x3FB5] =	sst s10  }
0x35: {  	s10 =	sld [smem:$0x3FB4];
	_ =	sdelay $0x3  }
0x36: {  	p1 =	seq.s32 s10, $0x1;
	s10 =	sld [smem:$0x3FB5];
	_ =	sdelay $0x3  }
0x37: {  	[smem:$0x3FB5] =	sst s10  }
0x38: {  	s10 =	sld [smem:$0x3FB6]  }
0x39: {  	_ = 	snop;
	(pc) =	sbr.ind lr, $3  }
0x3a: {  	_ = 	snop  }
0x3b: {  	_ = 	snop  }
0x3c: {  	p2 =	seq.s32 s10, $0x1;
	s10 =	sld [smem:$0x3FB5]  }
0x3d: {  	_ =	shalt  }
0x3e: {  	_ =	shalt  }
0x3f: {  	_ =	shalt  }
0x40: {  	_ =	shalt  }
0x41: {  	_ =	shalt  }
0x42: {  	_ =	shalt  }
0x43: {  	_ =	shalt  }
0x44: {  	_ =	shalt  }
0x45: {  	_ =	shalt  }
0x46: {  	_ =	shalt  }
0x47: {  	_ =	shalt  }
0x48: {  	_ =	shalt  }
0x49: {  	_ =	shalt  }
0x4a: {  	_ =	shalt  }
0x4b: {  	_ =	shalt  }
0x4c: {  	_ =	shalt  }
0x4d: {  	_ =	shalt  }
0x4e: {  	_ =	shalt  }
0x4f: {  	_ =	shalt  }
0x50: {  	_ =	shalt  }
0x51: {  	_ =	shalt  }
0x52: {  	_ =	shalt  }
0x53: {  	_ =	shalt  }
0x54: {  	_ =	shalt  }
0x55: {  	_ =	shalt  }
0x56: {  	_ =	shalt  }
0x57: {  	_ =	shalt  }
0x58: {  	_ =	shalt  }
0x59: {  	_ =	shalt  }
0x5a: {  	_ =	shalt  }
0x5b: {  	_ =	shalt  }
0x5c: {  	_ =	shalt  }
0x5d: {  	_ =	shalt  }
0x5e: {  	_ =	shalt  }
0x5f: {  	_ =	shalt  }
0x60: {  	_ =	shalt  }
0x61: {  	_ =	shalt  }
0x62: {  	_ =	shalt  }
0x63: {  	_ =	shalt  }
0x64: {  	_ =	shalt  }
0x65: {  	_ =	shalt  }
0x66: {  	_ =	shalt  }
0x67: {  	_ =	shalt  }
0x68: {  	_ =	shalt  }
0x69: {  	_ =	shalt  }
0x6a: {  	_ =	shalt  }
0x6b: {  	_ =	shalt  }
0x6c: {  	_ =	shalt  }
0x6d: {  	_ =	shalt  }
0x6e: {  	_ =	shalt  }
0x6f: {  	_ =	shalt  }
0x70: {  	_ =	shalt  }
0x71: {  	_ =	shalt  }
0x72: {  	_ =	shalt  }
0x73: {  	_ =	shalt  }
0x74: {  	_ =	shalt  }
0x75: {  	_ =	shalt  }
0x76: {  	_ =	shalt  }
0x77: {  	_ =	shalt  }
0x78: {  	_ =	shalt  }
0x79: {  	_ =	shalt  }
0x7a: {  	_ =	shalt  }
0x7b: {  	_ =	shalt  }
0x7c: {  	_ =	shalt  }
0x7d: {  	_ =	shalt  }
0x7e: {  	_ =	shalt  }
0x7f: {  	_ =	shalt  }
0x80: {  	_ =	shalt  }
0x81: {  	_ =	shalt  }
0x82: {  	_ =	shalt  }
0x83: {  	_ =	shalt  }
0x84: {  	_ =	shalt  }
0x85: {  	_ =	shalt  }
0x86: {  	_ =	shalt  }
0x87: {  	_ =	shalt  }
.Lfunc_end0:
.L_simem_size_0:
called_computation.2_lowered:
.L_overlay_start_0:
0x88: {  	s2 =	sld [smem:$0x3FD9]  }
0x89: {  	s3 =	sld [smem:$0x3FFE];
	_ =	sdelay $0x1  }
0x8a: {  	s1 =	srdreg.scid  }
0x8b: {  	s0 =	sand.u32 $0x1, s1  }
0x8c: {  	s14 =	sshll.u32 s0, $0xA;
	s2 =	sadd.s32 s3, s2  }
0x8d: {  	s2 =	sadd.s32 s2, s14  }
0x8e: {  	[smem:$0x3FC1] =	sst s2  }
0x8f: {  	_ = 	snop  }
0x90: {  	s2 =	sld [smem:$0x3FD0];
	_ =	sdelay $0x2  }
0x91: {  	s4 =	simm.s32 $0xA;
	s5 =	simm.s32 $0x10;
	s15 =	sld [smem:$0x3FC3]  }
0x92: {  	[smem:s5], [sflag:s4] =	dma.local [hbm:s2], $0x1  }
0x93: {  	_ =	swait.eq [sflag:s4], $0x1  }
0x94: {  	[sflag:s4] =	ssyncset.done $0x0  }
0x95: {  	[sflag:s4] =	ssyncadd.s32 $0xFFFFFFFF  }
0x96: {  	s16 =	sld [smem:$0x10];
	(tm) =	ssettm $0x1  }
0x97: {  	s17 =	sld [smem:$0x3FFB];
	_ =	sdelay $0x3  }
0x98: {  	_ =	strace s17  }
0x99: {  	s4 =	sld [smem:$0x3FFC];
	_ =	sdelay $0x3  }
0x9a: {  	_ =	strace s4  }
0x9b: {  	s4 =	sld [smem:$0x3FFD];
	_ =	sdelay $0x3  }
0x9c: {  	_ =	strace s4  }
0x9d: {  	_ =	strace $0x8FFFFFFF  }
0x9e: {  	s18 =	sld [smem:$0x3FDB];
	_ =	sdelay $0x1  }
0x9f: {  	s19 =	simm.s32 $_scs_section_size  }
0xa0: {  	s6 =	simm.s32 $_size__tile_overlayer_lowered;
	s7 =	simm.s32 $_tile_overlayer_lowered  }
0xa1: {  	s22 =	simm.s32 $0x1BFF;
	s21 =	sshll.u32 s7, $0x1;
	s4 =	sadd.s32 s19, s18  }
0xa2: {  	s8 =	simm.s32 $0x0;
	s20 =	sshll.u32 s6, $0x1;
	s6 =	sadd.s32 s21, s4  }
0xa3: {  	[timem:s8], [sflag:s22] =	dma.local [hbm:s6], s20  }
0xa4: {  	_ =	swait.ge [sflag:s22], s20  }
0xa5: {  	s5 =	ssub.s32 $0x0, s20;
	[sflag:s22] =	ssyncset.done $0x0  }
0xa6: {  	[sflag:s22] =	ssyncadd.s32 s5;
	_ =	sdelay $0x1  }
0xa7: {  	s23 =	simm.s32 $0x1B8B  }
0xa8: {  	_ =	swait.ge [sflag:s23], $0x1  }
0xa9: {  	[sflag:s23] =	ssyncset.done $0x0  }
0xaa: {  	s25 =	simm.s32 $0x1B8E;
	s24 =	sld [smem:$0x3FFE];
	[sflag:s23] =	ssyncadd.s32 $0xFFFFFFFF  }
0xab: {  	s26 =	simm.s32 $execute0_lowered;
	[smem:$0x3FD2] =	sst s25  }
0xac: {  	s6 =	sshll.u32 s26, $0x1;
	_ =	strace $0x8000004C;
	[dreg:$0x1] =	wrdreg $0xFFFFFFFF  }
0xad: {  	s28 =	simm.s32 $_size_execute0_lowered;
	s4 =	sadd.s32 s4, s6;
	[dreg:$0x0] =	wrdreg $0x0  }
0xae: {  	s6 =	sshll.u32 s28, $0x1;
	[dreg:$0x2] =	wrdreg s4  }
0xaf: {  	[dreg:$0x3] =	wrdreg s6  }
0xb0: {  	[dreg:$0x4] =	wrdreg $0xC0  }
0xb1: {  	_ =	task [dreg:s8], $0x5FFFF  }
0xb2: {  	[dreg:$0x1] =	wrdreg $0xFFFFFFFF  }
0xb3: {  	[dreg:$0x0] =	wrdreg $0x60  }
0xb4: {  	[dreg:$0x2] =	wrdreg s24  }
0xb5: {  	[dreg:$0x3] =	wrdreg s16  }
0xb6: {  	[dreg:$0x4] =	wrdreg s15  }
0xb7: {  	[dreg:$0x5] =	wrdreg $0x50000  }
0xb8: {  	[dreg:$0x6] =	wrdreg $0x0  }
0xb9: {  	[dreg:$0x7] =	wrdreg $0x9  }
0xba: {  	_ =	task.clear_ibuf [dreg:s8], $0x8FFFF;
	_ =	strace $0x9000004C  }
0xbb: {  	s29 =	simm.s32 $0x9;
	_ =	strace $0x8000004E  }
0xbc: {  	_ =	swait.ge [sflag:s29], $0x1  }
0xbd: {  	[sflag:s29] =	ssyncadd.s32 $0xFFFFFFFF  }
0xbe: {  	_ =	strace $0x9000004E  }
0xbf: {  	_ =	sfence  }
0xc0: {  	s30 =	sld [smem:$0x0];
	_ =	sdelay $0x2  }
0xc1: {  	s31 =	sshll.u32 s1, $0xD;
	s1 =	sshrl.u32 s1, $0x2  }
0xc2: {  	s3 =	sand.u32 $0x4000, s31;
	s1 =	sadd.s32 s1, s30  }
0xc3: {  	s0 =	sor.u32 s3, s0;
	s1 =	sshll.u32 s1, $0x11  }
0xc4: {  	s0 =	sor.u32 s1, s0  }
0xc5: {  	s0 =	sadd.s32 $0x8F2B, s0  }
0xc6: {  	[sflag:s0] =	ssyncadd.remote.s32 $0x1  }
0xc7: {  	_ =	sfence.sel $0xFFFF  }
0xc8: {  	[dreg:$0x0] =	wrdreg $0xFFFFFFFF;
	(pc) =	sbr.abs _section_cstart, $3  }
0xc9: {  	[dreg:$0x1] =	wrdreg $0xFFFFFFFF  }
0xca: {  	_ =	task.clear_ibuf [dreg:s8], $0x2FFFF;
	_ =	strace $0x9FFFFFFF  }
0xcb: {  	(tm) =	ssettm $0x7FFFFFFF  }
tec
execute0_lowered:
.L_overlay_start_1:
0x0: {  	(tag) =	ssettag $0x1  }
0x1: {  	s1 =	rddreg [dreg:$0x0]  }
0x2: {  	s11 =	rddreg [dreg:$0x1]  }
0x3: {  	s12 =	rddreg [dreg:$0x2]  }
0x4: {  	s2 =	rddreg [dreg:$0x3]  }
0x5: {  	s4 =	srdreg.scid;
	s0 =	stileid.u32  }
0x6: {  	s3 =	rddreg [dreg:$0x4];
	s30 =	simm.s32 $0x4;
	s22 =	simm.s32 $0xA000  }
0x7: {  	s28 =	simm.s32 $0x16E40;
	s29 =	simm.s32 $0x2;
	s5 =	smul.u32 $0xA000, s0  }
0x8: {  	s31 =	simm.s32 $0x13920;
	s20 =	simm.s32 $0x20;
	s6 =	smul.u32 $0x9C4, s0  }
0x9: {  	s21 =	simm.s32 $0x40;
	s13 =	sand.u32 $0x1, s4;
	s16 =	smul.u32 $0x280, s0  }
0xa: {  	s4 =	simm.s32 $0x0;
	s7 =	smul.u32 $0x5000, s0;
	p0 =	seq.s32 s0, $0xF  }
0xb: {  	s14 =	sshll.u32 s13, $0x5;
	[smem:$0x7FF] =	sst s4;
	s24 =	ssub.s32 $0x2, s13  }
0xc: {  	s13 =	sshll.u32 s13, $0x2;
	s5 =	sor.u32 s14, s5;
	_ =	strace $0x8000004D  }
0xd: {  	s10 =	sadd.s32 s6, s1;
	s25 =	sshrl.u32 s24, $0x1;
	s17 =	sadd.s32 $0x190, s16  }
0xe: {  	s16 =	sshrl.u32 s16, $0x3;
	s12 =	sadd.s32 s12, s13;
	s15 =	sshrl.u32 s5, $0x3  }
0xf: {  	s18 =	ssub.s32 s24, s25;
	s19 =	sshll.u32 s17, $0x5;
	s5 =	sadd.s32 s7, s2  }
0x10: {  	s7 =	sadd.s32 s7, s3;
	s9 =	sadd.s32 $0xB000, s10;
	s10 =	sadd.s32 $0x1200, s10  }
0x11: {  	s17 =	sshll.u32 s17, $0x6;
	s11 =	sadd.s32 s11, s16;
	s8 =	sadd.s32 s15, s1  }
0x12: {  	s1 =	sadd.s32 $0x28E00, s1;
	s6 =	sadd.s32 s19, s2;
	s14 =	sor.u32 s14, s17  }
.Ltmp0:
0x13: {  	s26 =	sadd.s32 s19, s3;
	s16 =	smax.u32 s18, $0x1;
	(pc) =	sbr.rel .LBB2_1-.Ltmp0, $4  }
0x14: {  	s17 =	simm.s32 $0x13C40;
	s18 =	simm.s32 $0x3;
	s19 =	simm.s32 $0x1  }
0x15: {  	s8 =	sadd.s32 $0x14E00, s8;
	s13 =	sadd.s32 s1, s15;
	s14 =	sshrl.u32 s14, $0x3  }
0x16: {  	[dreg:$0x6] =	wrdreg s26;
	s26 =	simm.s32 $0x190;
	s1 =	sadd.s32 s1, s14  }
0x17: {  	v0 =	vimm.f32 $0.0e+00;
	s14 =	simm.s32 $0x0;
	[dreg:$0x7] =	wrdreg s1;
	s1 =	simm.s32 $0x13AB0  }
.LBB2_10:
0x18: {  	[tilespmem:s23+$0x0] =	vst v4  }
0x19: {  	[tilespmem:s23+$0xFFFFFFF0] =	vst v3;
	s15 =	rddreg [dreg:$0x7]  }
0x1a: {  	[hbm4b:s15+s20] =	stream.strided.scatter [tilespmem:s17], [sflag:$0x3], $0x1E00, s21, s20, $0x38;
	[tilespmem:$0x1A2F0] =	vst v63  }
0x1b: {  	_ =	swait.ge [sflag:s18], $0x1E00  }
0x1c: {  	[sflag:s18] =	ssyncset.done $0x0  }
0x1d: {  	s30 =	simm.s32 $0x4;
	[sflag:s18] =	ssyncadd.s32 $0xFFFFE200  }
.LBB2_11:
0x1e: {  	s14 =	sadd.s32 $0x1, s14  }
0x1f: {  	p1 =	sne.s32 s14, s16  }
.Ltmp1:
0x20: {  	_ = 	snop;
	(pc) =	sbr.rel @!p1 .LBB2_12-.Ltmp1, $1  }
0x21: {  	_ =	sdelay $0x3  }
.LBB2_1:
0x22: {  	s15 =	sand.u32 $0xFF80, s4  }
0x23: {  	s23 =	sand.u32 $0x10, s4;
	s24 =	sshrl.u32 s15, $0x2  }
0x24: {  	s15 =	simm.s32 $0x40;
	s24 =	sor.u32 s23, s24;
	s23 =	simm.s32 $0x0  }
.LBB2_2:
0x25: {  	p1 =	sne.s32 s15, $0xC7C0  }
0x26: {  	[tilespmem:s24+$0x13C40] =	vst v0;
	s23 =	sadd.s32 $0x10, s23;
	s24 =	smov.u32 s15;
	s15 =	sadd.s32 $0x40, s15  }
.Ltmp2:
0x27: {  	(pc) =	sbr.rel @p1 .LBB2_2-.Ltmp2, $4  }
0x28: {  	_ = 	snop  }
0x29: {  	s24 =	sand.u32 $0xFF80, s24  }
0x2a: {  	s25 =	sand.u32 $0x10, s23;
	s24 =	sshrl.u32 s24, $0x2  }
0x2b: {  	s24 =	sor.u32 s25, s24  }
0x2c: {  	[tilespmem:s24+$0x13C40] =	vst v0  }
0x2d: {  	[spmem:s5] =	stream.linear.scatter [tilespmem:s17], [sflag:$0x3], $0x3200, $0x38;
	[tilespmem:$0x1A2F0] =	vst v63  }
0x2e: {  	_ =	swait.ge [sflag:s18], $0x3200  }
0x2f: {  	[sflag:s18] =	ssyncset.done $0x0  }
0x30: {  	[sflag:s18] =	ssyncadd.s32 $0xFFFFCE00  }
0x31: {  	[spmem:s6] =	stream.linear.scatter [tilespmem:s17], [sflag:$0x3], $0x1E00, $0x38;
	[tilespmem:$0x1A2F0] =	vst v63  }
0x32: {  	_ =	swait.ge [sflag:s18], $0x1E00  }
0x33: {  	s15 =	sshll.u32 s0, $0x6;
	s23 =	sshrl.u32 s7, $0x3;
	[sflag:s18] =	ssyncset.done $0x0  }
0x34: {  	s25 =	simm.s32 $0x8;
	s15 =	sor.u32 $0x1C03, s15;
	[sflag:s18] =	ssyncadd.s32 $0xFFFFE200  }
0x35: {  	[spmem:s23@s30], [sflag:s15] =	dma.strided [hbm:s8@s25], $0xA00, s19, $0x4   }
0x36: {  	_ =	swait.ge [sflag:s18], $0xA00  }
0x37: {  	[sflag:s18] =	ssyncset.done $0x0  }
0x38: {  	s15 =	simm.s32 $0x0;
	[sflag:s18] =	ssyncadd.s32 $0xFFFFF600  }
0x39: {  	[tilespmem:s22], [sflag:$0x3] =	stream.linear.gather [hbm4b:s9+s15], $0x4E20, $0x38;
	[tilespmem:$0x1A2F0] =	vst v63  }
0x3a: {  	_ =	swait.ge [sflag:s18], $0x4E20  }
0x3b: {  	[sflag:s18] =	ssyncset.done $0x0  }
0x3c: {  	s24 =	simm.s32 $0xEE20;
	[sflag:s18] =	ssyncadd.s32 $0xFFFFB1E0  }
0x3d: {  	[tilespmem:s24], [sflag:$0x3] =	stream.linear.gather [hbm4b:s10+s15], $0x4E20, $0x38;
	[tilespmem:$0x1A2F0] =	vst v63  }
0x3e: {  	_ =	swait.ge [sflag:s18], $0x4E20  }
0x3f: {  	[sflag:s18] =	ssyncset.done $0x0  }
0x40: {  	s25 =	simm.s32 $0x1A040;
	[sflag:s18] =	ssyncadd.s32 $0xFFFFB1E0  }
0x41: {  	[tilespmem:s25], [sflag:$0x3] =	stream.linear.gather [hbm4b:s11+s15], $0x280, $0x38;
	[tilespmem:$0x1A2F0] =	vst v63  }
0x42: {  	_ =	swait.ge [sflag:s18], $0x280  }
0x43: {  	[sflag:s18] =	ssyncset.done $0x0  }
0x44: {  	s24 =	simm.s32 $0x1A2D0;
	[sflag:s18] =	ssyncadd.s32 $0xFFFFFD80  }
0x45: {  	[tilespmem:s24], [sflag:$0x3] =	stream.linear.gather [hbm4b:s12+s15], $0x20, $0x38;
	[tilespmem:$0x1A2F0] =	vst v63  }
0x46: {  	_ =	swait.ge [sflag:s18], $0x20  }
0x47: {  	[sflag:s18] =	ssyncset.done $0x0  }
0x48: {  	[sflag:s18] =	ssyncadd.s32 $0xFFFFFFE0  }
0x49: {  	[bflag:$0x0] =	sbarrier.arrive $0xFFFF  }
0x4a: {  	[tilespmem:s17], [sflag:$0x1] =	stream.indirect.gather [spmem:s3], $0x20, s22, s26, $0xb8;
	[tilespmem:$0x1A2F0] =	vst v63  }
0x4b: {  	_ =	swait.ge [sflag:s19], $0x3200  }
0x4c: {  	[sflag:s19] =	ssyncset.done $0x0  }
0x4d: {  	s25 =	simm.s32 $0xA190;
	[sflag:s19] =	ssyncadd.s32 $0xFFFFCE00  }
0x4e: {  	[tilespmem:s28], [sflag:$0x2] =	stream.indirect.gather [spmem:s3], $0x20, s25, s26, $0xb8;
	[tilespmem:$0x1A2F0] =	vst v63  }
0x4f: {  	s23 =	simm.s32 $0xEE20  }
0x50: {  	[spmem:s2] =	stream.indirect.scatter.add.f32 [tilespmem:s17], [sflag:$0x3], $0x20, s23, s26, $0xb8;
	[tilespmem:$0x1A2F0] =	vst v63  }
0x51: {  	_ =	swait.ge [sflag:s18], $0x3200  }
0x52: {  	[sflag:s18] =	ssyncset.done $0x0  }
0x53: {  	[sflag:s18] =	ssyncadd.s32 $0xFFFFCE00  }
0x54: {  	_ =	swait.ge [sflag:s29], $0x3200  }
0x55: {  	[sflag:s29] =	ssyncset.done $0x0  }
0x56: {  	s24 =	simm.s32 $0xA320;
	[sflag:s29] =	ssyncadd.s32 $0xFFFFCE00  }
0x57: {  	[tilespmem:s17], [sflag:$0x1] =	stream.indirect.gather [spmem:s3], $0x20, s24, s26, $0xb8;
	[tilespmem:$0x1A2F0] =	vst v63  }
0x58: {  	s25 =	simm.s32 $0xEFB0  }
0x59: {  	[spmem:s2] =	stream.indirect.scatter.add.f32 [tilespmem:s28], [sflag:$0x3], $0x20, s25, s26, $0xb8;
	[tilespmem:$0x1A2F0] =	vst v63  }
0x5a: {  	_ =	swait.ge [sflag:s18], $0x3200  }
0x5b: {  	s23 =	simm.s32 $0xC80;
	[sflag:s18] =	ssyncset.done $0x0  }
.LBB2_4:
0x5c: {  	p1 =	sne.s32 s23, $0x11F80  }
0x5d: {  	[sflag:s18] =	ssyncadd.s32 $0xFFFFCE00;
	s15 =	smov.u32 s23;
	s23 =	sadd.s32 $0xC80, s23  }
0x5e: {  	_ = 	snop  }
0x5f: {  	_ =	swait.ge [sflag:s19], $0x3200  }
0x60: {  	s15 =	sshra.s32 s15, $0x2;
	[sflag:s19] =	ssyncset.done $0x0  }
0x61: {  	s24 =	sadd.s32 $0xA190, s15;
	[sflag:s19] =	ssyncadd.s32 $0xFFFFCE00  }
0x62: {  	[tilespmem:s28], [sflag:$0x2] =	stream.indirect.gather [spmem:s3], $0x20, s24, s26, $0xb8;
	[tilespmem:$0x1A2F0] =	vst v63  }
0x63: {  	s24 =	sadd.s32 $0xEE20, s15  }
0x64: {  	[spmem:s2] =	stream.indirect.scatter.add.f32 [tilespmem:s17], [sflag:$0x3], $0x20, s24, s26, $0xb8;
	[tilespmem:$0x1A2F0] =	vst v63  }
0x65: {  	_ =	swait.ge [sflag:s18], $0x3200  }
0x66: {  	[sflag:s18] =	ssyncset.done $0x0  }
0x67: {  	[sflag:s18] =	ssyncadd.s32 $0xFFFFCE00  }
0x68: {  	_ =	swait.ge [sflag:s29], $0x3200  }
0x69: {  	[sflag:s29] =	ssyncset.done $0x0  }
0x6a: {  	s24 =	sadd.s32 $0xA320, s15;
	[sflag:s29] =	ssyncadd.s32 $0xFFFFCE00  }
0x6b: {  	[tilespmem:s17], [sflag:$0x1] =	stream.indirect.gather [spmem:s3], $0x20, s24, s26, $0xb8;
	[tilespmem:$0x1A2F0] =	vst v63  }
.Ltmp3:
0x6c: {  	_ = 	snop;
	(pc) =	sbr.rel @p1 .LBB2_4-.Ltmp3, $4  }
0x6d: {  	s15 =	sadd.s32 $0xEFB0, s15  }
0x6e: {  	[spmem:s2] =	stream.indirect.scatter.add.f32 [tilespmem:s28], [sflag:$0x3], $0x20, s15, s26, $0xb8;
	[tilespmem:$0x1A2F0] =	vst v63  }
0x6f: {  	_ =	swait.ge [sflag:s18], $0x3200  }
0x70: {  	[sflag:s18] =	ssyncset.done $0x0  }
0x71: {  	[sflag:s18] =	ssyncadd.s32 $0xFFFFCE00  }
0x72: {  	_ =	swait.ge [sflag:s19], $0x3200  }
0x73: {  	[sflag:s19] =	ssyncset.done $0x0  }
0x74: {  	s15 =	simm.s32 $0xEC90;
	[sflag:s19] =	ssyncadd.s32 $0xFFFFCE00  }
0x75: {  	[tilespmem:s28], [sflag:$0x2] =	stream.indirect.gather [spmem:s3], $0x20, s15, s26, $0xb8;
	[tilespmem:$0x1A2F0] =	vst v63  }
0x76: {  	_ = 	snop  }
0x77: {  	[spmem:s2] =	stream.indirect.scatter.add.f32 [tilespmem:s17], [sflag:$0x3], $0x20, s31, s26, $0xb8;
	[tilespmem:$0x1A2F0] =	vst v63  }
0x78: {  	_ =	swait.ge [sflag:s18], $0x3200  }
0x79: {  	[sflag:s18] =	ssyncset.done $0x0  }
0x7a: {  	[sflag:s18] =	ssyncadd.s32 $0xFFFFCE00  }
0x7b: {  	_ =	swait.ge [sflag:s29], $0x3200  }
0x7c: {  	[sflag:s29] =	ssyncset.done $0x0  }
0x7d: {  	[sflag:s29] =	ssyncadd.s32 $0xFFFFCE00  }
0x7e: {  	[spmem:s2] =	stream.indirect.scatter.add.f32 [tilespmem:s28], [sflag:$0x3], $0x20, s1, s26, $0xb8;
	[tilespmem:$0x1A2F0] =	vst v63  }
0x7f: {  	_ =	swait.ge [sflag:s18], $0x3200  }
0x80: {  	[sflag:s18] =	ssyncset.done $0x0  }
0x81: {  	[sflag:s18] =	ssyncadd.s32 $0xFFFFCE00  }
0x82: {  	[bflag:$0x0] =	sbarrier.arrive $0xFFFF  }
0x83: {  	v1 =	vld [tilespmem:$0x1A2D0]  }
0x84: {  	v2 =	vld [tilespmem:$0x1A2E0];
	[tilespmem:s17], [sflag:$0x3] =	stream.linear.gather [spmem:s5], $0x3200, $0x38  }
0x85: {  	_ =	swait.ge [sflag:s18], $0x3200  }
0x86: {  	[sflag:s18] =	ssyncset.done $0x0  }
0x87: {  	[sflag:s18] =	ssyncadd.s32 $0xFFFFCE00  }
0x88: {  	[tilespmem:s28], [sflag:$0x3] =	stream.linear.gather [spmem:s7], $0x3200, $0x38;
	[tilespmem:$0x1A2F0] =	vst v63  }
0x89: {  	_ =	swait.ge [sflag:s18], $0x3200  }
0x8a: {  	[sflag:s18] =	ssyncset.done $0x0  }
0x8b: {  	s23 =	simm.s32 $0x0;
	[sflag:s18] =	ssyncadd.s32 $0xFFFFCE00  }
0x8c: {  	v4 =	vld [tilespmem:s23+$0x16E50]  }
0x8d: {  	v5 =	vld [tilespmem:s23+$0x13C50]  }
0x8e: {  	s24 =	simm.s32 $0x1A040;
	v6 =	vld [tilespmem:s23+$0x16E40]  }
0x8f: {  	v3 =	vld.msk [tilespmem:s24+$0x0 ss:$0x0], $0xffff  }
0x90: {  	v7 =	vld [tilespmem:s23+$0x13C40];
	_ =	sdelay $0x2  }
0x91: {  	v5 =	vadd.f32 v4, v5;
	_ =	sdelay $0x1  }
0x92: {  	s15 =	simm.s32 $0x80;
	v4 =	vadd.f32 v6, v7;
	v5 =	vmul.f32 v5, v3  }
.LBB2_6:
0x93: {  	p1 =	sne.s32 s15, $0xC780  }
0x94: {  	s24 =	sadd.s32 $0x1, s24;
	s25 =	smov.u32 s15;
	s15 =	sadd.s32 $0x80, s15;
	v3 =	vmul.f32 v4, v3;
	v4 =	vadd.f32 v5, v2  }
0x95: {  	s25 =	sshra.s32 s25, $0x2  }
0x96: {  	v5 =	vld [tilespmem:s25+$0x16E50];
	v3 =	vadd.f32 v3, v1;
	[tilespmem:s23+$0x13C50] =	vst v4  }
0x97: {  	v4 =	vld [tilespmem:s25+$0x13C50]  }
0x98: {  	v6 =	vld [tilespmem:s25+$0x16E40];
	[tilespmem:s23+$0x13C40] =	vst v3;
	s23 =	smov.u32 s25  }
0x99: {  	v3 =	vld.msk [tilespmem:s24+$0x0 ss:$0x0], $0xffff  }
0x9a: {  	v7 =	vld [tilespmem:s23+$0x13C40]  }
.Ltmp4:
0x9b: {  	(pc) =	sbr.rel @p1 .LBB2_6-.Ltmp4, $2  }
0x9c: {  	v5 =	vadd.f32 v5, v4;
	_ =	sdelay $0x2  }
0x9d: {  	v5 =	vmul.f32 v5, v3;
	v4 =	vadd.f32 v6, v7  }
0x9e: {  	_ = 	snop  }
0x9f: {  	v3 =	vmul.f32 v4, v3  }
0xa0: {  	v63 =	vadd.f32 v5, v2  }
0xa1: {  	v3 =	vadd.f32 v3, v1  }
0xa2: {  	[tilespmem:s23+$0x13C50] =	vst v63  }
.Ltmp5:
0xa3: {  	[tilespmem:s23+$0x13C40] =	vst v3;
	(pc) =	sbr.rel @p0 .LBB2_11-.Ltmp5, $4  }
0xa4: {  	[hbm4b:s13+s20] =	stream.strided.scatter [tilespmem:s17], [sflag:$0x3], $0x3200, s21, s20, $0x38;
	[tilespmem:$0x1A2F0] =	vst v63  }
0xa5: {  	_ =	swait.ge [sflag:s18], $0x3200  }
0xa6: {  	[sflag:s18] =	ssyncset.done $0x0  }
0xa7: {  	[sflag:s18] =	ssyncadd.s32 $0xFFFFCE00  }
0xa8: {  	[tilespmem:s17], [sflag:$0x3] =	stream.linear.gather [spmem:s6], $0x1E00, $0x38;
	[tilespmem:$0x1A2F0] =	vst v63  }
0xa9: {  	_ =	swait.ge [sflag:s18], $0x1E00  }
0xaa: {  	[sflag:s18] =	ssyncset.done $0x0  }
0xab: {  	s15 =	rddreg [dreg:$0x6];
	[sflag:s18] =	ssyncadd.s32 $0xFFFFE200  }
0xac: {  	[tilespmem:s28], [sflag:$0x3] =	stream.linear.gather [spmem:s15], $0x1E00, $0x38;
	[tilespmem:$0x1A2F0] =	vst v63  }
0xad: {  	_ =	swait.ge [sflag:s18], $0x1E00  }
0xae: {  	[sflag:s18] =	ssyncset.done $0x0  }
0xaf: {  	s23 =	simm.s32 $0x13C50;
	[sflag:s18] =	ssyncadd.s32 $0xFFFFE200  }
0xb0: {  	v3 =	vld [tilespmem:s23+$0xFFFFFFF0]  }
0xb1: {  	s24 =	simm.s32 $0x16E50;
	v4 =	vld [tilespmem:s23+$0x0]  }
0xb2: {  	v5 =	vld [tilespmem:s24+$0x0]  }
0xb3: {  	s30 =	simm.s32 $0x0;
	v6 =	vld [tilespmem:s24+$0xFFFFFFF0]  }
0xb4: {  	s15 =	sand.u32 $0xFF, s30  }
0xb5: {  	v7 =	vld.msk [tilespmem:s15+$0x1A1D0 ss:$0x0], $0xffff;
	_ =	sdelay $0x2  }
0xb6: {  	v3 =	vadd.f32 v6, v3;
	v4 =	vadd.f32 v5, v4;
	_ =	sdelay $0x1  }
0xb7: {  	v3 =	vmul.f32 v3, v7;
	v4 =	vmul.f32 v4, v7;
	_ =	sdelay $0x1  }
0xb8: {  	s25 =	simm.s32 $0x13C70;
	s15 =	simm.s32 $0x1;
	v3 =	vadd.f32 v3, v1;
	v4 =	vadd.f32 v4, v2  }
.LBB2_9:
0xb9: {  	p1 =	sne.s32 s15, $0xEF  }
0xba: {  	v5 =	vld [tilespmem:s25+$0xFFFFFFF0];
	[tilespmem:s23+$0x0] =	vst v4;
	s24 =	sadd.s32 $0x20, s24;
	s30 =	smov.u32 s15;
	s15 =	sadd.s32 $0x1, s15  }
0xbb: {  	v4 =	vld [tilespmem:s25+$0x0];
	[tilespmem:s23+$0xFFFFFFF0] =	vst v3;
	s23 =	smov.u32 s25  }
0xbc: {  	s30 =	sand.u32 $0xFF, s30;
	v3 =	vld [tilespmem:s24+$0x0]  }
0xbd: {  	v6 =	vld [tilespmem:s24+$0xFFFFFFF0]  }
0xbe: {  	v7 =	vld.msk [tilespmem:s30+$0x1A1D0 ss:$0x0], $0xffff;
	_ =	sdelay $0x3  }
0xbf: {  	v3 =	vadd.f32 v3, v4;
	v5 =	vadd.f32 v6, v5  }
.Ltmp6:
0xc0: {  	(pc) =	sbr.rel @p1 .LBB2_9-.Ltmp6, $3  }
0xc1: {  	v4 =	vmul.f32 v5, v7;
	v5 =	vmul.f32 v3, v7;
	_ =	sdelay $0x1  }
0xc2: {  	v3 =	vadd.f32 v4, v1;
	v4 =	vadd.f32 v5, v2  }
0xc3: {  	s25 =	sadd.s32 $0x20, s25  }
.Ltmp7:
0xc4: {  	_ = 	snop;
	(pc) =	sbr.rel .LBB2_10-.Ltmp7, $1  }
0xc5: {  	_ =	sdelay $0x3  }
.LBB2_12:
0xc6: {  	_ =	sfence.sel $0x180000  }
0xc7: {  	[bflag:$0x0] =	sbarrier.arrive $0xFFFF  }
0xc8: {  	_ =	strace $0x9000004D  }
0xc9: {  	[bflag:$0x2] =	sbarrier.arrive $0xFFFF  }
0xca: {  	p0 =	sne.s32 s0, $0x0;
	s0 =	rddreg [dreg:$0x5]  }
0xcb: {  	s0 =	sadd.s32 @!p0 $0x100000, s0  }
0xcc: {  	[sflag:s0] =	ssyncadd.tile.s32 @!p0 $0x1;
	_ =	shalt  }
.Lfunc_end2:
_tile_overlayer_lowered:
.L_overlay_start_2:
0xcd: {  	(tag) =	ssettag $0x2  }
0xce: {  	s0 =	rddreg [dreg:$0x0];
	s2 =	stileid.u32  }
0xcf: {  	s1 =	rddreg [dreg:$0x1];
	p0 =	sne.s32 s2, $0x0  }
0xd0: {  	s3 =	rddreg [dreg:$0x2];
	[bflag:$0x3] =	sbarrier.arrive $0xFFFF;
	s2 =	simm.s32 @!p0 $0x1C03  }
0xd1: {  	[timem:s3], [sflag:s2] =	dma.local @!p0 [hbm:s0], s1  }
0xd2: {  	s0 =	simm.s32 @!p0 $0x3  }
0xd3: {  	_ =	swait.ge @!p0 [sflag:s0], s1  }
0xd4: {  	s1 =	ssub.s32 @!p0 $0x0, s1;
	[sflag:s0] =	ssyncset.done @!p0 $0x0  }
0xd5: {  	[sflag:s0] =	ssyncadd.s32 @!p0 s1  }
0xd6: {  	[bflag:$0x3] =	sbarrier.arrive $0xFFFF  }
0xd7: {  	_ =	shalt  }

// kernel: kernel.18.cloned.1.call-start
scs
__scs_entry_jumppad:
0x0: {  	(pc) =	sbr.rel $0x88, $3  }
0x1: {  	(tag) =	ssettag $0x0;
	lr =	simm.s32 $0x1  }
0x2: {  	[smem:$0x3F9A] =	sst lr;
	_ =	strace $0xD0000000  }
0x3: {  	_ = 	snop  }
0x4: {  	_ = 	snop  }
0x5: {  	_ = 	snop  }
0x6: {  	_ = 	snop  }
0x7: {  	_ = 	snop  }
__scs_overlays_trampoline_lowered:
0x8: {  	[smem:$0x3FA9] =	sst s0  }
0x9: {  	[smem:$0x3FAA] =	sst s1  }
0xa: {  	[smem:$0x3FAB] =	sst s2  }
0xb: {  	[smem:$0x3FAC] =	sst s3  }
0xc: {  	[smem:$0x3FAD] =	sst s4  }
0xd: {  	[smem:$0x3FAE] =	sst s5  }
0xe: {  	[smem:$0x3FAF] =	sst s6  }
0xf: {  	[smem:$0x3FB0] =	sst s7  }
0x10: {  	[smem:$0x3FB1] =	sst s8  }
0x11: {  	[smem:$0x3FB2] =	sst s9;
	s0 =	simm.s32 @!p0 $0x0  }
0x12: {  	s1 =	sld [smem:$0x3F98];
	s0 =	simm.s32 @p0 $0x1  }
0x13: {  	[smem:$0x3FB3] =	sst s0;
	s0 =	simm.s32 @!p1 $0x0  }
0x14: {  	s2 =	sld [smem:$0x3F97];
	s0 =	simm.s32 @p1 $0x1  }
0x15: {  	[smem:$0x3FB4] =	sst s0;
	s0 =	simm.s32 @!p2 $0x0  }
0x16: {  	s3 =	sld [smem:$0x3FDB];
	s0 =	simm.s32 @p2 $0x1  }
0x17: {  	s4 =	simm.s32 $0x1BF5;
	[smem:$0x3FB6] =	sst s0  }
0x18: {  	s0 =	sld [smem:$0x3F99];
	_ =	swait.ge [sflag:s4], $0x0  }
0x19: {  	s7 =	sld [smem:$0x3F9A]  }
0x1a: {  	s8 =	sadd.s32 $0xFFFFE003, lr  }
0x1b: {  	s9 =	sadd.s32 $0xFFFFFEF7, lr;
	s5 =	simm.s32 $0xFFFFFFFF;
	p2 =	slt.u32 s8, $0xFFFFF086  }
0x1c: {  	p1 =	slt.u32 s9, $0xF7A;
	s5 =	simm.s32 @!p2 $0x0  }
0x1d: {  	s5 =	simm.s32 @p1 $0x1;
	p0 =	seq.s32 s7, s2  }
0x1e: {  	s7 =	smul.u32 @!p0 $0xF7A, s2;
	p2 =	seq.s32 @!p0 s5, $0x0  }
0x1f: {  	s9 =	smul.u32 $0xF7A, s1;
	s8 =	simm.s32 @!p0 $0x1BF5;
	p2 =	por !p2, p0  }
0x20: {  	[sflag:s8] =	ssyncset.s32 @!p0 $0xFFFFF086;
	s6 =	sadd.s32 @!p0 s3, s7;
	s7 =	simm.s32 @!p0 $0x108  }
0x21: {  	s3 =	sadd.s32 s3, s9;
	s6 =	sadd.s32 @!p0 $0x88, s6;
	s7 =	simm.s32 @p2 $0x1082  }
0x22: {  	[simem:s7], [sflag:s8] =	dma.local @!p0 [hbm:s6], $0xF7A  }
0x23: {  	s9 =	sor.u32 $0xD0000000, s2;
	s6 =	simm.s32 $0x108;
	_ =	swait.ge @!p0 [sflag:s8], $0x0  }
0x24: {  	s3 =	sadd.s32 $0x88, s3;
	s6 =	simm.s32 @!p1 $0x1082;
	[sflag:s4] =	ssyncset.s32 $0xFFFFF086  }
0x25: {  	[simem:s6], [sflag:s4] =	dma.local [hbm:s3], $0xF7A  }
0x26: {  	[smem:$0x3F9A] =	sst s1;
	(tag) =	ssettag s2;
	_ =	strace s9  }
0x27: {  	s1 =	sld [smem:$0x3FAA]  }
0x28: {  	s2 =	sld [smem:$0x3FAB]  }
0x29: {  	s4 =	sld [smem:$0x3FAD]  }
0x2a: {  	p0 =	seq.s32 s5, $0x0;
	s5 =	sld [smem:$0x3FAE]  }
0x2b: {  	s6 =	sld [smem:$0x3FAF]  }
0x2c: {  	s7 =	sld [smem:$0x3FB0]  }
0x2d: {  	s3 =	simm.s32 $0x108;
	s8 =	sld [smem:$0x3FB1]  }
0x2e: {  	s3 =	simm.s32 @!p0 $0x1082;
	s9 =	sld [smem:$0x3FB2]  }
0x2f: {  	lr =	sadd.s32 s0, s3;
	s0 =	sld [smem:$0x3FA9]  }
0x30: {  	s3 =	sld [smem:$0x3FAC]  }
0x31: {  	[smem:$0x3FB5] =	sst s10  }
0x32: {  	s10 =	sld [smem:$0x3FB3];
	_ =	sdelay $0x3  }
0x33: {  	p0 =	seq.s32 s10, $0x1;
	s10 =	sld [smem:$0x3FB5];
	_ =	sdelay $0x3  }
0x34: {  	[smem:$0x3FB5] =	sst s10  }
0x35: {  	s10 =	sld [smem:$0x3FB4];
	_ =	sdelay $0x3  }
0x36: {  	p1 =	seq.s32 s10, $0x1;
	s10 =	sld [smem:$0x3FB5];
	_ =	sdelay $0x3  }
0x37: {  	[smem:$0x3FB5] =	sst s10  }
0x38: {  	s10 =	sld [smem:$0x3FB6]  }
0x39: {  	_ = 	snop;
	(pc) =	sbr.ind lr, $3  }
0x3a: {  	_ = 	snop  }
0x3b: {  	_ = 	snop  }
0x3c: {  	p2 =	seq.s32 s10, $0x1;
	s10 =	sld [smem:$0x3FB5]  }
0x3d: {  	_ =	shalt  }
0x3e: {  	_ =	shalt  }
0x3f: {  	_ =	shalt  }
0x40: {  	_ =	shalt  }
0x41: {  	_ =	shalt  }
0x42: {  	_ =	shalt  }
0x43: {  	_ =	shalt  }
0x44: {  	_ =	shalt  }
0x45: {  	_ =	shalt  }
0x46: {  	_ =	shalt  }
0x47: {  	_ =	shalt  }
0x48: {  	_ =	shalt  }
0x49: {  	_ =	shalt  }
0x4a: {  	_ =	shalt  }
0x4b: {  	_ =	shalt  }
0x4c: {  	_ =	shalt  }
0x4d: {  	_ =	shalt  }
0x4e: {  	_ =	shalt  }
0x4f: {  	_ =	shalt  }
0x50: {  	_ =	shalt  }
0x51: {  	_ =	shalt  }
0x52: {  	_ =	shalt  }
0x53: {  	_ =	shalt  }
0x54: {  	_ =	shalt  }
0x55: {  	_ =	shalt  }
0x56: {  	_ =	shalt  }
0x57: {  	_ =	shalt  }
0x58: {  	_ =	shalt  }
0x59: {  	_ =	shalt  }
0x5a: {  	_ =	shalt  }
0x5b: {  	_ =	shalt  }
0x5c: {  	_ =	shalt  }
0x5d: {  	_ =	shalt  }
0x5e: {  	_ =	shalt  }
0x5f: {  	_ =	shalt  }
0x60: {  	_ =	shalt  }
0x61: {  	_ =	shalt  }
0x62: {  	_ =	shalt  }
0x63: {  	_ =	shalt  }
0x64: {  	_ =	shalt  }
0x65: {  	_ =	shalt  }
0x66: {  	_ =	shalt  }
0x67: {  	_ =	shalt  }
0x68: {  	_ =	shalt  }
0x69: {  	_ =	shalt  }
0x6a: {  	_ =	shalt  }
0x6b: {  	_ =	shalt  }
0x6c: {  	_ =	shalt  }
0x6d: {  	_ =	shalt  }
0x6e: {  	_ =	shalt  }
0x6f: {  	_ =	shalt  }
0x70: {  	_ =	shalt  }
0x71: {  	_ =	shalt  }
0x72: {  	_ =	shalt  }
0x73: {  	_ =	shalt  }
0x74: {  	_ =	shalt  }
0x75: {  	_ =	shalt  }
0x76: {  	_ =	shalt  }
0x77: {  	_ =	shalt  }
0x78: {  	_ =	shalt  }
0x79: {  	_ =	shalt  }
0x7a: {  	_ =	shalt  }
0x7b: {  	_ =	shalt  }
0x7c: {  	_ =	shalt  }
0x7d: {  	_ =	shalt  }
0x7e: {  	_ =	shalt  }
0x7f: {  	_ =	shalt  }
0x80: {  	_ =	shalt  }
0x81: {  	_ =	shalt  }
0x82: {  	_ =	shalt  }
0x83: {  	_ =	shalt  }
0x84: {  	_ =	shalt  }
0x85: {  	_ =	shalt  }
0x86: {  	_ =	shalt  }
0x87: {  	_ =	shalt  }
.Lfunc_end0:
.L_simem_size_0:
called_computation.3_lowered:
.L_overlay_start_0:
0x88: {  	s2 =	sld [smem:$0x3FD9]  }
0x89: {  	s3 =	sld [smem:$0x3FFE];
	_ =	sdelay $0x1  }
0x8a: {  	s1 =	srdreg.scid  }
0x8b: {  	s0 =	sand.u32 $0x1, s1  }
0x8c: {  	s16 =	sshll.u32 s0, $0xA;
	s2 =	sadd.s32 s3, s2  }
0x8d: {  	s2 =	sadd.s32 s2, s16  }
0x8e: {  	[smem:$0x3FC1] =	sst s2  }
0x8f: {  	_ = 	snop  }
0x90: {  	(tm) =	ssettm $0x1  }
0x91: {  	s17 =	sld [smem:$0x3FFB];
	_ =	sdelay $0x3  }
0x92: {  	_ =	strace s17  }
0x93: {  	s2 =	sld [smem:$0x3FFC];
	_ =	sdelay $0x3  }
0x94: {  	_ =	strace s2  }
0x95: {  	s2 =	sld [smem:$0x3FFD];
	_ =	sdelay $0x3  }
0x96: {  	_ =	strace s2  }
0x97: {  	_ =	strace $0x8FFFFFFF  }
0x98: {  	s18 =	sld [smem:$0x3FDB];
	_ =	sdelay $0x1  }
0x99: {  	s19 =	simm.s32 $_scs_section_size  }
0x9a: {  	s4 =	simm.s32 $_size__tile_overlayer_lowered;
	s5 =	simm.s32 $_tile_overlayer_lowered  }
0x9b: {  	s22 =	simm.s32 $0x1BFF;
	s21 =	sshll.u32 s5, $0x1;
	s2 =	sadd.s32 s19, s18  }
0x9c: {  	s6 =	simm.s32 $0x0;
	s20 =	sshll.u32 s4, $0x1;
	s4 =	sadd.s32 s21, s2  }
0x9d: {  	[timem:s6], [sflag:s22] =	dma.local [hbm:s4], s20  }
0x9e: {  	_ =	swait.ge [sflag:s22], s20  }
0x9f: {  	s3 =	ssub.s32 $0x0, s20;
	[sflag:s22] =	ssyncset.done $0x0  }
0xa0: {  	[sflag:s22] =	ssyncadd.s32 s3;
	_ =	sdelay $0x1  }
0xa1: {  	s23 =	simm.s32 $0x1B8B  }
0xa2: {  	_ =	swait.ge [sflag:s23], $0x1  }
0xa3: {  	[sflag:s23] =	ssyncset.done $0x0  }
0xa4: {  	s25 =	simm.s32 $0x1B8E;
	s24 =	sld [smem:$0x3FFE];
	[sflag:s23] =	ssyncadd.s32 $0xFFFFFFFF  }
0xa5: {  	s26 =	simm.s32 $execute0_lowered;
	[smem:$0x3FD2] =	sst s25  }
0xa6: {  	s4 =	sshll.u32 s26, $0x1;
	_ =	strace $0x8000004F;
	[dreg:$0x1] =	wrdreg $0xFFFFFFFF  }
0xa7: {  	s28 =	simm.s32 $_size_execute0_lowered;
	s2 =	sadd.s32 s2, s4;
	[dreg:$0x0] =	wrdreg $0x0  }
0xa8: {  	s4 =	sshll.u32 s28, $0x1;
	[dreg:$0x2] =	wrdreg s2  }
0xa9: {  	[dreg:$0x3] =	wrdreg s4  }
0xaa: {  	[dreg:$0x4] =	wrdreg $0xC0  }
0xab: {  	_ =	task [dreg:s6], $0x5FFFF  }
0xac: {  	[dreg:$0x1] =	wrdreg $0xFFFFFFFF  }
0xad: {  	[dreg:$0x0] =	wrdreg $0x60  }
0xae: {  	[dreg:$0x2] =	wrdreg s24  }
0xaf: {  	[dreg:$0x3] =	wrdreg $0x0  }
0xb0: {  	[dreg:$0x4] =	wrdreg $0x9  }
0xb1: {  	_ =	task.clear_ibuf [dreg:s6], $0x5FFFF;
	_ =	strace $0x9000004F  }
0xb2: {  	s29 =	simm.s32 $0x9;
	_ =	strace $0x80000051  }
0xb3: {  	_ =	swait.ge [sflag:s29], $0x1  }
0xb4: {  	[sflag:s29] =	ssyncadd.s32 $0xFFFFFFFF  }
0xb5: {  	_ =	strace $0x90000051  }
0xb6: {  	_ =	sfence  }
0xb7: {  	s30 =	sld [smem:$0x0];
	_ =	sdelay $0x2  }
0xb8: {  	s31 =	sshll.u32 s1, $0xD;
	s1 =	sshrl.u32 s1, $0x2  }
0xb9: {  	s3 =	sand.u32 $0x4000, s31;
	s1 =	sadd.s32 s1, s30  }
0xba: {  	s0 =	sor.u32 s3, s0;
	s1 =	sshll.u32 s1, $0x11  }
0xbb: {  	s0 =	sor.u32 s1, s0  }
0xbc: {  	s0 =	sadd.s32 $0x8F2B, s0  }
0xbd: {  	[sflag:s0] =	ssyncadd.remote.s32 $0x1  }
0xbe: {  	_ =	sfence.sel $0xFFFF  }
0xbf: {  	[dreg:$0x0] =	wrdreg $0xFFFFFFFF;
	(pc) =	sbr.abs _section_cstart, $3  }
0xc0: {  	[dreg:$0x1] =	wrdreg $0xFFFFFFFF  }
0xc1: {  	_ =	task.clear_ibuf [dreg:s6], $0x2FFFF;
	_ =	strace $0x9FFFFFFF  }
0xc2: {  	(tm) =	ssettm $0x7FFFFFFF  }
0xc3: {  	_ =	shalt  }
tec
execute0_lowered:
.L_overlay_start_1:
0x0: {  	(tag) =	ssettag $0x1  }
0x1: {  	v15 =	vlaneseq.u32;
	v42 =	vimm.s32 $0x14131211;
	v1 =	vimm.s32 $0x18171615  }
0x2: {  	v2 =	vimm.s32 $0x1C1B1A19;
	v3 =	vimm.s32 $0x1F1E1D;
	v4 =	vimm.s32 $0x19181716  }
0x3: {  	vm0 =	vcmask $0x1F10;
	v6 =	vimm.s32 $0x1D1C1B1A;
	v7 =	vimm.s32 $0x16151413  }
0x4: {  	v8 =	vimm.s32 $0x1A191817;
	v9 =	vimm.s32 $0x1E1D1C1B;
	v10 =	vimm.s32 $0x201001F  }
0x5: {  	v11 =	vimm.s32 $0x3020100;
	v12 =	vimm.s32 $0x1F1E1D1C;
	v13 =	vimm.s32 $0x17161514  }
0x6: {  	v14 =	vimm.s32 $0x1B1A1918;
	v19 =	vimm.s32 $0x4030201;
	v51 =	vimm.s32 $0x76543210  }
0x7: {  	v59 =	vimm.s32 $0x43218765;
	vm15 =	vcmask $0x2F10;
	vm1 =	vcmask $0x3F30  }
0x8: {  	v21 =	vmul.u32 $0x20, v15;
	v61 =	vadd.s32 $0x1, v15;
	v22 =	vadd.s32 $0x2, v15  }
0x9: {  	v0 =	vadd.s32 $0x3, v15;
	v36 =	vadd.s32 $0x4, v15;
	v37 =	vadd.s32 $0x5, v15  }
0xa: {  	v38 =	vadd.s32 $0x6, v15;
	v16 =	vadd.s32 $0x7, v15;
	v39 =	vadd.s32 $0x8, v15  }
0xb: {  	v40 =	vadd.s32 $0x9, v15;
	v41 =	vadd.s32 $0xA, v15;
	v46 =	vadd.s32 $0xB, v15  }
0xc: {  	v1 =	vunpack.c.0.s8.s32 v1;
	v2 =	vunpack.c.0.s8.s32 v2;
	v11 =	vunpack.c.0.s8.s32 v11  }
0xd: {  	v24 =	vunpack.c.0.s8.s32 v12;
	v13 =	vunpack.c.0.s8.s32 v13;
	v14 =	vunpack.c.0.s8.s32 v14  }
0xe: {  	v27 =	vunpack.c.0.s8.s32 v3;
	v7 =	vunpack.c.0.s8.s32 v7;
	v8 =	vunpack.c.0.s8.s32 v8  }
0xf: {  	v9 =	vunpack.c.0.s8.s32 v9;
	[tilespmem:$0x1FE00] =	vst v0;
	v11 =	vsel vm0, v11, v24;
	v13 =	vsel vm0, v14, v13  }
0x10: {  	v10 =	vunpack.c.0.s8.s32 v10;
	[tilespmem:$0x1FE10] =	vst v36;
	v63 =	vcombine.low v13, v11;
	v13 =	vimm.s32 $0x5040302  }
0x11: {  	[tilespmem:$0x1FE20] =	vst v37;
	v0 =	vunpack.c.0.s8.s32 v42;
	v44 =	vunpack.c.0.s8.s32 v13;
	v13 =	vimm.s32 $0x6050403  }
0x12: {  	[tilespmem:$0x1FE30] =	vst v38;
	v5 =	vsel vm0, v27, v2;
	v7 =	vsel vm0, v8, v7;
	v47 =	vunpack.c.0.s8.s32 v13  }
0x13: {  	[tilespmem:$0x1FE40] =	vst v39;
	v20 =	vsel vm0, v10, v9;
	v48 =	vsel vm0, v9, v8;
	v0 =	vsel vm0, v1, v0  }
0x14: {  	[tilespmem:$0x1FE50] =	vst v40;
	v45 =	vcombine.low v7, v20;
	v37 =	vcombine.low v0, v5;
	v0 =	vsel vm0, v47, v10  }
0x15: {  	v25 =	vadd.s32 $0xC, v15;
	v3 =	vimm.s32 $0x15141312;
	[tilespmem:$0x1FE60] =	vst v41;
	v0 =	vcombine.low v48, v0  }
0x16: {  	s1 =	rddreg [dreg:$0x0];
	s3 =	simm.s32 $0x0;
	v32 =	vadd.s32 $0xD, v15;
	v4 =	vunpack.c.0.s8.s32 v4;
	v3 =	vunpack.c.0.s8.s32 v3;
	[tilespmem:$0x1FE70] =	vst v45  }
0x17: {  	v31 =	vadd.s32 $0xE, v15;
	v49 =	vadd.s32 $0xF, v15;
	[smem:$0x7FF] =	sst s3;
	v15 =	vor.u32 $0x10, v15;
	[tilespmem:$0x1FE80] =	vst v0  }
0x18: {  	s0 =	rddreg [dreg:$0x1];
	v43 =	vsel vm0, v4, v3;
	v3 =	vunpack.c.0.s8.s32 v6;
	v6 =	vimm.s32 $0x1001F1E;
	_ =	strace $0x80000050;
	[tilespmem:$0x1FEA0] =	vst v21  }
0x19: {  	v8 =	vimm.s32 $0xE0D0C0B;
	v11 =	vunpack.c.0.s8.s32 v19;
	v6 =	vunpack.c.0.s8.s32 v6;
	[tilespmem:$0x1FEB0] =	vst v61  }
0x1a: {  	v52 =	vsel vm0, v24, v14;
	v1 =	vsel vm0, v2, v1;
	v8 =	vunpack.c.0.s8.s32 v8;
	[tilespmem:$0x1FEC0] =	vst v22  }
0x1b: {  	s11 =	stileid.u32;
	v7 =	vsel vm0, v11, v27;
	v17 =	vsel vm0, v6, v3;
	v2 =	vsel vm0, v44, v6;
	[tilespmem:$0x1FED0] =	vst v16  }
0x1c: {  	s4 =	smul.u32 $0x9C40, s11;
	v3 =	vsel vm0, v3, v4;
	v12 =	vcombine.low v1, v7;
	v4 =	vimm.s32 $0x98765432;
	[tilespmem:$0x1FEE0] =	vst v46  }
0x1d: {  	s29 =	simm.s32 $0x10360;
	s6 =	smul.u32 $0x9C4, s11;
	v7 =	vimm.s32 $0x32107654;
	v18 =	vcombine.low v43, v17;
	v50 =	vcombine.low v3, v2;
	[tilespmem:$0x1FEF0] =	vst v32  }
0x1e: {  	s28 =	simm.s32 $0x190;
	s30 =	simm.s32 $0x13560;
	s18 =	smul.u32 $0x190, s11;
	v3 =	vimm.s32 $0x87654321;
	v2 =	vunpack.c.l.s4.s8 v51;
	v53 =	vunpack.c.l.s4.s8 v4;
	[tilespmem:$0x1FF00] =	vst v31  }
0x1f: {  	s2 =	srdreg.scid;
	v4 =	vimm.s32 $0xA9876543;
	v55 =	vunpack.c.l.s4.s8 v7;
	v7 =	vimm.s32 $0xD0C0B0A;
	[tilespmem:$0x1FF10] =	vst v49  }
0x20: {  	s31 =	simm.s32 $0x16760;
	s2 =	sand.u32 $0x1, s2;
	s7 =	smul.u32 $0x13880, s11;
	v3 =	vunpack.c.l.s4.s8 v3;
	v4 =	vunpack.c.l.s4.s8 v4;
	v7 =	vunpack.c.0.s8.s32 v7;
	[tilespmem:$0x1FF20] =	vst v37  }
0x21: {  	s22 =	sshll.u32 s11, $0x6;
	s5 =	sshll.u32 s2, $0x5;
	s19 =	ssub.s32 $0x2, s2;
	v2 =	vunpack.c.0.s8.s32 v2;
	v1 =	vunpack.c.0.s8.s32 v53;
	v58 =	vunpack.c.0.s8.s32 v55;
	[tilespmem:$0x1FF30] =	vst v63  }
0x22: {  	s4 =	sor.u32 s5, s4;
	s10 =	sadd.s32 s6, s1;
	s5 =	sadd.s32 s18, s1;
	v3 =	vunpack.c.0.s8.s32 v3;
	v57 =	vunpack.c.0.s8.s32 v4;
	v4 =	vimm.s32 $0x6543A987;
	[tilespmem:$0x1FF40] =	vst v18  }
0x23: {  	s9 =	sshrl.u32 s19, $0x1;
	s7 =	sshrl.u32 s7, $0x2;
	s6 =	smul.u32 $0x32, s11;
	v23 =	vcombine.low v52, v2;
	v56 =	vand.u32 $0xF, v1;
	v2 =	vunpack.c.l.s4.s8 v59;
	[tilespmem:$0x1FF50] =	vst v12  }
0x24: {  	s11 =	sshll.u32 s11, $0x3;
	s4 =	sshrl.u32 s4, $0x3;
	s20 =	ssub.s32 s19, s9;
	v4 =	vunpack.c.l.s4.s8 v4;
	[tilespmem:$0x1FF60] =	vst v50;
	v54 =	vand.u32 $0xF, v3;
	v3 =	vimm.s32 $0x54329876  }
0x25: {  	s7 =	sadd.s32 s7, s0;
	s23 =	sadd.s32 $0xB000, s10;
	s9 =	smul.u32 $0x5AA00, s2;
	v0 =	vand.u32 $0xF, v58;
	[tilespmem:$0x1FFB0] =	vst v15;
	v9 =	vcombine.low v17, v56;
	v3 =	vunpack.c.l.s4.s8 v3  }
0x26: {  	s24 =	sadd.s32 $0x1200, s10;
	s25 =	sadd.s32 $0x3E200, s5;
	s8 =	sadd.s32 s4, s1;
	[tilespmem:$0x1FFF0] =	vst v25;
	v1 =	vand.u32 $0xF, v57;
	v0 =	vsel vm15, v0, v24;
	v4 =	vunpack.c.0.s8.s32 v4  }
0x27: {  	s26 =	sadd.s32 $0x3C800, s5;
	s19 =	simm.s32 $0x1;
	s21 =	sadd.s32 $0x28E00, s8;
	v29 =	vcombine.low v5, v54;
	v5 =	vimm.s32 $0xB0A0908;
	[tilespmem:$0x1FF70] =	vst v23;
	v3 =	vunpack.c.0.s8.s32 v3  }
0x28: {  	s2 =	simm.s32 $0x19960;
	s8 =	sor.u32 $0x1C05, s22;
	[dreg:$0x3] =	wrdreg s21;
	v62 =	vcombine.low v20, v1;
	v5 =	vunpack.c.0.s8.s32 v5;
	[tilespmem:$0x1FF90] =	vst v9;
	v4 =	vand.u32 $0xF, v4  }
0x29: {  	s4 =	sadd.s32 $0x3FC00, s1;
	s17 =	smax.u32 s20, $0x1;
	[dreg:$0x4] =	wrdreg s8;
	v2 =	vunpack.c.0.s8.s32 v2;
	[tilespmem:$0x1FF80] =	vst v29;
	v4 =	vsel vm15, v4, v10;
	v3 =	vand.u32 $0xF, v3  }
0x2a: {  	s18 =	sshrl.u32 s7, $0x3;
	s20 =	simm.s32 $0x4;
	[dreg:$0x5] =	wrdreg s23;
	[tilespmem:$0x1FFA0] =	vst v62;
	v30 =	vsel vm1, v5, v0;
	v3 =	vsel vm15, v3, v6;
	v6 =	vimm.s32 $0xC0B0A09  }
0x2b: {  	s1 =	simm.s32 $0x1CB60;
	s14 =	sor.u32 $0x190, s9;
	[dreg:$0x6] =	wrdreg s24;
	v2 =	vand.u32 $0xF, v2;
	v60 =	vsel vm1, v8, v4;
	[tilespmem:$0x1FFC0] =	vst v30;
	v6 =	vunpack.c.0.s8.s32 v6  }
0x2c: {  	s15 =	sadd.s32 $0x4E200, s9;
	s16 =	sadd.s32 $0x4E390, s9;
	[dreg:$0x7] =	wrdreg s25;
	v2 =	vsel vm15, v2, v27;
	[tilespmem:$0x1FE90] =	vst v60;
	v44 =	vsel vm1, v7, v3  }
0x2d: {  	s22 =	simm.s32 $0x2;
	[dreg:$0x8] =	wrdreg s26;
	s25 =	simm.s32 $0x5;
	[tilespmem:$0x1FFE0] =	vst v44;
	v33 =	vsel vm1, v6, v2  }
0x2e: {  	v19 =	vmov v16;
	s21 =	simm.s32 $0x1CCF0;
	s23 =	simm.s32 $0x3;
	s24 =	simm.s32 $0x0;
	v17 =	vmov v22;
	v4 =	vmov v21;
	[tilespmem:$0x1FFD0] =	vst v33  }
.LBB2_1:
0x2f: {  	s5 =	rddreg [dreg:$0x3]  }
0x30: {  	s7 =	rddreg [dreg:$0x4];
	s8 =	simm.s32 $0x8  }
0x31: {  	[spmem:s18@s20], [sflag:s7] =	dma.strided [hbm:s5@s8], $0x9C4, s19, $0x4   }
0x32: {  	_ =	swait.ge [sflag:s25], $0x9C4  }
0x33: {  	[sflag:s25] =	ssyncset.done $0x0  }
0x34: {  	s7 =	simm.s32 $0x4E20;
	s8 =	rddreg [dreg:$0x5];
	[sflag:s25] =	ssyncadd.s32 $0xFFFFF63C  }
0x35: {  	[tilespmem:s7], [sflag:$0x5] =	stream.linear.gather [hbm4b:s8+s3], $0x4E20, $0x38;
	[tilespmem:$0x1CE80] =	vst v63  }
0x36: {  	_ =	swait.ge [sflag:s25], $0x4E20  }
0x37: {  	[sflag:s25] =	ssyncset.done $0x0  }
0x38: {  	s8 =	simm.s32 $0x9C40;
	s10 =	rddreg [dreg:$0x6];
	[sflag:s25] =	ssyncadd.s32 $0xFFFFB1E0  }
0x39: {  	[tilespmem:s8], [sflag:$0x5] =	stream.linear.gather [hbm4b:s10+s3], $0x4E20, $0x38;
	[tilespmem:$0x1CE80] =	vst v63  }
0x3a: {  	_ =	swait.ge [sflag:s25], $0x4E20  }
0x3b: {  	[sflag:s25] =	ssyncset.done $0x0  }
0x3c: {  	s10 =	simm.s32 $0xEA60;
	s12 =	rddreg [dreg:$0x7];
	[sflag:s25] =	ssyncadd.s32 $0xFFFFB1E0  }
0x3d: {  	[tilespmem:s10], [sflag:$0x5] =	stream.linear.gather [hbm4b:s12+s3], $0xC80, $0x38;
	[tilespmem:$0x1CE80] =	vst v63  }
0x3e: {  	_ =	swait.ge [sflag:s25], $0xC80  }
0x3f: {  	[sflag:s25] =	ssyncset.done $0x0  }
0x40: {  	s26 =	simm.s32 $0xF6E0;
	s13 =	rddreg [dreg:$0x8];
	[sflag:s25] =	ssyncadd.s32 $0xFFFFF380  }
0x41: {  	[tilespmem:s26], [sflag:$0x5] =	stream.linear.gather [hbm4b:s13+s3], $0xC80, $0x38;
	[tilespmem:$0x1CE80] =	vst v63  }
0x42: {  	_ =	swait.ge [sflag:s25], $0xC80  }
0x43: {  	[sflag:s25] =	ssyncset.done $0x0  }
0x44: {  	[sflag:s25] =	ssyncadd.s32 $0xFFFFF380  }
0x45: {  	[bflag:$0x0] =	sbarrier.arrive $0xFFFF  }
0x46: {  	[tilespmem:s29], [sflag:$0x1] =	stream.indirect.gather [spmem:s0], $0x20, s7, s28, $0xb8;
	v22 =	vld [tilespmem:$0x1FE70]  }
0x47: {  	s5 =	simm.s32 $0x0;
	v21 =	vld [tilespmem:$0x1FE80]  }
0x48: {  	v27 =	vld [tilespmem:$0x1FE90];
	[tilespmem:s30], [sflag:$0x1] =	stream.indirect.gather [spmem:s0], $0x20, s8, s28, $0xb8  }
.LBB2_2:
0x49: {  	_ =	swait.ge [sflag:s19], $0x3200  }
0x4a: {  	[sflag:s19] =	ssyncset.done $0x0  }
0x4b: {  	[sflag:s19] =	ssyncadd.s32 $0xFFFFCE00  }
0x4c: {  	s7 =	smul.u32 $0x320, s5;
	s10 =	simm.s32 $0x0;
	_ =	swait.ge [sflag:s19], $0x3200  }
0x4d: {  	v0 =	vmov s10;
	[sflag:s19] =	ssyncset.done $0x0  }
0x4e: {  	p0 =	seq.s32 s5, $0x0;
	s8 =	sadd.s32 $0x4FB0, s7;
	v0 =	vshll.u32 v0, $0x5;
	[sflag:s19] =	ssyncadd.s32 $0xFFFFCE00  }
0x4f: {  	v0 =	vor.u32 v4, v0;
	[tilespmem:s31], [sflag:$0x2] =	stream.indirect.gather [spmem:s0], $0x20, s8, s28, $0xb8;
	[tilespmem:$0x1CE80] =	vst v63  }
0x50: {  	s13 =	sadd.s32 $0x9DD0, s7;
	v1 =	vor.u32 v30, v0;
	s8 =	simm.s32 @!p0 $0x3  }
0x51: {  	[tilespmem:s2], [sflag:$0x2] =	stream.indirect.gather [spmem:s0], $0x20, s13, s28, $0xb8;
	[tilespmem:$0x1CE80] =	vst v63  }
0x52: {  	v3 =	vor.u32 v44, v0;
	_ =	swait.ge @!p0 [sflag:s8], $0x190  }
0x53: {  	[sflag:s8] =	ssyncset.done @!p0 $0x0  }
0x54: {  	[sflag:s8] =	ssyncadd.s32 @!p0 $0xFFFFFE70  }
0x55: {  	v38 =	vld.idx.msk [tilespmem:v1+s29+$0x0], $0xffff  }
0x56: {  	v34 =	vld.idx.msk [tilespmem:v1+s30+$0x0], $0xffff  }
0x57: {  	v1 =	vld.idx.msk [tilespmem:v3+s29+$0x0], $0xffff;
	_ =	sdelay $0x1  }
0x58: {  	v2 =	vor.u32 v33, v0;
	v7 =	vor.u32 v29, v0;
	v29 =	vld [tilespmem:$0x1FE40]  }
0x59: {  	v28 =	vld [tilespmem:$0x1FE50]  }
0x5a: {  	v5 =	vor.u32 v23, v0;
	v30 =	vld [tilespmem:$0x1FE20]  }
0x5b: {  	v8 =	vor.u32 v9, v0;
	[tilespmem:$0x1FDE0] =	vst v1;
	v1 =	vld.idx.msk [tilespmem:v3+s30+$0x0], $0xffff  }
0x5c: {  	v20 =	vld [tilespmem:$0x1FE30]  }
0x5d: {  	v33 =	vld.idx.msk [tilespmem:v2+s29+$0x0], $0xffff  }
0x5e: {  	v16 =	vld.idx.msk [tilespmem:v2+s30+$0x0], $0xffff  }
0x5f: {  	v9 =	vor.u32 v63, v0;
	v6 =	vld.idx.msk [tilespmem:v5+s29+$0x0], $0xffff  }
0x60: {  	[tilespmem:$0x1FDF0] =	vst v1;
	v1 =	vld.idx.msk [tilespmem:v8+s29+$0x0], $0xffff  }
0x61: {  	v5 =	vld.idx.msk [tilespmem:v5+s30+$0x0], $0xffff  }
0x62: {  	v11 =	vor.u32 v12, v0;
	v10 =	vld.idx.msk [tilespmem:v7+s29+$0x0], $0xffff  }
0x63: {  	v7 =	vld.idx.msk [tilespmem:v7+s30+$0x0], $0xffff  }
0x64: {  	v35 =	vor.u32 v15, v0;
	v14 =	vld.idx.msk [tilespmem:v9+s29+$0x0], $0xffff  }
0x65: {  	v13 =	vor.u32 v50, v0;
	[tilespmem:$0x1FDC0] =	vst v1;
	v1 =	vld.idx.msk [tilespmem:v8+s30+$0x0], $0xffff  }
0x66: {  	v9 =	vld.idx.msk [tilespmem:v9+s30+$0x0], $0xffff  }
0x67: {  	v37 =	vor.u32 v37, v0;
	v36 =	vld.idx.msk [tilespmem:v11+s29+$0x0], $0xffff  }
0x68: {  	v11 =	vld.idx.msk [tilespmem:v11+s30+$0x0], $0xffff  }
0x69: {  	v41 =	vor.u32 v25, v0;
	v40 =	vld.idx.msk [tilespmem:v35+s29+$0x0], $0xffff  }
0x6a: {  	[tilespmem:$0x1FDD0] =	vst v1;
	v1 =	vld.idx.msk [tilespmem:v13+s29+$0x0], $0xffff  }
0x6b: {  	v35 =	vld.idx.msk [tilespmem:v35+s30+$0x0], $0xffff  }
0x6c: {  	v43 =	vor.u32 v32, v0;
	v42 =	vld.idx.msk [tilespmem:v37+s29+$0x0], $0xffff  }
0x6d: {  	v37 =	vld.idx.msk [tilespmem:v37+s30+$0x0], $0xffff  }
0x6e: {  	v26 =	vmov v44;
	v44 =	vld.idx.msk [tilespmem:v41+s29+$0x0], $0xffff  }
0x6f: {  	v39 =	vor.u32 v18, v0;
	[tilespmem:$0x1FDA0] =	vst v1;
	v1 =	vld.idx.msk [tilespmem:v13+s30+$0x0], $0xffff  }
0x70: {  	v61 =	vor.u32 v61, v0;
	v41 =	vld.idx.msk [tilespmem:v41+s30+$0x0], $0xffff  }
0x71: {  	v48 =	vld.idx.msk [tilespmem:v43+s29+$0x0], $0xffff  }
0x72: {  	v63 =	vor.u32 v17, v0;
	v43 =	vld.idx.msk [tilespmem:v43+s30+$0x0], $0xffff  }
0x73: {  	v2 =	vld [tilespmem:$0x1FE10]  }
0x74: {  	[tilespmem:$0x1FDB0] =	vst v1;
	v1 =	vld.idx.msk [tilespmem:v39+s29+$0x0], $0xffff  }
0x75: {  	v47 =	vor.u32 v29, v0;
	v3 =	vld.idx.msk [tilespmem:v61+s29+$0x0], $0xffff  }
0x76: {  	v61 =	vld.idx.msk [tilespmem:v61+s30+$0x0], $0xffff  }
0x77: {  	v60 =	vor.u32 v28, v0;
	v16 =	vmul.f32 v16, v33;
	v33 =	vld.idx.msk [tilespmem:v63+s29+$0x0], $0xffff  }
0x78: {  	v5 =	vmul.f32 v5, v6;
	v6 =	vld.idx.msk [tilespmem:v63+s30+$0x0], $0xffff  }
0x79: {  	[tilespmem:$0x1FD80] =	vst v1;
	v1 =	vld.idx.msk [tilespmem:v39+s30+$0x0], $0xffff  }
0x7a: {  	v55 =	vor.u32 v30, v0;
	v52 =	vld.idx.msk [tilespmem:v47+s29+$0x0], $0xffff  }
0x7b: {  	v47 =	vld.idx.msk [tilespmem:v47+s30+$0x0], $0xffff  }
0x7c: {  	v53 =	vor.u32 v2, v0;
	v54 =	vld.idx.msk [tilespmem:v60+s29+$0x0], $0xffff  }
0x7d: {  	v25 =	vmov v49;
	v49 =	vld.idx.msk [tilespmem:v60+s30+$0x0], $0xffff  }
0x7e: {  	v18 =	vmov v22;
	v22 =	vmov v2;
	v2 =	vor.u32 v19, v0;
	[tilespmem:$0x1FD90] =	vst v1;
	v1 =	vld [tilespmem:$0x1FE60]  }
0x7f: {  	v60 =	vld.idx.msk [tilespmem:v55+s29+$0x0], $0xffff  }
0x80: {  	v55 =	vld.idx.msk [tilespmem:v55+s30+$0x0], $0xffff  }
0x81: {  	v7 =	vmul.f32 v7, v10;
	v10 =	vor.u32 v46, v0;
	v58 =	vld.idx.msk [tilespmem:v53+s29+$0x0], $0xffff  }
0x82: {  	v45 =	vor.u32 v31, v0;
	v35 =	vmul.f32 v35, v40;
	v53 =	vld.idx.msk [tilespmem:v53+s30+$0x0], $0xffff  }
0x83: {  	v24 =	vmovc v32;
	v63 =	vor.u32 v25, v0;
	v40 =	vld.idx.msk [tilespmem:v2+s29+$0x0], $0xffff;
	v51 =	vor.u32 v1, v0;
	v32 =	vmovc v1;
	v1 =	vlaneseq.u32  }
0x84: {  	v34 =	vmul.f32 v34, v38;
	v11 =	vmul.f32 v11, v36;
	v59 =	vor.u32 v1, v0;
	v1 =	vld [tilespmem:$0x1FE00]  }
0x85: {  	v36 =	vmul.f32 v37, v42;
	v38 =	vmul.f32 v41, v44;
	v2 =	vld.idx.msk [tilespmem:v2+s30+$0x0], $0xffff  }
0x86: {  	v41 =	vmul.f32 v43, v48;
	v42 =	vor.u32 v18, v0;
	v43 =	vmul.f32 v47, v52;
	v47 =	vld.idx.msk [tilespmem:v10+s29+$0x0], $0xffff  }
0x87: {  	v10 =	vld.idx.msk [tilespmem:v10+s30+$0x0], $0xffff  }
0x88: {  	v46 =	vmul.f32 v49, v54;
	v54 =	vld.idx.msk [tilespmem:v63+s29+$0x0], $0xffff  }
0x89: {  	v8 =	vld.idx.msk [tilespmem:v45+s29+$0x0], $0xffff;
	v1 =	vor.u32 v1, v0  }
0x8a: {  	v45 =	vld.idx.msk [tilespmem:v45+s30+$0x0], $0xffff  }
0x8b: {  	v44 =	vmul.f32 v53, v58;
	v58 =	vmul.f32 v55, v60;
	v55 =	vld.idx.msk [tilespmem:v42+s29+$0x0], $0xffff  }
0x8c: {  	v31 =	vmov v4;
	v57 =	vor.u32 v20, v0;
	v4 =	vld.idx.msk [tilespmem:v59+s30+$0x0], $0xffff  }
0x8d: {  	v59 =	vld.idx.msk [tilespmem:v59+s29+$0x0], $0xffff  }
0x8e: {  	v9 =	vmul.f32 v9, v14;
	v14 =	vld.idx.msk [tilespmem:v1+s29+$0x0], $0xffff  }
0x8f: {  	v1 =	vld.idx.msk [tilespmem:v1+s30+$0x0], $0xffff  }
0x90: {  	v18 =	vld [tilespmem:$0x1FDB0]  }
0x91: {  	v60 =	vor.u32 v21, v0;
	v39 =	vmovc v12;
	v12 =	vmov v23;
	v23 =	vmov v62;
	v62 =	vld.idx.msk [tilespmem:v57+s29+$0x0], $0xffff  }
0x92: {  	v57 =	vld.idx.msk [tilespmem:v57+s30+$0x0], $0xffff  }
0x93: {  	v56 =	vld.idx.msk [tilespmem:v51+s29+$0x0], $0xffff  }
0x94: {  	v51 =	vld.idx.msk [tilespmem:v51+s30+$0x0], $0xffff;
	v4 =	vmul.f32 v4, v59;
	v1 =	vmul.f32 v1, v14  }
0x95: {  	v3 =	vmul.f32 v61, v3;
	v53 =	vor.u32 v27, v0;
	v2 =	vmul.f32 v2, v40;
	v14 =	vld.idx.msk [tilespmem:v63+s30+$0x0], $0xffff  }
0x96: {  	v0 =	vor.u32 v23, v0;
	v59 =	vld.idx.msk [tilespmem:v60+s29+$0x0], $0xffff;
	v4 =	vadd.f32 $0.0e+00, v4;
	v1 =	vadd.f32 $0.0e+00, v1  }
0x97: {  	v3 =	vadd.f32 $0.0e+00, v3;
	v63 =	vmul.f32 v57, v62;
	v57 =	vld.idx.msk [tilespmem:v42+s30+$0x0], $0xffff  }
0x98: {  	v4 =	vadd.f32 v44, v4;
	v1 =	vadd.f32 v2, v1;
	v2 =	vmul.f32 v10, v47;
	v10 =	vld.idx.msk [tilespmem:v60+s30+$0x0], $0xffff  }
0x99: {  	v6 =	vmul.f32 v6, v33;
	v3 =	vadd.f32 v58, v3;
	v60 =	vmul.f32 v45, v8;
	v8 =	vld [tilespmem:$0x1FD80]  }
0x9a: {  	v4 =	vadd.f32 v43, v4;
	v1 =	vadd.f32 v2, v1;
	v2 =	vmul.f32 v14, v54;
	v14 =	vld [tilespmem:$0x1FD90]  }
0x9b: {  	v6 =	vadd.f32 $0.0e+00, v6;
	v3 =	vadd.f32 v46, v3;
	v61 =	vld.idx.msk [tilespmem:v0+s29+$0x0], $0xffff  }
0x9c: {  	v0 =	vld.idx.msk [tilespmem:v0+s30+$0x0], $0xffff;
	v4 =	vadd.f32 v38, v4  }
0x9d: {  	v3 =	vadd.f32 v41, v3;
	v58 =	vmul.f32 v51, v56;
	v62 =	vld.idx.msk [tilespmem:v53+s29+$0x0], $0xffff;
	v6 =	vadd.f32 v63, v6  }
0x9e: {  	v63 =	vld.idx.msk [tilespmem:v53+s30+$0x0], $0xffff;
	v4 =	vadd.f32 v35, v4;
	v1 =	vadd.f32 v2, v1;
	v2 =	vmul.f32 v57, v55  }
0x9f: {  	v3 =	vadd.f32 v36, v3;
	v6 =	vadd.f32 v58, v6;
	v14 =	vmul.f32 v14, v8;
	v8 =	vld [tilespmem:$0x1FDA0]  }
0xa0: {  	v4 =	vadd.f32 v9, v4;
	v9 =	vld [tilespmem:$0x1FDC0];
	v1 =	vadd.f32 v2, v1;
	v2 =	vmul.f32 v10, v59  }
0xa1: {  	v3 =	vadd.f32 v11, v3;
	v6 =	vadd.f32 v60, v6;
	v10 =	vld [tilespmem:$0x1FDD0]  }
0xa2: {  	v1 =	vadd.f32 v2, v1;
	v2 =	vadd.f32 v5, v4;
	v4 =	vld [tilespmem:$0x1FDE0]  }
0xa3: {  	v0 =	vmul.f32 v0, v61;
	v5 =	vld [tilespmem:$0x1FDF0]  }
0xa4: {  	v3 =	vadd.f32 v7, v3;
	v6 =	vadd.f32 v14, v6;
	v8 =	vmul.f32 v18, v8  }
0xa5: {  	v0 =	vadd.f32 v0, v1;
	v1 =	vmul.f32 v63, v62  }
0xa6: {  	v3 =	vadd.f32 v16, v3;
	v9 =	vmul.f32 v10, v9;
	v6 =	vadd.f32 v8, v6  }
0xa7: {  	v2 =	vadd.f32 v34, v2;
	v0 =	vadd.f32 v1, v0;
	v1 =	vld [tilespmem:$0x1FFC0]  }
0xa8: {  	s26 =	simm.s32 $0x10;
	v4 =	vmul.f32 v5, v4;
	v5 =	vadd.f32 v9, v6  }
0xa9: {  	v2 =	vadd.f32 v3, v2;
	v3 =	vld [tilespmem:$0x1FFD0];
	v6 =	vmov s26  }
0xaa: {  	v6 =	vshll.u32 v6, $0x5;
	v4 =	vadd.f32 v4, v5  }
0xab: {  	v37 =	vor.u32 v31, v6  }
0xac: {  	v1 =	vor.u32 v1, v37;
	v0 =	vadd.f32 v0, v4;
	_ =	sdelay $0x1  }
0xad: {  	v3 =	vor.u32 v3, v37;
	v0 =	vadd.f32 v0, v2  }
0xae: {  	s8 =	simm.s32 $0x1CB60  }
0xaf: {  	[tilespmem:s8+$0x0] =	vst v0  }
0xb0: {  	v43 =	vld.idx.msk [tilespmem:v1+s29+$0x0], $0xffff  }
0xb1: {  	v2 =	vor.u32 v26, v37;
	v45 =	vld.idx.msk [tilespmem:v1+s30+$0x0], $0xffff  }
0xb2: {  	v0 =	vor.u32 v12, v37;
	v46 =	vld.idx.msk [tilespmem:v3+s29+$0x0], $0xffff  }
0xb3: {  	v1 =	vld [tilespmem:$0x1FF80]  }
0xb4: {  	v47 =	vld.idx.msk [tilespmem:v3+s30+$0x0], $0xffff  }
0xb5: {  	v3 =	vld [tilespmem:$0x1FF90]  }
0xb6: {  	v33 =	vld.idx.msk [tilespmem:v2+s29+$0x0], $0xffff  }
0xb7: {  	v6 =	vor.u32 v28, v37;
	v48 =	vld.idx.msk [tilespmem:v0+s29+$0x0], $0xffff  }
0xb8: {  	v49 =	vld.idx.msk [tilespmem:v0+s30+$0x0], $0xffff;
	v0 =	vor.u32 v39, v37  }
0xb9: {  	v34 =	vld.idx.msk [tilespmem:v2+s30+$0x0], $0xffff  }
0xba: {  	v2 =	vld [tilespmem:$0x1FF30]  }
0xbb: {  	v1 =	vor.u32 v1, v37  }
0xbc: {  	v5 =	vld.idx.msk [tilespmem:v6+s29+$0x0], $0xffff  }
0xbd: {  	v3 =	vor.u32 v3, v37;
	v54 =	vld.idx.msk [tilespmem:v0+s29+$0x0], $0xffff  }
0xbe: {  	v56 =	vld.idx.msk [tilespmem:v0+s30+$0x0], $0xffff  }
0xbf: {  	v2 =	vor.u32 v2, v37;
	v0 =	vld [tilespmem:$0x1FF40]  }
0xc0: {  	v13 =	vmov v50;
	v50 =	vld.idx.msk [tilespmem:v1+s29+$0x0], $0xffff  }
0xc1: {  	v51 =	vld.idx.msk [tilespmem:v1+s30+$0x0], $0xffff  }
0xc2: {  	v35 =	vld.idx.msk [tilespmem:v3+s29+$0x0], $0xffff;
	v1 =	vor.u32 v13, v37  }
0xc3: {  	v36 =	vld.idx.msk [tilespmem:v3+s30+$0x0], $0xffff  }
0xc4: {  	v3 =	vor.u32 v15, v37;
	v52 =	vld.idx.msk [tilespmem:v2+s29+$0x0], $0xffff  }
0xc5: {  	v53 =	vld.idx.msk [tilespmem:v2+s30+$0x0], $0xffff  }
0xc6: {  	v2 =	vld [tilespmem:$0x1FF20]  }
0xc7: {  	v38 =	vld.idx.msk [tilespmem:v1+s29+$0x0], $0xffff  }
0xc8: {  	v9 =	vor.u32 v22, v37;
	v39 =	vld.idx.msk [tilespmem:v1+s30+$0x0], $0xffff  }
0xc9: {  	v0 =	vor.u32 v0, v37;
	v58 =	vld.idx.msk [tilespmem:v3+s29+$0x0], $0xffff  }
0xca: {  	v1 =	vld [tilespmem:$0x1FFF0]  }
0xcb: {  	v59 =	vld.idx.msk [tilespmem:v3+s30+$0x0], $0xffff;
	v3 =	vor.u32 v24, v37  }
0xcc: {  	v7 =	vld.idx.msk [tilespmem:v6+s30+$0x0], $0xffff;
	v2 =	vor.u32 v2, v37  }
0xcd: {  	v8 =	vld.idx.msk [tilespmem:v9+s29+$0x0], $0xffff  }
0xce: {  	v40 =	vld.idx.msk [tilespmem:v0+s29+$0x0], $0xffff  }
0xcf: {  	v41 =	vld.idx.msk [tilespmem:v0+s30+$0x0], $0xffff;
	v23 =	vmov v1;
	v1 =	vor.u32 v1, v37  }
0xd0: {  	v0 =	vld.idx.msk [tilespmem:v3+s29+$0x0], $0xffff  }
0xd1: {  	v60 =	vld.idx.msk [tilespmem:v2+s29+$0x0], $0xffff  }
0xd2: {  	v61 =	vld.idx.msk [tilespmem:v2+s30+$0x0], $0xffff  }
0xd3: {  	v11 =	vor.u32 v30, v37;
	v2 =	vld [tilespmem:$0x1FF00]  }
0xd4: {  	v62 =	vld.idx.msk [tilespmem:v1+s29+$0x0], $0xffff  }
0xd5: {  	v63 =	vld.idx.msk [tilespmem:v1+s30+$0x0], $0xffff  }
0xd6: {  	v1 =	vld.idx.msk [tilespmem:v3+s30+$0x0], $0xffff;
	v3 =	vor.u32 v32, v37  }
0xd7: {  	v9 =	vld.idx.msk [tilespmem:v9+s30+$0x0], $0xffff  }
0xd8: {  	v6 =	vor.u32 v20, v37;
	v10 =	vld.idx.msk [tilespmem:v11+s29+$0x0], $0xffff  }
0xd9: {  	v12 =	vlaneseq.u32;
	v11 =	vld.idx.msk [tilespmem:v11+s30+$0x0], $0xffff  }
0xda: {  	v14 =	vor.u32 v12, v37;
	v12 =	vld [tilespmem:$0x1FEB0];
	v24 =	vmov v2;
	v2 =	vor.u32 v2, v37  }
0xdb: {  	v55 =	vld.idx.msk [tilespmem:v3+s29+$0x0], $0xffff  }
0xdc: {  	v4 =	vor.u32 v29, v37;
	v57 =	vld.idx.msk [tilespmem:v3+s30+$0x0], $0xffff  }
0xdd: {  	v3 =	vld.idx.msk [tilespmem:v6+s29+$0x0], $0xffff  }
0xde: {  	v6 =	vld.idx.msk [tilespmem:v6+s30+$0x0], $0xffff  }
0xdf: {  	v42 =	vld.idx.msk [tilespmem:v2+s29+$0x0], $0xffff  }
0xe0: {  	v44 =	vld.idx.msk [tilespmem:v2+s30+$0x0], $0xffff  }
0xe1: {  	v21 =	vmov v15;
	v2 =	vld.idx.msk [tilespmem:v4+s29+$0x0], $0xffff  }
0xe2: {  	s10 =	sshll.u32 s5, $0x1;
	s26 =	simm.s32 $0x20;
	v31 =	vmovc v17;
	v26 =	vmov v12;
	v13 =	vor.u32 v12, v37;
	v12 =	vor.u32 v17, v37;
	v4 =	vld.idx.msk [tilespmem:v4+s30+$0x0], $0xffff  }
.LBB2_3:
0xe3: {  	_ =	sdelay $0x3  }
0xe4: {  	v15 =	vld.idx.msk [tilespmem:v14+s30+$0x0], $0xffff  }
0xe5: {  	v14 =	vld.idx.msk [tilespmem:v14+s29+$0x0], $0xffff  }
0xe6: {  	v16 =	vld [tilespmem:$0x1FE00]  }
0xe7: {  	v17 =	vld.idx.msk [tilespmem:v13+s29+$0x0], $0xffff  }
0xe8: {  	v13 =	vld.idx.msk [tilespmem:v13+s30+$0x0], $0xffff;
	v18 =	vor.u32 v19, v37;
	v25 =	vmov v22  }
0xe9: {  	v22 =	vmovc v30;
	v30 =	vmovc v32;
	v32 =	vmov v28;
	v28 =	vmov v29;
	v29 =	vmov v19;
	v19 =	vld.idx.msk [tilespmem:v12+s29+$0x0], $0xffff  }
0xea: {  	v12 =	vld.idx.msk [tilespmem:v12+s30+$0x0], $0xffff  }
0xeb: {  	v27 =	vmov v20;
	v20 =	vld [tilespmem:$0x1FEE0];
	v43 =	vmul.f32 v45, v43;
	v45 =	vmul.f32 v47, v46  }
0xec: {  	v47 =	vmul.f32 v49, v48;
	v49 =	vld [tilespmem:$0x1FF10];
	v0 =	vmul.f32 v1, v0;
	v16 =	vor.u32 v16, v37  }
0xed: {  	v1 =	vld [tilespmem:$0x1FE70];
	v2 =	vmul.f32 v4, v2;
	v4 =	vmul.f32 v7, v5  }
0xee: {  	v7 =	vmul.f32 v9, v8;
	v8 =	vmul.f32 v11, v10;
	v10 =	vld [tilespmem:$0x1FE80]  }
0xef: {  	v48 =	vmul.f32 v51, v50;
	v50 =	vmul.f32 v53, v52;
	v52 =	vld.idx.msk [tilespmem:v18+s29+$0x0], $0xffff  }
0xf0: {  	v20 =	vor.u32 v20, v37;
	v18 =	vld.idx.msk [tilespmem:v18+s30+$0x0], $0xffff  }
0xf1: {  	v46 =	vld.idx.msk [tilespmem:v16+s29+$0x0], $0xffff  }
0xf2: {  	v49 =	vor.u32 v49, v37;
	v16 =	vld.idx.msk [tilespmem:v16+s30+$0x0], $0xffff  }
0xf3: {  	v12 =	vmul.f32 v12, v19;
	v19 =	vld [tilespmem:$0x1FFA0]  }
0xf4: {  	v11 =	vmul.f32 v15, v14;
	v15 =	vld [tilespmem:$0x1FE90];
	v1 =	vor.u32 v1, v37  }
0xf5: {  	v53 =	vmul.f32 v59, v58;
	v63 =	vmul.f32 v63, v62;
	v5 =	vld.idx.msk [tilespmem:v20+s29+$0x0], $0xffff  }
0xf6: {  	v61 =	vmul.f32 v61, v60;
	v13 =	vmul.f32 v13, v17;
	v10 =	vor.u32 v10, v37;
	v9 =	vld.idx.msk [tilespmem:v20+s30+$0x0], $0xffff  }
0xf7: {  	v3 =	vmul.f32 v6, v3;
	v11 =	vadd.f32 $0.0e+00, v11;
	v14 =	vld.idx.msk [tilespmem:v49+s29+$0x0], $0xffff;
	v16 =	vmul.f32 v16, v46  }
0xf8: {  	v13 =	vadd.f32 $0.0e+00, v13;
	v12 =	vadd.f32 $0.0e+00, v12;
	v17 =	vld.idx.msk [tilespmem:v49+s30+$0x0], $0xffff;
	v19 =	vor.u32 v19, v37  }
0xf9: {  	v7 =	vadd.f32 v7, v11;
	v18 =	vmul.f32 v18, v52;
	v6 =	vld.idx.msk [tilespmem:v1+s29+$0x0], $0xffff;
	v16 =	vadd.f32 $0.0e+00, v16  }
0xfa: {  	v8 =	vadd.f32 v8, v13;
	v11 =	vmul.f32 v57, v55;
	v15 =	vor.u32 v15, v37;
	v1 =	vld.idx.msk [tilespmem:v1+s30+$0x0], $0xffff  }
0xfb: {  	v3 =	vadd.f32 v3, v12;
	v13 =	vld.idx.msk [tilespmem:v10+s29+$0x0], $0xffff;
	v5 =	vmul.f32 v9, v5;
	v12 =	vadd.f32 v18, v16  }
0xfc: {  	v2 =	vadd.f32 v2, v7;
	v4 =	vadd.f32 v4, v8;
	v7 =	vmul.f32 v44, v42;
	v9 =	vld.idx.msk [tilespmem:v10+s30+$0x0], $0xffff  }
0xfd: {  	v3 =	vadd.f32 v11, v3;
	v8 =	vld.idx.msk [tilespmem:v19+s29+$0x0], $0xffff;
	v10 =	vmul.f32 v17, v14;
	v5 =	vadd.f32 v5, v12  }
0xfe: {  	v2 =	vadd.f32 v63, v2;
	v0 =	vadd.f32 v0, v4;
	v4 =	vmul.f32 v41, v40;
	v11 =	vld.idx.msk [tilespmem:v19+s30+$0x0], $0xffff  }
0xff: {  	v3 =	vadd.f32 v7, v3;
	v1 =	vmul.f32 v1, v6;
	v6 =	vld.idx.msk [tilespmem:v15+s30+$0x0], $0xffff;
	v5 =	vadd.f32 v10, v5  }
0x100: {  	v51 =	vmul.f32 v56, v54;
	v2 =	vadd.f32 v53, v2;
	v0 =	vadd.f32 v61, v0;
	v12 =	vld.idx.msk [tilespmem:v15+s29+$0x0], $0xffff  }
0x101: {  	v3 =	vadd.f32 v4, v3;
	v4 =	vmul.f32 v9, v13;
	v1 =	vadd.f32 v1, v5  }
0x102: {  	v2 =	vadd.f32 v50, v2;
	v0 =	vadd.f32 v51, v0  }
0x103: {  	v1 =	vadd.f32 v4, v1;
	v4 =	vmul.f32 v11, v8  }
0x104: {  	v2 =	vadd.f32 v47, v2;
	v0 =	vadd.f32 v48, v0  }
0x105: {  	v7 =	vmul.f32 v39, v38;
	v1 =	vadd.f32 v4, v1;
	v4 =	vmul.f32 v6, v12  }
0x106: {  	v2 =	vadd.f32 v43, v2;
	v0 =	vadd.f32 v45, v0  }
0x107: {  	v3 =	vadd.f32 v7, v3;
	v5 =	vmul.f32 v36, v35;
	v1 =	vadd.f32 v4, v1;
	v4 =	vld [tilespmem:$0x1FEA0]  }
0x108: {  	v0 =	vadd.f32 v0, v2;
	v2 =	vld [tilespmem:$0x1FFD0]  }
0x109: {  	v7 =	vmul.f32 v34, v33;
	v3 =	vadd.f32 v5, v3  }
0x10a: {  	v5 =	vmov s26  }
0x10b: {  	v5 =	vshll.u32 v5, $0x5;
	v3 =	vadd.f32 v7, v3  }
0x10c: {  	v37 =	vor.u32 v4, v5  }
0x10d: {  	v16 =	vld [tilespmem:$0x1FE00];
	v1 =	vadd.f32 v1, v3;
	v2 =	vor.u32 v2, v37  }
0x10e: {  	v3 =	vld [tilespmem:$0x1FF80]  }
0x10f: {  	v19 =	vmovc v29;
	v29 =	vmovc v28;
	v28 =	vmov v32;
	v32 =	vmov v30;
	v0 =	vadd.f32 v1, v0;
	v1 =	vld [tilespmem:$0x1FFE0]  }
0x110: {  	s8 =	sadd.s32 $0x10, s8;
	v4 =	vld [tilespmem:$0x1FFC0];
	v6 =	vor.u32 v32, v37  }
0x111: {  	[tilespmem:s8+$0x0] =	vst v0;
	v0 =	vld [tilespmem:$0x1FF70]  }
0x112: {  	v9 =	vor.u32 v25, v37;
	v46 =	vld.idx.msk [tilespmem:v2+s29+$0x0], $0xffff  }
0x113: {  	v30 =	vmov v22;
	v47 =	vld.idx.msk [tilespmem:v2+s30+$0x0], $0xffff  }
0x114: {  	v11 =	vor.u32 v30, v37;
	v2 =	vld [tilespmem:$0x1FF90]  }
0x115: {  	v55 =	vld.idx.msk [tilespmem:v6+s29+$0x0], $0xffff  }
0x116: {  	v3 =	vor.u32 v3, v37;
	v57 =	vld.idx.msk [tilespmem:v6+s30+$0x0], $0xffff  }
0x117: {  	v8 =	vld.idx.msk [tilespmem:v9+s29+$0x0], $0xffff  }
0x118: {  	v9 =	vld.idx.msk [tilespmem:v9+s30+$0x0], $0xffff  }
0x119: {  	v1 =	vor.u32 v1, v37;
	v10 =	vld.idx.msk [tilespmem:v11+s29+$0x0], $0xffff  }
0x11a: {  	v11 =	vld.idx.msk [tilespmem:v11+s30+$0x0], $0xffff  }
0x11b: {  	v50 =	vld.idx.msk [tilespmem:v3+s29+$0x0], $0xffff  }
0x11c: {  	v0 =	vor.u32 v0, v37;
	v51 =	vld.idx.msk [tilespmem:v3+s30+$0x0], $0xffff  }
0x11d: {  	v3 =	vld [tilespmem:$0x1FF60]  }
0x11e: {  	v33 =	vld.idx.msk [tilespmem:v1+s29+$0x0], $0xffff  }
0x11f: {  	v4 =	vor.u32 v4, v37;
	v34 =	vld.idx.msk [tilespmem:v1+s30+$0x0], $0xffff  }
0x120: {  	v1 =	vld [tilespmem:$0x1FF30]  }
0x121: {  	v2 =	vor.u32 v2, v37;
	v48 =	vld.idx.msk [tilespmem:v0+s29+$0x0], $0xffff  }
0x122: {  	v49 =	vld.idx.msk [tilespmem:v0+s30+$0x0], $0xffff  }
0x123: {  	v0 =	vld [tilespmem:$0x1FF50];
	v3 =	vor.u32 v3, v37  }
0x124: {  	v43 =	vld.idx.msk [tilespmem:v4+s29+$0x0], $0xffff  }
0x125: {  	v45 =	vld.idx.msk [tilespmem:v4+s30+$0x0], $0xffff;
	v1 =	vor.u32 v1, v37  }
0x126: {  	v35 =	vld.idx.msk [tilespmem:v2+s29+$0x0], $0xffff  }
0x127: {  	v36 =	vld.idx.msk [tilespmem:v2+s30+$0x0], $0xffff  }
0x128: {  	v0 =	vor.u32 v0, v37;
	v38 =	vld.idx.msk [tilespmem:v3+s29+$0x0], $0xffff  }
0x129: {  	v39 =	vld.idx.msk [tilespmem:v3+s30+$0x0], $0xffff  }
0x12a: {  	v52 =	vld.idx.msk [tilespmem:v1+s29+$0x0], $0xffff  }
0x12b: {  	v2 =	vor.u32 v21, v37;
	v53 =	vld.idx.msk [tilespmem:v1+s30+$0x0], $0xffff  }
0x12c: {  	v1 =	vld [tilespmem:$0x1FF20]  }
0x12d: {  	v54 =	vld.idx.msk [tilespmem:v0+s29+$0x0], $0xffff  }
0x12e: {  	v3 =	vor.u32 v23, v37;
	v56 =	vld.idx.msk [tilespmem:v0+s30+$0x0], $0xffff  }
0x12f: {  	v0 =	vld [tilespmem:$0x1FF40]  }
0x130: {  	v15 =	vor.u32 v27, v37;
	v58 =	vld.idx.msk [tilespmem:v2+s29+$0x0], $0xffff  }
0x131: {  	v4 =	vor.u32 v24, v37;
	v59 =	vld.idx.msk [tilespmem:v2+s30+$0x0], $0xffff  }
0x132: {  	v2 =	vld [tilespmem:$0x1FEF0]  }
0x133: {  	v5 =	vor.u32 v29, v37;
	v62 =	vld.idx.msk [tilespmem:v3+s29+$0x0], $0xffff  }
0x134: {  	v63 =	vld.idx.msk [tilespmem:v3+s30+$0x0], $0xffff;
	v3 =	vor.u32 v28, v37  }
0x135: {  	v6 =	vld.idx.msk [tilespmem:v15+s30+$0x0], $0xffff;
	v1 =	vor.u32 v1, v37  }
0x136: {  	v42 =	vld.idx.msk [tilespmem:v4+s29+$0x0], $0xffff  }
0x137: {  	v44 =	vld.idx.msk [tilespmem:v4+s30+$0x0], $0xffff;
	v0 =	vor.u32 v0, v37  }
0x138: {  	v4 =	vld.idx.msk [tilespmem:v5+s30+$0x0], $0xffff  }
0x139: {  	v2 =	vor.u32 v2, v37;
	v7 =	vld.idx.msk [tilespmem:v3+s30+$0x0], $0xffff  }
0x13a: {  	v60 =	vld.idx.msk [tilespmem:v1+s29+$0x0], $0xffff  }
0x13b: {  	v61 =	vld.idx.msk [tilespmem:v1+s30+$0x0], $0xffff  }
0x13c: {  	v40 =	vld.idx.msk [tilespmem:v0+s29+$0x0], $0xffff  }
0x13d: {  	p0 =	sne.s32 s26, $0x180;
	v41 =	vld.idx.msk [tilespmem:v0+s30+$0x0], $0xffff  }
.Ltmp0:
0x13e: {  	v0 =	vld.idx.msk [tilespmem:v2+s29+$0x0], $0xffff;
	(pc) =	sbr.rel @p0 .LBB2_3-.Ltmp0, $4  }
0x13f: {  	v1 =	vld.idx.msk [tilespmem:v2+s30+$0x0], $0xffff  }
0x140: {  	v2 =	vld.idx.msk [tilespmem:v5+s29+$0x0], $0xffff  }
0x141: {  	v20 =	vmov v27;
	v22 =	vmov v25;
	v5 =	vld.idx.msk [tilespmem:v3+s29+$0x0], $0xffff;
	v3 =	vlaneseq.u32  }
0x142: {  	s26 =	sadd.s32 $0x10, s26;
	v13 =	vor.u32 v26, v37;
	v12 =	vor.u32 v31, v37;
	v14 =	vor.u32 v3, v37;
	v3 =	vld.idx.msk [tilespmem:v15+s29+$0x0], $0xffff  }
0x143: {  	_ =	sdelay $0x3  }
0x144: {  	v15 =	vld.idx.msk [tilespmem:v14+s30+$0x0], $0xffff  }
0x145: {  	v14 =	vld.idx.msk [tilespmem:v14+s29+$0x0], $0xffff  }
0x146: {  	v17 =	vld.idx.msk [tilespmem:v13+s29+$0x0], $0xffff  }
0x147: {  	v13 =	vld.idx.msk [tilespmem:v13+s30+$0x0], $0xffff  }
0x148: {  	v21 =	vld [tilespmem:$0x1FEE0]  }
0x149: {  	v18 =	vor.u32 v19, v37;
	v19 =	vld.idx.msk [tilespmem:v12+s29+$0x0], $0xffff  }
0x14a: {  	v16 =	vor.u32 v16, v37;
	v12 =	vld.idx.msk [tilespmem:v12+s30+$0x0], $0xffff  }
0x14b: {  	v26 =	vld [tilespmem:$0x1FE70]  }
0x14c: {  	v20 =	vmul.f32 v45, v43;
	v23 =	vld [tilespmem:$0x1FE90];
	v2 =	vmul.f32 v4, v2  }
0x14d: {  	v4 =	vmul.f32 v7, v5;
	v7 =	vmul.f32 v9, v8;
	v9 =	vld [tilespmem:$0x1FE80];
	v45 =	vor.u32 v21, v37  }
0x14e: {  	v21 =	vld [tilespmem:$0x1FF10]  }
0x14f: {  	v43 =	vmul.f32 v47, v46;
	v46 =	vmul.f32 v49, v48;
	v48 =	vld.idx.msk [tilespmem:v16+s29+$0x0], $0xffff  }
0x150: {  	v16 =	vld.idx.msk [tilespmem:v16+s30+$0x0], $0xffff  }
0x151: {  	v60 =	vmul.f32 v61, v60;
	v61 =	vld.idx.msk [tilespmem:v18+s29+$0x0], $0xffff  }
0x152: {  	v47 =	vmul.f32 v51, v50;
	v5 =	vld.idx.msk [tilespmem:v45+s29+$0x0], $0xffff  }
0x153: {  	v49 =	vmul.f32 v53, v52;
	v8 =	vmul.f32 v11, v10;
	v51 =	vor.u32 v21, v37;
	v10 =	vld.idx.msk [tilespmem:v45+s30+$0x0], $0xffff  }
0x154: {  	v50 =	vmul.f32 v56, v54;
	v52 =	vmul.f32 v59, v58;
	v45 =	vld [tilespmem:$0x1FFA0]  }
0x155: {  	v62 =	vmul.f32 v63, v62;
	v0 =	vmul.f32 v1, v0;
	v1 =	vld.idx.msk [tilespmem:v18+s30+$0x0], $0xffff;
	v63 =	vor.u32 v26, v37  }
0x156: {  	v3 =	vmul.f32 v6, v3;
	v11 =	vmul.f32 v15, v14  }
0x157: {  	v13 =	vmul.f32 v13, v17;
	v12 =	vmul.f32 v12, v19;
	v9 =	vor.u32 v9, v37  }
0x158: {  	v14 =	vor.u32 v23, v37;
	v11 =	vadd.f32 $0.0e+00, v11;
	v16 =	vmul.f32 v16, v48;
	v15 =	vld.idx.msk [tilespmem:v51+s29+$0x0], $0xffff  }
0x159: {  	v13 =	vadd.f32 $0.0e+00, v13;
	v12 =	vadd.f32 $0.0e+00, v12;
	v17 =	vor.u32 v45, v37;
	v48 =	vld.idx.msk [tilespmem:v51+s30+$0x0], $0xffff  }
0x15a: {  	v7 =	vadd.f32 v7, v11;
	v6 =	vld.idx.msk [tilespmem:v63+s29+$0x0], $0xffff;
	v1 =	vmul.f32 v1, v61;
	v16 =	vadd.f32 $0.0e+00, v16  }
0x15b: {  	v8 =	vadd.f32 v8, v13;
	v11 =	vmul.f32 v57, v55;
	v3 =	vadd.f32 v3, v12;
	v18 =	vld.idx.msk [tilespmem:v63+s30+$0x0], $0xffff  }
0x15c: {  	v2 =	vadd.f32 v2, v7;
	v13 =	vld.idx.msk [tilespmem:v9+s29+$0x0], $0xffff;
	v1 =	vadd.f32 v1, v16;
	v5 =	vmul.f32 v10, v5  }
0x15d: {  	v4 =	vadd.f32 v4, v8;
	v7 =	vmul.f32 v44, v42;
	v3 =	vadd.f32 v11, v3;
	v9 =	vld.idx.msk [tilespmem:v9+s30+$0x0], $0xffff  }
0x15e: {  	v2 =	vadd.f32 v62, v2;
	v1 =	vadd.f32 v5, v1;
	v8 =	vld.idx.msk [tilespmem:v17+s29+$0x0], $0xffff;
	v5 =	vmul.f32 v48, v15  }
0x15f: {  	v0 =	vadd.f32 v0, v4;
	v4 =	vmul.f32 v41, v40;
	v3 =	vadd.f32 v7, v3;
	v10 =	vld.idx.msk [tilespmem:v17+s30+$0x0], $0xffff  }
0x160: {  	v11 =	vld.idx.msk [tilespmem:v14+s29+$0x0], $0xffff;
	v2 =	vadd.f32 v52, v2;
	v1 =	vadd.f32 v5, v1;
	v5 =	vmul.f32 v18, v6  }
0x161: {  	v7 =	vmul.f32 v39, v38;
	v0 =	vadd.f32 v60, v0;
	v3 =	vadd.f32 v4, v3;
	v6 =	vld.idx.msk [tilespmem:v14+s30+$0x0], $0xffff  }
0x162: {  	v2 =	vadd.f32 v49, v2;
	v4 =	vmul.f32 v9, v13;
	v1 =	vadd.f32 v5, v1  }
0x163: {  	v0 =	vadd.f32 v50, v0;
	v3 =	vadd.f32 v7, v3  }
0x164: {  	v5 =	vmul.f32 v36, v35;
	v1 =	vadd.f32 v4, v1;
	v4 =	vmul.f32 v10, v8  }
0x165: {  	v7 =	vmul.f32 v34, v33;
	v2 =	vadd.f32 v46, v2;
	v0 =	vadd.f32 v47, v0  }
0x166: {  	v3 =	vadd.f32 v5, v3;
	v1 =	vadd.f32 v4, v1;
	v4 =	vmul.f32 v6, v11  }
0x167: {  	v2 =	vadd.f32 v20, v2;
	v0 =	vadd.f32 v43, v0  }
0x168: {  	v3 =	vadd.f32 v7, v3;
	v1 =	vadd.f32 v4, v1  }
0x169: {  	s10 =	sadd.s32 s6, s10  }
0x16a: {  	s26 =	smul.u32 $0x190, s10;
	v0 =	vadd.f32 v0, v2;
	v1 =	vadd.f32 v1, v3;
	_ =	sdelay $0x1  }
0x16b: {  	s10 =	sadd.s32 s9, s26;
	v0 =	vadd.f32 v1, v0  }
0x16c: {  	s8 =	sadd.s32 $0x10, s8;
	s10 =	sshrl.u32 s10, $0x3  }
0x16d: {  	s10 =	sadd.s32 s4, s10;
	[tilespmem:s8+$0x0] =	vst v0  }
0x16e: {  	[hbm4b:s10+s3] =	stream.linear.scatter [tilespmem:s1], [sflag:$0x3], $0x190, $0x38;
	[tilespmem:$0x1CE80] =	vst v63  }
0x16f: {  	_ =	swait.ge [sflag:s22], $0x3200  }
0x170: {  	[sflag:s22] =	ssyncset.done $0x0  }
0x171: {  	[sflag:s22] =	ssyncadd.s32 $0xFFFFCE00  }
0x172: {  	p0 =	seq.s32 s5, $0x18;
	_ =	swait.ge [sflag:s22], $0x3200  }
0x173: {  	s12 =	simm.s32 @!p0 $0x10360;
	[sflag:s22] =	ssyncset.done $0x0  }
0x174: {  	s8 =	sadd.s32 @!p0 $0x5140, s7;
	s10 =	simm.s32 @!p0 $0x190;
	[sflag:s22] =	ssyncadd.s32 $0xFFFFCE00  }
0x175: {  	[tilespmem:s12], [sflag:$0x1] =	stream.indirect.gather @!p0 [spmem:s0], $0x20, s8, s10, $0xb8;
	[tilespmem:$0x1CE80] =	vst v63  }
0x176: {  	p1 =	seq.s32 @!p0 s5, $0x0;
	s7 =	sadd.s32 @!p0 $0x9F60, s7;
	s8 =	simm.s32 @!p0 $0x13560  }
0x177: {  	[tilespmem:s8], [sflag:$0x1] =	stream.indirect.gather @!p0 [spmem:s0], $0x20, s7, s10, $0xb8;
	[tilespmem:$0x1CE80] =	vst v63  }
0x178: {  	p0 =	por p0, !p1  }
0x179: {  	_ =	swait.ge @p0 [sflag:s20], $0x190  }
0x17a: {  	v12 =	vld [tilespmem:$0x1FEA0]  }
0x17b: {  	v62 =	vld [tilespmem:$0x1FFE0]  }
0x17c: {  	s12 =	simm.s32 $0x0  }
0x17d: {  	v0 =	vmov s12;
	v63 =	vld [tilespmem:$0x1FFC0]  }
0x17e: {  	v0 =	vshll.u32 v0, $0x5;
	v33 =	vld [tilespmem:$0x1FFD0]  }
0x17f: {  	v18 =	vld [tilespmem:$0x1FF70];
	v0 =	vor.u32 v12, v0  }
0x180: {  	v34 =	vld [tilespmem:$0x1FF80];
	v3 =	vor.u32 v62, v0  }
0x181: {  	v38 =	vld [tilespmem:$0x1FF90]  }
0x182: {  	v44 =	vld [tilespmem:$0x1FF30]  }
0x183: {  	[sflag:s20] =	ssyncset.done @p0 $0x0;
	v11 =	vld [tilespmem:$0x1FF50];
	v1 =	vor.u32 v63, v0  }
0x184: {  	v22 =	vld [tilespmem:$0x1FFF0];
	[sflag:s20] =	ssyncadd.s32 @p0 $0xFFFFFE70  }
0x185: {  	v2 =	vor.u32 v33, v0;
	v8 =	vld.idx.msk [tilespmem:v3+s31+$0x0], $0xffff  }
0x186: {  	v24 =	vlaneseq.u32;
	v21 =	vld [tilespmem:$0x1FEF0]  }
0x187: {  	v61 =	vor.u32 v24, v0;
	v24 =	vld [tilespmem:$0x1FEB0]  }
0x188: {  	v7 =	vor.u32 v34, v0;
	v4 =	vld.idx.msk [tilespmem:v1+s31+$0x0], $0xffff  }
0x189: {  	v1 =	vld.idx.msk [tilespmem:v1+s2+$0x0], $0xffff  }
0x18a: {  	v6 =	vld.idx.msk [tilespmem:v2+s31+$0x0], $0xffff;
	[tilespmem:$0x1FD60] =	vst v8;
	v8 =	vor.u32 v38, v0  }
0x18b: {  	v2 =	vld.idx.msk [tilespmem:v2+s2+$0x0], $0xffff  }
0x18c: {  	v9 =	vor.u32 v44, v0;
	v3 =	vld.idx.msk [tilespmem:v3+s2+$0x0], $0xffff  }
0x18d: {  	v10 =	vld.idx.msk [tilespmem:v7+s31+$0x0], $0xffff  }
0x18e: {  	v11 =	vor.u32 v11, v0;
	v7 =	vld.idx.msk [tilespmem:v7+s2+$0x0], $0xffff  }
0x18f: {  	v13 =	vld.idx.msk [tilespmem:v8+s31+$0x0], $0xffff  }
0x190: {  	v8 =	vld.idx.msk [tilespmem:v8+s2+$0x0], $0xffff  }
0x191: {  	v14 =	vld.idx.msk [tilespmem:v9+s31+$0x0], $0xffff  }
0x192: {  	v52 =	vor.u32 v22, v0;
	v9 =	vld.idx.msk [tilespmem:v9+s2+$0x0], $0xffff  }
0x193: {  	v16 =	vld.idx.msk [tilespmem:v11+s31+$0x0], $0xffff  }
0x194: {  	v53 =	vor.u32 v21, v0;
	[tilespmem:$0x1FD40] =	vst v13;
	v13 =	vld [tilespmem:$0x1FF60]  }
0x195: {  	[tilespmem:$0x1FD50] =	vst v8;
	v8 =	vld [tilespmem:$0x1FFB0]  }
0x196: {  	v11 =	vld.idx.msk [tilespmem:v11+s2+$0x0], $0xffff  }
0x197: {  	v55 =	vor.u32 v29, v0;
	v40 =	vld.idx.msk [tilespmem:v52+s31+$0x0], $0xffff  }
0x198: {  	v35 =	vld.idx.msk [tilespmem:v52+s2+$0x0], $0xffff  }
0x199: {  	v56 =	vor.u32 v28, v0;
	v42 =	vld.idx.msk [tilespmem:v53+s31+$0x0], $0xffff  }
0x19a: {  	v13 =	vor.u32 v13, v0;
	v15 =	vor.u32 v8, v0;
	v8 =	vld [tilespmem:$0x1FF20]  }
0x19b: {  	v37 =	vld.idx.msk [tilespmem:v53+s2+$0x0], $0xffff  }
0x19c: {  	v57 =	vor.u32 v32, v0;
	v46 =	vld.idx.msk [tilespmem:v55+s31+$0x0], $0xffff  }
0x19d: {  	v58 =	vor.u32 v25, v0;
	v41 =	vld.idx.msk [tilespmem:v55+s2+$0x0], $0xffff  }
0x19e: {  	v48 =	vld.idx.msk [tilespmem:v56+s31+$0x0], $0xffff  }
0x19f: {  	v50 =	vor.u32 v8, v0;
	v8 =	vld.idx.msk [tilespmem:v13+s31+$0x0], $0xffff  }
0x1a0: {  	v59 =	vor.u32 v30, v0;
	v43 =	vld.idx.msk [tilespmem:v56+s2+$0x0], $0xffff  }
0x1a1: {  	v60 =	vor.u32 v27, v0;
	v45 =	vld.idx.msk [tilespmem:v57+s2+$0x0], $0xffff  }
0x1a2: {  	v52 =	vld.idx.msk [tilespmem:v58+s31+$0x0], $0xffff  }
0x1a3: {  	v47 =	vld.idx.msk [tilespmem:v58+s2+$0x0], $0xffff  }
0x1a4: {  	[tilespmem:$0x1FD20] =	vst v8;
	v8 =	vld [tilespmem:$0x1FF40]  }
0x1a5: {  	v49 =	vld.idx.msk [tilespmem:v59+s2+$0x0], $0xffff  }
0x1a6: {  	v5 =	vor.u32 v18, v0;
	v56 =	vld.idx.msk [tilespmem:v60+s31+$0x0], $0xffff  }
0x1a7: {  	v55 =	vor.u32 v24, v0;
	v24 =	vld [tilespmem:$0x1FEC0]  }
0x1a8: {  	v58 =	vld.idx.msk [tilespmem:v61+s2+$0x0], $0xffff  }
0x1a9: {  	v51 =	vor.u32 v8, v0;
	v8 =	vld.idx.msk [tilespmem:v13+s2+$0x0], $0xffff  }
0x1aa: {  	v53 =	vld.idx.msk [tilespmem:v61+s31+$0x0], $0xffff  }
0x1ab: {  	[tilespmem:$0x1FD70] =	vst v3;
	v3 =	vld.idx.msk [tilespmem:v5+s31+$0x0], $0xffff  }
0x1ac: {  	v2 =	vmul.f32 v2, v6;
	v6 =	vmul.f32 v7, v10;
	v7 =	vld [tilespmem:$0x1FEE0]  }
0x1ad: {  	v36 =	vld.idx.msk [tilespmem:v50+s31+$0x0], $0xffff  }
0x1ae: {  	[tilespmem:$0x1FD30] =	vst v8;
	v8 =	vld [tilespmem:$0x1FF00]  }
0x1af: {  	v17 =	vld.idx.msk [tilespmem:v50+s2+$0x0], $0xffff  }
0x1b0: {  	v50 =	vld.idx.msk [tilespmem:v57+s31+$0x0], $0xffff;
	v57 =	vor.u32 v24, v0  }
0x1b1: {  	v5 =	vld.idx.msk [tilespmem:v5+s2+$0x0], $0xffff  }
0x1b2: {  	v7 =	vor.u32 v7, v0;
	v20 =	vld.idx.msk [tilespmem:v15+s31+$0x0], $0xffff  }
0x1b3: {  	v15 =	vld.idx.msk [tilespmem:v15+s2+$0x0], $0xffff;
	v54 =	vor.u32 v8, v0  }
0x1b4: {  	v24 =	vmov v21;
	v21 =	vld [tilespmem:$0x1FE00]  }
0x1b5: {  	v1 =	vmul.f32 v1, v4;
	v10 =	vmul.f32 v11, v16;
	v4 =	vld.idx.msk [tilespmem:v57+s31+$0x0], $0xffff  }
0x1b6: {  	v3 =	vmul.f32 v5, v3;
	v5 =	vld.idx.msk [tilespmem:v57+s2+$0x0], $0xffff;
	v16 =	vmul.f32 v17, v36  }
0x1b7: {  	v36 =	vmul.f32 v37, v42;
	v42 =	vmul.f32 v43, v48;
	v43 =	vld.idx.msk [tilespmem:v7+s31+$0x0], $0xffff  }
0x1b8: {  	v8 =	vld.idx.msk [tilespmem:v54+s31+$0x0], $0xffff  }
0x1b9: {  	v39 =	vld.idx.msk [tilespmem:v54+s2+$0x0], $0xffff  }
0x1ba: {  	v54 =	vld.idx.msk [tilespmem:v59+s31+$0x0], $0xffff;
	v59 =	vor.u32 v21, v0  }
0x1bb: {  	v7 =	vld.idx.msk [tilespmem:v7+s2+$0x0], $0xffff  }
0x1bc: {  	v21 =	vld [tilespmem:$0x1FED0]  }
0x1bd: {  	v13 =	vld.idx.msk [tilespmem:v51+s31+$0x0], $0xffff  }
0x1be: {  	v19 =	vld.idx.msk [tilespmem:v51+s2+$0x0], $0xffff  }
0x1bf: {  	v11 =	vld.idx.msk [tilespmem:v59+s31+$0x0], $0xffff  }
0x1c0: {  	v9 =	vmul.f32 v9, v14;
	v14 =	vmul.f32 v15, v20;
	v15 =	vld.idx.msk [tilespmem:v59+s2+$0x0], $0xffff  }
0x1c1: {  	v61 =	vor.u32 v21, v0;
	v59 =	vld [tilespmem:$0x1FF10]  }
0x1c2: {  	v51 =	vld.idx.msk [tilespmem:v60+s2+$0x0], $0xffff  }
0x1c3: {  	v60 =	vld.idx.msk [tilespmem:v55+s31+$0x0], $0xffff  }
0x1c4: {  	v21 =	vld [tilespmem:$0x1FE80]  }
0x1c5: {  	v20 =	vmul.f32 v35, v40;
	v40 =	vor.u32 v26, v0;
	v55 =	vld.idx.msk [tilespmem:v55+s2+$0x0], $0xffff  }
0x1c6: {  	v17 =	vor.u32 v59, v0;
	v35 =	vld.idx.msk [tilespmem:v61+s31+$0x0], $0xffff  }
0x1c7: {  	v4 =	vmul.f32 v5, v4;
	v5 =	vmul.f32 v15, v11;
	v11 =	vld [tilespmem:$0x1FFA0]  }
0x1c8: {  	v30 =	vmov v32;
	v41 =	vmul.f32 v41, v46;
	v32 =	vld.idx.msk [tilespmem:v61+s2+$0x0], $0xffff  }
0x1c9: {  	v58 =	vmul.f32 v58, v53;
	v39 =	vmul.f32 v39, v8;
	v8 =	vld [tilespmem:$0x1FD20];
	v48 =	vor.u32 v21, v0  }
0x1ca: {  	v59 =	vmul.f32 v55, v60;
	v61 =	vmul.f32 v51, v56;
	v51 =	vld.idx.msk [tilespmem:v40+s31+$0x0], $0xffff  }
0x1cb: {  	v46 =	vmul.f32 v47, v52;
	v53 =	vor.u32 v23, v0;
	v57 =	vmul.f32 v49, v54;
	v54 =	vld.idx.msk [tilespmem:v17+s31+$0x0], $0xffff  }
0x1cc: {  	v15 =	vadd.f32 $0.0e+00, v58;
	v60 =	vadd.f32 $0.0e+00, v59;
	v0 =	vor.u32 v11, v0;
	v11 =	vld.idx.msk [tilespmem:v17+s2+$0x0], $0xffff  }
0x1cd: {  	v55 =	vld.idx.msk [tilespmem:v40+s2+$0x0], $0xffff;
	v5 =	vadd.f32 $0.0e+00, v5;
	v35 =	vmul.f32 v32, v35  }
0x1ce: {  	v15 =	vadd.f32 v46, v15;
	v17 =	vadd.f32 v57, v60;
	v57 =	vld.idx.msk [tilespmem:v48+s31+$0x0], $0xffff  }
0x1cf: {  	v7 =	vmul.f32 v7, v43;
	v4 =	vadd.f32 $0.0e+00, v4;
	v58 =	vld.idx.msk [tilespmem:v48+s2+$0x0], $0xffff;
	v5 =	vadd.f32 v35, v5  }
0x1d0: {  	v56 =	vmul.f32 v45, v50;
	v15 =	vadd.f32 v41, v15;
	v60 =	vmul.f32 v19, v13;
	v13 =	vld [tilespmem:$0x1FD30]  }
0x1d1: {  	v4 =	vadd.f32 v61, v4;
	v61 =	vld.idx.msk [tilespmem:v53+s31+$0x0], $0xffff;
	v5 =	vadd.f32 v7, v5;
	v7 =	vmul.f32 v11, v54  }
0x1d2: {  	v59 =	vld.idx.msk [tilespmem:v0+s31+$0x0], $0xffff;
	v11 =	vadd.f32 v20, v15  }
0x1d3: {  	v4 =	vadd.f32 v56, v4;
	v0 =	vld.idx.msk [tilespmem:v0+s2+$0x0], $0xffff;
	v5 =	vadd.f32 v7, v5;
	v7 =	vmul.f32 v55, v51  }
0x1d4: {  	v17 =	vadd.f32 v42, v17;
	v20 =	vld.idx.msk [tilespmem:v53+s2+$0x0], $0xffff;
	v11 =	vadd.f32 v14, v11  }
0x1d5: {  	v13 =	vmul.f32 v13, v8;
	v8 =	vld [tilespmem:$0x1FD40];
	v5 =	vadd.f32 v7, v5;
	v7 =	vmul.f32 v58, v57  }
0x1d6: {  	v15 =	vadd.f32 v36, v17;
	v9 =	vadd.f32 v9, v11;
	v11 =	vld [tilespmem:$0x1FD50]  }
0x1d7: {  	v4 =	vadd.f32 v39, v4;
	v5 =	vadd.f32 v7, v5;
	v7 =	vld [tilespmem:$0x1FD60]  }
0x1d8: {  	v14 =	vadd.f32 v16, v15;
	v3 =	vadd.f32 v3, v9;
	v9 =	vld [tilespmem:$0x1FD70]  }
0x1d9: {  	v4 =	vadd.f32 v60, v4  }
0x1da: {  	v10 =	vadd.f32 v10, v14;
	v0 =	vmul.f32 v0, v59  }
0x1db: {  	v4 =	vadd.f32 v13, v4;
	v8 =	vmul.f32 v11, v8  }
0x1dc: {  	v6 =	vadd.f32 v6, v10;
	v0 =	vadd.f32 v0, v5  }
0x1dd: {  	s13 =	simm.s32 $0x10;
	v5 =	vmul.f32 v20, v61;
	v7 =	vmul.f32 v9, v7;
	v4 =	vadd.f32 v8, v4  }
0x1de: {  	v1 =	vadd.f32 v1, v3;
	v2 =	vadd.f32 v2, v6;
	v8 =	vmov s13  }
0x1df: {  	v0 =	vadd.f32 v5, v0;
	v3 =	vshll.u32 v8, $0x5;
	v4 =	vadd.f32 v7, v4  }
0x1e0: {  	v37 =	vor.u32 v12, v3  }
0x1e1: {  	v1 =	vadd.f32 v2, v1;
	v3 =	vor.u32 v63, v37;
	v0 =	vadd.f32 v0, v4;
	_ =	sdelay $0x1  }
0x1e2: {  	v2 =	vor.u32 v33, v37;
	v0 =	vadd.f32 v0, v1  }
0x1e3: {  	s7 =	simm.s32 $0x1CCF0  }
0x1e4: {  	v1 =	vor.u32 v62, v37;
	[tilespmem:s7+$0x0] =	vst v0  }
0x1e5: {  	v43 =	vld.idx.msk [tilespmem:v3+s31+$0x0], $0xffff  }
0x1e6: {  	v0 =	vor.u32 v18, v37;
	v45 =	vld.idx.msk [tilespmem:v3+s2+$0x0], $0xffff  }
0x1e7: {  	v46 =	vld.idx.msk [tilespmem:v2+s31+$0x0], $0xffff  }
0x1e8: {  	v47 =	vld.idx.msk [tilespmem:v2+s2+$0x0], $0xffff  }
0x1e9: {  	v3 =	vor.u32 v34, v37;
	v33 =	vld.idx.msk [tilespmem:v1+s31+$0x0], $0xffff  }
0x1ea: {  	v34 =	vld.idx.msk [tilespmem:v1+s2+$0x0], $0xffff  }
0x1eb: {  	v2 =	vor.u32 v38, v37;
	v48 =	vld.idx.msk [tilespmem:v0+s31+$0x0], $0xffff  }
0x1ec: {  	v49 =	vld.idx.msk [tilespmem:v0+s2+$0x0], $0xffff  }
0x1ed: {  	v0 =	vld [tilespmem:$0x1FF50]  }
0x1ee: {  	v50 =	vld.idx.msk [tilespmem:v3+s31+$0x0], $0xffff  }
0x1ef: {  	v1 =	vor.u32 v44, v37;
	v51 =	vld.idx.msk [tilespmem:v3+s2+$0x0], $0xffff  }
0x1f0: {  	v35 =	vld.idx.msk [tilespmem:v2+s31+$0x0], $0xffff  }
0x1f1: {  	v3 =	vld [tilespmem:$0x1FF60]  }
0x1f2: {  	v36 =	vld.idx.msk [tilespmem:v2+s2+$0x0], $0xffff  }
0x1f3: {  	v2 =	vld [tilespmem:$0x1FFB0]  }
0x1f4: {  	v52 =	vld.idx.msk [tilespmem:v1+s31+$0x0], $0xffff;
	v0 =	vor.u32 v0, v37  }
0x1f5: {  	v53 =	vld.idx.msk [tilespmem:v1+s2+$0x0], $0xffff  }
0x1f6: {  	v1 =	vld [tilespmem:$0x1FF20]  }
0x1f7: {  	v3 =	vor.u32 v3, v37  }
0x1f8: {  	v7 =	vld [tilespmem:$0x1FE20]  }
0x1f9: {  	v2 =	vor.u32 v2, v37;
	v54 =	vld.idx.msk [tilespmem:v0+s31+$0x0], $0xffff  }
0x1fa: {  	v56 =	vld.idx.msk [tilespmem:v0+s2+$0x0], $0xffff  }
0x1fb: {  	v1 =	vor.u32 v1, v37;
	v0 =	vld [tilespmem:$0x1FF40]  }
0x1fc: {  	v38 =	vld.idx.msk [tilespmem:v3+s31+$0x0], $0xffff  }
0x1fd: {  	v39 =	vld.idx.msk [tilespmem:v3+s2+$0x0], $0xffff  }
0x1fe: {  	v6 =	vor.u32 v30, v37;
	v58 =	vld.idx.msk [tilespmem:v2+s31+$0x0], $0xffff  }
0x1ff: {  	v59 =	vld.idx.msk [tilespmem:v2+s2+$0x0], $0xffff  }
0x200: {  	v3 =	vor.u32 v22, v37;
	v60 =	vld.idx.msk [tilespmem:v1+s31+$0x0], $0xffff  }
0x201: {  	v2 =	vor.u32 v24, v37;
	v61 =	vld.idx.msk [tilespmem:v1+s2+$0x0], $0xffff  }
0x202: {  	v1 =	vld [tilespmem:$0x1FF00]  }
0x203: {  	v55 =	vld.idx.msk [tilespmem:v6+s31+$0x0], $0xffff;
	v0 =	vor.u32 v0, v37  }
0x204: {  	v57 =	vld.idx.msk [tilespmem:v6+s2+$0x0], $0xffff  }
0x205: {  	v62 =	vld.idx.msk [tilespmem:v3+s31+$0x0], $0xffff  }
0x206: {  	v5 =	vor.u32 v29, v37;
	v63 =	vld.idx.msk [tilespmem:v2+s31+$0x0], $0xffff  }
0x207: {  	v24 =	vmov v1;
	v4 =	vor.u32 v1, v37;
	v1 =	vld.idx.msk [tilespmem:v2+s2+$0x0], $0xffff  }
0x208: {  	v40 =	vld.idx.msk [tilespmem:v0+s31+$0x0], $0xffff  }
0x209: {  	v27 =	vmov v28;
	v41 =	vld.idx.msk [tilespmem:v0+s2+$0x0], $0xffff  }
0x20a: {  	v0 =	vld.idx.msk [tilespmem:v3+s2+$0x0], $0xffff;
	v3 =	vor.u32 v27, v37  }
0x20b: {  	v2 =	vld.idx.msk [tilespmem:v5+s31+$0x0], $0xffff  }
0x20c: {  	v42 =	vld.idx.msk [tilespmem:v4+s31+$0x0], $0xffff  }
0x20d: {  	v44 =	vld.idx.msk [tilespmem:v4+s2+$0x0], $0xffff  }
0x20e: {  	v4 =	vld.idx.msk [tilespmem:v5+s2+$0x0], $0xffff  }
0x20f: {  	v5 =	vld.idx.msk [tilespmem:v3+s31+$0x0], $0xffff  }
0x210: {  	v31 =	vmovc v25;
	v28 =	vmovc v26;
	v26 =	vmov v30;
	v30 =	vmov v7;
	v11 =	vor.u32 v7, v37;
	v7 =	vld.idx.msk [tilespmem:v3+s2+$0x0], $0xffff  }
0x211: {  	v9 =	vor.u32 v31, v37;
	v6 =	vlaneseq.u32;
	v3 =	vld [tilespmem:$0x1FE30]  }
0x212: {  	v14 =	vor.u32 v6, v37;
	v6 =	vld [tilespmem:$0x1FEB0];
	_ =	sdelay $0x3  }
0x213: {  	v8 =	vld.idx.msk [tilespmem:v9+s31+$0x0], $0xffff;
	v15 =	vor.u32 v3, v37  }
0x214: {  	v23 =	vmov v6;
	v13 =	vor.u32 v6, v37;
	v6 =	vld [tilespmem:$0x1FEC0]  }
0x215: {  	v9 =	vld.idx.msk [tilespmem:v9+s2+$0x0], $0xffff  }
0x216: {  	v10 =	vld.idx.msk [tilespmem:v11+s31+$0x0], $0xffff  }
0x217: {  	v11 =	vld.idx.msk [tilespmem:v11+s2+$0x0], $0xffff  }
0x218: {  	v32 =	vmov v22;
	v22 =	vmov v31;
	v31 =	vmov v3;
	v3 =	vld.idx.msk [tilespmem:v15+s31+$0x0], $0xffff  }
0x219: {  	s8 =	simm.s32 $0x20;
	v25 =	vmov v27;
	v12 =	vor.u32 v6, v37;
	v27 =	vmov v6;
	v6 =	vld.idx.msk [tilespmem:v15+s2+$0x0], $0xffff  }
.LBB2_5:
0x21a: {  	_ =	sdelay $0x3  }
0x21b: {  	v15 =	vld.idx.msk [tilespmem:v14+s2+$0x0], $0xffff  }
0x21c: {  	v14 =	vld.idx.msk [tilespmem:v14+s31+$0x0], $0xffff  }
0x21d: {  	v16 =	vld [tilespmem:$0x1FE00]  }
0x21e: {  	v17 =	vld.idx.msk [tilespmem:v13+s31+$0x0], $0xffff  }
0x21f: {  	v18 =	vld [tilespmem:$0x1FED0]  }
0x220: {  	v13 =	vld.idx.msk [tilespmem:v13+s2+$0x0], $0xffff  }
0x221: {  	v20 =	vld [tilespmem:$0x1FEE0]  }
0x222: {  	v19 =	vld.idx.msk [tilespmem:v12+s31+$0x0], $0xffff;
	v43 =	vmul.f32 v45, v43;
	v16 =	vor.u32 v16, v37  }
0x223: {  	v45 =	vmul.f32 v47, v46;
	v47 =	vmul.f32 v49, v48;
	v49 =	vld [tilespmem:$0x1FF10]  }
0x224: {  	v12 =	vld.idx.msk [tilespmem:v12+s2+$0x0], $0xffff;
	v1 =	vmul.f32 v1, v63;
	v2 =	vmul.f32 v4, v2;
	v18 =	vor.u32 v18, v37  }
0x225: {  	v4 =	vmul.f32 v7, v5;
	v63 =	vld [tilespmem:$0x1FFA0];
	v7 =	vmul.f32 v9, v8  }
0x226: {  	v8 =	vmul.f32 v11, v10;
	v20 =	vor.u32 v20, v37;
	v11 =	vmul.f32 v15, v14;
	v15 =	vld [tilespmem:$0x1FE90]  }
0x227: {  	v46 =	vld.idx.msk [tilespmem:v16+s31+$0x0], $0xffff  }
0x228: {  	v49 =	vor.u32 v49, v37;
	v16 =	vld.idx.msk [tilespmem:v16+s2+$0x0], $0xffff  }
0x229: {  	v48 =	vmul.f32 v51, v50;
	v50 =	vmul.f32 v53, v52;
	v52 =	vld.idx.msk [tilespmem:v18+s31+$0x0], $0xffff  }
0x22a: {  	v60 =	vmul.f32 v61, v60;
	v61 =	vor.u32 v28, v37;
	v18 =	vld.idx.msk [tilespmem:v18+s2+$0x0], $0xffff  }
0x22b: {  	v0 =	vmul.f32 v0, v62;
	v5 =	vld.idx.msk [tilespmem:v20+s31+$0x0], $0xffff  }
0x22c: {  	v10 =	vor.u32 v21, v37;
	v13 =	vmul.f32 v13, v17;
	v12 =	vmul.f32 v12, v19;
	v9 =	vld.idx.msk [tilespmem:v20+s2+$0x0], $0xffff  }
0x22d: {  	v3 =	vmul.f32 v6, v3;
	v11 =	vadd.f32 $0.0e+00, v11;
	v14 =	vld.idx.msk [tilespmem:v49+s31+$0x0], $0xffff;
	v16 =	vmul.f32 v16, v46  }
0x22e: {  	v13 =	vadd.f32 $0.0e+00, v13;
	v12 =	vadd.f32 $0.0e+00, v12;
	v19 =	vor.u32 v63, v37;
	v62 =	vld.idx.msk [tilespmem:v49+s2+$0x0], $0xffff  }
0x22f: {  	v6 =	vld.idx.msk [tilespmem:v61+s31+$0x0], $0xffff;
	v7 =	vadd.f32 v7, v11;
	v18 =	vmul.f32 v18, v52;
	v16 =	vadd.f32 $0.0e+00, v16  }
0x230: {  	v8 =	vadd.f32 v8, v13;
	v11 =	vmul.f32 v57, v55;
	v15 =	vor.u32 v15, v37;
	v20 =	vld.idx.msk [tilespmem:v61+s2+$0x0], $0xffff  }
0x231: {  	v13 =	vld.idx.msk [tilespmem:v10+s31+$0x0], $0xffff;
	v3 =	vadd.f32 v3, v12;
	v5 =	vmul.f32 v9, v5;
	v12 =	vadd.f32 v18, v16  }
0x232: {  	v2 =	vadd.f32 v2, v7;
	v4 =	vadd.f32 v4, v8;
	v7 =	vmul.f32 v44, v42;
	v9 =	vld.idx.msk [tilespmem:v10+s2+$0x0], $0xffff  }
0x233: {  	v3 =	vadd.f32 v11, v3;
	v8 =	vld.idx.msk [tilespmem:v19+s31+$0x0], $0xffff;
	v10 =	vmul.f32 v62, v14;
	v5 =	vadd.f32 v5, v12  }
0x234: {  	v11 =	vld.idx.msk [tilespmem:v19+s2+$0x0], $0xffff;
	v0 =	vadd.f32 v0, v2;
	v1 =	vadd.f32 v1, v4;
	v2 =	vmul.f32 v41, v40  }
0x235: {  	v3 =	vadd.f32 v7, v3;
	v4 =	vld.idx.msk [tilespmem:v15+s31+$0x0], $0xffff;
	v6 =	vmul.f32 v20, v6;
	v5 =	vadd.f32 v10, v5  }
0x236: {  	v7 =	vld.idx.msk [tilespmem:v15+s2+$0x0], $0xffff  }
0x237: {  	v2 =	vadd.f32 v2, v3;
	v3 =	vadd.f32 v6, v5;
	v5 =	vmul.f32 v9, v13  }
0x238: {  	v53 =	vmul.f32 v59, v58  }
0x239: {  	v3 =	vadd.f32 v5, v3;
	v5 =	vmul.f32 v11, v8  }
0x23a: {  	v51 =	vmul.f32 v56, v54;
	v0 =	vadd.f32 v53, v0;
	v1 =	vadd.f32 v60, v1  }
0x23b: {  	v4 =	vmul.f32 v7, v4;
	v10 =	vmul.f32 v39, v38;
	v3 =	vadd.f32 v5, v3  }
0x23c: {  	v0 =	vadd.f32 v50, v0;
	v1 =	vadd.f32 v51, v1  }
0x23d: {  	v6 =	vmul.f32 v36, v35;
	v2 =	vadd.f32 v10, v2;
	v3 =	vadd.f32 v4, v3;
	v4 =	vld [tilespmem:$0x1FEA0]  }
0x23e: {  	v0 =	vadd.f32 v47, v0  }
0x23f: {  	v1 =	vadd.f32 v48, v1;
	v8 =	vmul.f32 v34, v33;
	v2 =	vadd.f32 v6, v2  }
0x240: {  	v0 =	vadd.f32 v43, v0;
	v5 =	vmov s8  }
0x241: {  	v1 =	vadd.f32 v45, v1;
	v2 =	vadd.f32 v8, v2;
	v5 =	vshll.u32 v5, $0x5  }
0x242: {  	v37 =	vor.u32 v4, v5  }
0x243: {  	v0 =	vadd.f32 v1, v0;
	v1 =	vadd.f32 v3, v2;
	v2 =	vld [tilespmem:$0x1FFD0];
	v6 =	vor.u32 v26, v37  }
0x244: {  	v3 =	vld [tilespmem:$0x1FF80]  }
0x245: {  	v0 =	vadd.f32 v1, v0;
	v1 =	vld [tilespmem:$0x1FFE0];
	v9 =	vor.u32 v22, v37  }
0x246: {  	s7 =	sadd.s32 $0x10, s7;
	v4 =	vld [tilespmem:$0x1FFC0]  }
0x247: {  	[tilespmem:s7+$0x0] =	vst v0;
	v0 =	vld [tilespmem:$0x1FF70];
	v11 =	vor.u32 v30, v37  }
0x248: {  	v55 =	vld.idx.msk [tilespmem:v6+s31+$0x0], $0xffff  }
0x249: {  	v15 =	vor.u32 v31, v37;
	v57 =	vld.idx.msk [tilespmem:v6+s2+$0x0], $0xffff  }
0x24a: {  	v2 =	vor.u32 v2, v37;
	v8 =	vld.idx.msk [tilespmem:v9+s31+$0x0], $0xffff  }
0x24b: {  	v9 =	vld.idx.msk [tilespmem:v9+s2+$0x0], $0xffff  }
0x24c: {  	v10 =	vld.idx.msk [tilespmem:v11+s31+$0x0], $0xffff  }
0x24d: {  	v3 =	vor.u32 v3, v37;
	v11 =	vld.idx.msk [tilespmem:v11+s2+$0x0], $0xffff  }
0x24e: {  	v6 =	vld.idx.msk [tilespmem:v15+s2+$0x0], $0xffff  }
0x24f: {  	v46 =	vld.idx.msk [tilespmem:v2+s31+$0x0], $0xffff  }
0x250: {  	v0 =	vor.u32 v0, v37;
	v47 =	vld.idx.msk [tilespmem:v2+s2+$0x0], $0xffff  }
0x251: {  	v2 =	vld [tilespmem:$0x1FF90]  }
0x252: {  	v50 =	vld.idx.msk [tilespmem:v3+s31+$0x0], $0xffff  }
0x253: {  	v1 =	vor.u32 v1, v37;
	v51 =	vld.idx.msk [tilespmem:v3+s2+$0x0], $0xffff  }
0x254: {  	v3 =	vld [tilespmem:$0x1FF60]  }
0x255: {  	v4 =	vor.u32 v4, v37;
	v48 =	vld.idx.msk [tilespmem:v0+s31+$0x0], $0xffff  }
0x256: {  	v49 =	vld.idx.msk [tilespmem:v0+s2+$0x0], $0xffff  }
0x257: {  	v0 =	vld [tilespmem:$0x1FF50]  }
0x258: {  	v33 =	vld.idx.msk [tilespmem:v1+s31+$0x0], $0xffff;
	v2 =	vor.u32 v2, v37  }
0x259: {  	v34 =	vld.idx.msk [tilespmem:v1+s2+$0x0], $0xffff  }
0x25a: {  	v43 =	vld.idx.msk [tilespmem:v4+s31+$0x0], $0xffff  }
0x25b: {  	v45 =	vld.idx.msk [tilespmem:v4+s2+$0x0], $0xffff;
	v4 =	vor.u32 v24, v37  }
0x25c: {  	v1 =	vld [tilespmem:$0x1FF30];
	v0 =	vor.u32 v0, v37  }
0x25d: {  	v35 =	vld.idx.msk [tilespmem:v2+s31+$0x0], $0xffff  }
0x25e: {  	v36 =	vld.idx.msk [tilespmem:v2+s2+$0x0], $0xffff  }
0x25f: {  	v3 =	vor.u32 v3, v37;
	v2 =	vld [tilespmem:$0x1FFB0]  }
0x260: {  	v42 =	vld.idx.msk [tilespmem:v4+s31+$0x0], $0xffff  }
0x261: {  	v1 =	vor.u32 v1, v37;
	v54 =	vld.idx.msk [tilespmem:v0+s31+$0x0], $0xffff  }
0x262: {  	v56 =	vld.idx.msk [tilespmem:v0+s2+$0x0], $0xffff  }
0x263: {  	v0 =	vld [tilespmem:$0x1FF40]  }
0x264: {  	v38 =	vld.idx.msk [tilespmem:v3+s31+$0x0], $0xffff;
	v2 =	vor.u32 v2, v37  }
0x265: {  	v39 =	vld.idx.msk [tilespmem:v3+s2+$0x0], $0xffff  }
0x266: {  	v52 =	vld.idx.msk [tilespmem:v1+s31+$0x0], $0xffff  }
0x267: {  	v3 =	vor.u32 v32, v37;
	v53 =	vld.idx.msk [tilespmem:v1+s2+$0x0], $0xffff  }
0x268: {  	v1 =	vld [tilespmem:$0x1FF20];
	v0 =	vor.u32 v0, v37  }
0x269: {  	v58 =	vld.idx.msk [tilespmem:v2+s31+$0x0], $0xffff  }
0x26a: {  	v59 =	vld.idx.msk [tilespmem:v2+s2+$0x0], $0xffff  }
0x26b: {  	v2 =	vld [tilespmem:$0x1FEF0]  }
0x26c: {  	v5 =	vor.u32 v29, v37;
	v62 =	vld.idx.msk [tilespmem:v3+s31+$0x0], $0xffff  }
0x26d: {  	v1 =	vor.u32 v1, v37;
	v40 =	vld.idx.msk [tilespmem:v0+s31+$0x0], $0xffff  }
0x26e: {  	v41 =	vld.idx.msk [tilespmem:v0+s2+$0x0], $0xffff  }
0x26f: {  	v0 =	vld.idx.msk [tilespmem:v3+s2+$0x0], $0xffff;
	v3 =	vor.u32 v25, v37  }
0x270: {  	v44 =	vld.idx.msk [tilespmem:v4+s2+$0x0], $0xffff;
	v2 =	vor.u32 v2, v37  }
0x271: {  	v4 =	vld.idx.msk [tilespmem:v5+s2+$0x0], $0xffff  }
0x272: {  	v60 =	vld.idx.msk [tilespmem:v1+s31+$0x0], $0xffff  }
0x273: {  	v61 =	vld.idx.msk [tilespmem:v1+s2+$0x0], $0xffff  }
0x274: {  	p0 =	sne.s32 s8, $0x180;
	v7 =	vld.idx.msk [tilespmem:v3+s2+$0x0], $0xffff  }
.Ltmp1:
0x275: {  	v63 =	vld.idx.msk [tilespmem:v2+s31+$0x0], $0xffff;
	(pc) =	sbr.rel @p0 .LBB2_5-.Ltmp1, $4  }
0x276: {  	v1 =	vld.idx.msk [tilespmem:v2+s2+$0x0], $0xffff  }
0x277: {  	v2 =	vld.idx.msk [tilespmem:v5+s31+$0x0], $0xffff  }
0x278: {  	v5 =	vld.idx.msk [tilespmem:v3+s31+$0x0], $0xffff;
	v3 =	vlaneseq.u32  }
0x279: {  	s8 =	sadd.s32 $0x10, s8;
	v13 =	vor.u32 v23, v37;
	v12 =	vor.u32 v27, v37;
	v14 =	vor.u32 v3, v37;
	v3 =	vld.idx.msk [tilespmem:v15+s31+$0x0], $0xffff  }
0x27a: {  	_ =	sdelay $0x3  }
0x27b: {  	v15 =	vld.idx.msk [tilespmem:v14+s2+$0x0], $0xffff  }
0x27c: {  	v14 =	vld.idx.msk [tilespmem:v14+s31+$0x0], $0xffff  }
0x27d: {  	v16 =	vld [tilespmem:$0x1FE00]  }
0x27e: {  	v17 =	vld.idx.msk [tilespmem:v13+s31+$0x0], $0xffff  }
0x27f: {  	v13 =	vld.idx.msk [tilespmem:v13+s2+$0x0], $0xffff  }
0x280: {  	v20 =	vld [tilespmem:$0x1FED0]  }
0x281: {  	v19 =	vld.idx.msk [tilespmem:v12+s31+$0x0], $0xffff;
	v25 =	vmul.f32 v47, v46  }
0x282: {  	v46 =	vld [tilespmem:$0x1FEE0];
	v47 =	vmul.f32 v51, v50;
	v50 =	vmul.f32 v56, v54;
	v56 =	vor.u32 v28, v37  }
0x283: {  	v12 =	vld.idx.msk [tilespmem:v12+s2+$0x0], $0xffff;
	v16 =	vor.u32 v16, v37  }
0x284: {  	v22 =	vmul.f32 v45, v43;
	v26 =	vmul.f32 v49, v48;
	v49 =	vld [tilespmem:$0x1FF10]  }
0x285: {  	v43 =	vmul.f32 v53, v52;
	v52 =	vmul.f32 v59, v58;
	v58 =	vld [tilespmem:$0x1FE90];
	v18 =	vor.u32 v20, v37  }
0x286: {  	v0 =	vmul.f32 v0, v62;
	v62 =	vld [tilespmem:$0x1FFA0]  }
0x287: {  	v3 =	vmul.f32 v6, v3;
	v45 =	vor.u32 v46, v37;
	v6 =	vld.idx.msk [tilespmem:v56+s31+$0x0], $0xffff  }
0x288: {  	v48 =	vld.idx.msk [tilespmem:v16+s31+$0x0], $0xffff  }
0x289: {  	v53 =	vmul.f32 v61, v60;
	v51 =	vor.u32 v49, v37;
	v16 =	vld.idx.msk [tilespmem:v16+s2+$0x0], $0xffff  }
0x28a: {  	v1 =	vmul.f32 v1, v63;
	v2 =	vmul.f32 v4, v2;
	v54 =	vld.idx.msk [tilespmem:v18+s31+$0x0], $0xffff  }
0x28b: {  	v4 =	vmul.f32 v7, v5;
	v7 =	vmul.f32 v9, v8;
	v18 =	vld.idx.msk [tilespmem:v18+s2+$0x0], $0xffff  }
0x28c: {  	v8 =	vmul.f32 v11, v10;
	v9 =	vor.u32 v21, v37;
	v11 =	vmul.f32 v15, v14;
	v5 =	vld.idx.msk [tilespmem:v45+s31+$0x0], $0xffff  }
0x28d: {  	v13 =	vmul.f32 v13, v17;
	v12 =	vmul.f32 v12, v19;
	v10 =	vld.idx.msk [tilespmem:v45+s2+$0x0], $0xffff  }
0x28e: {  	v17 =	vor.u32 v62, v37;
	v11 =	vadd.f32 $0.0e+00, v11;
	v15 =	vld.idx.msk [tilespmem:v51+s31+$0x0], $0xffff;
	v16 =	vmul.f32 v16, v48  }
0x28f: {  	v14 =	vor.u32 v58, v37;
	v13 =	vadd.f32 $0.0e+00, v13;
	v12 =	vadd.f32 $0.0e+00, v12;
	v19 =	vld.idx.msk [tilespmem:v51+s2+$0x0], $0xffff  }
0x290: {  	v60 =	vld.idx.msk [tilespmem:v56+s2+$0x0], $0xffff;
	v7 =	vadd.f32 v7, v11;
	v18 =	vmul.f32 v18, v54;
	v16 =	vadd.f32 $0.0e+00, v16  }
0x291: {  	v8 =	vadd.f32 v8, v13;
	v11 =	vmul.f32 v57, v55;
	v13 =	vld.idx.msk [tilespmem:v9+s31+$0x0], $0xffff;
	v3 =	vadd.f32 v3, v12  }
0x292: {  	v9 =	vld.idx.msk [tilespmem:v9+s2+$0x0], $0xffff;
	v2 =	vadd.f32 v2, v7;
	v5 =	vmul.f32 v10, v5;
	v12 =	vadd.f32 v18, v16  }
0x293: {  	v4 =	vadd.f32 v4, v8;
	v7 =	vmul.f32 v44, v42;
	v8 =	vld.idx.msk [tilespmem:v17+s31+$0x0], $0xffff;
	v3 =	vadd.f32 v11, v3  }
0x294: {  	v11 =	vld.idx.msk [tilespmem:v17+s2+$0x0], $0xffff;
	v0 =	vadd.f32 v0, v2;
	v10 =	vmul.f32 v19, v15;
	v5 =	vadd.f32 v5, v12  }
0x295: {  	v61 =	vmul.f32 v41, v40;
	v1 =	vadd.f32 v1, v4;
	v4 =	vld.idx.msk [tilespmem:v14+s31+$0x0], $0xffff;
	v3 =	vadd.f32 v7, v3  }
0x296: {  	v6 =	vmul.f32 v60, v6;
	v7 =	vld.idx.msk [tilespmem:v14+s2+$0x0], $0xffff;
	v0 =	vadd.f32 v52, v0;
	v5 =	vadd.f32 v10, v5  }
0x297: {  	v1 =	vadd.f32 v53, v1;
	v2 =	vadd.f32 v61, v3  }
0x298: {  	v29 =	vld [tilespmem:$0x1FF80];
	v10 =	vmul.f32 v39, v38;
	v3 =	vadd.f32 v6, v5;
	v5 =	vmul.f32 v9, v13  }
0x299: {  	v30 =	vld [tilespmem:$0x1FFC0];
	v0 =	vadd.f32 v43, v0;
	v1 =	vadd.f32 v50, v1;
	v6 =	vmul.f32 v36, v35  }
0x29a: {  	v37 =	vld [tilespmem:$0x1FF20];
	v2 =	vadd.f32 v10, v2;
	v3 =	vadd.f32 v5, v3;
	v5 =	vmul.f32 v11, v8  }
0x29b: {  	v44 =	vld [tilespmem:$0x1FFE0];
	v4 =	vmul.f32 v7, v4;
	v0 =	vadd.f32 v26, v0;
	v1 =	vadd.f32 v47, v1  }
0x29c: {  	v61 =	vmovc v23;
	v23 =	vld [tilespmem:$0x1FF70];
	v8 =	vmul.f32 v34, v33;
	v2 =	vadd.f32 v6, v2;
	v3 =	vadd.f32 v5, v3  }
0x29d: {  	v15 =	vld [tilespmem:$0x1FFB0];
	v0 =	vadd.f32 v22, v0;
	v1 =	vadd.f32 v25, v1  }
0x29e: {  	v50 =	vld [tilespmem:$0x1FF60];
	v2 =	vadd.f32 v8, v2;
	v3 =	vadd.f32 v4, v3  }
0x29f: {  	s5 =	sadd.s32 $0x1, s5;
	v18 =	vld [tilespmem:$0x1FF40]  }
0x2a0: {  	p0 =	sne.s32 s5, $0x19;
	v12 =	vld [tilespmem:$0x1FF50];
	v0 =	vadd.f32 v1, v0;
	v63 =	vadd.f32 v3, v2  }
.Ltmp2:
0x2a1: {  	v25 =	vmov v32;
	v32 =	vld [tilespmem:$0x1FEF0];
	(pc) =	sbr.rel @p0 .LBB2_2-.Ltmp2, $4  }
0x2a2: {  	s8 =	sadd.s32 s14, s26;
	v9 =	vld [tilespmem:$0x1FF90];
	v0 =	vadd.f32 v63, v0  }
0x2a3: {  	s7 =	sadd.s32 $0x10, s7;
	s8 =	sshrl.u32 s8, $0x3;
	v33 =	vld [tilespmem:$0x1FFD0]  }
0x2a4: {  	v31 =	vmov v24;
	s26 =	sadd.s32 s4, s8;
	v4 =	vld [tilespmem:$0x1FEA0];
	[tilespmem:s7+$0x0] =	vst v0  }
0x2a5: {  	v17 =	vmovc v27;
	v27 =	vmovc v58;
	v53 =	vlaneseq.u32;
	v19 =	vmov v20;
	v22 =	vmov v28;
	v63 =	vld [tilespmem:$0x1FF30];
	[hbm4b:s26+s3] =	stream.linear.scatter [tilespmem:s21], [sflag:$0x4], $0x190, $0x38  }
0x2a6: {  	_ =	swait.ge [sflag:s23], $0x190  }
0x2a7: {  	[sflag:s23] =	ssyncset.done $0x0  }
0x2a8: {  	[sflag:s23] =	ssyncadd.s32 $0xFFFFFE70  }
0x2a9: {  	_ =	swait.ge [sflag:s20], $0x190  }
0x2aa: {  	[sflag:s20] =	ssyncset.done $0x0  }
0x2ab: {  	s5 =	simm.s32 $0xEA60;
	[sflag:s20] =	ssyncadd.s32 $0xFFFFFE70  }
0x2ac: {  	[tilespmem:s29], [sflag:$0x1] =	stream.indirect.gather [spmem:s0], $0x20, s5, s28, $0xb8;
	[tilespmem:$0x1CE80] =	vst v63  }
0x2ad: {  	s26 =	simm.s32 $0xF6E0;
	s7 =	simm.s32 $0x0;
	s5 =	simm.s32 $0x0  }
0x2ae: {  	[tilespmem:s30], [sflag:$0x1] =	stream.indirect.gather [spmem:s0], $0x20, s26, s28, $0xb8;
	[tilespmem:$0x1CE80] =	vst v63  }
.LBB2_8:
0x2af: {  	_ =	swait.ge [sflag:s19], $0x3200  }
0x2b0: {  	[sflag:s19] =	ssyncset.done $0x0  }
0x2b1: {  	[sflag:s19] =	ssyncadd.s32 $0xFFFFCE00  }
0x2b2: {  	s26 =	smul.u32 $0x320, s7;
	_ =	swait.ge [sflag:s19], $0x3200  }
0x2b3: {  	v0 =	vmov s5;
	[sflag:s19] =	ssyncset.done $0x0  }
0x2b4: {  	p0 =	seq.s32 s7, $0x0;
	v0 =	vshll.u32 v0, $0x5;
	s8 =	sadd.s32 $0xEBF0, s26;
	[sflag:s19] =	ssyncadd.s32 $0xFFFFCE00  }
0x2b5: {  	v0 =	vor.u32 v4, v0;
	[tilespmem:s31], [sflag:$0x2] =	stream.indirect.gather [spmem:s0], $0x20, s8, s28, $0xb8;
	[tilespmem:$0x1CE80] =	vst v63  }
0x2b6: {  	s12 =	sadd.s32 $0xF870, s26;
	v1 =	vor.u32 v30, v0;
	s8 =	simm.s32 @!p0 $0x3  }
0x2b7: {  	[tilespmem:s2], [sflag:$0x2] =	stream.indirect.gather [spmem:s0], $0x20, s12, s28, $0xb8;
	[tilespmem:$0x1CE80] =	vst v63  }
0x2b8: {  	v3 =	vor.u32 v44, v0;
	_ =	swait.ge @!p0 [sflag:s8], $0x190  }
0x2b9: {  	[sflag:s8] =	ssyncset.done @!p0 $0x0  }
0x2ba: {  	[sflag:s8] =	ssyncadd.s32 @!p0 $0xFFFFFE70  }
0x2bb: {  	v28 =	vld.idx.msk [tilespmem:v1+s29+$0x0], $0xffff  }
0x2bc: {  	v24 =	vld.idx.msk [tilespmem:v1+s30+$0x0], $0xffff  }
0x2bd: {  	v1 =	vld.idx.msk [tilespmem:v3+s29+$0x0], $0xffff;
	_ =	sdelay $0x4  }
0x2be: {  	v8 =	vor.u32 v9, v0;
	[tilespmem:$0x1FD00] =	vst v1;
	v1 =	vld.idx.msk [tilespmem:v3+s30+$0x0], $0xffff;
	_ =	sdelay $0x4  }
0x2bf: {  	[tilespmem:$0x1FD10] =	vst v1;
	v1 =	vld.idx.msk [tilespmem:v8+s29+$0x0], $0xffff  }
0x2c0: {  	v2 =	vor.u32 v33, v0;
	_ =	sdelay $0x1  }
0x2c1: {  	v7 =	vor.u32 v29, v0  }
0x2c2: {  	v60 =	vld [tilespmem:$0x1FE30]  }
0x2c3: {  	v13 =	vor.u32 v50, v0;
	[tilespmem:$0x1FCE0] =	vst v1;
	v1 =	vld.idx.msk [tilespmem:v8+s30+$0x0], $0xffff  }
0x2c4: {  	v34 =	vmov v9;
	v9 =	vor.u32 v63, v0;
	v6 =	vld.idx.msk [tilespmem:v2+s29+$0x0], $0xffff  }
0x2c5: {  	v4 =	vld.idx.msk [tilespmem:v2+s30+$0x0], $0xffff  }
0x2c6: {  	v11 =	vor.u32 v12, v0;
	v10 =	vld.idx.msk [tilespmem:v7+s29+$0x0], $0xffff  }
0x2c7: {  	v7 =	vld.idx.msk [tilespmem:v7+s30+$0x0], $0xffff  }
0x2c8: {  	[tilespmem:$0x1FCF0] =	vst v1;
	v1 =	vld.idx.msk [tilespmem:v13+s29+$0x0], $0xffff  }
0x2c9: {  	v38 =	vmov v15;
	v15 =	vor.u32 v15, v0;
	v14 =	vld.idx.msk [tilespmem:v9+s29+$0x0], $0xffff  }
0x2ca: {  	v9 =	vld.idx.msk [tilespmem:v9+s30+$0x0], $0xffff  }
0x2cb: {  	v56 =	vor.u32 v37, v0;
	v16 =	vld.idx.msk [tilespmem:v11+s29+$0x0], $0xffff  }
0x2cc: {  	v11 =	vld.idx.msk [tilespmem:v11+s30+$0x0], $0xffff  }
0x2cd: {  	[tilespmem:$0x1FCC0] =	vst v1;
	v1 =	vld.idx.msk [tilespmem:v13+s30+$0x0], $0xffff  }
0x2ce: {  	v57 =	vor.u32 v18, v0;
	v20 =	vld.idx.msk [tilespmem:v15+s29+$0x0], $0xffff  }
0x2cf: {  	v35 =	vor.u32 v25, v0;
	v15 =	vld.idx.msk [tilespmem:v15+s30+$0x0], $0xffff  }
0x2d0: {  	v36 =	vld.idx.msk [tilespmem:v56+s29+$0x0], $0xffff  }
0x2d1: {  	v26 =	vmov v17;
	v58 =	vor.u32 v32, v0;
	v17 =	vld.idx.msk [tilespmem:v56+s30+$0x0], $0xffff  }
0x2d2: {  	[tilespmem:$0x1FCD0] =	vst v1;
	v1 =	vld [tilespmem:$0x1FE40]  }
0x2d3: {  	v51 =	vmov v19;
	v19 =	vld.idx.msk [tilespmem:v57+s30+$0x0], $0xffff  }
0x2d4: {  	v53 =	vor.u32 v53, v0;
	v40 =	vld.idx.msk [tilespmem:v35+s29+$0x0], $0xffff  }
0x2d5: {  	v5 =	vor.u32 v23, v0;
	v35 =	vld.idx.msk [tilespmem:v35+s30+$0x0], $0xffff  }
0x2d6: {  	v42 =	vld.idx.msk [tilespmem:v58+s29+$0x0], $0xffff  }
0x2d7: {  	v41 =	vor.u32 v1, v0;
	v1 =	vld [tilespmem:$0x1FE50]  }
0x2d8: {  	v39 =	vor.u32 v31, v0;
	v37 =	vld.idx.msk [tilespmem:v58+s30+$0x0], $0xffff  }
0x2d9: {  	v58 =	vld.idx.msk [tilespmem:v53+s30+$0x0], $0xffff  }
0x2da: {  	v3 =	vld.idx.msk [tilespmem:v5+s29+$0x0], $0xffff  }
0x2db: {  	v5 =	vld.idx.msk [tilespmem:v5+s30+$0x0], $0xffff  }
0x2dc: {  	v43 =	vor.u32 v1, v0;
	v1 =	vld [tilespmem:$0x1FE60]  }
0x2dd: {  	v8 =	vld.idx.msk [tilespmem:v39+s29+$0x0], $0xffff  }
0x2de: {  	v13 =	vld.idx.msk [tilespmem:v57+s29+$0x0], $0xffff;
	v57 =	vor.u32 v26, v0  }
0x2df: {  	v39 =	vld.idx.msk [tilespmem:v39+s30+$0x0], $0xffff  }
0x2e0: {  	v53 =	vld.idx.msk [tilespmem:v53+s29+$0x0], $0xffff  }
0x2e1: {  	v45 =	vor.u32 v1, v0;
	v1 =	vld [tilespmem:$0x1FE10]  }
0x2e2: {  	v26 =	vmov v22;
	v22 =	vmov v31;
	v31 =	vmov v21;
	v21 =	vld [tilespmem:$0x1FE00]  }
0x2e3: {  	v3 =	vmul.f32 v5, v3;
	v5 =	vld.idx.msk [tilespmem:v57+s30+$0x0], $0xffff  }
0x2e4: {  	v39 =	vmul.f32 v39, v8;
	v8 =	vld [tilespmem:$0x1FCD0]  }
0x2e5: {  	v25 =	vmov v46;
	v46 =	vld.idx.msk [tilespmem:v41+s29+$0x0], $0xffff  }
0x2e6: {  	v47 =	vor.u32 v1, v0;
	v1 =	vld [tilespmem:$0x1FE20]  }
0x2e7: {  	v41 =	vld.idx.msk [tilespmem:v41+s30+$0x0], $0xffff  }
0x2e8: {  	v48 =	vld.idx.msk [tilespmem:v43+s29+$0x0], $0xffff  }
0x2e9: {  	v55 =	vor.u32 v61, v0;
	v43 =	vld.idx.msk [tilespmem:v43+s30+$0x0], $0xffff  }
0x2ea: {  	v50 =	vld.idx.msk [tilespmem:v45+s29+$0x0], $0xffff  }
0x2eb: {  	v45 =	vld.idx.msk [tilespmem:v45+s30+$0x0], $0xffff;
	v59 =	vor.u32 v1, v0  }
0x2ec: {  	v52 =	vld.idx.msk [tilespmem:v47+s29+$0x0], $0xffff  }
0x2ed: {  	v1 =	vmov v51;
	v51 =	vor.u32 v60, v0;
	v47 =	vld.idx.msk [tilespmem:v47+s30+$0x0], $0xffff  }
0x2ee: {  	v60 =	vld.idx.msk [tilespmem:v55+s29+$0x0], $0xffff  }
0x2ef: {  	v9 =	vmul.f32 v9, v14;
	v55 =	vld.idx.msk [tilespmem:v55+s30+$0x0], $0xffff  }
0x2f0: {  	v14 =	vmul.f32 v15, v20;
	v20 =	vmul.f32 v35, v40;
	v40 =	vor.u32 v26, v0;
	v54 =	vld.idx.msk [tilespmem:v59+s29+$0x0], $0xffff  }
0x2f1: {  	v2 =	vmov v49;
	v49 =	vld.idx.msk [tilespmem:v59+s30+$0x0], $0xffff  }
0x2f2: {  	v61 =	vor.u32 v1, v0;
	v56 =	vld.idx.msk [tilespmem:v51+s29+$0x0], $0xffff  }
0x2f3: {  	v51 =	vld.idx.msk [tilespmem:v51+s30+$0x0], $0xffff;
	v59 =	vor.u32 v21, v0  }
0x2f4: {  	v21 =	vmul.f32 v4, v6;
	v4 =	vld.idx.msk [tilespmem:v57+s29+$0x0], $0xffff  }
0x2f5: {  	v6 =	vmul.f32 v7, v10;
	v7 =	vor.u32 v25, v0;
	v60 =	vmul.f32 v55, v60;
	v55 =	vld.idx.msk [tilespmem:v40+s29+$0x0], $0xffff  }
0x2f6: {  	v10 =	vmul.f32 v11, v16;
	v16 =	vmul.f32 v17, v36;
	v17 =	vor.u32 v2, v0;
	v2 =	vld [tilespmem:$0x1FCC0]  }
0x2f7: {  	v35 =	vld.idx.msk [tilespmem:v61+s29+$0x0], $0xffff  }
0x2f8: {  	v11 =	vld.idx.msk [tilespmem:v59+s29+$0x0], $0xffff  }
0x2f9: {  	v15 =	vld.idx.msk [tilespmem:v59+s30+$0x0], $0xffff  }
0x2fa: {  	v32 =	vld.idx.msk [tilespmem:v61+s30+$0x0], $0xffff  }
0x2fb: {  	v36 =	vmul.f32 v37, v42;
	v42 =	vmul.f32 v43, v48;
	v48 =	vor.u32 v31, v0;
	v43 =	vld.idx.msk [tilespmem:v7+s29+$0x0], $0xffff  }
0x2fc: {  	v57 =	vmul.f32 v49, v54;
	v7 =	vld.idx.msk [tilespmem:v7+s30+$0x0], $0xffff;
	v59 =	vmul.f32 v58, v53  }
0x2fd: {  	v53 =	vor.u32 v27, v0;
	v54 =	vld.idx.msk [tilespmem:v17+s29+$0x0], $0xffff;
	v4 =	vmul.f32 v5, v4;
	v0 =	vor.u32 v62, v0  }
0x2fe: {  	v62 =	vmul.f32 v51, v56;
	v56 =	vld.idx.msk [tilespmem:v40+s30+$0x0], $0xffff;
	v5 =	vmul.f32 v15, v11  }
0x2ff: {  	v41 =	vmul.f32 v41, v46;
	v11 =	vld.idx.msk [tilespmem:v17+s30+$0x0], $0xffff  }
0x300: {  	v61 =	vadd.f32 $0.0e+00, v60;
	v58 =	vld.idx.msk [tilespmem:v48+s29+$0x0], $0xffff;
	v35 =	vmul.f32 v32, v35;
	v5 =	vadd.f32 $0.0e+00, v5  }
0x301: {  	v46 =	vmul.f32 v47, v52;
	v4 =	vadd.f32 $0.0e+00, v4;
	v15 =	vadd.f32 $0.0e+00, v59;
	v59 =	vld.idx.msk [tilespmem:v48+s30+$0x0], $0xffff  }
0x302: {  	v17 =	vadd.f32 v57, v61;
	v7 =	vmul.f32 v7, v43;
	v60 =	vld.idx.msk [tilespmem:v0+s29+$0x0], $0xffff;
	v5 =	vadd.f32 v35, v5  }
0x303: {  	v61 =	vmul.f32 v19, v13;
	v13 =	vmul.f32 v8, v2;
	v2 =	vld [tilespmem:$0x1FCE0];
	v15 =	vadd.f32 v46, v15  }
0x304: {  	v8 =	vld [tilespmem:$0x1FCF0];
	v5 =	vadd.f32 v7, v5;
	v7 =	vmul.f32 v11, v54  }
0x305: {  	v4 =	vadd.f32 v62, v4;
	v57 =	vmul.f32 v45, v50;
	v0 =	vld.idx.msk [tilespmem:v0+s30+$0x0], $0xffff;
	v15 =	vadd.f32 v41, v15  }
0x306: {  	v62 =	vld.idx.msk [tilespmem:v53+s29+$0x0], $0xffff;
	v5 =	vadd.f32 v7, v5;
	v7 =	vmul.f32 v56, v55  }
0x307: {  	v4 =	vadd.f32 v57, v4;
	v11 =	vadd.f32 v20, v15;
	v20 =	vld.idx.msk [tilespmem:v53+s30+$0x0], $0xffff  }
0x308: {  	v17 =	vadd.f32 v42, v17;
	v5 =	vadd.f32 v7, v5;
	v7 =	vmul.f32 v59, v58  }
0x309: {  	v4 =	vadd.f32 v39, v4;
	v8 =	vmul.f32 v8, v2  }
0x30a: {  	v0 =	vmul.f32 v0, v60;
	v2 =	vld [tilespmem:$0x1FD00];
	v15 =	vadd.f32 v36, v17;
	v5 =	vadd.f32 v7, v5  }
0x30b: {  	v4 =	vadd.f32 v61, v4;
	v11 =	vadd.f32 v14, v11;
	v7 =	vld [tilespmem:$0x1FD10]  }
0x30c: {  	v14 =	vadd.f32 v16, v15;
	v0 =	vadd.f32 v0, v5;
	v5 =	vmul.f32 v20, v62  }
0x30d: {  	v4 =	vadd.f32 v13, v4;
	v9 =	vadd.f32 v9, v11  }
0x30e: {  	v10 =	vadd.f32 v10, v14;
	v0 =	vadd.f32 v5, v0;
	v5 =	vld [tilespmem:$0x1FEA0]  }
0x30f: {  	v1 =	vmul.f32 v24, v28;
	v3 =	vadd.f32 v3, v9  }
0x310: {  	s13 =	simm.s32 $0x10;
	v4 =	vadd.f32 v8, v4;
	v6 =	vadd.f32 v6, v10;
	v7 =	vmul.f32 v7, v2  }
0x311: {  	v8 =	vmov s13;
	v1 =	vadd.f32 v1, v3  }
0x312: {  	v3 =	vshll.u32 v8, $0x5;
	v2 =	vadd.f32 v21, v6;
	v4 =	vadd.f32 v7, v4  }
0x313: {  	v37 =	vor.u32 v5, v3  }
0x314: {  	v1 =	vadd.f32 v2, v1;
	v0 =	vadd.f32 v0, v4;
	v3 =	vor.u32 v30, v37;
	_ =	sdelay $0x1  }
0x315: {  	v2 =	vor.u32 v33, v37;
	v0 =	vadd.f32 v0, v1  }
0x316: {  	s10 =	simm.s32 $0x1CB60  }
0x317: {  	v5 =	vld [tilespmem:$0x1FF20];
	v4 =	vor.u32 v22, v37;
	[tilespmem:s10+$0x0] =	vst v0  }
0x318: {  	v1 =	vor.u32 v44, v37;
	v43 =	vld.idx.msk [tilespmem:v3+s29+$0x0], $0xffff  }
0x319: {  	v45 =	vld.idx.msk [tilespmem:v3+s30+$0x0], $0xffff  }
0x31a: {  	v0 =	vor.u32 v23, v37;
	v46 =	vld.idx.msk [tilespmem:v2+s29+$0x0], $0xffff  }
0x31b: {  	v47 =	vld.idx.msk [tilespmem:v2+s30+$0x0], $0xffff  }
0x31c: {  	v3 =	vor.u32 v29, v37;
	v42 =	vld.idx.msk [tilespmem:v4+s29+$0x0], $0xffff  }
0x31d: {  	v33 =	vld.idx.msk [tilespmem:v1+s29+$0x0], $0xffff  }
0x31e: {  	v2 =	vor.u32 v34, v37;
	v34 =	vld.idx.msk [tilespmem:v1+s30+$0x0], $0xffff  }
0x31f: {  	v48 =	vld.idx.msk [tilespmem:v0+s29+$0x0], $0xffff  }
0x320: {  	v49 =	vld.idx.msk [tilespmem:v0+s30+$0x0], $0xffff  }
0x321: {  	v1 =	vor.u32 v63, v37;
	v50 =	vld.idx.msk [tilespmem:v3+s29+$0x0], $0xffff  }
0x322: {  	v51 =	vld.idx.msk [tilespmem:v3+s30+$0x0], $0xffff  }
0x323: {  	v0 =	vor.u32 v12, v37;
	v3 =	vld [tilespmem:$0x1FF60]  }
0x324: {  	v35 =	vld.idx.msk [tilespmem:v2+s29+$0x0], $0xffff  }
0x325: {  	v36 =	vld.idx.msk [tilespmem:v2+s30+$0x0], $0xffff;
	v2 =	vor.u32 v38, v37  }
0x326: {  	v52 =	vld.idx.msk [tilespmem:v1+s29+$0x0], $0xffff  }
0x327: {  	v53 =	vld.idx.msk [tilespmem:v1+s30+$0x0], $0xffff  }
0x328: {  	v54 =	vld.idx.msk [tilespmem:v0+s29+$0x0], $0xffff;
	v3 =	vor.u32 v3, v37  }
0x329: {  	v56 =	vld.idx.msk [tilespmem:v0+s30+$0x0], $0xffff  }
0x32a: {  	v58 =	vld.idx.msk [tilespmem:v2+s29+$0x0], $0xffff  }
0x32b: {  	v59 =	vld.idx.msk [tilespmem:v2+s30+$0x0], $0xffff  }
0x32c: {  	v0 =	vor.u32 v18, v37;
	v2 =	vld [tilespmem:$0x1FEF0]  }
0x32d: {  	v38 =	vld.idx.msk [tilespmem:v3+s29+$0x0], $0xffff  }
0x32e: {  	v39 =	vld.idx.msk [tilespmem:v3+s30+$0x0], $0xffff  }
0x32f: {  	v1 =	vor.u32 v5, v37;
	v3 =	vld [tilespmem:$0x1FFF0]  }
0x330: {  	v44 =	vld.idx.msk [tilespmem:v4+s30+$0x0], $0xffff  }
0x331: {  	v40 =	vld.idx.msk [tilespmem:v0+s29+$0x0], $0xffff  }
0x332: {  	v41 =	vld.idx.msk [tilespmem:v0+s30+$0x0], $0xffff  }
0x333: {  	v0 =	vld [tilespmem:$0x1FE40];
	v2 =	vor.u32 v2, v37  }
0x334: {  	v60 =	vld.idx.msk [tilespmem:v1+s29+$0x0], $0xffff;
	v3 =	vor.u32 v3, v37  }
0x335: {  	v61 =	vld.idx.msk [tilespmem:v1+s30+$0x0], $0xffff  }
0x336: {  	v1 =	vld [tilespmem:$0x1FE50]  }
0x337: {  	v4 =	vld [tilespmem:$0x1FE10]  }
0x338: {  	v25 =	vmovc v29;
	v29 =	vmov v5;
	v22 =	vmov v0;
	v5 =	vor.u32 v0, v37;
	v0 =	vld.idx.msk [tilespmem:v2+s29+$0x0], $0xffff  }
0x339: {  	v62 =	vld.idx.msk [tilespmem:v3+s29+$0x0], $0xffff  }
0x33a: {  	v63 =	vld.idx.msk [tilespmem:v3+s30+$0x0], $0xffff  }
0x33b: {  	v27 =	vmov v1;
	v3 =	vor.u32 v1, v37;
	v1 =	vld.idx.msk [tilespmem:v2+s30+$0x0], $0xffff  }
0x33c: {  	v2 =	vld [tilespmem:$0x1FE60]  }
0x33d: {  	v7 =	vld [tilespmem:$0x1FE20];
	_ =	sdelay $0x2  }
0x33e: {  	v24 =	vmov v4;
	v9 =	vor.u32 v4, v37;
	v4 =	vld.idx.msk [tilespmem:v5+s30+$0x0], $0xffff  }
0x33f: {  	v28 =	vmov v2;
	v6 =	vor.u32 v2, v37;
	v2 =	vld.idx.msk [tilespmem:v5+s29+$0x0], $0xffff  }
0x340: {  	v11 =	vor.u32 v7, v37;
	v5 =	vld.idx.msk [tilespmem:v3+s29+$0x0], $0xffff  }
0x341: {  	v26 =	vmov v7;
	v7 =	vld.idx.msk [tilespmem:v3+s30+$0x0], $0xffff  }
0x342: {  	v3 =	vld [tilespmem:$0x1FE30];
	_ =	sdelay $0x1  }
0x343: {  	v31 =	vmov v23;
	v23 =	vld [tilespmem:$0x1FEC0]  }
0x344: {  	v10 =	vld.idx.msk [tilespmem:v11+s29+$0x0], $0xffff  }
0x345: {  	v55 =	vld.idx.msk [tilespmem:v6+s29+$0x0], $0xffff  }
0x346: {  	v15 =	vor.u32 v3, v37;
	v57 =	vld.idx.msk [tilespmem:v6+s30+$0x0], $0xffff;
	v6 =	vlaneseq.u32  }
0x347: {  	v14 =	vor.u32 v6, v37;
	v6 =	vld [tilespmem:$0x1FEB0]  }
0x348: {  	v11 =	vld.idx.msk [tilespmem:v11+s30+$0x0], $0xffff  }
0x349: {  	v8 =	vld.idx.msk [tilespmem:v9+s29+$0x0], $0xffff  }
0x34a: {  	v9 =	vld.idx.msk [tilespmem:v9+s30+$0x0], $0xffff  }
0x34b: {  	v21 =	vmov v3;
	v3 =	vld.idx.msk [tilespmem:v15+s29+$0x0], $0xffff  }
0x34c: {  	s12 =	simm.s32 $0x20;
	s8 =	sshll.u32 s7, $0x1;
	v30 =	vmovc v12;
	v12 =	vor.u32 v23, v37;
	v32 =	vmov v6;
	v13 =	vor.u32 v6, v37;
	v6 =	vld.idx.msk [tilespmem:v15+s30+$0x0], $0xffff  }
.LBB2_9:
0x34d: {  	_ =	sdelay $0x3  }
0x34e: {  	v15 =	vld.idx.msk [tilespmem:v14+s30+$0x0], $0xffff  }
0x34f: {  	v14 =	vld.idx.msk [tilespmem:v14+s29+$0x0], $0xffff  }
0x350: {  	v16 =	vld [tilespmem:$0x1FE00]  }
0x351: {  	v17 =	vld.idx.msk [tilespmem:v13+s29+$0x0], $0xffff  }
0x352: {  	v13 =	vld.idx.msk [tilespmem:v13+s30+$0x0], $0xffff  }
0x353: {  	v18 =	vld [tilespmem:$0x1FED0]  }
0x354: {  	v19 =	vld.idx.msk [tilespmem:v12+s29+$0x0], $0xffff  }
0x355: {  	v12 =	vld.idx.msk [tilespmem:v12+s30+$0x0], $0xffff  }
0x356: {  	v20 =	vld [tilespmem:$0x1FEE0];
	v43 =	vmul.f32 v45, v43;
	v45 =	vmul.f32 v47, v46  }
0x357: {  	v47 =	vmul.f32 v49, v48;
	v49 =	vld [tilespmem:$0x1FF10];
	v60 =	vmul.f32 v61, v60;
	v16 =	vor.u32 v16, v37  }
0x358: {  	v61 =	vmul.f32 v63, v62;
	v63 =	vld [tilespmem:$0x1FFA0];
	v0 =	vmul.f32 v1, v0  }
0x359: {  	v1 =	vld [tilespmem:$0x1FE70];
	v2 =	vmul.f32 v4, v2;
	v4 =	vmul.f32 v7, v5;
	v18 =	vor.u32 v18, v37  }
0x35a: {  	v7 =	vmul.f32 v9, v8;
	v8 =	vmul.f32 v11, v10;
	v10 =	vld [tilespmem:$0x1FE80]  }
0x35b: {  	v20 =	vor.u32 v20, v37;
	v11 =	vmul.f32 v15, v14;
	v15 =	vld [tilespmem:$0x1FE90]  }
0x35c: {  	v46 =	vld.idx.msk [tilespmem:v16+s29+$0x0], $0xffff  }
0x35d: {  	v49 =	vor.u32 v49, v37;
	v16 =	vld.idx.msk [tilespmem:v16+s30+$0x0], $0xffff  }
0x35e: {  	v48 =	vmul.f32 v51, v50;
	v50 =	vmul.f32 v53, v52;
	v52 =	vld.idx.msk [tilespmem:v18+s29+$0x0], $0xffff  }
0x35f: {  	v1 =	vor.u32 v1, v37;
	v18 =	vld.idx.msk [tilespmem:v18+s30+$0x0], $0xffff  }
0x360: {  	v53 =	vmul.f32 v59, v58;
	v5 =	vld.idx.msk [tilespmem:v20+s29+$0x0], $0xffff  }
0x361: {  	v13 =	vmul.f32 v13, v17;
	v12 =	vmul.f32 v12, v19;
	v10 =	vor.u32 v10, v37;
	v9 =	vld.idx.msk [tilespmem:v20+s30+$0x0], $0xffff  }
0x362: {  	v3 =	vmul.f32 v6, v3;
	v11 =	vadd.f32 $0.0e+00, v11;
	v14 =	vld.idx.msk [tilespmem:v49+s29+$0x0], $0xffff;
	v16 =	vmul.f32 v16, v46  }
0x363: {  	v19 =	vor.u32 v63, v37;
	v13 =	vadd.f32 $0.0e+00, v13;
	v12 =	vadd.f32 $0.0e+00, v12;
	v62 =	vld.idx.msk [tilespmem:v49+s30+$0x0], $0xffff  }
0x364: {  	v7 =	vadd.f32 v7, v11;
	v6 =	vld.idx.msk [tilespmem:v1+s29+$0x0], $0xffff;
	v18 =	vmul.f32 v18, v52;
	v16 =	vadd.f32 $0.0e+00, v16  }
0x365: {  	v8 =	vadd.f32 v8, v13;
	v11 =	vmul.f32 v57, v55;
	v15 =	vor.u32 v15, v37;
	v1 =	vld.idx.msk [tilespmem:v1+s30+$0x0], $0xffff  }
0x366: {  	v3 =	vadd.f32 v3, v12;
	v13 =	vld.idx.msk [tilespmem:v10+s29+$0x0], $0xffff;
	v5 =	vmul.f32 v9, v5;
	v12 =	vadd.f32 v18, v16  }
0x367: {  	v2 =	vadd.f32 v2, v7;
	v4 =	vadd.f32 v4, v8;
	v7 =	vmul.f32 v44, v42;
	v9 =	vld.idx.msk [tilespmem:v10+s30+$0x0], $0xffff  }
0x368: {  	v8 =	vld.idx.msk [tilespmem:v19+s29+$0x0], $0xffff;
	v3 =	vadd.f32 v11, v3;
	v10 =	vmul.f32 v62, v14;
	v5 =	vadd.f32 v5, v12  }
0x369: {  	v11 =	vld.idx.msk [tilespmem:v19+s30+$0x0], $0xffff;
	v2 =	vadd.f32 v61, v2;
	v0 =	vadd.f32 v0, v4;
	v4 =	vmul.f32 v41, v40  }
0x36a: {  	v3 =	vadd.f32 v7, v3;
	v1 =	vmul.f32 v1, v6;
	v6 =	vld.idx.msk [tilespmem:v15+s30+$0x0], $0xffff;
	v5 =	vadd.f32 v10, v5  }
0x36b: {  	v51 =	vmul.f32 v56, v54;
	v2 =	vadd.f32 v53, v2;
	v0 =	vadd.f32 v60, v0;
	v12 =	vld.idx.msk [tilespmem:v15+s29+$0x0], $0xffff  }
0x36c: {  	v3 =	vadd.f32 v4, v3;
	v4 =	vmul.f32 v9, v13;
	v1 =	vadd.f32 v1, v5  }
0x36d: {  	v2 =	vadd.f32 v50, v2;
	v0 =	vadd.f32 v51, v0  }
0x36e: {  	v7 =	vmul.f32 v39, v38;
	v1 =	vadd.f32 v4, v1;
	v4 =	vmul.f32 v11, v8  }
0x36f: {  	v2 =	vadd.f32 v47, v2;
	v0 =	vadd.f32 v48, v0  }
0x370: {  	v3 =	vadd.f32 v7, v3;
	v1 =	vadd.f32 v4, v1;
	v4 =	vmul.f32 v6, v12  }
0x371: {  	v2 =	vadd.f32 v43, v2;
	v0 =	vadd.f32 v45, v0;
	v5 =	vmul.f32 v36, v35  }
0x372: {  	v1 =	vadd.f32 v4, v1;
	v4 =	vld [tilespmem:$0x1FEA0]  }
0x373: {  	v7 =	vmul.f32 v34, v33;
	v0 =	vadd.f32 v0, v2;
	v2 =	vld [tilespmem:$0x1FFD0];
	v3 =	vadd.f32 v5, v3;
	_ =	sdelay $0x1  }
0x374: {  	v5 =	vmov s12;
	v3 =	vadd.f32 v7, v3  }
0x375: {  	v5 =	vshll.u32 v5, $0x5  }
0x376: {  	v1 =	vadd.f32 v1, v3;
	v37 =	vor.u32 v4, v5  }
0x377: {  	v2 =	vor.u32 v2, v37  }
0x378: {  	v0 =	vadd.f32 v1, v0  }
0x379: {  	s10 =	sadd.s32 $0x10, s10  }
0x37a: {  	v1 =	vld [tilespmem:$0x1FFE0];
	[tilespmem:s10+$0x0] =	vst v0;
	v0 =	vor.u32 v31, v37  }
0x37b: {  	v4 =	vld [tilespmem:$0x1FFC0]  }
0x37c: {  	v3 =	vor.u32 v25, v37;
	v46 =	vld.idx.msk [tilespmem:v2+s29+$0x0], $0xffff  }
0x37d: {  	v47 =	vld.idx.msk [tilespmem:v2+s30+$0x0], $0xffff  }
0x37e: {  	v2 =	vld [tilespmem:$0x1FF90]  }
0x37f: {  	v6 =	vor.u32 v28, v37;
	v48 =	vld.idx.msk [tilespmem:v0+s29+$0x0], $0xffff  }
0x380: {  	v49 =	vld.idx.msk [tilespmem:v0+s30+$0x0], $0xffff  }
0x381: {  	v9 =	vor.u32 v24, v37;
	v50 =	vld.idx.msk [tilespmem:v3+s29+$0x0], $0xffff  }
0x382: {  	v1 =	vor.u32 v1, v37;
	v51 =	vld.idx.msk [tilespmem:v3+s30+$0x0], $0xffff  }
0x383: {  	v3 =	vld [tilespmem:$0x1FF60]  }
0x384: {  	v55 =	vld.idx.msk [tilespmem:v6+s29+$0x0], $0xffff  }
0x385: {  	v57 =	vld.idx.msk [tilespmem:v6+s30+$0x0], $0xffff  }
0x386: {  	v11 =	vor.u32 v26, v37;
	v8 =	vld.idx.msk [tilespmem:v9+s29+$0x0], $0xffff  }
0x387: {  	v33 =	vld.idx.msk [tilespmem:v1+s29+$0x0], $0xffff  }
0x388: {  	v4 =	vor.u32 v4, v37;
	v34 =	vld.idx.msk [tilespmem:v1+s30+$0x0], $0xffff  }
0x389: {  	v1 =	vld [tilespmem:$0x1FF30];
	v2 =	vor.u32 v2, v37  }
0x38a: {  	v9 =	vld.idx.msk [tilespmem:v9+s30+$0x0], $0xffff  }
0x38b: {  	v10 =	vld.idx.msk [tilespmem:v11+s29+$0x0], $0xffff  }
0x38c: {  	v11 =	vld.idx.msk [tilespmem:v11+s30+$0x0], $0xffff;
	v3 =	vor.u32 v3, v37  }
0x38d: {  	v43 =	vld.idx.msk [tilespmem:v4+s29+$0x0], $0xffff  }
0x38e: {  	v1 =	vor.u32 v1, v37;
	v35 =	vld.idx.msk [tilespmem:v2+s29+$0x0], $0xffff  }
0x38f: {  	v36 =	vld.idx.msk [tilespmem:v2+s30+$0x0], $0xffff  }
0x390: {  	v2 =	vld [tilespmem:$0x1FFB0]  }
0x391: {  	v0 =	vor.u32 v30, v37;
	v38 =	vld.idx.msk [tilespmem:v3+s29+$0x0], $0xffff  }
0x392: {  	v39 =	vld.idx.msk [tilespmem:v3+s30+$0x0], $0xffff  }
0x393: {  	v52 =	vld.idx.msk [tilespmem:v1+s29+$0x0], $0xffff  }
0x394: {  	v53 =	vld.idx.msk [tilespmem:v1+s30+$0x0], $0xffff;
	v1 =	vor.u32 v29, v37  }
0x395: {  	v3 =	vld [tilespmem:$0x1FFF0]  }
0x396: {  	v54 =	vld.idx.msk [tilespmem:v0+s29+$0x0], $0xffff  }
0x397: {  	v56 =	vld.idx.msk [tilespmem:v0+s30+$0x0], $0xffff;
	v2 =	vor.u32 v2, v37  }
0x398: {  	v0 =	vld [tilespmem:$0x1FF40]  }
0x399: {  	v60 =	vld.idx.msk [tilespmem:v1+s29+$0x0], $0xffff  }
0x39a: {  	v3 =	vor.u32 v3, v37;
	v61 =	vld.idx.msk [tilespmem:v1+s30+$0x0], $0xffff  }
0x39b: {  	v1 =	vld [tilespmem:$0x1FF00]  }
0x39c: {  	v58 =	vld.idx.msk [tilespmem:v2+s29+$0x0], $0xffff  }
0x39d: {  	v15 =	vor.u32 v21, v37;
	v59 =	vld.idx.msk [tilespmem:v2+s30+$0x0], $0xffff  }
0x39e: {  	v0 =	vor.u32 v0, v37;
	v2 =	vld [tilespmem:$0x1FEF0]  }
0x39f: {  	v62 =	vld.idx.msk [tilespmem:v3+s29+$0x0], $0xffff  }
0x3a0: {  	v63 =	vld.idx.msk [tilespmem:v3+s30+$0x0], $0xffff;
	v3 =	vor.u32 v27, v37  }
0x3a1: {  	v45 =	vld.idx.msk [tilespmem:v4+s30+$0x0], $0xffff;
	v4 =	vor.u32 v1, v37  }
0x3a2: {  	v6 =	vld.idx.msk [tilespmem:v15+s30+$0x0], $0xffff  }
0x3a3: {  	v5 =	vor.u32 v22, v37;
	v40 =	vld.idx.msk [tilespmem:v0+s29+$0x0], $0xffff  }
0x3a4: {  	v41 =	vld.idx.msk [tilespmem:v0+s30+$0x0], $0xffff;
	v2 =	vor.u32 v2, v37  }
0x3a5: {  	v7 =	vld.idx.msk [tilespmem:v3+s30+$0x0], $0xffff  }
0x3a6: {  	v42 =	vld.idx.msk [tilespmem:v4+s29+$0x0], $0xffff  }
0x3a7: {  	v44 =	vld.idx.msk [tilespmem:v4+s30+$0x0], $0xffff  }
0x3a8: {  	p0 =	sne.s32 s12, $0x180;
	v4 =	vld.idx.msk [tilespmem:v5+s30+$0x0], $0xffff  }
.Ltmp3:
0x3a9: {  	v0 =	vld.idx.msk [tilespmem:v2+s29+$0x0], $0xffff;
	(pc) =	sbr.rel @p0 .LBB2_9-.Ltmp3, $4  }
0x3aa: {  	v1 =	vld.idx.msk [tilespmem:v2+s30+$0x0], $0xffff  }
0x3ab: {  	v2 =	vld.idx.msk [tilespmem:v5+s29+$0x0], $0xffff  }
0x3ac: {  	v5 =	vld.idx.msk [tilespmem:v3+s29+$0x0], $0xffff;
	v3 =	vlaneseq.u32  }
0x3ad: {  	s12 =	sadd.s32 $0x10, s12;
	v13 =	vor.u32 v32, v37;
	v12 =	vor.u32 v23, v37;
	v14 =	vor.u32 v3, v37;
	v3 =	vld.idx.msk [tilespmem:v15+s29+$0x0], $0xffff  }
0x3ae: {  	_ =	sdelay $0x3  }
0x3af: {  	v15 =	vld.idx.msk [tilespmem:v14+s30+$0x0], $0xffff  }
0x3b0: {  	v16 =	vld [tilespmem:$0x1FE00]  }
0x3b1: {  	v14 =	vld.idx.msk [tilespmem:v14+s29+$0x0], $0xffff  }
0x3b2: {  	v22 =	vld [tilespmem:$0x1FEE0]  }
0x3b3: {  	v18 =	vld [tilespmem:$0x1FED0]  }
0x3b4: {  	v17 =	vld.idx.msk [tilespmem:v13+s29+$0x0], $0xffff  }
0x3b5: {  	v13 =	vld.idx.msk [tilespmem:v13+s30+$0x0], $0xffff;
	v16 =	vor.u32 v16, v37  }
0x3b6: {  	v19 =	vld.idx.msk [tilespmem:v12+s29+$0x0], $0xffff  }
0x3b7: {  	v20 =	vmul.f32 v45, v43;
	v45 =	vor.u32 v22, v37;
	v22 =	vld [tilespmem:$0x1FF10]  }
0x3b8: {  	v12 =	vld.idx.msk [tilespmem:v12+s30+$0x0], $0xffff;
	v18 =	vor.u32 v18, v37  }
0x3b9: {  	v27 =	vld [tilespmem:$0x1FE80]  }
0x3ba: {  	v43 =	vmul.f32 v47, v46;
	v46 =	vmul.f32 v49, v48;
	v48 =	vld.idx.msk [tilespmem:v16+s29+$0x0], $0xffff  }
0x3bb: {  	v16 =	vld.idx.msk [tilespmem:v16+s30+$0x0], $0xffff  }
0x3bc: {  	v47 =	vmul.f32 v51, v50;
	v51 =	vor.u32 v22, v37;
	v22 =	vld [tilespmem:$0x1FE70]  }
0x3bd: {  	v49 =	vmul.f32 v53, v52;
	v60 =	vmul.f32 v61, v60;
	v61 =	vld.idx.msk [tilespmem:v18+s29+$0x0], $0xffff  }
0x3be: {  	v2 =	vmul.f32 v4, v2;
	v4 =	vmul.f32 v7, v5;
	v5 =	vld.idx.msk [tilespmem:v45+s29+$0x0], $0xffff  }
0x3bf: {  	v7 =	vmul.f32 v9, v8;
	v8 =	vmul.f32 v11, v10;
	v10 =	vld.idx.msk [tilespmem:v45+s30+$0x0], $0xffff  }
0x3c0: {  	v50 =	vmul.f32 v56, v54;
	v52 =	vmul.f32 v59, v58;
	v45 =	vld [tilespmem:$0x1FFA0]  }
0x3c1: {  	v0 =	vmul.f32 v1, v0;
	v11 =	vmul.f32 v15, v14;
	v1 =	vld.idx.msk [tilespmem:v18+s30+$0x0], $0xffff;
	v32 =	vor.u32 v22, v37  }
0x3c2: {  	v63 =	vmul.f32 v63, v62;
	v13 =	vmul.f32 v13, v17;
	v14 =	vld [tilespmem:$0x1FE90]  }
0x3c3: {  	v9 =	vor.u32 v27, v37;
	v12 =	vmul.f32 v12, v19;
	v11 =	vadd.f32 $0.0e+00, v11  }
0x3c4: {  	v3 =	vmul.f32 v6, v3;
	v13 =	vadd.f32 $0.0e+00, v13;
	v15 =	vld.idx.msk [tilespmem:v51+s29+$0x0], $0xffff;
	v16 =	vmul.f32 v16, v48  }
0x3c5: {  	v12 =	vadd.f32 $0.0e+00, v12;
	v7 =	vadd.f32 v7, v11;
	v17 =	vor.u32 v45, v37;
	v48 =	vld.idx.msk [tilespmem:v51+s30+$0x0], $0xffff  }
0x3c6: {  	v8 =	vadd.f32 v8, v13;
	v1 =	vmul.f32 v1, v61;
	v16 =	vadd.f32 $0.0e+00, v16;
	v6 =	vld.idx.msk [tilespmem:v32+s29+$0x0], $0xffff  }
0x3c7: {  	v11 =	vmul.f32 v57, v55;
	v3 =	vadd.f32 v3, v12;
	v14 =	vor.u32 v14, v37;
	v18 =	vld.idx.msk [tilespmem:v32+s30+$0x0], $0xffff  }
0x3c8: {  	v13 =	vld.idx.msk [tilespmem:v9+s29+$0x0], $0xffff;
	v2 =	vadd.f32 v2, v7;
	v5 =	vmul.f32 v10, v5;
	v1 =	vadd.f32 v1, v16  }
0x3c9: {  	v9 =	vld.idx.msk [tilespmem:v9+s30+$0x0], $0xffff;
	v4 =	vadd.f32 v4, v8;
	v7 =	vmul.f32 v44, v42;
	v3 =	vadd.f32 v11, v3  }
0x3ca: {  	v2 =	vadd.f32 v63, v2;
	v8 =	vld.idx.msk [tilespmem:v17+s29+$0x0], $0xffff;
	v1 =	vadd.f32 v5, v1;
	v5 =	vmul.f32 v48, v15  }
0x3cb: {  	v0 =	vadd.f32 v0, v4;
	v4 =	vmul.f32 v41, v40;
	v3 =	vadd.f32 v7, v3;
	v10 =	vld.idx.msk [tilespmem:v17+s30+$0x0], $0xffff  }
0x3cc: {  	v11 =	vld.idx.msk [tilespmem:v14+s29+$0x0], $0xffff;
	v2 =	vadd.f32 v52, v2;
	v1 =	vadd.f32 v5, v1;
	v5 =	vmul.f32 v18, v6  }
0x3cd: {  	v7 =	vmul.f32 v39, v38;
	v0 =	vadd.f32 v60, v0;
	v3 =	vadd.f32 v4, v3;
	v6 =	vld.idx.msk [tilespmem:v14+s30+$0x0], $0xffff  }
0x3ce: {  	v4 =	vmul.f32 v9, v13;
	v2 =	vadd.f32 v49, v2;
	v1 =	vadd.f32 v5, v1  }
0x3cf: {  	v0 =	vadd.f32 v50, v0;
	v3 =	vadd.f32 v7, v3  }
0x3d0: {  	v5 =	vmul.f32 v36, v35;
	v1 =	vadd.f32 v4, v1;
	v4 =	vmul.f32 v10, v8  }
0x3d1: {  	v7 =	vmul.f32 v34, v33;
	v2 =	vadd.f32 v46, v2;
	v0 =	vadd.f32 v47, v0  }
0x3d2: {  	v3 =	vadd.f32 v5, v3;
	v1 =	vadd.f32 v4, v1;
	v4 =	vmul.f32 v6, v11  }
0x3d3: {  	v2 =	vadd.f32 v20, v2;
	v0 =	vadd.f32 v43, v0  }
0x3d4: {  	v3 =	vadd.f32 v7, v3;
	v1 =	vadd.f32 v4, v1  }
0x3d5: {  	s8 =	sadd.s32 s11, s8  }
0x3d6: {  	s8 =	smul.u32 $0x190, s8;
	v0 =	vadd.f32 v0, v2;
	v1 =	vadd.f32 v1, v3;
	_ =	sdelay $0x1  }
0x3d7: {  	s12 =	sadd.s32 s15, s8;
	v0 =	vadd.f32 v1, v0  }
0x3d8: {  	s10 =	sadd.s32 $0x10, s10;
	s12 =	sshrl.u32 s12, $0x3  }
0x3d9: {  	s12 =	sadd.s32 s4, s12;
	[tilespmem:s10+$0x0] =	vst v0  }
0x3da: {  	[hbm4b:s12+s3] =	stream.linear.scatter [tilespmem:s1], [sflag:$0x3], $0x190, $0x38;
	[tilespmem:$0x1CE80] =	vst v63  }
0x3db: {  	v24 =	vld [tilespmem:$0x1FFF0];
	_ =	swait.ge [sflag:s22], $0x3200  }
0x3dc: {  	[sflag:s22] =	ssyncset.done $0x0  }
0x3dd: {  	[sflag:s22] =	ssyncadd.s32 $0xFFFFCE00  }
0x3de: {  	p0 =	seq.s32 s7, $0x3;
	_ =	swait.ge [sflag:s22], $0x3200  }
0x3df: {  	s13 =	simm.s32 @!p0 $0x10360;
	[sflag:s22] =	ssyncset.done $0x0  }
0x3e0: {  	s10 =	sadd.s32 @!p0 $0xED80, s26;
	s12 =	simm.s32 @!p0 $0x190;
	[sflag:s22] =	ssyncadd.s32 $0xFFFFCE00  }
0x3e1: {  	[tilespmem:s13], [sflag:$0x1] =	stream.indirect.gather @!p0 [spmem:s0], $0x20, s10, s12, $0xb8;
	[tilespmem:$0x1CE80] =	vst v63  }
0x3e2: {  	p1 =	seq.s32 @!p0 s7, $0x0;
	s10 =	sadd.s32 @!p0 $0xFA00, s26;
	s13 =	simm.s32 @!p0 $0x13560  }
0x3e3: {  	[tilespmem:s13], [sflag:$0x1] =	stream.indirect.gather @!p0 [spmem:s0], $0x20, s10, s12, $0xb8;
	[tilespmem:$0x1CE80] =	vst v63  }
0x3e4: {  	p0 =	por p0, !p1  }
0x3e5: {  	_ =	swait.ge @p0 [sflag:s20], $0x190  }
0x3e6: {  	v23 =	vld [tilespmem:$0x1FEA0]  }
0x3e7: {  	v28 =	vld [tilespmem:$0x1FFC0]  }
0x3e8: {  	v32 =	vld [tilespmem:$0x1FFD0]  }
0x3e9: {  	v33 =	vld [tilespmem:$0x1FFE0]  }
0x3ea: {  	v34 =	vld [tilespmem:$0x1FF70]  }
0x3eb: {  	v63 =	vld [tilespmem:$0x1FF80]  }
0x3ec: {  	v62 =	vld [tilespmem:$0x1FF90]  }
0x3ed: {  	s13 =	simm.s32 $0x0;
	v12 =	vld [tilespmem:$0x1FF30]  }
0x3ee: {  	v0 =	vmov s13;
	v18 =	vld [tilespmem:$0x1FF50]  }
0x3ef: {  	v0 =	vshll.u32 v0, $0x5;
	v38 =	vld [tilespmem:$0x1FF60]  }
0x3f0: {  	v21 =	vld [tilespmem:$0x1FEF0];
	v0 =	vor.u32 v23, v0  }
0x3f1: {  	v44 =	vld [tilespmem:$0x1FFB0];
	v1 =	vor.u32 v28, v0  }
0x3f2: {  	v29 =	vld [tilespmem:$0x1FF20]  }
0x3f3: {  	v31 =	vld [tilespmem:$0x1FF40];
	v2 =	vor.u32 v32, v0  }
0x3f4: {  	[sflag:s20] =	ssyncset.done @p0 $0x0;
	v25 =	vld [tilespmem:$0x1FE40]  }
0x3f5: {  	[sflag:s20] =	ssyncadd.s32 @p0 $0xFFFFFE70;
	v3 =	vor.u32 v33, v0;
	v53 =	vor.u32 v21, v0;
	v21 =	vld [tilespmem:$0x1FF00]  }
0x3f6: {  	v4 =	vld.idx.msk [tilespmem:v1+s31+$0x0], $0xffff  }
0x3f7: {  	v7 =	vor.u32 v63, v0;
	v1 =	vld.idx.msk [tilespmem:v1+s2+$0x0], $0xffff  }
0x3f8: {  	v6 =	vld.idx.msk [tilespmem:v2+s31+$0x0], $0xffff  }
0x3f9: {  	v9 =	vor.u32 v12, v0;
	v2 =	vld.idx.msk [tilespmem:v2+s2+$0x0], $0xffff  }
0x3fa: {  	v8 =	vld.idx.msk [tilespmem:v3+s31+$0x0], $0xffff  }
0x3fb: {  	v11 =	vor.u32 v18, v0;
	v3 =	vld.idx.msk [tilespmem:v3+s2+$0x0], $0xffff  }
0x3fc: {  	v10 =	vld.idx.msk [tilespmem:v7+s31+$0x0], $0xffff  }
0x3fd: {  	v7 =	vld.idx.msk [tilespmem:v7+s2+$0x0], $0xffff  }
0x3fe: {  	v15 =	vor.u32 v44, v0;
	v14 =	vld.idx.msk [tilespmem:v9+s31+$0x0], $0xffff  }
0x3ff: {  	v9 =	vld.idx.msk [tilespmem:v9+s2+$0x0], $0xffff  }
0x400: {  	v50 =	vor.u32 v29, v0;
	v16 =	vld.idx.msk [tilespmem:v11+s31+$0x0], $0xffff  }
0x401: {  	v54 =	vor.u32 v21, v0;
	v21 =	vld [tilespmem:$0x1FE50]  }
0x402: {  	v11 =	vld.idx.msk [tilespmem:v11+s2+$0x0], $0xffff  }
0x403: {  	v51 =	vor.u32 v31, v0;
	v20 =	vld.idx.msk [tilespmem:v15+s31+$0x0], $0xffff  }
0x404: {  	v15 =	vld.idx.msk [tilespmem:v15+s2+$0x0], $0xffff  }
0x405: {  	v52 =	vor.u32 v24, v0;
	v36 =	vld.idx.msk [tilespmem:v50+s31+$0x0], $0xffff  }
0x406: {  	v56 =	vor.u32 v21, v0;
	v21 =	vld [tilespmem:$0x1FE60]  }
0x407: {  	v17 =	vld.idx.msk [tilespmem:v50+s2+$0x0], $0xffff  }
0x408: {  	v26 =	vld.idx.msk [tilespmem:v51+s31+$0x0], $0xffff  }
0x409: {  	v19 =	vld.idx.msk [tilespmem:v51+s2+$0x0], $0xffff  }
0x40a: {  	v55 =	vor.u32 v25, v0;
	v40 =	vld.idx.msk [tilespmem:v52+s31+$0x0], $0xffff  }
0x40b: {  	v57 =	vor.u32 v21, v0;
	v21 =	vld [tilespmem:$0x1FE10]  }
0x40c: {  	v35 =	vld.idx.msk [tilespmem:v52+s2+$0x0], $0xffff  }
0x40d: {  	v5 =	vor.u32 v34, v0;
	v42 =	vld.idx.msk [tilespmem:v53+s31+$0x0], $0xffff  }
0x40e: {  	v37 =	vld.idx.msk [tilespmem:v53+s2+$0x0], $0xffff  }
0x40f: {  	v46 =	vld.idx.msk [tilespmem:v55+s31+$0x0], $0xffff  }
0x410: {  	v58 =	vor.u32 v21, v0;
	v21 =	vld [tilespmem:$0x1FE20]  }
0x411: {  	v41 =	vld.idx.msk [tilespmem:v55+s2+$0x0], $0xffff  }
0x412: {  	[tilespmem:$0x1FCB0] =	vst v3;
	v3 =	vld.idx.msk [tilespmem:v5+s31+$0x0], $0xffff  }
0x413: {  	v5 =	vld.idx.msk [tilespmem:v5+s2+$0x0], $0xffff  }
0x414: {  	[tilespmem:$0x1FCA0] =	vst v8;
	v8 =	vor.u32 v62, v0;
	v30 =	vld.idx.msk [tilespmem:v54+s31+$0x0], $0xffff  }
0x415: {  	v59 =	vor.u32 v21, v0;
	v21 =	vld [tilespmem:$0x1FE30]  }
0x416: {  	v39 =	vld.idx.msk [tilespmem:v54+s2+$0x0], $0xffff  }
0x417: {  	v2 =	vmul.f32 v2, v6;
	v6 =	vmul.f32 v7, v10;
	v7 =	vld [tilespmem:$0x1FEE0]  }
0x418: {  	v10 =	vmul.f32 v11, v16;
	v16 =	vmul.f32 v17, v36;
	v36 =	vld [tilespmem:$0x1FF10]  }
0x419: {  	v13 =	vld.idx.msk [tilespmem:v8+s31+$0x0], $0xffff  }
0x41a: {  	v48 =	vld.idx.msk [tilespmem:v56+s31+$0x0], $0xffff;
	v60 =	vor.u32 v21, v0;
	v21 =	vlaneseq.u32  }
0x41b: {  	v61 =	vor.u32 v21, v0;
	v21 =	vld [tilespmem:$0x1FEB0]  }
0x41c: {  	v43 =	vld.idx.msk [tilespmem:v56+s2+$0x0], $0xffff;
	v7 =	vor.u32 v7, v0  }
0x41d: {  	v8 =	vld.idx.msk [tilespmem:v8+s2+$0x0], $0xffff  }
0x41e: {  	v50 =	vld.idx.msk [tilespmem:v57+s31+$0x0], $0xffff  }
0x41f: {  	v45 =	vld.idx.msk [tilespmem:v57+s2+$0x0], $0xffff  }
0x420: {  	v55 =	vor.u32 v21, v0;
	v21 =	vld [tilespmem:$0x1FEC0]  }
0x421: {  	v17 =	vor.u32 v36, v0;
	v36 =	vmul.f32 v37, v42;
	v42 =	vmul.f32 v43, v48;
	v43 =	vld.idx.msk [tilespmem:v7+s31+$0x0], $0xffff  }
0x422: {  	v7 =	vld.idx.msk [tilespmem:v7+s2+$0x0], $0xffff  }
0x423: {  	v52 =	vld.idx.msk [tilespmem:v58+s31+$0x0], $0xffff  }
0x424: {  	v47 =	vld.idx.msk [tilespmem:v58+s2+$0x0], $0xffff  }
0x425: {  	v57 =	vor.u32 v21, v0;
	v21 =	vld [tilespmem:$0x1FE00]  }
0x426: {  	v54 =	vld.idx.msk [tilespmem:v59+s31+$0x0], $0xffff  }
0x427: {  	v49 =	vld.idx.msk [tilespmem:v59+s2+$0x0], $0xffff  }
0x428: {  	v56 =	vld.idx.msk [tilespmem:v60+s31+$0x0], $0xffff  }
0x429: {  	v51 =	vld.idx.msk [tilespmem:v60+s2+$0x0], $0xffff  }
0x42a: {  	v59 =	vor.u32 v21, v0;
	v21 =	vld [tilespmem:$0x1FED0]  }
0x42b: {  	v58 =	vld.idx.msk [tilespmem:v61+s2+$0x0], $0xffff  }
0x42c: {  	v53 =	vld.idx.msk [tilespmem:v61+s31+$0x0], $0xffff  }
0x42d: {  	v1 =	vmul.f32 v1, v4;
	v4 =	vld.idx.msk [tilespmem:v57+s31+$0x0], $0xffff  }
0x42e: {  	v3 =	vmul.f32 v5, v3;
	v5 =	vld.idx.msk [tilespmem:v57+s2+$0x0], $0xffff  }
0x42f: {  	v61 =	vor.u32 v21, v0;
	v11 =	vld.idx.msk [tilespmem:v59+s31+$0x0], $0xffff  }
0x430: {  	v9 =	vmul.f32 v9, v14;
	v14 =	vmul.f32 v15, v20;
	v15 =	vld.idx.msk [tilespmem:v59+s2+$0x0], $0xffff  }
0x431: {  	v60 =	vld.idx.msk [tilespmem:v55+s31+$0x0], $0xffff  }
0x432: {  	[tilespmem:$0x1FC80] =	vst v13;
	v13 =	vor.u32 v38, v0;
	v55 =	vld.idx.msk [tilespmem:v55+s2+$0x0], $0xffff  }
0x433: {  	v21 =	vld [tilespmem:$0x1FE90]  }
0x434: {  	v20 =	vmul.f32 v35, v40;
	v35 =	vld.idx.msk [tilespmem:v61+s31+$0x0], $0xffff  }
0x435: {  	v4 =	vmul.f32 v5, v4;
	v5 =	vmul.f32 v15, v11;
	v11 =	vld [tilespmem:$0x1FFA0]  }
0x436: {  	v40 =	vor.u32 v22, v0;
	v37 =	vld.idx.msk [tilespmem:v61+s2+$0x0], $0xffff  }
0x437: {  	v41 =	vmul.f32 v41, v46;
	[tilespmem:$0x1FC90] =	vst v8;
	v8 =	vld.idx.msk [tilespmem:v13+s31+$0x0], $0xffff  }
0x438: {  	v48 =	vor.u32 v27, v0;
	v13 =	vld.idx.msk [tilespmem:v13+s2+$0x0], $0xffff;
	v46 =	vmul.f32 v47, v52;
	v58 =	vmul.f32 v58, v53  }
0x439: {  	v57 =	vmul.f32 v49, v54;
	v54 =	vld.idx.msk [tilespmem:v17+s31+$0x0], $0xffff;
	v59 =	vmul.f32 v55, v60  }
0x43a: {  	v53 =	vor.u32 v21, v0;
	v15 =	vadd.f32 $0.0e+00, v58;
	v0 =	vor.u32 v11, v0;
	v11 =	vld.idx.msk [tilespmem:v17+s2+$0x0], $0xffff  }
0x43b: {  	v55 =	vld.idx.msk [tilespmem:v40+s2+$0x0], $0xffff;
	v5 =	vadd.f32 $0.0e+00, v5;
	v35 =	vmul.f32 v37, v35  }
0x43c: {  	v60 =	vadd.f32 $0.0e+00, v59;
	v61 =	vmul.f32 v51, v56;
	v51 =	vld.idx.msk [tilespmem:v40+s31+$0x0], $0xffff;
	v15 =	vadd.f32 v46, v15  }
0x43d: {  	v7 =	vmul.f32 v7, v43;
	v4 =	vadd.f32 $0.0e+00, v4;
	v58 =	vld.idx.msk [tilespmem:v48+s2+$0x0], $0xffff;
	v5 =	vadd.f32 v35, v5  }
0x43e: {  	v15 =	vadd.f32 v41, v15;
	v17 =	vadd.f32 v57, v60;
	v57 =	vld.idx.msk [tilespmem:v48+s31+$0x0], $0xffff  }
0x43f: {  	v13 =	vmul.f32 v13, v8;
	v8 =	vld [tilespmem:$0x1FC80];
	v5 =	vadd.f32 v7, v5;
	v7 =	vmul.f32 v11, v54  }
0x440: {  	v4 =	vadd.f32 v61, v4;
	v61 =	vld.idx.msk [tilespmem:v53+s31+$0x0], $0xffff;
	v11 =	vadd.f32 v20, v15  }
0x441: {  	v56 =	vmul.f32 v45, v50;
	v59 =	vld.idx.msk [tilespmem:v0+s31+$0x0], $0xffff;
	v5 =	vadd.f32 v7, v5;
	v7 =	vmul.f32 v55, v51  }
0x442: {  	v39 =	vmul.f32 v39, v30;
	v17 =	vadd.f32 v42, v17;
	v0 =	vld.idx.msk [tilespmem:v0+s2+$0x0], $0xffff;
	v11 =	vadd.f32 v14, v11  }
0x443: {  	v4 =	vadd.f32 v56, v4;
	v20 =	vld.idx.msk [tilespmem:v53+s2+$0x0], $0xffff;
	v5 =	vadd.f32 v7, v5;
	v7 =	vmul.f32 v58, v57  }
0x444: {  	v15 =	vadd.f32 v36, v17;
	v9 =	vadd.f32 v9, v11;
	v11 =	vld [tilespmem:$0x1FC90]  }
0x445: {  	v60 =	vmul.f32 v19, v26;
	v4 =	vadd.f32 v39, v4;
	v5 =	vadd.f32 v7, v5;
	v7 =	vld [tilespmem:$0x1FCA0]  }
0x446: {  	v14 =	vadd.f32 v16, v15;
	v3 =	vadd.f32 v3, v9;
	v9 =	vld [tilespmem:$0x1FCB0]  }
0x447: {  	v4 =	vadd.f32 v60, v4  }
0x448: {  	v10 =	vadd.f32 v10, v14;
	v0 =	vmul.f32 v0, v59  }
0x449: {  	v4 =	vadd.f32 v13, v4;
	v8 =	vmul.f32 v11, v8  }
0x44a: {  	v6 =	vadd.f32 v6, v10;
	v0 =	vadd.f32 v0, v5  }
0x44b: {  	s26 =	simm.s32 $0x10;
	v5 =	vmul.f32 v20, v61;
	v7 =	vmul.f32 v9, v7;
	v4 =	vadd.f32 v8, v4  }
0x44c: {  	v1 =	vadd.f32 v1, v3;
	v2 =	vadd.f32 v2, v6;
	v8 =	vmov s26  }
0x44d: {  	v0 =	vadd.f32 v5, v0;
	v3 =	vshll.u32 v8, $0x5;
	v4 =	vadd.f32 v7, v4  }
0x44e: {  	v37 =	vor.u32 v23, v3  }
0x44f: {  	v1 =	vadd.f32 v2, v1;
	v3 =	vor.u32 v28, v37;
	v0 =	vadd.f32 v0, v4;
	_ =	sdelay $0x1  }
0x450: {  	v2 =	vor.u32 v32, v37;
	v0 =	vadd.f32 v0, v1  }
0x451: {  	s10 =	simm.s32 $0x1CCF0  }
0x452: {  	v1 =	vor.u32 v33, v37;
	[tilespmem:s10+$0x0] =	vst v0  }
0x453: {  	v43 =	vld.idx.msk [tilespmem:v3+s31+$0x0], $0xffff  }
0x454: {  	v0 =	vor.u32 v34, v37;
	v45 =	vld.idx.msk [tilespmem:v3+s2+$0x0], $0xffff  }
0x455: {  	v46 =	vld.idx.msk [tilespmem:v2+s31+$0x0], $0xffff  }
0x456: {  	v3 =	vor.u32 v63, v37;
	v47 =	vld.idx.msk [tilespmem:v2+s2+$0x0], $0xffff  }
0x457: {  	v33 =	vld.idx.msk [tilespmem:v1+s31+$0x0], $0xffff  }
0x458: {  	v2 =	vor.u32 v62, v37;
	v34 =	vld.idx.msk [tilespmem:v1+s2+$0x0], $0xffff  }
0x459: {  	v48 =	vld.idx.msk [tilespmem:v0+s31+$0x0], $0xffff  }
0x45a: {  	v1 =	vor.u32 v12, v37;
	v49 =	vld.idx.msk [tilespmem:v0+s2+$0x0], $0xffff  }
0x45b: {  	v50 =	vld.idx.msk [tilespmem:v3+s31+$0x0], $0xffff  }
0x45c: {  	v0 =	vor.u32 v18, v37;
	v51 =	vld.idx.msk [tilespmem:v3+s2+$0x0], $0xffff  }
0x45d: {  	v35 =	vld.idx.msk [tilespmem:v2+s31+$0x0], $0xffff  }
0x45e: {  	v36 =	vld.idx.msk [tilespmem:v2+s2+$0x0], $0xffff;
	v2 =	vor.u32 v44, v37  }
0x45f: {  	v52 =	vld.idx.msk [tilespmem:v1+s31+$0x0], $0xffff  }
0x460: {  	v53 =	vld.idx.msk [tilespmem:v1+s2+$0x0], $0xffff  }
0x461: {  	v1 =	vor.u32 v29, v37;
	v54 =	vld.idx.msk [tilespmem:v0+s31+$0x0], $0xffff  }
0x462: {  	v56 =	vld.idx.msk [tilespmem:v0+s2+$0x0], $0xffff  }
0x463: {  	v58 =	vld.idx.msk [tilespmem:v2+s31+$0x0], $0xffff  }
0x464: {  	v3 =	vor.u32 v38, v37;
	v59 =	vld.idx.msk [tilespmem:v2+s2+$0x0], $0xffff  }
0x465: {  	v2 =	vld [tilespmem:$0x1FEF0]  }
0x466: {  	v60 =	vld.idx.msk [tilespmem:v1+s31+$0x0], $0xffff  }
0x467: {  	v0 =	vor.u32 v31, v37;
	v61 =	vld.idx.msk [tilespmem:v1+s2+$0x0], $0xffff  }
0x468: {  	v1 =	vld [tilespmem:$0x1FF00]  }
0x469: {  	v38 =	vld.idx.msk [tilespmem:v3+s31+$0x0], $0xffff  }
0x46a: {  	v39 =	vld.idx.msk [tilespmem:v3+s2+$0x0], $0xffff;
	v3 =	vor.u32 v24, v37;
	_ =	sdelay $0x1  }
0x46b: {  	v40 =	vld.idx.msk [tilespmem:v0+s31+$0x0], $0xffff;
	v2 =	vor.u32 v2, v37  }
0x46c: {  	v31 =	vmov v1;
	v4 =	vor.u32 v1, v37;
	v1 =	vld [tilespmem:$0x1FE50]  }
0x46d: {  	v41 =	vld.idx.msk [tilespmem:v0+s2+$0x0], $0xffff  }
0x46e: {  	v62 =	vld.idx.msk [tilespmem:v3+s31+$0x0], $0xffff  }
0x46f: {  	v0 =	vld.idx.msk [tilespmem:v3+s2+$0x0], $0xffff  }
0x470: {  	v63 =	vld.idx.msk [tilespmem:v2+s31+$0x0], $0xffff  }
0x471: {  	v30 =	vmov v1;
	v3 =	vor.u32 v1, v37;
	v1 =	vld.idx.msk [tilespmem:v2+s2+$0x0], $0xffff  }
0x472: {  	v42 =	vld.idx.msk [tilespmem:v4+s31+$0x0], $0xffff  }
0x473: {  	v2 =	vld [tilespmem:$0x1FE60]  }
0x474: {  	v5 =	vor.u32 v25, v37;
	v44 =	vld.idx.msk [tilespmem:v4+s2+$0x0], $0xffff  }
0x475: {  	v4 =	vld [tilespmem:$0x1FE10];
	_ =	sdelay $0x1  }
0x476: {  	v7 =	vld [tilespmem:$0x1FE20];
	_ =	sdelay $0x1  }
0x477: {  	v26 =	vmov v2;
	v6 =	vor.u32 v2, v37;
	v2 =	vld.idx.msk [tilespmem:v5+s31+$0x0], $0xffff  }
0x478: {  	v32 =	vmov v27;
	v27 =	vmov v4;
	v9 =	vor.u32 v4, v37;
	v4 =	vld.idx.msk [tilespmem:v5+s2+$0x0], $0xffff  }
0x479: {  	v5 =	vld.idx.msk [tilespmem:v3+s31+$0x0], $0xffff  }
0x47a: {  	v23 =	vmov v7;
	v11 =	vor.u32 v7, v37;
	v7 =	vld.idx.msk [tilespmem:v3+s2+$0x0], $0xffff  }
0x47b: {  	v3 =	vld [tilespmem:$0x1FE30]  }
0x47c: {  	v55 =	vld.idx.msk [tilespmem:v6+s31+$0x0], $0xffff  }
0x47d: {  	v57 =	vld.idx.msk [tilespmem:v6+s2+$0x0], $0xffff;
	v6 =	vlaneseq.u32  }
0x47e: {  	v14 =	vor.u32 v6, v37;
	v6 =	vld [tilespmem:$0x1FEB0];
	_ =	sdelay $0x3  }
0x47f: {  	v10 =	vld.idx.msk [tilespmem:v11+s31+$0x0], $0xffff;
	v15 =	vor.u32 v3, v37  }
0x480: {  	v28 =	vmovc v22;
	v22 =	vmov v25;
	v25 =	vmov v6;
	v13 =	vor.u32 v6, v37;
	v6 =	vld [tilespmem:$0x1FEC0]  }
0x481: {  	v11 =	vld.idx.msk [tilespmem:v11+s2+$0x0], $0xffff  }
0x482: {  	v8 =	vld.idx.msk [tilespmem:v9+s31+$0x0], $0xffff  }
0x483: {  	v9 =	vld.idx.msk [tilespmem:v9+s2+$0x0], $0xffff  }
0x484: {  	v29 =	vmov v24;
	v24 =	vmov v3;
	v3 =	vld.idx.msk [tilespmem:v15+s31+$0x0], $0xffff  }
0x485: {  	s12 =	simm.s32 $0x20;
	v21 =	vmov v6;
	v12 =	vor.u32 v6, v37;
	v6 =	vld.idx.msk [tilespmem:v15+s2+$0x0], $0xffff  }
.LBB2_11:
0x486: {  	_ =	sdelay $0x3  }
0x487: {  	v15 =	vld.idx.msk [tilespmem:v14+s2+$0x0], $0xffff  }
0x488: {  	v14 =	vld.idx.msk [tilespmem:v14+s31+$0x0], $0xffff  }
0x489: {  	v16 =	vld [tilespmem:$0x1FE00]  }
0x48a: {  	v17 =	vld.idx.msk [tilespmem:v13+s31+$0x0], $0xffff  }
0x48b: {  	v18 =	vld [tilespmem:$0x1FED0]  }
0x48c: {  	v13 =	vld.idx.msk [tilespmem:v13+s2+$0x0], $0xffff  }
0x48d: {  	v20 =	vld [tilespmem:$0x1FEE0]  }
0x48e: {  	v19 =	vld.idx.msk [tilespmem:v12+s31+$0x0], $0xffff;
	v43 =	vmul.f32 v45, v43;
	v16 =	vor.u32 v16, v37  }
0x48f: {  	v45 =	vmul.f32 v47, v46;
	v47 =	vmul.f32 v49, v48;
	v49 =	vld [tilespmem:$0x1FF10]  }
0x490: {  	v12 =	vld.idx.msk [tilespmem:v12+s2+$0x0], $0xffff;
	v1 =	vmul.f32 v1, v63;
	v2 =	vmul.f32 v4, v2;
	v18 =	vor.u32 v18, v37  }
0x491: {  	v4 =	vmul.f32 v7, v5;
	v63 =	vld [tilespmem:$0x1FFA0];
	v7 =	vmul.f32 v9, v8  }
0x492: {  	v8 =	vmul.f32 v11, v10;
	v20 =	vor.u32 v20, v37;
	v11 =	vmul.f32 v15, v14;
	v15 =	vld [tilespmem:$0x1FE90]  }
0x493: {  	v46 =	vld.idx.msk [tilespmem:v16+s31+$0x0], $0xffff  }
0x494: {  	v49 =	vor.u32 v49, v37;
	v16 =	vld.idx.msk [tilespmem:v16+s2+$0x0], $0xffff  }
0x495: {  	v48 =	vmul.f32 v51, v50;
	v50 =	vmul.f32 v53, v52;
	v52 =	vld.idx.msk [tilespmem:v18+s31+$0x0], $0xffff  }
0x496: {  	v60 =	vmul.f32 v61, v60;
	v61 =	vor.u32 v28, v37;
	v18 =	vld.idx.msk [tilespmem:v18+s2+$0x0], $0xffff  }
0x497: {  	v0 =	vmul.f32 v0, v62;
	v5 =	vld.idx.msk [tilespmem:v20+s31+$0x0], $0xffff  }
0x498: {  	v10 =	vor.u32 v32, v37;
	v13 =	vmul.f32 v13, v17;
	v12 =	vmul.f32 v12, v19;
	v9 =	vld.idx.msk [tilespmem:v20+s2+$0x0], $0xffff  }
0x499: {  	v3 =	vmul.f32 v6, v3;
	v11 =	vadd.f32 $0.0e+00, v11;
	v14 =	vld.idx.msk [tilespmem:v49+s31+$0x0], $0xffff;
	v16 =	vmul.f32 v16, v46  }
0x49a: {  	v13 =	vadd.f32 $0.0e+00, v13;
	v12 =	vadd.f32 $0.0e+00, v12;
	v19 =	vor.u32 v63, v37;
	v62 =	vld.idx.msk [tilespmem:v49+s2+$0x0], $0xffff  }
0x49b: {  	v6 =	vld.idx.msk [tilespmem:v61+s31+$0x0], $0xffff;
	v7 =	vadd.f32 v7, v11;
	v18 =	vmul.f32 v18, v52;
	v16 =	vadd.f32 $0.0e+00, v16  }
0x49c: {  	v8 =	vadd.f32 v8, v13;
	v11 =	vmul.f32 v57, v55;
	v15 =	vor.u32 v15, v37;
	v20 =	vld.idx.msk [tilespmem:v61+s2+$0x0], $0xffff  }
0x49d: {  	v13 =	vld.idx.msk [tilespmem:v10+s31+$0x0], $0xffff;
	v3 =	vadd.f32 v3, v12;
	v5 =	vmul.f32 v9, v5;
	v12 =	vadd.f32 v18, v16  }
0x49e: {  	v2 =	vadd.f32 v2, v7;
	v4 =	vadd.f32 v4, v8;
	v7 =	vmul.f32 v44, v42;
	v9 =	vld.idx.msk [tilespmem:v10+s2+$0x0], $0xffff  }
0x49f: {  	v3 =	vadd.f32 v11, v3;
	v8 =	vld.idx.msk [tilespmem:v19+s31+$0x0], $0xffff;
	v10 =	vmul.f32 v62, v14;
	v5 =	vadd.f32 v5, v12  }
0x4a0: {  	v11 =	vld.idx.msk [tilespmem:v19+s2+$0x0], $0xffff;
	v0 =	vadd.f32 v0, v2;
	v1 =	vadd.f32 v1, v4;
	v2 =	vmul.f32 v41, v40  }
0x4a1: {  	v3 =	vadd.f32 v7, v3;
	v4 =	vld.idx.msk [tilespmem:v15+s31+$0x0], $0xffff;
	v6 =	vmul.f32 v20, v6;
	v5 =	vadd.f32 v10, v5  }
0x4a2: {  	v7 =	vld.idx.msk [tilespmem:v15+s2+$0x0], $0xffff  }
0x4a3: {  	v2 =	vadd.f32 v2, v3;
	v3 =	vadd.f32 v6, v5;
	v5 =	vmul.f32 v9, v13  }
0x4a4: {  	v53 =	vmul.f32 v59, v58  }
0x4a5: {  	v3 =	vadd.f32 v5, v3;
	v5 =	vmul.f32 v11, v8  }
0x4a6: {  	v51 =	vmul.f32 v56, v54;
	v0 =	vadd.f32 v53, v0;
	v1 =	vadd.f32 v60, v1  }
0x4a7: {  	v4 =	vmul.f32 v7, v4;
	v10 =	vmul.f32 v39, v38;
	v3 =	vadd.f32 v5, v3  }
0x4a8: {  	v0 =	vadd.f32 v50, v0;
	v1 =	vadd.f32 v51, v1  }
0x4a9: {  	v6 =	vmul.f32 v36, v35;
	v2 =	vadd.f32 v10, v2;
	v3 =	vadd.f32 v4, v3;
	v4 =	vld [tilespmem:$0x1FEA0]  }
0x4aa: {  	v0 =	vadd.f32 v47, v0  }
0x4ab: {  	v1 =	vadd.f32 v48, v1;
	v8 =	vmul.f32 v34, v33;
	v2 =	vadd.f32 v6, v2  }
0x4ac: {  	v0 =	vadd.f32 v43, v0;
	v5 =	vmov s12  }
0x4ad: {  	v1 =	vadd.f32 v45, v1;
	v2 =	vadd.f32 v8, v2;
	v5 =	vshll.u32 v5, $0x5  }
0x4ae: {  	v37 =	vor.u32 v4, v5  }
0x4af: {  	v0 =	vadd.f32 v1, v0;
	v1 =	vadd.f32 v3, v2;
	v2 =	vld [tilespmem:$0x1FFD0];
	v6 =	vor.u32 v26, v37  }
0x4b0: {  	v3 =	vld [tilespmem:$0x1FF80]  }
0x4b1: {  	v0 =	vadd.f32 v1, v0;
	v1 =	vld [tilespmem:$0x1FFE0];
	v9 =	vor.u32 v27, v37  }
0x4b2: {  	s10 =	sadd.s32 $0x10, s10;
	v4 =	vld [tilespmem:$0x1FFC0]  }
0x4b3: {  	[tilespmem:s10+$0x0] =	vst v0;
	v0 =	vld [tilespmem:$0x1FF70];
	v11 =	vor.u32 v23, v37  }
0x4b4: {  	v55 =	vld.idx.msk [tilespmem:v6+s31+$0x0], $0xffff  }
0x4b5: {  	v15 =	vor.u32 v24, v37;
	v57 =	vld.idx.msk [tilespmem:v6+s2+$0x0], $0xffff  }
0x4b6: {  	v2 =	vor.u32 v2, v37;
	v8 =	vld.idx.msk [tilespmem:v9+s31+$0x0], $0xffff  }
0x4b7: {  	v9 =	vld.idx.msk [tilespmem:v9+s2+$0x0], $0xffff  }
0x4b8: {  	v10 =	vld.idx.msk [tilespmem:v11+s31+$0x0], $0xffff  }
0x4b9: {  	v3 =	vor.u32 v3, v37;
	v11 =	vld.idx.msk [tilespmem:v11+s2+$0x0], $0xffff  }
0x4ba: {  	v6 =	vld.idx.msk [tilespmem:v15+s2+$0x0], $0xffff  }
0x4bb: {  	v46 =	vld.idx.msk [tilespmem:v2+s31+$0x0], $0xffff  }
0x4bc: {  	v0 =	vor.u32 v0, v37;
	v47 =	vld.idx.msk [tilespmem:v2+s2+$0x0], $0xffff  }
0x4bd: {  	v2 =	vld [tilespmem:$0x1FF90]  }
0x4be: {  	v50 =	vld.idx.msk [tilespmem:v3+s31+$0x0], $0xffff  }
0x4bf: {  	v1 =	vor.u32 v1, v37;
	v51 =	vld.idx.msk [tilespmem:v3+s2+$0x0], $0xffff  }
0x4c0: {  	v3 =	vld [tilespmem:$0x1FF60]  }
0x4c1: {  	v4 =	vor.u32 v4, v37;
	v48 =	vld.idx.msk [tilespmem:v0+s31+$0x0], $0xffff  }
0x4c2: {  	v49 =	vld.idx.msk [tilespmem:v0+s2+$0x0], $0xffff  }
0x4c3: {  	v0 =	vld [tilespmem:$0x1FF50]  }
0x4c4: {  	v33 =	vld.idx.msk [tilespmem:v1+s31+$0x0], $0xffff;
	v2 =	vor.u32 v2, v37  }
0x4c5: {  	v34 =	vld.idx.msk [tilespmem:v1+s2+$0x0], $0xffff  }
0x4c6: {  	v43 =	vld.idx.msk [tilespmem:v4+s31+$0x0], $0xffff  }
0x4c7: {  	v45 =	vld.idx.msk [tilespmem:v4+s2+$0x0], $0xffff;
	v4 =	vor.u32 v31, v37  }
0x4c8: {  	v1 =	vld [tilespmem:$0x1FF30];
	v0 =	vor.u32 v0, v37  }
0x4c9: {  	v35 =	vld.idx.msk [tilespmem:v2+s31+$0x0], $0xffff  }
0x4ca: {  	v36 =	vld.idx.msk [tilespmem:v2+s2+$0x0], $0xffff  }
0x4cb: {  	v3 =	vor.u32 v3, v37;
	v2 =	vld [tilespmem:$0x1FFB0]  }
0x4cc: {  	v42 =	vld.idx.msk [tilespmem:v4+s31+$0x0], $0xffff  }
0x4cd: {  	v1 =	vor.u32 v1, v37;
	v54 =	vld.idx.msk [tilespmem:v0+s31+$0x0], $0xffff  }
0x4ce: {  	v56 =	vld.idx.msk [tilespmem:v0+s2+$0x0], $0xffff  }
0x4cf: {  	v0 =	vld [tilespmem:$0x1FF40]  }
0x4d0: {  	v38 =	vld.idx.msk [tilespmem:v3+s31+$0x0], $0xffff;
	v2 =	vor.u32 v2, v37  }
0x4d1: {  	v39 =	vld.idx.msk [tilespmem:v3+s2+$0x0], $0xffff  }
0x4d2: {  	v52 =	vld.idx.msk [tilespmem:v1+s31+$0x0], $0xffff  }
0x4d3: {  	v3 =	vor.u32 v29, v37;
	v53 =	vld.idx.msk [tilespmem:v1+s2+$0x0], $0xffff  }
0x4d4: {  	v1 =	vld [tilespmem:$0x1FF20];
	v0 =	vor.u32 v0, v37  }
0x4d5: {  	v58 =	vld.idx.msk [tilespmem:v2+s31+$0x0], $0xffff  }
0x4d6: {  	v59 =	vld.idx.msk [tilespmem:v2+s2+$0x0], $0xffff  }
0x4d7: {  	v2 =	vld [tilespmem:$0x1FEF0]  }
0x4d8: {  	v5 =	vor.u32 v22, v37;
	v62 =	vld.idx.msk [tilespmem:v3+s31+$0x0], $0xffff  }
0x4d9: {  	v1 =	vor.u32 v1, v37;
	v40 =	vld.idx.msk [tilespmem:v0+s31+$0x0], $0xffff  }
0x4da: {  	v41 =	vld.idx.msk [tilespmem:v0+s2+$0x0], $0xffff  }
0x4db: {  	v0 =	vld.idx.msk [tilespmem:v3+s2+$0x0], $0xffff;
	v3 =	vor.u32 v30, v37  }
0x4dc: {  	v44 =	vld.idx.msk [tilespmem:v4+s2+$0x0], $0xffff;
	v2 =	vor.u32 v2, v37  }
0x4dd: {  	v4 =	vld.idx.msk [tilespmem:v5+s2+$0x0], $0xffff  }
0x4de: {  	v60 =	vld.idx.msk [tilespmem:v1+s31+$0x0], $0xffff  }
0x4df: {  	v61 =	vld.idx.msk [tilespmem:v1+s2+$0x0], $0xffff  }
0x4e0: {  	p0 =	sne.s32 s12, $0x180;
	v7 =	vld.idx.msk [tilespmem:v3+s2+$0x0], $0xffff  }
.Ltmp4:
0x4e1: {  	v63 =	vld.idx.msk [tilespmem:v2+s31+$0x0], $0xffff;
	(pc) =	sbr.rel @p0 .LBB2_11-.Ltmp4, $4  }
0x4e2: {  	v1 =	vld.idx.msk [tilespmem:v2+s2+$0x0], $0xffff  }
0x4e3: {  	v2 =	vld.idx.msk [tilespmem:v5+s31+$0x0], $0xffff  }
0x4e4: {  	v5 =	vld.idx.msk [tilespmem:v3+s31+$0x0], $0xffff;
	v3 =	vlaneseq.u32  }
0x4e5: {  	s12 =	sadd.s32 $0x10, s12;
	v13 =	vor.u32 v25, v37;
	v12 =	vor.u32 v21, v37;
	v14 =	vor.u32 v3, v37;
	v3 =	vld.idx.msk [tilespmem:v15+s31+$0x0], $0xffff  }
0x4e6: {  	_ =	sdelay $0x3  }
0x4e7: {  	v15 =	vld.idx.msk [tilespmem:v14+s2+$0x0], $0xffff  }
0x4e8: {  	v14 =	vld.idx.msk [tilespmem:v14+s31+$0x0], $0xffff  }
0x4e9: {  	v16 =	vld [tilespmem:$0x1FE00]  }
0x4ea: {  	v17 =	vld.idx.msk [tilespmem:v13+s31+$0x0], $0xffff  }
0x4eb: {  	v13 =	vld.idx.msk [tilespmem:v13+s2+$0x0], $0xffff  }
0x4ec: {  	v20 =	vld [tilespmem:$0x1FED0]  }
0x4ed: {  	v19 =	vld.idx.msk [tilespmem:v12+s31+$0x0], $0xffff;
	v23 =	vmul.f32 v47, v46  }
0x4ee: {  	v46 =	vld [tilespmem:$0x1FEE0];
	v47 =	vmul.f32 v51, v50;
	v50 =	vmul.f32 v56, v54;
	v56 =	vor.u32 v28, v37  }
0x4ef: {  	v12 =	vld.idx.msk [tilespmem:v12+s2+$0x0], $0xffff;
	v16 =	vor.u32 v16, v37  }
0x4f0: {  	v24 =	vmul.f32 v49, v48;
	v49 =	vld [tilespmem:$0x1FF10]  }
0x4f1: {  	v27 =	vld [tilespmem:$0x1FE90];
	v18 =	vor.u32 v20, v37  }
0x4f2: {  	v0 =	vmul.f32 v0, v62;
	v62 =	vld [tilespmem:$0x1FFA0]  }
0x4f3: {  	v22 =	vmul.f32 v45, v43;
	v3 =	vmul.f32 v6, v3;
	v45 =	vor.u32 v46, v37;
	v6 =	vld.idx.msk [tilespmem:v56+s31+$0x0], $0xffff  }
0x4f4: {  	v43 =	vmul.f32 v53, v52;
	v48 =	vld.idx.msk [tilespmem:v16+s31+$0x0], $0xffff  }
0x4f5: {  	v52 =	vmul.f32 v59, v58;
	v53 =	vmul.f32 v61, v60;
	v51 =	vor.u32 v49, v37;
	v16 =	vld.idx.msk [tilespmem:v16+s2+$0x0], $0xffff  }
0x4f6: {  	v1 =	vmul.f32 v1, v63;
	v2 =	vmul.f32 v4, v2;
	v54 =	vld.idx.msk [tilespmem:v18+s31+$0x0], $0xffff  }
0x4f7: {  	v4 =	vmul.f32 v7, v5;
	v7 =	vmul.f32 v9, v8;
	v18 =	vld.idx.msk [tilespmem:v18+s2+$0x0], $0xffff  }
0x4f8: {  	v8 =	vmul.f32 v11, v10;
	v9 =	vor.u32 v32, v37;
	v11 =	vmul.f32 v15, v14;
	v5 =	vld.idx.msk [tilespmem:v45+s31+$0x0], $0xffff  }
0x4f9: {  	v13 =	vmul.f32 v13, v17;
	v12 =	vmul.f32 v12, v19;
	v10 =	vld.idx.msk [tilespmem:v45+s2+$0x0], $0xffff  }
0x4fa: {  	v17 =	vor.u32 v62, v37;
	v11 =	vadd.f32 $0.0e+00, v11;
	v15 =	vld.idx.msk [tilespmem:v51+s31+$0x0], $0xffff;
	v16 =	vmul.f32 v16, v48  }
0x4fb: {  	v14 =	vor.u32 v27, v37;
	v13 =	vadd.f32 $0.0e+00, v13;
	v12 =	vadd.f32 $0.0e+00, v12;
	v19 =	vld.idx.msk [tilespmem:v51+s2+$0x0], $0xffff  }
0x4fc: {  	v60 =	vld.idx.msk [tilespmem:v56+s2+$0x0], $0xffff;
	v7 =	vadd.f32 v7, v11;
	v18 =	vmul.f32 v18, v54;
	v16 =	vadd.f32 $0.0e+00, v16  }
0x4fd: {  	v8 =	vadd.f32 v8, v13;
	v11 =	vmul.f32 v57, v55;
	v13 =	vld.idx.msk [tilespmem:v9+s31+$0x0], $0xffff;
	v3 =	vadd.f32 v3, v12  }
0x4fe: {  	v9 =	vld.idx.msk [tilespmem:v9+s2+$0x0], $0xffff;
	v2 =	vadd.f32 v2, v7;
	v5 =	vmul.f32 v10, v5;
	v12 =	vadd.f32 v18, v16  }
0x4ff: {  	v4 =	vadd.f32 v4, v8;
	v7 =	vmul.f32 v44, v42;
	v8 =	vld.idx.msk [tilespmem:v17+s31+$0x0], $0xffff;
	v3 =	vadd.f32 v11, v3  }
0x500: {  	v11 =	vld.idx.msk [tilespmem:v17+s2+$0x0], $0xffff;
	v0 =	vadd.f32 v0, v2;
	v10 =	vmul.f32 v19, v15;
	v5 =	vadd.f32 v5, v12  }
0x501: {  	v61 =	vmul.f32 v41, v40;
	v1 =	vadd.f32 v1, v4;
	v4 =	vld.idx.msk [tilespmem:v14+s31+$0x0], $0xffff;
	v3 =	vadd.f32 v7, v3  }
0x502: {  	v6 =	vmul.f32 v60, v6;
	v7 =	vld.idx.msk [tilespmem:v14+s2+$0x0], $0xffff;
	v0 =	vadd.f32 v52, v0;
	v5 =	vadd.f32 v10, v5  }
0x503: {  	v1 =	vadd.f32 v53, v1;
	v2 =	vadd.f32 v61, v3  }
0x504: {  	v30 =	vld [tilespmem:$0x1FFC0];
	v10 =	vmul.f32 v39, v38;
	v3 =	vadd.f32 v6, v5;
	v5 =	vmul.f32 v9, v13  }
0x505: {  	v37 =	vld [tilespmem:$0x1FF20];
	v17 =	vmovc v21;
	v0 =	vadd.f32 v43, v0;
	v1 =	vadd.f32 v50, v1;
	v6 =	vmul.f32 v36, v35  }
0x506: {  	v44 =	vld [tilespmem:$0x1FFE0];
	v21 =	vmovc v32;
	v2 =	vadd.f32 v10, v2;
	v3 =	vadd.f32 v5, v3;
	v5 =	vmul.f32 v11, v8  }
0x507: {  	v32 =	vld [tilespmem:$0x1FEF0];
	v61 =	vmovc v25;
	v4 =	vmul.f32 v7, v4;
	v0 =	vadd.f32 v24, v0;
	v1 =	vadd.f32 v47, v1  }
0x508: {  	v25 =	vmovc v29;
	v29 =	vld [tilespmem:$0x1FF80];
	v8 =	vmul.f32 v34, v33;
	v2 =	vadd.f32 v6, v2;
	v3 =	vadd.f32 v5, v3  }
0x509: {  	v15 =	vld [tilespmem:$0x1FFB0];
	v0 =	vadd.f32 v22, v0;
	v1 =	vadd.f32 v23, v1  }
0x50a: {  	v50 =	vld [tilespmem:$0x1FF60];
	v2 =	vadd.f32 v8, v2;
	v3 =	vadd.f32 v4, v3  }
0x50b: {  	s7 =	sadd.s32 $0x1, s7;
	v18 =	vld [tilespmem:$0x1FF40]  }
0x50c: {  	p0 =	sne.s32 s7, $0x4;
	v12 =	vld [tilespmem:$0x1FF50];
	v0 =	vadd.f32 v1, v0;
	v63 =	vadd.f32 v3, v2  }
.Ltmp5:
0x50d: {  	v23 =	vld [tilespmem:$0x1FF70];
	(pc) =	sbr.rel @p0 .LBB2_8-.Ltmp5, $4  }
0x50e: {  	s8 =	sadd.s32 s16, s8;
	v9 =	vld [tilespmem:$0x1FF90];
	v0 =	vadd.f32 v63, v0  }
0x50f: {  	s10 =	sadd.s32 $0x10, s10;
	s8 =	sshrl.u32 s8, $0x3;
	v33 =	vld [tilespmem:$0x1FFD0]  }
0x510: {  	s8 =	sadd.s32 s4, s8;
	v4 =	vld [tilespmem:$0x1FEA0];
	[tilespmem:s10+$0x0] =	vst v0  }
0x511: {  	v53 =	vlaneseq.u32;
	v19 =	vmov v20;
	v22 =	vmov v28;
	v63 =	vld [tilespmem:$0x1FF30];
	[hbm4b:s8+s3] =	stream.linear.scatter [tilespmem:s21], [sflag:$0x4], $0x190, $0x38  }
0x512: {  	s24 =	sadd.s32 $0x1, s24  }
0x513: {  	_ =	swait.ge [sflag:s23], $0x190;
	p0 =	sne.s32 s24, s17  }
.Ltmp6:
0x514: {  	[sflag:s23] =	ssyncset.done $0x0;
	(pc) =	sbr.rel @p0 .LBB2_1-.Ltmp6, $4  }
0x515: {  	[sflag:s23] =	ssyncadd.s32 $0xFFFFFE70  }
0x516: {  	_ =	swait.ge [sflag:s20], $0x190  }
0x517: {  	[sflag:s20] =	ssyncset.done $0x0  }
0x518: {  	[sflag:s20] =	ssyncadd.s32 $0xFFFFFE70  }
0x519: {  	_ =	sfence.sel $0x180000  }
0x51a: {  	[bflag:$0x0] =	sbarrier.arrive $0xFFFF  }
0x51b: {  	_ =	strace $0x90000050  }
0x51c: {  	s0 =	stileid.u32;
	[bflag:$0x2] =	sbarrier.arrive $0xFFFF  }
0x51d: {  	p0 =	sne.s32 s0, $0x0;
	s0 =	rddreg [dreg:$0x2]  }
0x51e: {  	s0 =	sadd.s32 @!p0 $0x100000, s0  }
0x51f: {  	[sflag:s0] =	ssyncadd.tile.s32 @!p0 $0x1;
	_ =	shalt  }
.Lfunc_end2:
_tile_overlayer_lowered:
.L_overlay_start_2:
0x520: {  	(tag) =	ssettag $0x2  }
0x521: {  	s0 =	rddreg [dreg:$0x0];
	s2 =	stileid.u32  }
0x522: {  	s1 =	rddreg [dreg:$0x1];
	p0 =	sne.s32 s2, $0x0  }
0x523: {  	s3 =	rddreg [dreg:$0x2];
	[bflag:$0x3] =	sbarrier.arrive $0xFFFF;
	s2 =	simm.s32 @!p0 $0x1C05  }
0x524: {  	[timem:s3], [sflag:s2] =	dma.local @!p0 [hbm:s0], s1  }
0x525: {  	s0 =	simm.s32 @!p0 $0x5  }
0x526: {  	_ =	swait.ge @!p0 [sflag:s0], s1  }
0x527: {  	s1 =	ssub.s32 @!p0 $0x0, s1;
	[sflag:s0] =	ssyncset.done @!p0 $0x0  }
0x528: {  	[sflag:s0] =	ssyncadd.s32 @!p0 s1  }
0x529: {  	[bflag:$0x3] =	sbarrier.arrive $0xFFFF  }
0x52a: {  	_ =	shalt  }

// kernel: kernel.9.cloned.1.call-start
scs
__scs_entry_jumppad:
0x0: {  	(pc) =	sbr.rel $0x88, $3  }
0x1: {  	(tag) =	ssettag $0x0;
	lr =	simm.s32 $0x1  }
0x2: {  	[smem:$0x3F9A] =	sst lr;
	_ =	strace $0xD0000000  }
0x3: {  	_ = 	snop  }
0x4: {  	_ = 	snop  }
0x5: {  	_ = 	snop  }
0x6: {  	_ = 	snop  }
0x7: {  	_ = 	snop  }
__scs_overlays_trampoline_lowered:
0x8: {  	[smem:$0x3FA9] =	sst s0  }
0x9: {  	[smem:$0x3FAA] =	sst s1  }
0xa: {  	[smem:$0x3FAB] =	sst s2  }
0xb: {  	[smem:$0x3FAC] =	sst s3  }
0xc: {  	[smem:$0x3FAD] =	sst s4  }
0xd: {  	[smem:$0x3FAE] =	sst s5  }
0xe: {  	[smem:$0x3FAF] =	sst s6  }
0xf: {  	[smem:$0x3FB0] =	sst s7  }
0x10: {  	[smem:$0x3FB1] =	sst s8  }
0x11: {  	[smem:$0x3FB2] =	sst s9;
	s0 =	simm.s32 @!p0 $0x0  }
0x12: {  	s1 =	sld [smem:$0x3F98];
	s0 =	simm.s32 @p0 $0x1  }
0x13: {  	[smem:$0x3FB3] =	sst s0;
	s0 =	simm.s32 @!p1 $0x0  }
0x14: {  	s2 =	sld [smem:$0x3F97];
	s0 =	simm.s32 @p1 $0x1  }
0x15: {  	[smem:$0x3FB4] =	sst s0;
	s0 =	simm.s32 @!p2 $0x0  }
0x16: {  	s3 =	sld [smem:$0x3FDB];
	s0 =	simm.s32 @p2 $0x1  }
0x17: {  	s4 =	simm.s32 $0x1BF5;
	[smem:$0x3FB6] =	sst s0  }
0x18: {  	s0 =	sld [smem:$0x3F99];
	_ =	swait.ge [sflag:s4], $0x0  }
0x19: {  	s7 =	sld [smem:$0x3F9A]  }
0x1a: {  	s8 =	sadd.s32 $0xFFFFE003, lr  }
0x1b: {  	s9 =	sadd.s32 $0xFFFFFEF7, lr;
	s5 =	simm.s32 $0xFFFFFFFF;
	p2 =	slt.u32 s8, $0xFFFFF086  }
0x1c: {  	p1 =	slt.u32 s9, $0xF7A;
	s5 =	simm.s32 @!p2 $0x0  }
0x1d: {  	s5 =	simm.s32 @p1 $0x1;
	p0 =	seq.s32 s7, s2  }
0x1e: {  	s7 =	smul.u32 @!p0 $0xF7A, s2;
	p2 =	seq.s32 @!p0 s5, $0x0  }
0x1f: {  	s9 =	smul.u32 $0xF7A, s1;
	s8 =	simm.s32 @!p0 $0x1BF5;
	p2 =	por !p2, p0  }
0x20: {  	[sflag:s8] =	ssyncset.s32 @!p0 $0xFFFFF086;
	s6 =	sadd.s32 @!p0 s3, s7;
	s7 =	simm.s32 @!p0 $0x108  }
0x21: {  	s3 =	sadd.s32 s3, s9;
	s6 =	sadd.s32 @!p0 $0x88, s6;
	s7 =	simm.s32 @p2 $0x1082  }
0x22: {  	[simem:s7], [sflag:s8] =	dma.local @!p0 [hbm:s6], $0xF7A  }
0x23: {  	s9 =	sor.u32 $0xD0000000, s2;
	s6 =	simm.s32 $0x108;
	_ =	swait.ge @!p0 [sflag:s8], $0x0  }
0x24: {  	s3 =	sadd.s32 $0x88, s3;
	s6 =	simm.s32 @!p1 $0x1082;
	[sflag:s4] =	ssyncset.s32 $0xFFFFF086  }
0x25: {  	[simem:s6], [sflag:s4] =	dma.local [hbm:s3], $0xF7A  }
0x26: {  	[smem:$0x3F9A] =	sst s1;
	(tag) =	ssettag s2;
	_ =	strace s9  }
0x27: {  	s1 =	sld [smem:$0x3FAA]  }
0x28: {  	s2 =	sld [smem:$0x3FAB]  }
0x29: {  	s4 =	sld [smem:$0x3FAD]  }
0x2a: {  	p0 =	seq.s32 s5, $0x0;
	s5 =	sld [smem:$0x3FAE]  }
0x2b: {  	s6 =	sld [smem:$0x3FAF]  }
0x2c: {  	s7 =	sld [smem:$0x3FB0]  }
0x2d: {  	s3 =	simm.s32 $0x108;
	s8 =	sld [smem:$0x3FB1]  }
0x2e: {  	s3 =	simm.s32 @!p0 $0x1082;
	s9 =	sld [smem:$0x3FB2]  }
0x2f: {  	lr =	sadd.s32 s0, s3;
	s0 =	sld [smem:$0x3FA9]  }
0x30: {  	s3 =	sld [smem:$0x3FAC]  }
0x31: {  	[smem:$0x3FB5] =	sst s10  }
0x32: {  	s10 =	sld [smem:$0x3FB3];
	_ =	sdelay $0x3  }
0x33: {  	p0 =	seq.s32 s10, $0x1;
	s10 =	sld [smem:$0x3FB5];
	_ =	sdelay $0x3  }
0x34: {  	[smem:$0x3FB5] =	sst s10  }
0x35: {  	s10 =	sld [smem:$0x3FB4];
	_ =	sdelay $0x3  }
0x36: {  	p1 =	seq.s32 s10, $0x1;
	s10 =	sld [smem:$0x3FB5];
	_ =	sdelay $0x3  }
0x37: {  	[smem:$0x3FB5] =	sst s10  }
0x38: {  	s10 =	sld [smem:$0x3FB6]  }
0x39: {  	_ = 	snop;
	(pc) =	sbr.ind lr, $3  }
0x3a: {  	_ = 	snop  }
0x3b: {  	_ = 	snop  }
0x3c: {  	p2 =	seq.s32 s10, $0x1;
	s10 =	sld [smem:$0x3FB5]  }
0x3d: {  	_ =	shalt  }
0x3e: {  	_ =	shalt  }
0x3f: {  	_ =	shalt  }
0x40: {  	_ =	shalt  }
0x41: {  	_ =	shalt  }
0x42: {  	_ =	shalt  }
0x43: {  	_ =	shalt  }
0x44: {  	_ =	shalt  }
0x45: {  	_ =	shalt  }
0x46: {  	_ =	shalt  }
0x47: {  	_ =	shalt  }
0x48: {  	_ =	shalt  }
0x49: {  	_ =	shalt  }
0x4a: {  	_ =	shalt  }
0x4b: {  	_ =	shalt  }
0x4c: {  	_ =	shalt  }
0x4d: {  	_ =	shalt  }
0x4e: {  	_ =	shalt  }
0x4f: {  	_ =	shalt  }
0x50: {  	_ =	shalt  }
0x51: {  	_ =	shalt  }
0x52: {  	_ =	shalt  }
0x53: {  	_ =	shalt  }
0x54: {  	_ =	shalt  }
0x55: {  	_ =	shalt  }
0x56: {  	_ =	shalt  }
0x57: {  	_ =	shalt  }
0x58: {  	_ =	shalt  }
0x59: {  	_ =	shalt  }
0x5a: {  	_ =	shalt  }
0x5b: {  	_ =	shalt  }
0x5c: {  	_ =	shalt  }
0x5d: {  	_ =	shalt  }
0x5e: {  	_ =	shalt  }
0x5f: {  	_ =	shalt  }
0x60: {  	_ =	shalt  }
0x61: {  	_ =	shalt  }
0x62: {  	_ =	shalt  }
0x63: {  	_ =	shalt  }
0x64: {  	_ =	shalt  }
0x65: {  	_ =	shalt  }
0x66: {  	_ =	shalt  }
0x67: {  	_ =	shalt  }
0x68: {  	_ =	shalt  }
0x69: {  	_ =	shalt  }
0x6a: {  	_ =	shalt  }
0x6b: {  	_ =	shalt  }
0x6c: {  	_ =	shalt  }
0x6d: {  	_ =	shalt  }
0x6e: {  	_ =	shalt  }
0x6f: {  	_ =	shalt  }
0x70: {  	_ =	shalt  }
0x71: {  	_ =	shalt  }
0x72: {  	_ =	shalt  }
0x73: {  	_ =	shalt  }
0x74: {  	_ =	shalt  }
0x75: {  	_ =	shalt  }
0x76: {  	_ =	shalt  }
0x77: {  	_ =	shalt  }
0x78: {  	_ =	shalt  }
0x79: {  	_ =	shalt  }
0x7a: {  	_ =	shalt  }
0x7b: {  	_ =	shalt  }
0x7c: {  	_ =	shalt  }
0x7d: {  	_ =	shalt  }
0x7e: {  	_ =	shalt  }
0x7f: {  	_ =	shalt  }
0x80: {  	_ =	shalt  }
0x81: {  	_ =	shalt  }
0x82: {  	_ =	shalt  }
0x83: {  	_ =	shalt  }
0x84: {  	_ =	shalt  }
0x85: {  	_ =	shalt  }
0x86: {  	_ =	shalt  }
0x87: {  	_ =	shalt  }
.Lfunc_end0:
.L_simem_size_0:
called_computation_lowered:
.L_overlay_start_0:
0x88: {  	s2 =	sld [smem:$0x3FD9]  }
0x89: {  	s3 =	sld [smem:$0x3FFE];
	_ =	sdelay $0x1  }
0x8a: {  	s1 =	srdreg.scid  }
0x8b: {  	s0 =	sand.u32 $0x1, s1  }
0x8c: {  	s14 =	sshll.u32 s0, $0xA;
	s2 =	sadd.s32 s3, s2  }
0x8d: {  	s2 =	sadd.s32 s2, s14  }
0x8e: {  	[smem:$0x3FC1] =	sst s2  }
0x8f: {  	_ = 	snop  }
0x90: {  	s2 =	sld [smem:$0x3FD0];
	_ =	sdelay $0x2  }
0x91: {  	s15 =	simm.s32 $0xA;
	s4 =	simm.s32 $0x10  }
0x92: {  	[smem:s4], [sflag:s15] =	dma.local [hbm:s2], $0x1  }
0x93: {  	_ =	swait.eq [sflag:s15], $0x1  }
0x94: {  	[sflag:s15] =	ssyncset.done $0x0  }
0x95: {  	[sflag:s15] =	ssyncadd.s32 $0xFFFFFFFF  }
0x96: {  	s16 =	sld [smem:$0x10];
	(tm) =	ssettm $0x1  }
0x97: {  	s17 =	sld [smem:$0x3FFB];
	_ =	sdelay $0x3  }
0x98: {  	_ =	strace s17  }
0x99: {  	s3 =	sld [smem:$0x3FFC];
	_ =	sdelay $0x3  }
0x9a: {  	_ =	strace s3  }
0x9b: {  	s3 =	sld [smem:$0x3FFD];
	_ =	sdelay $0x3  }
0x9c: {  	_ =	strace s3  }
0x9d: {  	_ =	strace $0x8FFFFFFF  }
0x9e: {  	s18 =	sld [smem:$0x3FDB];
	_ =	sdelay $0x1  }
0x9f: {  	s19 =	simm.s32 $_scs_section_size  }
0xa0: {  	s5 =	simm.s32 $_size__tile_overlayer_lowered;
	s6 =	simm.s32 $_tile_overlayer_lowered  }
0xa1: {  	s22 =	simm.s32 $0x1BFF;
	s21 =	sshll.u32 s6, $0x1;
	s3 =	sadd.s32 s19, s18  }
0xa2: {  	s7 =	simm.s32 $0x0;
	s20 =	sshll.u32 s5, $0x1;
	s5 =	sadd.s32 s21, s3  }
0xa3: {  	[timem:s7], [sflag:s22] =	dma.local [hbm:s5], s20  }
0xa4: {  	_ =	swait.ge [sflag:s22], s20  }
0xa5: {  	s4 =	ssub.s32 $0x0, s20;
	[sflag:s22] =	ssyncset.done $0x0  }
0xa6: {  	[sflag:s22] =	ssyncadd.s32 s4;
	_ =	sdelay $0x1  }
0xa7: {  	s23 =	simm.s32 $0x1B8B  }
0xa8: {  	_ =	swait.ge [sflag:s23], $0x1  }
0xa9: {  	[sflag:s23] =	ssyncset.done $0x0  }
0xaa: {  	s25 =	simm.s32 $0x1B8E;
	s24 =	sld [smem:$0x3FFE];
	[sflag:s23] =	ssyncadd.s32 $0xFFFFFFFF  }
0xab: {  	s26 =	simm.s32 $execute0_lowered;
	[smem:$0x3FD2] =	sst s25  }
0xac: {  	s5 =	sshll.u32 s26, $0x1;
	_ =	strace $0x80000046;
	[dreg:$0x1] =	wrdreg $0xFFFFFFFF  }
0xad: {  	s28 =	simm.s32 $_size_execute0_lowered;
	s3 =	sadd.s32 s3, s5;
	[dreg:$0x0] =	wrdreg $0x0  }
0xae: {  	s5 =	sshll.u32 s28, $0x1;
	[dreg:$0x2] =	wrdreg s3  }
0xaf: {  	[dreg:$0x3] =	wrdreg s5  }
0xb0: {  	[dreg:$0x4] =	wrdreg $0xC0  }
0xb1: {  	_ =	task [dreg:s7], $0x5FFFF  }
0xb2: {  	[dreg:$0x1] =	wrdreg $0xFFFFFFFF  }
0xb3: {  	[dreg:$0x0] =	wrdreg $0x60  }
0xb4: {  	[dreg:$0x2] =	wrdreg s24  }
0xb5: {  	[dreg:$0x3] =	wrdreg s16  }
0xb6: {  	[dreg:$0x4] =	wrdreg $0x0  }
0xb7: {  	[dreg:$0x5] =	wrdreg $0x9  }
0xb8: {  	_ =	task.clear_ibuf [dreg:s7], $0x6FFFF;
	_ =	strace $0x90000046  }
0xb9: {  	s29 =	simm.s32 $0x9;
	_ =	strace $0x80000048  }
0xba: {  	_ =	swait.ge [sflag:s29], $0x1  }
0xbb: {  	[sflag:s29] =	ssyncadd.s32 $0xFFFFFFFF  }
0xbc: {  	_ =	strace $0x90000048  }
0xbd: {  	_ =	sfence  }
0xbe: {  	s30 =	sld [smem:$0x0];
	_ =	sdelay $0x2  }
0xbf: {  	s31 =	sshll.u32 s1, $0xD;
	s1 =	sshrl.u32 s1, $0x2  }
0xc0: {  	s3 =	sand.u32 $0x4000, s31;
	s1 =	sadd.s32 s1, s30  }
0xc1: {  	s0 =	sor.u32 s3, s0;
	s1 =	sshll.u32 s1, $0x11  }
0xc2: {  	s0 =	sor.u32 s1, s0  }
0xc3: {  	s0 =	sadd.s32 $0x8F2B, s0  }
0xc4: {  	[sflag:s0] =	ssyncadd.remote.s32 $0x1  }
0xc5: {  	_ =	sfence.sel $0xFFFF  }
0xc6: {  	[dreg:$0x0] =	wrdreg $0xFFFFFFFF;
	(pc) =	sbr.abs _section_cstart, $3  }
0xc7: {  	[dreg:$0x1] =	wrdreg $0xFFFFFFFF  }
0xc8: {  	_ =	task.clear_ibuf [dreg:s7], $0x2FFFF;
	_ =	strace $0x9FFFFFFF  }
0xc9: {  	(tm) =	ssettm $0x7FFFFFFF  }
tec
execute0_lowered:
.L_overlay_start_1:
0x0: {  	(tag) =	ssettag $0x1  }
0x1: {  	s5 =	rddreg [dreg:$0x0]  }
0x2: {  	s6 =	rddreg [dreg:$0x1]  }
0x3: {  	s0 =	srdreg.scid;
	s2 =	rddreg [dreg:$0x2];
	s3 =	simm.s32 $0x0  }
0x4: {  	s12 =	simm.s32 $0xA50;
	s13 =	simm.s32 $0x1;
	s14 =	simm.s32 $0x280  }
0x5: {  	s15 =	simm.s32 $0x7D0;
	s4 =	sand.u32 $0x1, s0;
	s0 =	stileid.u32  }
0x6: {  	s18 =	simm.s32 $0x0;
	[smem:$0x7FF] =	sst s3;
	s8 =	smul.u32 $0x280, s0  }
0x7: {  	s1 =	sshll.u32 s4, $0x4;
	s9 =	smul.u32 $0x2800, s4;
	s4 =	ssub.s32 $0x2, s4  }
0x8: {  	s16 =	sshll.u32 s0, $0x6;
	s1 =	sor.u32 s0, s1;
	s28 =	sshrl.u32 s4, $0x1  }
0x9: {  	s16 =	sor.u32 $0x1C01, s16;
	s7 =	smul.u32 $0x2710, s1;
	s1 =	rddreg [dreg:$0x3]  }
0xa: {  	_ =	strace $0x80000047;
	s29 =	sadd.s32 s8, s9;
	s30 =	ssub.s32 s4, s28  }
0xb: {  	s4 =	sadd.s32 s8, s2;
	s31 =	sshrl.u32 s29, $0x3;
	s7 =	sshrl.u32 s7, $0x3  }
0xc: {  	s17 =	sshrl.u32 s4, $0x3;
	s11 =	sadd.s32 s7, s5;
	s5 =	sadd.s32 s6, s31  }
0xd: {  	s7 =	smax.u32 s30, $0x1;
	s6 =	sadd.s32 $0x1200, s11;
	s8 =	sadd.s32 $0x12FA, s11  }
0xe: {  	v0 =	vimm.f32 $0.0e+00;
	v1 =	vimm.f32 $1.000000000e+00;
	s9 =	sadd.s32 $0x13F4, s11;
	s10 =	sadd.s32 $0x14EE, s11;
	s11 =	sadd.s32 $0x15E8, s11  }
.LBB2_1:
0xf: {  	[tilespmem:$0xA50] =	vst v0  }
0x10: {  	[tilespmem:$0xA60] =	vst v0  }
0x11: {  	[tilespmem:$0xA70] =	vst v0  }
0x12: {  	[tilespmem:$0xA80] =	vst v0  }
0x13: {  	[tilespmem:$0xA90] =	vst v0  }
0x14: {  	[tilespmem:$0xAA0] =	vst v0  }
0x15: {  	[tilespmem:$0xAB0] =	vst v0  }
0x16: {  	[tilespmem:$0xAC0] =	vst v0  }
0x17: {  	[tilespmem:$0xAD0] =	vst v0  }
0x18: {  	[tilespmem:$0xAE0] =	vst v0  }
0x19: {  	[tilespmem:$0xAF0] =	vst v0  }
0x1a: {  	[tilespmem:$0xB00] =	vst v0  }
0x1b: {  	[tilespmem:$0xB10] =	vst v0  }
0x1c: {  	[tilespmem:$0xB20] =	vst v0  }
0x1d: {  	[tilespmem:$0xB30] =	vst v0  }
0x1e: {  	[tilespmem:$0xB40] =	vst v0  }
0x1f: {  	[tilespmem:$0xB50] =	vst v0  }
0x20: {  	[tilespmem:$0xB60] =	vst v0  }
0x21: {  	[tilespmem:$0xB70] =	vst v0  }
0x22: {  	[tilespmem:$0xB80] =	vst v0  }
0x23: {  	[tilespmem:$0xB90] =	vst v0  }
0x24: {  	[tilespmem:$0xBA0] =	vst v0  }
0x25: {  	[tilespmem:$0xBB0] =	vst v0  }
0x26: {  	[tilespmem:$0xBC0] =	vst v0  }
0x27: {  	[tilespmem:$0xBD0] =	vst v0  }
0x28: {  	[tilespmem:$0xBE0] =	vst v0  }
0x29: {  	[tilespmem:$0xBF0] =	vst v0  }
0x2a: {  	[tilespmem:$0xC00] =	vst v0  }
0x2b: {  	[tilespmem:$0xC10] =	vst v0  }
0x2c: {  	[tilespmem:$0xC20] =	vst v0  }
0x2d: {  	[tilespmem:$0xC30] =	vst v0  }
0x2e: {  	[tilespmem:$0xC40] =	vst v0  }
0x2f: {  	[tilespmem:$0xC50] =	vst v0  }
0x30: {  	[tilespmem:$0xC60] =	vst v0  }
0x31: {  	[tilespmem:$0xC70] =	vst v0  }
0x32: {  	[tilespmem:$0xC80] =	vst v0  }
0x33: {  	[tilespmem:$0xC90] =	vst v0  }
0x34: {  	[tilespmem:$0xCA0] =	vst v0  }
0x35: {  	[tilespmem:$0xCB0] =	vst v0  }
0x36: {  	[tilespmem:$0xCC0] =	vst v0  }
0x37: {  	[spmem:s4] =	stream.linear.scatter [tilespmem:s12], [sflag:$0x1], $0x280, $0x38;
	[tilespmem:$0x1220] =	vst v63  }
0x38: {  	_ =	swait.ge [sflag:s13], $0x280  }
0x39: {  	[sflag:s13] =	ssyncset.done $0x0  }
0x3a: {  	s19 =	simm.s32 $0x40;
	s20 =	simm.s32 $0x0;
	[sflag:s13] =	ssyncadd.s32 $0xFFFFFD80  }
.LBB2_2:
0x3b: {  	p0 =	sne.s32 s19, $0x1F00;
	[tilespmem:s20+$0xA50] =	vst v1;
	s20 =	smov.u32 s19;
	s19 =	sadd.s32 $0x40, s19  }
.Ltmp0:
0x3c: {  	(pc) =	sbr.rel @p0 .LBB2_2-.Ltmp0, $2  }
0x3d: {  	_ =	sdelay $0x2  }
0x3e: {  	s20 =	sshra.s32 s20, $0x2  }
0x3f: {  	[tilespmem:s20+$0xA50] =	vst v1  }
0x40: {  	[bflag:$0x0] =	sbarrier.arrive $0xFFFF  }
0x41: {  	[tilespmem:s14], [sflag:$0x1] =	stream.linear.gather [hbm4b:s6+s3], $0x7D0, $0x38;
	[tilespmem:$0x1220] =	vst v63  }
0x42: {  	_ =	swait.ge [sflag:s13], $0x7D0  }
0x43: {  	[sflag:s13] =	ssyncset.done $0x0  }
0x44: {  	[sflag:s13] =	ssyncadd.s32 $0xFFFFF830  }
0x45: {  	[spmem:s2] =	stream.indirect.scatter.add.f32 [tilespmem:s12], [sflag:$0x1], $0x1, s14, s15, $0xb8;
	[tilespmem:$0x1220] =	vst v63  }
0x46: {  	_ =	swait.ge [sflag:s13], $0x7D0  }
0x47: {  	[sflag:s13] =	ssyncset.done $0x0  }
0x48: {  	[sflag:s13] =	ssyncadd.s32 $0xFFFFF830  }
0x49: {  	[tilespmem:s14], [sflag:$0x1] =	stream.linear.gather [hbm4b:s8+s3], $0x7D0, $0x38;
	[tilespmem:$0x1220] =	vst v63  }
0x4a: {  	_ =	swait.ge [sflag:s13], $0x7D0  }
0x4b: {  	[sflag:s13] =	ssyncset.done $0x0  }
0x4c: {  	[sflag:s13] =	ssyncadd.s32 $0xFFFFF830  }
0x4d: {  	[spmem:s2] =	stream.indirect.scatter.add.f32 [tilespmem:s12], [sflag:$0x1], $0x1, s14, s15, $0xb8;
	[tilespmem:$0x1220] =	vst v63  }
0x4e: {  	_ =	swait.ge [sflag:s13], $0x7D0  }
0x4f: {  	[sflag:s13] =	ssyncset.done $0x0  }
0x50: {  	[sflag:s13] =	ssyncadd.s32 $0xFFFFF830  }
0x51: {  	[tilespmem:s14], [sflag:$0x1] =	stream.linear.gather [hbm4b:s9+s3], $0x7D0, $0x38;
	[tilespmem:$0x1220] =	vst v63  }
0x52: {  	_ =	swait.ge [sflag:s13], $0x7D0  }
0x53: {  	[sflag:s13] =	ssyncset.done $0x0  }
0x54: {  	[sflag:s13] =	ssyncadd.s32 $0xFFFFF830  }
0x55: {  	[spmem:s2] =	stream.indirect.scatter.add.f32 [tilespmem:s12], [sflag:$0x1], $0x1, s14, s15, $0xb8;
	[tilespmem:$0x1220] =	vst v63  }
0x56: {  	_ =	swait.ge [sflag:s13], $0x7D0  }
0x57: {  	[sflag:s13] =	ssyncset.done $0x0  }
0x58: {  	[sflag:s13] =	ssyncadd.s32 $0xFFFFF830  }
0x59: {  	[tilespmem:s14], [sflag:$0x1] =	stream.linear.gather [hbm4b:s10+s3], $0x7D0, $0x38;
	[tilespmem:$0x1220] =	vst v63  }
0x5a: {  	_ =	swait.ge [sflag:s13], $0x7D0  }
0x5b: {  	[sflag:s13] =	ssyncset.done $0x0  }
0x5c: {  	[sflag:s13] =	ssyncadd.s32 $0xFFFFF830  }
0x5d: {  	[spmem:s2] =	stream.indirect.scatter.add.f32 [tilespmem:s12], [sflag:$0x1], $0x1, s14, s15, $0xb8;
	[tilespmem:$0x1220] =	vst v63  }
0x5e: {  	_ =	swait.ge [sflag:s13], $0x7D0  }
0x5f: {  	[sflag:s13] =	ssyncset.done $0x0  }
0x60: {  	[sflag:s13] =	ssyncadd.s32 $0xFFFFF830  }
0x61: {  	[tilespmem:s14], [sflag:$0x1] =	stream.linear.gather [hbm4b:s11+s3], $0x7D0, $0x38;
	[tilespmem:$0x1220] =	vst v63  }
0x62: {  	_ =	swait.ge [sflag:s13], $0x7D0  }
0x63: {  	[sflag:s13] =	ssyncset.done $0x0  }
0x64: {  	[sflag:s13] =	ssyncadd.s32 $0xFFFFF830  }
0x65: {  	[spmem:s2] =	stream.indirect.scatter.add.f32 [tilespmem:s12], [sflag:$0x1], $0x1, s14, s15, $0xb8;
	[tilespmem:$0x1220] =	vst v63  }
0x66: {  	_ =	swait.ge [sflag:s13], $0x7D0  }
0x67: {  	s18 =	sadd.s32 $0x1, s18;
	[sflag:s13] =	ssyncset.done $0x0  }
0x68: {  	p0 =	sne.s32 s18, s7;
	[sflag:s13] =	ssyncadd.s32 $0xFFFFF830  }
.Ltmp1:
0x69: {  	[bflag:$0x0] =	sbarrier.arrive $0xFFFF;
	(pc) =	sbr.rel @p0 .LBB2_1-.Ltmp1, $4  }
0x6a: {  	[hbm:s5], [sflag:s16] =	dma.local [spmem:s17], $0x50  }
0x6b: {  	_ =	swait.ge [sflag:s13], $0x50  }
0x6c: {  	[sflag:s13] =	ssyncset.done $0x0  }
0x6d: {  	[sflag:s13] =	ssyncadd.s32 $0xFFFFFFB0  }
0x6e: {  	_ =	sfence.sel $0x180000  }
0x6f: {  	[bflag:$0x0] =	sbarrier.arrive $0xFFFF  }
0x70: {  	p0 =	sne.s32 s0, $0x0;
	_ =	strace $0x90000047  }
0x71: {  	s0 =	sadd.s32 @!p0 $0x100000, s1;
	[bflag:$0x2] =	sbarrier.arrive $0xFFFF  }
0x72: {  	[sflag:s0] =	ssyncadd.tile.s32 @!p0 $0x1;
	_ =	shalt  }
.Lfunc_end2:
_tile_overlayer_lowered:
.L_overlay_start_2:
0x73: {  	(tag) =	ssettag $0x2  }
0x74: {  	s0 =	rddreg [dreg:$0x0];
	s2 =	stileid.u32  }
0x75: {  	s1 =	rddreg [dreg:$0x1];
	p0 =	sne.s32 s2, $0x0  }
0x76: {  	s3 =	rddreg [dreg:$0x2];
	[bflag:$0x3] =	sbarrier.arrive $0xFFFF;
	s2 =	simm.s32 @!p0 $0x1C01  }
0x77: {  	[timem:s3], [sflag:s2] =	dma.local @!p0 [hbm:s0], s1  }
0x78: {  	s0 =	simm.s32 @!p0 $0x1  }
0x79: {  	_ =	swait.ge @!p0 [sflag:s0], s1  }
0x7a: {  	s1 =	ssub.s32 @!p0 $0x0, s1;
	[sflag:s0] =	ssyncset.done @!p0 $0x0  }
0x7b: {  	[sflag:s0] =	ssyncadd.s32 @!p0 s1  }
0x7c: {  	[bflag:$0x3] =	sbarrier.arrive $0xFFFF  }
0x7d: {  	_ =	shalt  }

</sc_bundles>
